<compile_context>
chip_gen: v7x
topology: tpu7x:2x2x1
jax: 0.10.2.dev20260603
libtpu: 0.0.44.dev20260713+nightly
codegen_flags: <defaults>
</compile_context>

<pallas_src>
import functools

import jax
import jax.numpy as jnp
from jax import lax
from jax.experimental import pallas as pl
from jax.experimental.pallas import tpu as pltpu
from jax.experimental.pallas import tpu_sc as plsc

_NUM_SAMPLES = 10000
_K = 128
_HALF = 5120
_ACC = 5248
_SLOTS = 160
_W = 16


def _sc_range_segment_sum(emb, ids, ids_prev, splitv, zeros, *, n, d, s):
    nc, ns = 2, 16
    gs = _ACC // ns
    ws = _HALF // ns
    w1 = (s - _HALF) // ns - ((s - _HALF) // ns) % 8
    nbuf = 4
    mesh = plsc.VectorSubcoreMesh(core_axis_name="c", subcore_axis_name="s")

    @functools.partial(
        pl.kernel,
        out_type=jax.ShapeDtypeStruct((s, d), jnp.float32),
        mesh=mesh,
        compiler_params=pltpu.CompilerParams(needs_layout_passes=False),
        scratch_types=[
            [pltpu.VMEM((_K, d), jnp.float32) for _ in range(nbuf)],
            [pltpu.VMEM((_K,), jnp.int32) for _ in range(nbuf)],
            [pltpu.VMEM((_K,), jnp.int32) for _ in range(nbuf)],
            [pltpu.VMEM((_W, d), jnp.float32) for _ in range(nbuf)],
            [pltpu.VMEM((_W,), jnp.int32) for _ in range(nbuf)],
            [pltpu.VMEM((16,), jnp.int32) for _ in range(nbuf)],
            pltpu.VMEM((16,), jnp.int32),
            pltpu.VMEM_SHARED((_ACC, d), jnp.float32),
            [pltpu.SemaphoreType.DMA for _ in range(nbuf)],
            [pltpu.SemaphoreType.DMA for _ in range(nbuf)],
            [pltpu.SemaphoreType.DMA for _ in range(nbuf)],
            [pltpu.SemaphoreType.DMA for _ in range(nbuf)],
            [pltpu.SemaphoreType.DMA for _ in range(nbuf)],
        ],
    )
    def k(emb_hbm, ids_hbm, idsp_hbm, splitv_hbm, zeros_hbm, out_hbm,
          rows, idxs, pidxs, st, stids, flags, splv, acc,
          lsem, isem, psem, ssem, fsem):
        c = lax.axis_index("c")
        sub = lax.axis_index("s")

        pltpu.sync_copy(splitv_hbm, splv)
        split = splv[...][0]

        lo = jnp.where(c == 0, 0, split)
        hi = jnp.where(c == 0, split, n)
        nb_t = (hi - lo + ns * _K - 1) // (ns * _K)
        a_t = lo + sub * nb_t * _K
        b_t = jnp.minimum(a_t + nb_t * _K, hi)
        start = a_t - lax.rem(a_t, 8)
        seg_base = c * _HALF

        def blk_base(blk):
            return pl.multiple_of(jnp.minimum(start + blk * _K, n - _K), 8)

        def row_desc(j, blk):
            src = emb_hbm.at[pl.ds(blk_base(blk), _K)]
            return pltpu.make_async_copy(src, rows[j], lsem[j])

        def idx_desc(j, blk):
            src = ids_hbm.at[pl.ds(blk_base(blk), _K)]
            return pltpu.make_async_copy(src, idxs[j], isem[j])

        def pidx_desc(j, blk):
            src = idsp_hbm.at[pl.ds(blk_base(blk), _K)]
            return pltpu.make_async_copy(src, pidxs[j], psem[j])

        def load_start(j, blk):
            row_desc(j, blk).start()
            idx_desc(j, blk).start()
            pidx_desc(j, blk).start()

        def load_wait(j, blk):
            row_desc(j, blk).wait()
            idx_desc(j, blk).wait()
            pidx_desc(j, blk).wait()

        def lane_masks(blk, g, shift=0):
            base = blk_base(blk)
            u = start + blk * _K
            gid = lax.broadcasted_iota(jnp.int32, (16,), 0) + (
                base + g * 16 - shift)
            return (gid >= a_t) & (gid < b_t) & (gid >= u)

        def mask_idx(j, blk):
            for g in range(_K // 16):
                v = idxs[j][pl.ds(g * 16, 16)]
                lid = jnp.where(lane_masks(blk, g), v - seg_base, _HALF)
                idxs[j][pl.ds(g * 16, 16)] = lid

        def fold_block(j, blk):
            stids[j][...] = jnp.full((16,), _HALF, jnp.int32)

            def gbody(g, carry):
                base_pos = carry[0]
                acc8 = list(carry[1:])
                off = g * 16
                inv = 1 - lane_masks(blk, g).astype(jnp.int32)
                invp = 1 - lane_masks(blk, g, shift=1).astype(jnp.int32)
                v = idxs[j][pl.ds(off, 16)] + inv * 20000
                vp = pidxs[j][pl.ds(off, 16)] + invp * 20000
                m = (v != vp).astype(jnp.int32)
                pos = base_pos + plsc.cumsum(m)
                posc = jnp.minimum(pos, _W - 1)
                lidc = jnp.clip(v - seg_base, 0, _HALF)
                plsc.store_scatter(stids[j], (posc,), lidc)
                for rr in range(16):
                    mr = m[rr] != 0
                    pr = posc[rr]
                    row = [rows[j][off + rr, pl.ds(q * 16, 16)]
                           for q in range(8)]
                    acc8 = [jnp.where(mr, row[q], acc8[q] + row[q])
                            for q in range(8)]
                    for q in range(8):
                        st[j][pr, pl.ds(q * 16, 16)] = acc8[q]
                return (pos[15],) + tuple(acc8)

            init = (jnp.int32(0),) + tuple(
                jnp.zeros((16,), jnp.float32) for _ in range(8))
            return lax.fori_loop(0, _K // 16, gbody, init)[0]

        def raw_scat_start(j):
            pltpu.async_copy(rows[j], acc.at[idxs[j]], ssem[j], add=True)

        def raw_scat_wait(j):
            pltpu.make_async_copy(rows[j], acc.at[idxs[j]], ssem[j]).wait()

        def fold_scat_start(j):
            pltpu.async_copy(st[j], acc.at[stids[j]], fsem[j], add=True)

        def fold_scat_wait(j):
            pltpu.make_async_copy(st[j], acc.at[stids[j]], fsem[j]).wait()

        load_start(0, 0)

        @pl.when(nb_t >= 1)
        def _():
            load_start(1, 1)

        pltpu.sync_copy(zeros_hbm, acc.at[pl.ds(sub * gs, gs)])
        plsc.subcore_barrier()

        def group(g, carry):
            for j in range(nbuf):
                i = nbuf * g + j
                jj = (j + 2) % nbuf
                fold_this = (j % 2 == 0)

                @pl.when((i >= 2) & (i - 2 <= nb_t))
                def _():
                    if fold_this:
                        dv = flags[jj][...][0]

                        @pl.when(dv < _W)
                        def _():
                            fold_scat_wait(jj)

                        @pl.when(dv >= _W)
                        def _():
                            raw_scat_wait(jj)
                    else:
                        raw_scat_wait(jj)

                @pl.when((i + 2 >= 2) & (i + 2 <= nb_t))
                def _():
                    load_start(jj, i + 2)

                @pl.when(i <= nb_t)
                def _():
                    load_wait(j, i)
                    if fold_this:
                        rank = fold_block(j, i)
                        flags[j][...] = jnp.full((16,), rank, jnp.int32)

                        @pl.when(rank < _W)
                        def _():
                            fold_scat_start(j)

                        @pl.when(rank >= _W)
                        def _():
                            mask_idx(j, i)
                            raw_scat_start(j)
                    else:
                        mask_idx(j, i)
                        raw_scat_start(j)
            return carry

        lax.fori_loop(0, _SLOTS // nbuf, group, 0)

        plsc.subcore_barrier()
        tail = (s - _HALF) - (ns - 1) * w1

        @pl.when(c == 0)
        def _():
            pltpu.sync_copy(acc.at[pl.ds(sub * ws, ws)],
                            out_hbm.at[pl.ds(sub * ws, ws)])

        @pl.when((c == 1) & (sub < ns - 1))
        def _():
            pltpu.sync_copy(acc.at[pl.ds(sub * w1, w1)],
                            out_hbm.at[pl.ds(_HALF + sub * w1, w1)])

        @pl.when((c == 1) & (sub == ns - 1))
        def _():
            pltpu.sync_copy(acc.at[pl.ds((ns - 1) * w1, tail)],
                            out_hbm.at[pl.ds(_HALF + (ns - 1) * w1, tail)])

    return k(emb, ids, ids_prev, splitv, zeros)


def kernel(element_embeddings, element_to_sample_map, num_samples):
    n, d = element_embeddings.shape
    s = _NUM_SAMPLES
    ids = element_to_sample_map.astype(jnp.int32)
    ids_prev = jnp.concatenate([ids[:1], ids[:-1]])
    split = jnp.sum((ids < _HALF).astype(jnp.int32))
    splitv = jnp.full((16,), split, jnp.int32)
    zeros = jnp.zeros((_ACC // 16, d), jnp.float32)
    return _sc_range_segment_sum(element_embeddings, ids, ids_prev, splitv,
                                 zeros, n=n, d=d, s=s)

# --- scband reference (transcript-rebuilt; emitter-appended) ---
"""Pipeline reference for scband-abstract-var-sized-element-reduce-41575283426052 (READ-ONLY COPY).

The authoritative reference and input builder live on the scoring server;
editing this copy changes nothing except your own understanding.
"""

import jax, jax.numpy as jnp
import numpy as np

N = 320000
D = 128
NUM_SAMPLES = 10000


def setup_inputs(seed: int = 0) -> dict:
    key = jax.random.key(seed)
    k1, k2 = jax.random.split(key)
    element_embeddings = jax.random.normal(k1, (N, D), dtype=jnp.float32)
    element_to_sample_map = jnp.sort(
        jax.random.randint(k2, (N,), 0, NUM_SAMPLES, dtype=jnp.int64)
    )
    return {
        "element_embeddings": element_embeddings,
        "element_to_sample_map": element_to_sample_map,
        "num_samples": NUM_SAMPLES,
    }


def reference(element_embeddings, element_to_sample_map, num_samples):
    # Concrete sum-reduce implementation of AbstractVarSizedElementReduce:
    # for each sample s, output[s] = sum of element_embeddings[i] where
    # element_to_sample_map[i] == s. Output shape: [num_samples, D].
    segment_ids = jnp.clip(element_to_sample_map, 0, num_samples - 1)
    out = jax.ops.segment_sum(
        element_embeddings,
        segment_ids,
        num_segments=NUM_SAMPLES,
    )
    return out

if __name__ == "__main__":
    import jax
    _d = setup_inputs()
    print(jax.jit(kernel)(*tuple(_d.values())))

</pallas_src>

<mosaic_0001>
#map = affine_map<(d0, d1) -> (0, 0)>
#map1 = affine_map<(d0, d1) -> (0)>
module attributes {stable_mosaic.version = 14 : i64} {
  func.func @k(%arg0: i32, %arg1: i32, %arg2: memref<320000x128xf32, #tpu.memory_space<hbm>>, %arg3: memref<320000xi32, #tpu.memory_space<hbm>>, %arg4: memref<320000xi32, #tpu.memory_space<hbm>>, %arg5: memref<16xi32, #tpu.memory_space<hbm>>, %arg6: memref<328x128xf32, #tpu.memory_space<hbm>>, %arg7: memref<10000x128xf32, #tpu.memory_space<hbm>>, %arg8: memref<128x128xf32, #tpu.memory_space<vmem>>, %arg9: memref<128x128xf32, #tpu.memory_space<vmem>>, %arg10: memref<128x128xf32, #tpu.memory_space<vmem>>, %arg11: memref<128x128xf32, #tpu.memory_space<vmem>>, %arg12: memref<128xi32, #tpu.memory_space<vmem>>, %arg13: memref<128xi32, #tpu.memory_space<vmem>>, %arg14: memref<128xi32, #tpu.memory_space<vmem>>, %arg15: memref<128xi32, #tpu.memory_space<vmem>>, %arg16: memref<128xi32, #tpu.memory_space<vmem>>, %arg17: memref<128xi32, #tpu.memory_space<vmem>>, %arg18: memref<128xi32, #tpu.memory_space<vmem>>, %arg19: memref<128xi32, #tpu.memory_space<vmem>>, %arg20: memref<16x128xf32, #tpu.memory_space<vmem>>, %arg21: memref<16x128xf32, #tpu.memory_space<vmem>>, %arg22: memref<16x128xf32, #tpu.memory_space<vmem>>, %arg23: memref<16x128xf32, #tpu.memory_space<vmem>>, %arg24: memref<16xi32, #tpu.memory_space<vmem>>, %arg25: memref<16xi32, #tpu.memory_space<vmem>>, %arg26: memref<16xi32, #tpu.memory_space<vmem>>, %arg27: memref<16xi32, #tpu.memory_space<vmem>>, %arg28: memref<16xi32, #tpu.memory_space<vmem>>, %arg29: memref<16xi32, #tpu.memory_space<vmem>>, %arg30: memref<16xi32, #tpu.memory_space<vmem>>, %arg31: memref<16xi32, #tpu.memory_space<vmem>>, %arg32: memref<16xi32, #tpu.memory_space<vmem>>, %arg33: memref<5248x128xf32, #tpu.memory_space<vmem_shared>>, %arg34: memref<!tpu.dma_semaphore, #tpu.memory_space<semaphore_mem>>, %arg35: memref<!tpu.dma_semaphore, #tpu.memory_space<semaphore_mem>>, %arg36: memref<!tpu.dma_semaphore, #tpu.memory_space<semaphore_mem>>, %arg37: memref<!tpu.dma_semaphore, #tpu.memory_space<semaphore_mem>>, %arg38: memref<!tpu.dma_semaphore, #tpu.memory_space<semaphore_mem>>, %arg39: memref<!tpu.dma_semaphore, #tpu.memory_space<semaphore_mem>>, %arg40: memref<!tpu.dma_semaphore, #tpu.memory_space<semaphore_mem>>, %arg41: memref<!tpu.dma_semaphore, #tpu.memory_space<semaphore_mem>>, %arg42: memref<!tpu.dma_semaphore, #tpu.memory_space<semaphore_mem>>, %arg43: memref<!tpu.dma_semaphore, #tpu.memory_space<semaphore_mem>>, %arg44: memref<!tpu.dma_semaphore, #tpu.memory_space<semaphore_mem>>, %arg45: memref<!tpu.dma_semaphore, #tpu.memory_space<semaphore_mem>>, %arg46: memref<!tpu.dma_semaphore, #tpu.memory_space<semaphore_mem>>, %arg47: memref<!tpu.dma_semaphore, #tpu.memory_space<semaphore_mem>>, %arg48: memref<!tpu.dma_semaphore, #tpu.memory_space<semaphore_mem>>, %arg49: memref<!tpu.dma_semaphore, #tpu.memory_space<semaphore_mem>>, %arg50: memref<!tpu.dma_semaphore, #tpu.memory_space<semaphore_mem>>, %arg51: memref<!tpu.dma_semaphore, #tpu.memory_space<semaphore_mem>>, %arg52: memref<!tpu.dma_semaphore, #tpu.memory_space<semaphore_mem>>, %arg53: memref<!tpu.dma_semaphore, #tpu.memory_space<semaphore_mem>>) attributes {dimension_semantics = [#tpu.dimension_semantics<core_parallel>, #tpu.dimension_semantics<subcore_parallel>], iteration_bounds = array<i64: 2, 16>, scalar_prefetch = 0 : i64, scratch_operands = 46 : i64, tpu.core_type = #tpu.core_type<sc_vector_subcore>, window_params = [{transform_indices = #map}, {transform_indices = #map1}, {transform_indices = #map1}, {transform_indices = #map1}, {transform_indices = #map}, {transform_indices = #map}]} {
    "tpu.region"() ({
      %run_scoped3A = tpu.sem_alloc : memref<!tpu.dma_semaphore, #tpu.memory_space<semaphore_mem>>
      tpu.enqueue_dma source(%arg5 : memref<16xi32, #tpu.memory_space<hbm>>) target(%arg32 : memref<16xi32, #tpu.memory_space<vmem>>) target_semaphore(%run_scoped3A : memref<!tpu.dma_semaphore, #tpu.memory_space<semaphore_mem>>)
      tpu.wait_dma2 semaphore(%run_scoped3A : memref<!tpu.dma_semaphore, #tpu.memory_space<semaphore_mem>>) src(%arg5 : memref<16xi32, #tpu.memory_space<hbm>>) dst(%arg32 : memref<16xi32, #tpu.memory_space<vmem>>)
      tpu.yield
    }) : () -> ()
    %get3A = arith.constant 0 : index
    %get3A_0 = tpu.vector_load %arg32[%get3A] {strides = array<i32>} : memref<16xi32, #tpu.memory_space<vmem>>, vector<16xi32>,
    %slice3A = vector.extract_strided_slice %get3A_0 {offsets = [0], sizes = [1], strides = [1]} : vector<16xi32> to vector<1xi32>
    %squeeze3A = vector.extract %slice3A[0] : i32 from vector<1xi32>
    %eq3A = arith.constant 0 : i32
    %eq3A_1 = arith.cmpi eq, %arg0, %eq3A : i32
    %jit3A = arith.constant 0 : i32
    %select_n3A = arith.select %eq3A_1, %jit3A, %squeeze3A : i32
    %eq3A_2 = arith.constant 0 : i32
    %eq3A_3 = arith.cmpi eq, %arg0, %eq3A_2 : i32
    %jit3A_4 = arith.constant 320000 : i32
    %select_n3A_5 = arith.select %eq3A_3, %squeeze3A, %jit3A_4 : i32
    %sub3A = arith.subi %select_n3A_5, %select_n3A : i32
    %add3A = arith.constant 2048 : i32
    %add3A_6 = arith.addi %sub3A, %add3A : i32
    %sub3A_7 = arith.constant 1 : i32
    %sub3A_8 = arith.subi %add3A_6, %sub3A_7 : i32
    %jit3A_9 = arith.constant 2048 : i32
    %div3A = arith.divsi %sub3A_8, %jit3A_9 : i32
    %sign3A = arith.constant 0 : i32
    %sign3A_10 = arith.cmpi sgt, %sub3A_8, %sign3A : i32
    %sign3A_11 = arith.extui %sign3A_10 : i1 to i32
    %sign3A_12 = arith.constant 0 : i32
    %sign3A_13 = arith.cmpi slt, %sub3A_8, %sign3A_12 : i32
    %sign3A_14 = arith.extui %sign3A_13 : i1 to i32
    %sign3A_15 = arith.subi %sign3A_11, %sign3A_14 : i32
    %sign3A_16 = arith.constant 0 : i32
    %sign3A_17 = arith.cmpi sgt, %jit3A_9, %sign3A_16 : i32
    %sign3A_18 = arith.extui %sign3A_17 : i1 to i32
    %sign3A_19 = arith.constant 0 : i32
    %sign3A_20 = arith.cmpi slt, %jit3A_9, %sign3A_19 : i32
    %sign3A_21 = arith.extui %sign3A_20 : i1 to i32
    %sign3A_22 = arith.subi %sign3A_18, %sign3A_21 : i32
    %ne3A = arith.cmpi ne, %sign3A_15, %sign3A_22 : i32
    %rem3A = arith.remsi %sub3A_8, %jit3A_9 : i32
    %ne3A_23 = arith.constant 0 : i32
    %ne3A_24 = arith.cmpi ne, %rem3A, %ne3A_23 : i32
    %and3A = arith.andi %ne3A, %ne3A_24 : i1
    %sub3A_25 = arith.constant 1 : i32
    %sub3A_26 = arith.subi %div3A, %sub3A_25 : i32
    %select_n3A_27 = arith.select %and3A, %sub3A_26, %div3A : i32
    %mul3A = arith.muli %arg1, %select_n3A_27 : i32
    %mul3A_28 = arith.constant 128 : i32
    %mul3A_29 = arith.muli %mul3A, %mul3A_28 : i32
    %add3A_30 = arith.addi %select_n3A, %mul3A_29 : i32
    %mul3A_31 = arith.constant 128 : i32
    %mul3A_32 = arith.muli %select_n3A_27, %mul3A_31 : i32
    %add3A_33 = arith.addi %add3A_30, %mul3A_32 : i32
    %min3A = arith.minsi %add3A_33, %select_n3A_5 : i32
    %rem3A_34 = arith.constant 8 : i32
    %rem3A_35 = arith.remsi %add3A_30, %rem3A_34 : i32
    %sub3A_36 = arith.subi %add3A_30, %rem3A_35 : i32
    %mul3A_37 = arith.constant 5120 : i32
    %mul3A_38 = arith.muli %arg0, %mul3A_37 : i32
    %add3A_39 = arith.constant 0 : i32
    %add3A_40 = arith.addi %sub3A_36, %add3A_39 : i32
    %min3A_41 = arith.constant 319872 : i32
    %min3A_42 = arith.minsi %add3A_40, %min3A_41 : i32
    %multiple_of3A = tpu.assume_multiple %min3A_42, 8 : i32
    %dma_start3A = arith.constant 0 : i32
    %dma_start3A_43 = tpu.memref_slice %arg2[%multiple_of3A, %dma_start3A] : memref<320000x128xf32, #tpu.memory_space<hbm>> -> memref<128x128xf32, #tpu.memory_space<hbm>>
    %dma_start3A_44 = arith.constant 0 : i32
    %dma_start3A_45 = tpu.memref_slice %arg2[%multiple_of3A, %dma_start3A_44] : memref<320000x128xf32, #tpu.memory_space<hbm>> -> memref<128x128xf32, #tpu.memory_space<hbm>>
    tpu.enqueue_dma source(%dma_start3A_45 : memref<128x128xf32, #tpu.memory_space<hbm>>) target(%arg8 : memref<128x128xf32, #tpu.memory_space<vmem>>) target_semaphore(%arg34 : memref<!tpu.dma_semaphore, #tpu.memory_space<semaphore_mem>>)
    %add3A_46 = arith.constant 0 : i32
    %add3A_47 = arith.addi %sub3A_36, %add3A_46 : i32
    %min3A_48 = arith.constant 319872 : i32
    %min3A_49 = arith.minsi %add3A_47, %min3A_48 : i32
    %multiple_of3A_50 = tpu.assume_multiple %min3A_49, 8 : i32
    %dma_start3A_51 = tpu.memref_slice %arg3[%multiple_of3A_50] : memref<320000xi32, #tpu.memory_space<hbm>> -> memref<128xi32, #tpu.memory_space<hbm>>
    %dma_start3A_52 = tpu.memref_slice %arg3[%multiple_of3A_50] : memref<320000xi32, #tpu.memory_space<hbm>> -> memref<128xi32, #tpu.memory_space<hbm>>
    tpu.enqueue_dma source(%dma_start3A_52 : memref<128xi32, #tpu.memory_space<hbm>>) target(%arg12 : memref<128xi32, #tpu.memory_space<vmem>>) target_semaphore(%arg38 : memref<!tpu.dma_semaphore, #tpu.memory_space<semaphore_mem>>)
    %add3A_53 = arith.constant 0 : i32
    %add3A_54 = arith.addi %sub3A_36, %add3A_53 : i32
    %min3A_55 = arith.constant 319872 : i32
    %min3A_56 = arith.minsi %add3A_54, %min3A_55 : i32
    %multiple_of3A_57 = tpu.assume_multiple %min3A_56, 8 : i32
    %dma_start3A_58 = tpu.memref_slice %arg4[%multiple_of3A_57] : memref<320000xi32, #tpu.memory_space<hbm>> -> memref<128xi32, #tpu.memory_space<hbm>>
    %dma_start3A_59 = tpu.memref_slice %arg4[%multiple_of3A_57] : memref<320000xi32, #tpu.memory_space<hbm>> -> memref<128xi32, #tpu.memory_space<hbm>>
    tpu.enqueue_dma source(%dma_start3A_59 : memref<128xi32, #tpu.memory_space<hbm>>) target(%arg16 : memref<128xi32, #tpu.memory_space<vmem>>) target_semaphore(%arg42 : memref<!tpu.dma_semaphore, #tpu.memory_space<semaphore_mem>>)
    %ge3A = arith.constant 1 : i32
    %ge3A_60 = arith.cmpi sge, %select_n3A_27, %ge3A : i32
    %convert_element_type3A = arith.extui %ge3A_60 : i1 to i32
    %cond3A = arith.constant 0 : i32
    %cond3A_61 = arith.cmpi ne, %convert_element_type3A, %cond3A : i32
    scf.if %cond3A_61 {
      %add3A_90 = arith.constant 128 : i32
      %add3A_91 = arith.addi %sub3A_36, %add3A_90 : i32
      %min3A_92 = arith.constant 319872 : i32
      %min3A_93 = arith.minsi %add3A_91, %min3A_92 : i32
      %multiple_of3A_94 = tpu.assume_multiple %min3A_93, 8 : i32
      %dma_start3A_95 = arith.constant 0 : i32
      %dma_start3A_96 = tpu.memref_slice %arg2[%multiple_of3A_94, %dma_start3A_95] : memref<320000x128xf32, #tpu.memory_space<hbm>> -> memref<128x128xf32, #tpu.memory_space<hbm>>
      %dma_start3A_97 = arith.constant 0 : i32
      %dma_start3A_98 = tpu.memref_slice %arg2[%multiple_of3A_94, %dma_start3A_97] : memref<320000x128xf32, #tpu.memory_space<hbm>> -> memref<128x128xf32, #tpu.memory_space<hbm>>
      tpu.enqueue_dma source(%dma_start3A_98 : memref<128x128xf32, #tpu.memory_space<hbm>>) target(%arg9 : memref<128x128xf32, #tpu.memory_space<vmem>>) target_semaphore(%arg35 : memref<!tpu.dma_semaphore, #tpu.memory_space<semaphore_mem>>)
      %add3A_99 = arith.constant 128 : i32
      %add3A_100 = arith.addi %sub3A_36, %add3A_99 : i32
      %min3A_101 = arith.constant 319872 : i32
      %min3A_102 = arith.minsi %add3A_100, %min3A_101 : i32
      %multiple_of3A_103 = tpu.assume_multiple %min3A_102, 8 : i32
      %dma_start3A_104 = tpu.memref_slice %arg3[%multiple_of3A_103] : memref<320000xi32, #tpu.memory_space<hbm>> -> memref<128xi32, #tpu.memory_space<hbm>>
      %dma_start3A_105 = tpu.memref_slice %arg3[%multiple_of3A_103] : memref<320000xi32, #tpu.memory_space<hbm>> -> memref<128xi32, #tpu.memory_space<hbm>>
      tpu.enqueue_dma source(%dma_start3A_105 : memref<128xi32, #tpu.memory_space<hbm>>) target(%arg13 : memref<128xi32, #tpu.memory_space<vmem>>) target_semaphore(%arg39 : memref<!tpu.dma_semaphore, #tpu.memory_space<semaphore_mem>>)
      %add3A_106 = arith.constant 128 : i32
      %add3A_107 = arith.addi %sub3A_36, %add3A_106 : i32
      %min3A_108 = arith.constant 319872 : i32
      %min3A_109 = arith.minsi %add3A_107, %min3A_108 : i32
      %multiple_of3A_110 = tpu.assume_multiple %min3A_109, 8 : i32
      %dma_start3A_111 = tpu.memref_slice %arg4[%multiple_of3A_110] : memref<320000xi32, #tpu.memory_space<hbm>> -> memref<128xi32, #tpu.memory_space<hbm>>
      %dma_start3A_112 = tpu.memref_slice %arg4[%multiple_of3A_110] : memref<320000xi32, #tpu.memory_space<hbm>> -> memref<128xi32, #tpu.memory_space<hbm>>
      tpu.enqueue_dma source(%dma_start3A_112 : memref<128xi32, #tpu.memory_space<hbm>>) target(%arg17 : memref<128xi32, #tpu.memory_space<vmem>>) target_semaphore(%arg43 : memref<!tpu.dma_semaphore, #tpu.memory_space<semaphore_mem>>)
    } else {
    }
    %mul3A_62 = arith.constant 328 : i32
    %mul3A_63 = arith.muli %arg1, %mul3A_62 : i32
    "tpu.region"() ({
      %run_scoped3A = tpu.sem_alloc : memref<!tpu.dma_semaphore, #tpu.memory_space<semaphore_mem>>
      %dma_start3A_90 = arith.constant 0 : i32
      %dma_start3A_91 = tpu.memref_slice %arg33[%mul3A_63, %dma_start3A_90] : memref<5248x128xf32, #tpu.memory_space<vmem_shared>> -> memref<328x128xf32, #tpu.memory_space<vmem_shared>>
      tpu.enqueue_dma source(%arg6 : memref<328x128xf32, #tpu.memory_space<hbm>>) target(%dma_start3A_91 : memref<328x128xf32, #tpu.memory_space<vmem_shared>>) target_semaphore(%run_scoped3A : memref<!tpu.dma_semaphore, #tpu.memory_space<semaphore_mem>>)
      %dma_wait3A = arith.constant 0 : i32
      %dma_wait3A_92 = tpu.memref_slice %arg33[%mul3A_63, %dma_wait3A] : memref<5248x128xf32, #tpu.memory_space<vmem_shared>> -> memref<328x128xf32, #tpu.memory_space<vmem_shared>>
      tpu.wait_dma2 semaphore(%run_scoped3A : memref<!tpu.dma_semaphore, #tpu.memory_space<semaphore_mem>>) src(%arg6 : memref<328x128xf32, #tpu.memory_space<hbm>>) dst(%dma_wait3A_92 : memref<328x128xf32, #tpu.memory_space<vmem_shared>>)
      tpu.yield
    }) : () -> ()
    %barrier3A = arith.constant 0 : index
    tpu.barrier barrier_id(%barrier3A)
    %scan3A = arith.constant 0 : i32
    %scan3A_64 = arith.constant 0 : i32
    %scan3A_65 = arith.constant 40 : i32
    %scan3A_66 = arith.addi %scan3A_64, %scan3A_65 : i32
    %scan3A_67 = arith.constant 1 : i32
    scf.for %scan3A_90 = %scan3A_64 to %scan3A_66 step %scan3A_67  : i32 {
      %mul3A_91 = arith.constant 4 : i32
      %mul3A_92 = arith.muli %mul3A_91, %scan3A_90 : i32
      %add3A_93 = arith.constant 0 : i32
      %add3A_94 = arith.addi %mul3A_92, %add3A_93 : i32
      %ge3A_95 = arith.constant 2 : i32
      %ge3A_96 = arith.cmpi sge, %add3A_94, %ge3A_95 : i32
      %sub3A_97 = arith.constant 2 : i32
      %sub3A_98 = arith.subi %add3A_94, %sub3A_97 : i32
      %le3A = arith.cmpi sle, %sub3A_98, %select_n3A_27 : i32
      %and3A_99 = arith.andi %ge3A_96, %le3A : i1
      %convert_element_type3A_100 = arith.extui %and3A_99 : i1 to i32
      %cond3A_101 = arith.constant 0 : i32
      %cond3A_102 = arith.cmpi ne, %convert_element_type3A_100, %cond3A_101 : i32
      scf.if %cond3A_102 {
        %get3A_202 = arith.constant 0 : index
        %get3A_203 = tpu.vector_load %arg30[%get3A_202] {strides = array<i32>} : memref<16xi32, #tpu.memory_space<vmem>>, vector<16xi32>,
        %slice3A_204 = vector.extract_strided_slice %get3A_203 {offsets = [0], sizes = [1], strides = [1]} : vector<16xi32> to vector<1xi32>
        %squeeze3A_205 = vector.extract %slice3A_204[0] : i32 from vector<1xi32>
        %lt3A_206 = arith.constant 16 : i32
        %lt3A_207 = arith.cmpi slt, %squeeze3A_205, %lt3A_206 : i32
        %convert_element_type3A_208 = arith.extui %lt3A_207 : i1 to i32
        %cond3A_209 = arith.constant 0 : i32
        %cond3A_210 = arith.cmpi ne, %convert_element_type3A_208, %cond3A_209 : i32
        scf.if %cond3A_210 {
          %dma_wait3A = arith.constant 0 : i32
          %dma_wait3A_216 = arith.constant 0 : i32
          %dma_wait3A_217 = tpu.memref_slice %arg33[%dma_wait3A, %dma_wait3A_216] : memref<5248x128xf32, #tpu.memory_space<vmem_shared>> -> memref<5248x128xf32, #tpu.memory_space<vmem_shared>>
          tpu.wait_indirect_dma semaphore(%arg52 : memref<!tpu.dma_semaphore, #tpu.memory_space<semaphore_mem>>) src(%arg22 : memref<16x128xf32, #tpu.memory_space<vmem>>) dst(%dma_wait3A_217 : memref<5248x128xf32, #tpu.memory_space<vmem_shared>>)
        } else {
        }
        %ge3A_211 = arith.constant 16 : i32
        %ge3A_212 = arith.cmpi sge, %squeeze3A_205, %ge3A_211 : i32
        %convert_element_type3A_213 = arith.extui %ge3A_212 : i1 to i32
        %cond3A_214 = arith.constant 0 : i32
        %cond3A_215 = arith.cmpi ne, %convert_element_type3A_213, %cond3A_214 : i32
        scf.if %cond3A_215 {
          %dma_wait3A = arith.constant 0 : i32
          %dma_wait3A_216 = arith.constant 0 : i32
          %dma_wait3A_217 = tpu.memref_slice %arg33[%dma_wait3A, %dma_wait3A_216] : memref<5248x128xf32, #tpu.memory_space<vmem_shared>> -> memref<5248x128xf32, #tpu.memory_space<vmem_shared>>
          tpu.wait_indirect_dma semaphore(%arg48 : memref<!tpu.dma_semaphore, #tpu.memory_space<semaphore_mem>>) src(%arg10 : memref<128x128xf32, #tpu.memory_space<vmem>>) dst(%dma_wait3A_217 : memref<5248x128xf32, #tpu.memory_space<vmem_shared>>)
        } else {
        }
      } else {
      }
      %add3A_103 = arith.constant 2 : i32
      %add3A_104 = arith.addi %add3A_94, %add3A_103 : i32
      %ge3A_105 = arith.constant 2 : i32
      %ge3A_106 = arith.cmpi sge, %add3A_104, %ge3A_105 : i32
      %add3A_107 = arith.constant 2 : i32
      %add3A_108 = arith.addi %add3A_94, %add3A_107 : i32
      %le3A_109 = arith.cmpi sle, %add3A_108, %select_n3A_27 : i32
      %and3A_110 = arith.andi %ge3A_106, %le3A_109 : i1
      %convert_element_type3A_111 = arith.extui %and3A_110 : i1 to i32
      %cond3A_112 = arith.constant 0 : i32
      %cond3A_113 = arith.cmpi ne, %convert_element_type3A_111, %cond3A_112 : i32
      scf.if %cond3A_113 {
        %add3A_202 = arith.constant 2 : i32
        %add3A_203 = arith.addi %add3A_94, %add3A_202 : i32
        %mul3A_204 = arith.constant 128 : i32
        %mul3A_205 = arith.muli %add3A_203, %mul3A_204 : i32
        %add3A_206 = arith.addi %sub3A_36, %mul3A_205 : i32
        %min3A_207 = arith.constant 319872 : i32
        %min3A_208 = arith.minsi %add3A_206, %min3A_207 : i32
        %multiple_of3A_209 = tpu.assume_multiple %min3A_208, 8 : i32
        %dma_start3A_210 = arith.constant 0 : i32
        %dma_start3A_211 = tpu.memref_slice %arg2[%multiple_of3A_209, %dma_start3A_210] : memref<320000x128xf32, #tpu.memory_space<hbm>> -> memref<128x128xf32, #tpu.memory_space<hbm>>
        %dma_start3A_212 = arith.constant 0 : i32
        %dma_start3A_213 = tpu.memref_slice %arg2[%multiple_of3A_209, %dma_start3A_212] : memref<320000x128xf32, #tpu.memory_space<hbm>> -> memref<128x128xf32, #tpu.memory_space<hbm>>
        tpu.enqueue_dma source(%dma_start3A_213 : memref<128x128xf32, #tpu.memory_space<hbm>>) target(%arg10 : memref<128x128xf32, #tpu.memory_space<vmem>>) target_semaphore(%arg36 : memref<!tpu.dma_semaphore, #tpu.memory_space<semaphore_mem>>)
        %mul3A_214 = arith.constant 128 : i32
        %mul3A_215 = arith.muli %add3A_203, %mul3A_214 : i32
        %add3A_216 = arith.addi %sub3A_36, %mul3A_215 : i32
        %min3A_217 = arith.constant 319872 : i32
        %min3A_218 = arith.minsi %add3A_216, %min3A_217 : i32
        %multiple_of3A_219 = tpu.assume_multiple %min3A_218, 8 : i32
        %dma_start3A_220 = tpu.memref_slice %arg3[%multiple_of3A_219] : memref<320000xi32, #tpu.memory_space<hbm>> -> memref<128xi32, #tpu.memory_space<hbm>>
        %dma_start3A_221 = tpu.memref_slice %arg3[%multiple_of3A_219] : memref<320000xi32, #tpu.memory_space<hbm>> -> memref<128xi32, #tpu.memory_space<hbm>>
        tpu.enqueue_dma source(%dma_start3A_221 : memref<128xi32, #tpu.memory_space<hbm>>) target(%arg14 : memref<128xi32, #tpu.memory_space<vmem>>) target_semaphore(%arg40 : memref<!tpu.dma_semaphore, #tpu.memory_space<semaphore_mem>>)
        %mul3A_222 = arith.constant 128 : i32
        %mul3A_223 = arith.muli %add3A_203, %mul3A_222 : i32
        %add3A_224 = arith.addi %sub3A_36, %mul3A_223 : i32
        %min3A_225 = arith.constant 319872 : i32
        %min3A_226 = arith.minsi %add3A_224, %min3A_225 : i32
        %multiple_of3A_227 = tpu.assume_multiple %min3A_226, 8 : i32
        %dma_start3A_228 = tpu.memref_slice %arg4[%multiple_of3A_227] : memref<320000xi32, #tpu.memory_space<hbm>> -> memref<128xi32, #tpu.memory_space<hbm>>
        %dma_start3A_229 = tpu.memref_slice %arg4[%multiple_of3A_227] : memref<320000xi32, #tpu.memory_space<hbm>> -> memref<128xi32, #tpu.memory_space<hbm>>
        tpu.enqueue_dma source(%dma_start3A_229 : memref<128xi32, #tpu.memory_space<hbm>>) target(%arg18 : memref<128xi32, #tpu.memory_space<vmem>>) target_semaphore(%arg44 : memref<!tpu.dma_semaphore, #tpu.memory_space<semaphore_mem>>)
      } else {
      }
      %le3A_114 = arith.cmpi sle, %add3A_94, %select_n3A_27 : i32
      %convert_element_type3A_115 = arith.extui %le3A_114 : i1 to i32
      %cond3A_116 = arith.constant 0 : i32
      %cond3A_117 = arith.cmpi ne, %convert_element_type3A_115, %cond3A_116 : i32
      scf.if %cond3A_117 {
        %mul3A_202 = arith.constant 128 : i32
        %mul3A_203 = arith.muli %add3A_94, %mul3A_202 : i32
        %add3A_204 = arith.addi %sub3A_36, %mul3A_203 : i32
        %min3A_205 = arith.constant 319872 : i32
        %min3A_206 = arith.minsi %add3A_204, %min3A_205 : i32
        %multiple_of3A_207 = tpu.assume_multiple %min3A_206, 8 : i32
        %dma_wait3A = arith.constant 0 : i32
        %dma_wait3A_208 = tpu.memref_slice %arg2[%multiple_of3A_207, %dma_wait3A] : memref<320000x128xf32, #tpu.memory_space<hbm>> -> memref<128x128xf32, #tpu.memory_space<hbm>>
        %dma_wait3A_209 = arith.constant 0 : i32
        %dma_wait3A_210 = tpu.memref_slice %arg2[%multiple_of3A_207, %dma_wait3A_209] : memref<320000x128xf32, #tpu.memory_space<hbm>> -> memref<128x128xf32, #tpu.memory_space<hbm>>
        tpu.wait_dma2 semaphore(%arg34 : memref<!tpu.dma_semaphore, #tpu.memory_space<semaphore_mem>>) src(%dma_wait3A_210 : memref<128x128xf32, #tpu.memory_space<hbm>>) dst(%arg8 : memref<128x128xf32, #tpu.memory_space<vmem>>)
        %mul3A_211 = arith.constant 128 : i32
        %mul3A_212 = arith.muli %add3A_94, %mul3A_211 : i32
        %add3A_213 = arith.addi %sub3A_36, %mul3A_212 : i32
        %min3A_214 = arith.constant 319872 : i32
        %min3A_215 = arith.minsi %add3A_213, %min3A_214 : i32
        %multiple_of3A_216 = tpu.assume_multiple %min3A_215, 8 : i32
        %dma_wait3A_217 = tpu.memref_slice %arg3[%multiple_of3A_216] : memref<320000xi32, #tpu.memory_space<hbm>> -> memref<128xi32, #tpu.memory_space<hbm>>
        %dma_wait3A_218 = tpu.memref_slice %arg3[%multiple_of3A_216] : memref<320000xi32, #tpu.memory_space<hbm>> -> memref<128xi32, #tpu.memory_space<hbm>>
        tpu.wait_dma2 semaphore(%arg38 : memref<!tpu.dma_semaphore, #tpu.memory_space<semaphore_mem>>) src(%dma_wait3A_218 : memref<128xi32, #tpu.memory_space<hbm>>) dst(%arg12 : memref<128xi32, #tpu.memory_space<vmem>>)
        %mul3A_219 = arith.constant 128 : i32
        %mul3A_220 = arith.muli %add3A_94, %mul3A_219 : i32
        %add3A_221 = arith.addi %sub3A_36, %mul3A_220 : i32
        %min3A_222 = arith.constant 319872 : i32
        %min3A_223 = arith.minsi %add3A_221, %min3A_222 : i32
        %multiple_of3A_224 = tpu.assume_multiple %min3A_223, 8 : i32
        %dma_wait3A_225 = tpu.memref_slice %arg4[%multiple_of3A_224] : memref<320000xi32, #tpu.memory_space<hbm>> -> memref<128xi32, #tpu.memory_space<hbm>>
        %dma_wait3A_226 = tpu.memref_slice %arg4[%multiple_of3A_224] : memref<320000xi32, #tpu.memory_space<hbm>> -> memref<128xi32, #tpu.memory_space<hbm>>
        tpu.wait_dma2 semaphore(%arg42 : memref<!tpu.dma_semaphore, #tpu.memory_space<semaphore_mem>>) src(%dma_wait3A_226 : memref<128xi32, #tpu.memory_space<hbm>>) dst(%arg16 : memref<128xi32, #tpu.memory_space<vmem>>)
        %broadcast_in_dim3A = arith.constant 5120 : i32
        %broadcast_in_dim3A_227 = vector.broadcast %broadcast_in_dim3A : i32 to vector<16xi32>
        %swap3A = arith.constant 0 : index
        %swap3A_228 = tpu.vector_load %arg24[%swap3A] {strides = array<i32>} : memref<16xi32, #tpu.memory_space<vmem>>, vector<16xi32>,
        tpu.vector_store %arg24[%swap3A], %broadcast_in_dim3A_227 {strides = array<i32>} : memref<16xi32, #tpu.memory_space<vmem>>, vector<16xi32>,
        %broadcast_in_dim3A_229 = arith.constant 0.000000e+00 : f32
        %broadcast_in_dim3A_230 = vector.broadcast %broadcast_in_dim3A_229 : f32 to vector<16xf32>
        %broadcast_in_dim3A_231 = arith.constant 0.000000e+00 : f32
        %broadcast_in_dim3A_232 = vector.broadcast %broadcast_in_dim3A_231 : f32 to vector<16xf32>
        %broadcast_in_dim3A_233 = arith.constant 0.000000e+00 : f32
        %broadcast_in_dim3A_234 = vector.broadcast %broadcast_in_dim3A_233 : f32 to vector<16xf32>
        %broadcast_in_dim3A_235 = arith.constant 0.000000e+00 : f32
        %broadcast_in_dim3A_236 = vector.broadcast %broadcast_in_dim3A_235 : f32 to vector<16xf32>
        %broadcast_in_dim3A_237 = arith.constant 0.000000e+00 : f32
        %broadcast_in_dim3A_238 = vector.broadcast %broadcast_in_dim3A_237 : f32 to vector<16xf32>
        %broadcast_in_dim3A_239 = arith.constant 0.000000e+00 : f32
        %broadcast_in_dim3A_240 = vector.broadcast %broadcast_in_dim3A_239 : f32 to vector<16xf32>
        %broadcast_in_dim3A_241 = arith.constant 0.000000e+00 : f32
        %broadcast_in_dim3A_242 = vector.broadcast %broadcast_in_dim3A_241 : f32 to vector<16xf32>
        %broadcast_in_dim3A_243 = arith.constant 0.000000e+00 : f32
        %broadcast_in_dim3A_244 = vector.broadcast %broadcast_in_dim3A_243 : f32 to vector<16xf32>
        %scan3A_245 = arith.constant 0 : i32
        %scan3A_246 = arith.constant 0 : i32
        %scan3A_247 = arith.constant 8 : i32
        %scan3A_248 = arith.addi %scan3A_246, %scan3A_247 : i32
        %scan3A_249 = arith.constant 1 : i32
        %scan3A_250:9 = scf.for %scan3A_265 = %scan3A_246 to %scan3A_248 step %scan3A_249 iter_args(%scan3A_266 = %scan3A_245, %scan3A_267 = %broadcast_in_dim3A_230, %scan3A_268 = %broadcast_in_dim3A_232, %scan3A_269 = %broadcast_in_dim3A_234, %scan3A_270 = %broadcast_in_dim3A_236, %scan3A_271 = %broadcast_in_dim3A_238, %scan3A_272 = %broadcast_in_dim3A_240, %scan3A_273 = %broadcast_in_dim3A_242, %scan3A_274 = %broadcast_in_dim3A_244) -> (i32, vector<16xf32>, vector<16xf32>, vector<16xf32>, vector<16xf32>, vector<16xf32>, vector<16xf32>, vector<16xf32>, vector<16xf32>)  : i32 {
          %mul3A_275 = arith.constant 16 : i32
          %mul3A_276 = arith.muli %scan3A_265, %mul3A_275 : i32
          %mul3A_277 = arith.constant 128 : i32
          %mul3A_278 = arith.muli %add3A_94, %mul3A_277 : i32
          %add3A_279 = arith.addi %sub3A_36, %mul3A_278 : i32
          %min3A_280 = arith.constant 319872 : i32
          %min3A_281 = arith.minsi %add3A_279, %min3A_280 : i32
          %multiple_of3A_282 = tpu.assume_multiple %min3A_281, 8 : i32
          %mul3A_283 = arith.constant 128 : i32
          %mul3A_284 = arith.muli %add3A_94, %mul3A_283 : i32
          %add3A_285 = arith.addi %sub3A_36, %mul3A_284 : i32
          %iota3A = tpu.iota {dimensions = array<i32: 0>} : vector<16xi32>
          %mul3A_286 = arith.constant 16 : i32
          %mul3A_287 = arith.muli %scan3A_265, %mul3A_286 : i32
          %add3A_288 = arith.addi %multiple_of3A_282, %mul3A_287 : i32
          %sub3A_289 = arith.constant 0 : i32
          %sub3A_290 = arith.subi %add3A_288, %sub3A_289 : i32
          %add3A_291 = vector.broadcast %sub3A_290 : i32 to vector<16xi32>
          %add3A_292 = arith.addi %iota3A, %add3A_291 : vector<16xi32>
          %ge3A_293 = vector.broadcast %add3A_30 : i32 to vector<16xi32>
          %ge3A_294 = arith.cmpi sge, %add3A_292, %ge3A_293 : vector<16xi32>
          %lt3A_295 = vector.broadcast %min3A : i32 to vector<16xi32>
          %lt3A_296 = arith.cmpi slt, %add3A_292, %lt3A_295 : vector<16xi32>
          %and3A_297 = arith.andi %ge3A_294, %lt3A_296 : vector<16xi1>
          %ge3A_298 = vector.broadcast %add3A_285 : i32 to vector<16xi32>
          %ge3A_299 = arith.cmpi sge, %add3A_292, %ge3A_298 : vector<16xi32>
          %and3A_300 = arith.andi %and3A_297, %ge3A_299 : vector<16xi1>
          %convert_element_type3A_301 = arith.extui %and3A_300 : vector<16xi1> to vector<16xi32>
          %sub3A_302 = arith.constant 1 : i32
          %sub3A_303 = vector.broadcast %sub3A_302 : i32 to vector<16xi32>
          %sub3A_304 = arith.subi %sub3A_303, %convert_element_type3A_301 : vector<16xi32>
          %mul3A_305 = arith.constant 128 : i32
          %mul3A_306 = arith.muli %add3A_94, %mul3A_305 : i32
          %add3A_307 = arith.addi %sub3A_36, %mul3A_306 : i32
          %min3A_308 = arith.constant 319872 : i32
          %min3A_309 = arith.minsi %add3A_307, %min3A_308 : i32
          %multiple_of3A_310 = tpu.assume_multiple %min3A_309, 8 : i32
          %mul3A_311 = arith.constant 128 : i32
          %mul3A_312 = arith.muli %add3A_94, %mul3A_311 : i32
          %add3A_313 = arith.addi %sub3A_36, %mul3A_312 : i32
          %iota3A_314 = tpu.iota {dimensions = array<i32: 0>} : vector<16xi32>
          %mul3A_315 = arith.constant 16 : i32
          %mul3A_316 = arith.muli %scan3A_265, %mul3A_315 : i32
          %add3A_317 = arith.addi %multiple_of3A_310, %mul3A_316 : i32
          %sub3A_318 = arith.constant 1 : i32
          %sub3A_319 = arith.subi %add3A_317, %sub3A_318 : i32
          %add3A_320 = vector.broadcast %sub3A_319 : i32 to vector<16xi32>
          %add3A_321 = arith.addi %iota3A_314, %add3A_320 : vector<16xi32>
          %ge3A_322 = vector.broadcast %add3A_30 : i32 to vector<16xi32>
          %ge3A_323 = arith.cmpi sge, %add3A_321, %ge3A_322 : vector<16xi32>
          %lt3A_324 = vector.broadcast %min3A : i32 to vector<16xi32>
          %lt3A_325 = arith.cmpi slt, %add3A_321, %lt3A_324 : vector<16xi32>
          %and3A_326 = arith.andi %ge3A_323, %lt3A_325 : vector<16xi1>
          %ge3A_327 = vector.broadcast %add3A_313 : i32 to vector<16xi32>
          %ge3A_328 = arith.cmpi sge, %add3A_321, %ge3A_327 : vector<16xi32>
          %and3A_329 = arith.andi %and3A_326, %ge3A_328 : vector<16xi1>
          %convert_element_type3A_330 = arith.extui %and3A_329 : vector<16xi1> to vector<16xi32>
          %sub3A_331 = arith.constant 1 : i32
          %sub3A_332 = vector.broadcast %sub3A_331 : i32 to vector<16xi32>
          %sub3A_333 = arith.subi %sub3A_332, %convert_element_type3A_330 : vector<16xi32>
          %get3A_334 = arith.index_cast %mul3A_276 : i32 to index
          %get3A_335 = tpu.vector_load %arg12[%get3A_334] {strides = array<i32>} : memref<128xi32, #tpu.memory_space<vmem>>, vector<16xi32>,
          %mul3A_336 = arith.constant 20000 : i32
          %mul3A_337 = vector.broadcast %mul3A_336 : i32 to vector<16xi32>
          %mul3A_338 = arith.muli %sub3A_304, %mul3A_337 : vector<16xi32>
          %add3A_339 = arith.addi %get3A_335, %mul3A_338 : vector<16xi32>
          %get3A_340 = arith.index_cast %mul3A_276 : i32 to index
          %get3A_341 = tpu.vector_load %arg16[%get3A_340] {strides = array<i32>} : memref<128xi32, #tpu.memory_space<vmem>>, vector<16xi32>,
          %mul3A_342 = arith.constant 20000 : i32
          %mul3A_343 = vector.broadcast %mul3A_342 : i32 to vector<16xi32>
          %mul3A_344 = arith.muli %sub3A_333, %mul3A_343 : vector<16xi32>
          %add3A_345 = arith.addi %get3A_341, %mul3A_344 : vector<16xi32>
          %ne3A_346 = arith.cmpi ne, %add3A_339, %add3A_345 : vector<16xi32>
          %convert_element_type3A_347 = arith.extui %ne3A_346 : vector<16xi1> to vector<16xi32>
          %broadcast_in_dim3A_348 = arith.constant true
          %broadcast_in_dim3A_349 = vector.broadcast %broadcast_in_dim3A_348 : i1 to vector<16xi1>
          %masked_cumsum3A = tpu.scan <sum>, %convert_element_type3A_347 masked %broadcast_in_dim3A_349 : vector<16xi32>, vector<16xi1> -> vector<16xi32>
          %add3A_350 = vector.broadcast %scan3A_266 : i32 to vector<16xi32>
          %add3A_351 = arith.addi %add3A_350, %masked_cumsum3A : vector<16xi32>
          %min3A_352 = arith.constant 15 : i32
          %min3A_353 = vector.broadcast %min3A_352 : i32 to vector<16xi32>
          %min3A_354 = arith.minsi %add3A_351, %min3A_353 : vector<16xi32>
          %sub3A_355 = vector.broadcast %mul3A_38 : i32 to vector<16xi32>
          %sub3A_356 = arith.subi %add3A_339, %sub3A_355 : vector<16xi32>
          %jit3A_357 = arith.constant 0 : i32
          %jit3A_358 = arith.constant 5120 : i32
          %max3A = vector.broadcast %jit3A_357 : i32 to vector<16xi32>
          %max3A_359 = arith.maxsi %max3A, %sub3A_356 : vector<16xi32>
          %min3A_360 = vector.broadcast %jit3A_358 : i32 to vector<16xi32>
          %min3A_361 = arith.minsi %min3A_360, %max3A_359 : vector<16xi32>
          tpu.vector_store_idx %arg24[%min3A_354], %min3A_361 : memref<16xi32, #tpu.memory_space<vmem>>[vector<16xi32>], vector<16xi32>,
          %slice3A_362 = vector.extract_strided_slice %convert_element_type3A_347 {offsets = [0], sizes = [1], strides = [1]} : vector<16xi32> to vector<1xi32>
          %squeeze3A_363 = vector.extract %slice3A_362[0] : i32 from vector<1xi32>
          %ne3A_364 = arith.constant 0 : i32
          %ne3A_365 = arith.cmpi ne, %squeeze3A_363, %ne3A_364 : i32
          %slice3A_366 = vector.extract_strided_slice %min3A_354 {offsets = [0], sizes = [1], strides = [1]} : vector<16xi32> to vector<1xi32>
          %squeeze3A_367 = vector.extract %slice3A_366[0] : i32 from vector<1xi32>
          %add3A_368 = arith.constant 0 : i32
          %add3A_369 = arith.addi %mul3A_276, %add3A_368 : i32
          %get3A_370 = arith.index_cast %add3A_369 : i32 to index
          %get3A_371 = arith.constant 0 : index
          %get3A_372 = tpu.vector_load %arg8[%get3A_370, %get3A_371] {strides = array<i32>} : memref<128x128xf32, #tpu.memory_space<vmem>>, vector<16xf32>,
          %add3A_373 = arith.constant 0 : i32
          %add3A_374 = arith.addi %mul3A_276, %add3A_373 : i32
          %get3A_375 = arith.index_cast %add3A_374 : i32 to index
          %get3A_376 = arith.constant 16 : index
          %get3A_377 = tpu.vector_load %arg8[%get3A_375, %get3A_376] {strides = array<i32>} : memref<128x128xf32, #tpu.memory_space<vmem>>, vector<16xf32>,
          %add3A_378 = arith.constant 0 : i32
          %add3A_379 = arith.addi %mul3A_276, %add3A_378 : i32
          %get3A_380 = arith.index_cast %add3A_379 : i32 to index
          %get3A_381 = arith.constant 32 : index
          %get3A_382 = tpu.vector_load %arg8[%get3A_380, %get3A_381] {strides = array<i32>} : memref<128x128xf32, #tpu.memory_space<vmem>>, vector<16xf32>,
          %add3A_383 = arith.constant 0 : i32
          %add3A_384 = arith.addi %mul3A_276, %add3A_383 : i32
          %get3A_385 = arith.index_cast %add3A_384 : i32 to index
          %get3A_386 = arith.constant 48 : index
          %get3A_387 = tpu.vector_load %arg8[%get3A_385, %get3A_386] {strides = array<i32>} : memref<128x128xf32, #tpu.memory_space<vmem>>, vector<16xf32>,
          %add3A_388 = arith.constant 0 : i32
          %add3A_389 = arith.addi %mul3A_276, %add3A_388 : i32
          %get3A_390 = arith.index_cast %add3A_389 : i32 to index
          %get3A_391 = arith.constant 64 : index
          %get3A_392 = tpu.vector_load %arg8[%get3A_390, %get3A_391] {strides = array<i32>} : memref<128x128xf32, #tpu.memory_space<vmem>>, vector<16xf32>,
          %add3A_393 = arith.constant 0 : i32
          %add3A_394 = arith.addi %mul3A_276, %add3A_393 : i32
          %get3A_395 = arith.index_cast %add3A_394 : i32 to index
          %get3A_396 = arith.constant 80 : index
          %get3A_397 = tpu.vector_load %arg8[%get3A_395, %get3A_396] {strides = array<i32>} : memref<128x128xf32, #tpu.memory_space<vmem>>, vector<16xf32>,
          %add3A_398 = arith.constant 0 : i32
          %add3A_399 = arith.addi %mul3A_276, %add3A_398 : i32
          %get3A_400 = arith.index_cast %add3A_399 : i32 to index
          %get3A_401 = arith.constant 96 : index
          %get3A_402 = tpu.vector_load %arg8[%get3A_400, %get3A_401] {strides = array<i32>} : memref<128x128xf32, #tpu.memory_space<vmem>>, vector<16xf32>,
          %add3A_403 = arith.constant 0 : i32
          %add3A_404 = arith.addi %mul3A_276, %add3A_403 : i32
          %get3A_405 = arith.index_cast %add3A_404 : i32 to index
          %get3A_406 = arith.constant 112 : index
          %get3A_407 = tpu.vector_load %arg8[%get3A_405, %get3A_406] {strides = array<i32>} : memref<128x128xf32, #tpu.memory_space<vmem>>, vector<16xf32>,
          %add3A_408 = arith.addf %scan3A_267, %get3A_372 : vector<16xf32>
          %select_n3A_409 = arith.select %ne3A_365, %get3A_372, %add3A_408 : vector<16xf32>
          %add3A_410 = arith.addf %scan3A_268, %get3A_377 : vector<16xf32>
          %select_n3A_411 = arith.select %ne3A_365, %get3A_377, %add3A_410 : vector<16xf32>
          %add3A_412 = arith.addf %scan3A_269, %get3A_382 : vector<16xf32>
          %select_n3A_413 = arith.select %ne3A_365, %get3A_382, %add3A_412 : vector<16xf32>
          %add3A_414 = arith.addf %scan3A_270, %get3A_387 : vector<16xf32>
          %select_n3A_415 = arith.select %ne3A_365, %get3A_387, %add3A_414 : vector<16xf32>
          %add3A_416 = arith.addf %scan3A_271, %get3A_392 : vector<16xf32>
          %select_n3A_417 = arith.select %ne3A_365, %get3A_392, %add3A_416 : vector<16xf32>
          %add3A_418 = arith.addf %scan3A_272, %get3A_397 : vector<16xf32>
          %select_n3A_419 = arith.select %ne3A_365, %get3A_397, %add3A_418 : vector<16xf32>
          %add3A_420 = arith.addf %scan3A_273, %get3A_402 : vector<16xf32>
          %select_n3A_421 = arith.select %ne3A_365, %get3A_402, %add3A_420 : vector<16xf32>
          %add3A_422 = arith.addf %scan3A_274, %get3A_407 : vector<16xf32>
          %select_n3A_423 = arith.select %ne3A_365, %get3A_407, %add3A_422 : vector<16xf32>
          %swap3A_424 = arith.index_cast %squeeze3A_367 : i32 to index
          %swap3A_425 = arith.constant 0 : index
          %swap3A_426 = tpu.vector_load %arg20[%swap3A_424, %swap3A_425] {strides = array<i32>} : memref<16x128xf32, #tpu.memory_space<vmem>>, vector<16xf32>,
          tpu.vector_store %arg20[%swap3A_424, %swap3A_425], %select_n3A_409 {strides = array<i32>} : memref<16x128xf32, #tpu.memory_space<vmem>>, vector<16xf32>,
          %swap3A_427 = arith.index_cast %squeeze3A_367 : i32 to index
          %swap3A_428 = arith.constant 16 : index
          %swap3A_429 = tpu.vector_load %arg20[%swap3A_427, %swap3A_428] {strides = array<i32>} : memref<16x128xf32, #tpu.memory_space<vmem>>, vector<16xf32>,
          tpu.vector_store %arg20[%swap3A_427, %swap3A_428], %select_n3A_411 {strides = array<i32>} : memref<16x128xf32, #tpu.memory_space<vmem>>, vector<16xf32>,
          %swap3A_430 = arith.index_cast %squeeze3A_367 : i32 to index
          %swap3A_431 = arith.constant 32 : index
          %swap3A_432 = tpu.vector_load %arg20[%swap3A_430, %swap3A_431] {strides = array<i32>} : memref<16x128xf32, #tpu.memory_space<vmem>>, vector<16xf32>,
          tpu.vector_store %arg20[%swap3A_430, %swap3A_431], %select_n3A_413 {strides = array<i32>} : memref<16x128xf32, #tpu.memory_space<vmem>>, vector<16xf32>,
          %swap3A_433 = arith.index_cast %squeeze3A_367 : i32 to index
          %swap3A_434 = arith.constant 48 : index
          %swap3A_435 = tpu.vector_load %arg20[%swap3A_433, %swap3A_434] {strides = array<i32>} : memref<16x128xf32, #tpu.memory_space<vmem>>, vector<16xf32>,
          tpu.vector_store %arg20[%swap3A_433, %swap3A_434], %select_n3A_415 {strides = array<i32>} : memref<16x128xf32, #tpu.memory_space<vmem>>, vector<16xf32>,
          %swap3A_436 = arith.index_cast %squeeze3A_367 : i32 to index
          %swap3A_437 = arith.constant 64 : index
          %swap3A_438 = tpu.vector_load %arg20[%swap3A_436, %swap3A_437] {strides = array<i32>} : memref<16x128xf32, #tpu.memory_space<vmem>>, vector<16xf32>,
          tpu.vector_store %arg20[%swap3A_436, %swap3A_437], %select_n3A_417 {strides = array<i32>} : memref<16x128xf32, #tpu.memory_space<vmem>>, vector<16xf32>,
          %swap3A_439 = arith.index_cast %squeeze3A_367 : i32 to index
          %swap3A_440 = arith.constant 80 : index
          %swap3A_441 = tpu.vector_load %arg20[%swap3A_439, %swap3A_440] {strides = array<i32>} : memref<16x128xf32, #tpu.memory_space<vmem>>, vector<16xf32>,
          tpu.vector_store %arg20[%swap3A_439, %swap3A_440], %select_n3A_419 {strides = array<i32>} : memref<16x128xf32, #tpu.memory_space<vmem>>, vector<16xf32>,
          %swap3A_442 = arith.index_cast %squeeze3A_367 : i32 to index
          %swap3A_443 = arith.constant 96 : index
          %swap3A_444 = tpu.vector_load %arg20[%swap3A_442, %swap3A_443] {strides = array<i32>} : memref<16x128xf32, #tpu.memory_space<vmem>>, vector<16xf32>,
          tpu.vector_store %arg20[%swap3A_442, %swap3A_443], %select_n3A_421 {strides = array<i32>} : memref<16x128xf32, #tpu.memory_space<vmem>>, vector<16xf32>,
          %swap3A_445 = arith.index_cast %squeeze3A_367 : i32 to index
          %swap3A_446 = arith.constant 112 : index
          %swap3A_447 = tpu.vector_load %arg20[%swap3A_445, %swap3A_446] {strides = array<i32>} : memref<16x128xf32, #tpu.memory_space<vmem>>, vector<16xf32>,
          tpu.vector_store %arg20[%swap3A_445, %swap3A_446], %select_n3A_423 {strides = array<i32>} : memref<16x128xf32, #tpu.memory_space<vmem>>, vector<16xf32>,
          %slice3A_448 = vector.extract_strided_slice %convert_element_type3A_347 {offsets = [1], sizes = [1], strides = [1]} : vector<16xi32> to vector<1xi32>
          %squeeze3A_449 = vector.extract %slice3A_448[0] : i32 from vector<1xi32>
          %ne3A_450 = arith.constant 0 : i32
          %ne3A_451 = arith.cmpi ne, %squeeze3A_449, %ne3A_450 : i32
          %slice3A_452 = vector.extract_strided_slice %min3A_354 {offsets = [1], sizes = [1], strides = [1]} : vector<16xi32> to vector<1xi32>
          %squeeze3A_453 = vector.extract %slice3A_452[0] : i32 from vector<1xi32>
          %add3A_454 = arith.constant 1 : i32
          %add3A_455 = arith.addi %mul3A_276, %add3A_454 : i32
          %get3A_456 = arith.index_cast %add3A_455 : i32 to index
          %get3A_457 = arith.constant 0 : index
          %get3A_458 = tpu.vector_load %arg8[%get3A_456, %get3A_457] {strides = array<i32>} : memref<128x128xf32, #tpu.memory_space<vmem>>, vector<16xf32>,
          %add3A_459 = arith.constant 1 : i32
          %add3A_460 = arith.addi %mul3A_276, %add3A_459 : i32
          %get3A_461 = arith.index_cast %add3A_460 : i32 to index
          %get3A_462 = arith.constant 16 : index
          %get3A_463 = tpu.vector_load %arg8[%get3A_461, %get3A_462] {strides = array<i32>} : memref<128x128xf32, #tpu.memory_space<vmem>>, vector<16xf32>,
          %add3A_464 = arith.constant 1 : i32
          %add3A_465 = arith.addi %mul3A_276, %add3A_464 : i32
          %get3A_466 = arith.index_cast %add3A_465 : i32 to index
          %get3A_467 = arith.constant 32 : index
          %get3A_468 = tpu.vector_load %arg8[%get3A_466, %get3A_467] {strides = array<i32>} : memref<128x128xf32, #tpu.memory_space<vmem>>, vector<16xf32>,
          %add3A_469 = arith.constant 1 : i32
          %add3A_470 = arith.addi %mul3A_276, %add3A_469 : i32
          %get3A_471 = arith.index_cast %add3A_470 : i32 to index
          %get3A_472 = arith.constant 48 : index
          %get3A_473 = tpu.vector_load %arg8[%get3A_471, %get3A_472] {strides = array<i32>} : memref<128x128xf32, #tpu.memory_space<vmem>>, vector<16xf32>,
          %add3A_474 = arith.constant 1 : i32
          %add3A_475 = arith.addi %mul3A_276, %add3A_474 : i32
          %get3A_476 = arith.index_cast %add3A_475 : i32 to index
          %get3A_477 = arith.constant 64 : index
          %get3A_478 = tpu.vector_load %arg8[%get3A_476, %get3A_477] {strides = array<i32>} : memref<128x128xf32, #tpu.memory_space<vmem>>, vector<16xf32>,
          %add3A_479 = arith.constant 1 : i32
          %add3A_480 = arith.addi %mul3A_276, %add3A_479 : i32
          %get3A_481 = arith.index_cast %add3A_480 : i32 to index
          %get3A_482 = arith.constant 80 : index
          %get3A_483 = tpu.vector_load %arg8[%get3A_481, %get3A_482] {strides = array<i32>} : memref<128x128xf32, #tpu.memory_space<vmem>>, vector<16xf32>,
          %add3A_484 = arith.constant 1 : i32
          %add3A_485 = arith.addi %mul3A_276, %add3A_484 : i32
          %get3A_486 = arith.index_cast %add3A_485 : i32 to index
          %get3A_487 = arith.constant 96 : index
          %get3A_488 = tpu.vector_load %arg8[%get3A_486, %get3A_487] {strides = array<i32>} : memref<128x128xf32, #tpu.memory_space<vmem>>, vector<16xf32>,
          %add3A_489 = arith.constant 1 : i32
          %add3A_490 = arith.addi %mul3A_276, %add3A_489 : i32
          %get3A_491 = arith.index_cast %add3A_490 : i32 to index
          %get3A_492 = arith.constant 112 : index
          %get3A_493 = tpu.vector_load %arg8[%get3A_491, %get3A_492] {strides = array<i32>} : memref<128x128xf32, #tpu.memory_space<vmem>>, vector<16xf32>,
          %add3A_494 = arith.addf %select_n3A_409, %get3A_458 : vector<16xf32>
          %select_n3A_495 = arith.select %ne3A_451, %get3A_458, %add3A_494 : vector<16xf32>
          %add3A_496 = arith.addf %select_n3A_411, %get3A_463 : vector<16xf32>
          %select_n3A_497 = arith.select %ne3A_451, %get3A_463, %add3A_496 : vector<16xf32>
          %add3A_498 = arith.addf %select_n3A_413, %get3A_468 : vector<16xf32>
          %select_n3A_499 = arith.select %ne3A_451, %get3A_468, %add3A_498 : vector<16xf32>
          %add3A_500 = arith.addf %select_n3A_415, %get3A_473 : vector<16xf32>
          %select_n3A_501 = arith.select %ne3A_451, %get3A_473, %add3A_500 : vector<16xf32>
          %add3A_502 = arith.addf %select_n3A_417, %get3A_478 : vector<16xf32>
          %select_n3A_503 = arith.select %ne3A_451, %get3A_478, %add3A_502 : vector<16xf32>
          %add3A_504 = arith.addf %select_n3A_419, %get3A_483 : vector<16xf32>
          %select_n3A_505 = arith.select %ne3A_451, %get3A_483, %add3A_504 : vector<16xf32>
          %add3A_506 = arith.addf %select_n3A_421, %get3A_488 : vector<16xf32>
          %select_n3A_507 = arith.select %ne3A_451, %get3A_488, %add3A_506 : vector<16xf32>
          %add3A_508 = arith.addf %select_n3A_423, %get3A_493 : vector<16xf32>
          %select_n3A_509 = arith.select %ne3A_451, %get3A_493, %add3A_508 : vector<16xf32>
          %swap3A_510 = arith.index_cast %squeeze3A_453 : i32 to index
          %swap3A_511 = arith.constant 0 : index
          %swap3A_512 = tpu.vector_load %arg20[%swap3A_510, %swap3A_511] {strides = array<i32>} : memref<16x128xf32, #tpu.memory_space<vmem>>, vector<16xf32>,
          tpu.vector_store %arg20[%swap3A_510, %swap3A_511], %select_n3A_495 {strides = array<i32>} : memref<16x128xf32, #tpu.memory_space<vmem>>, vector<16xf32>,
          %swap3A_513 = arith.index_cast %squeeze3A_453 : i32 to index
          %swap3A_514 = arith.constant 16 : index
          %swap3A_515 = tpu.vector_load %arg20[%swap3A_513, %swap3A_514] {strides = array<i32>} : memref<16x128xf32, #tpu.memory_space<vmem>>, vector<16xf32>,
          tpu.vector_store %arg20[%swap3A_513, %swap3A_514], %select_n3A_497 {strides = array<i32>} : memref<16x128xf32, #tpu.memory_space<vmem>>, vector<16xf32>,
          %swap3A_516 = arith.index_cast %squeeze3A_453 : i32 to index
          %swap3A_517 = arith.constant 32 : index
          %swap3A_518 = tpu.vector_load %arg20[%swap3A_516, %swap3A_517] {strides = array<i32>} : memref<16x128xf32, #tpu.memory_space<vmem>>, vector<16xf32>,
          tpu.vector_store %arg20[%swap3A_516, %swap3A_517], %select_n3A_499 {strides = array<i32>} : memref<16x128xf32, #tpu.memory_space<vmem>>, vector<16xf32>,
          %swap3A_519 = arith.index_cast %squeeze3A_453 : i32 to index
          %swap3A_520 = arith.constant 48 : index
          %swap3A_521 = tpu.vector_load %arg20[%swap3A_519, %swap3A_520] {strides = array<i32>} : memref<16x128xf32, #tpu.memory_space<vmem>>, vector<16xf32>,
          tpu.vector_store %arg20[%swap3A_519, %swap3A_520], %select_n3A_501 {strides = array<i32>} : memref<16x128xf32, #tpu.memory_space<vmem>>, vector<16xf32>,
          %swap3A_522 = arith.index_cast %squeeze3A_453 : i32 to index
          %swap3A_523 = arith.constant 64 : index
          %swap3A_524 = tpu.vector_load %arg20[%swap3A_522, %swap3A_523] {strides = array<i32>} : memref<16x128xf32, #tpu.memory_space<vmem>>, vector<16xf32>,
          tpu.vector_store %arg20[%swap3A_522, %swap3A_523], %select_n3A_503 {strides = array<i32>} : memref<16x128xf32, #tpu.memory_space<vmem>>, vector<16xf32>,
          %swap3A_525 = arith.index_cast %squeeze3A_453 : i32 to index
          %swap3A_526 = arith.constant 80 : index
          %swap3A_527 = tpu.vector_load %arg20[%swap3A_525, %swap3A_526] {strides = array<i32>} : memref<16x128xf32, #tpu.memory_space<vmem>>, vector<16xf32>,
          tpu.vector_store %arg20[%swap3A_525, %swap3A_526], %select_n3A_505 {strides = array<i32>} : memref<16x128xf32, #tpu.memory_space<vmem>>, vector<16xf32>,
          %swap3A_528 = arith.index_cast %squeeze3A_453 : i32 to index
          %swap3A_529 = arith.constant 96 : index
          %swap3A_530 = tpu.vector_load %arg20[%swap3A_528, %swap3A_529] {strides = array<i32>} : memref<16x128xf32, #tpu.memory_space<vmem>>, vector<16xf32>,
          tpu.vector_store %arg20[%swap3A_528, %swap3A_529], %select_n3A_507 {strides = array<i32>} : memref<16x128xf32, #tpu.memory_space<vmem>>, vector<16xf32>,
          %swap3A_531 = arith.index_cast %squeeze3A_453 : i32 to index
          %swap3A_532 = arith.constant 112 : index
          %swap3A_533 = tpu.vector_load %arg20[%swap3A_531, %swap3A_532] {strides = array<i32>} : memref<16x128xf32, #tpu.memory_space<vmem>>, vector<16xf32>,
          tpu.vector_store %arg20[%swap3A_531, %swap3A_532], %select_n3A_509 {strides = array<i32>} : memref<16x128xf32, #tpu.memory_space<vmem>>, vector<16xf32>,
          %slice3A_534 = vector.extract_strided_slice %convert_element_type3A_347 {offsets = [2], sizes = [1], strides = [1]} : vector<16xi32> to vector<1xi32>
          %squeeze3A_535 = vector.extract %slice3A_534[0] : i32 from vector<1xi32>
          %ne3A_536 = arith.constant 0 : i32
          %ne3A_537 = arith.cmpi ne, %squeeze3A_535, %ne3A_536 : i32
          %slice3A_538 = vector.extract_strided_slice %min3A_354 {offsets = [2], sizes = [1], strides = [1]} : vector<16xi32> to vector<1xi32>
          %squeeze3A_539 = vector.extract %slice3A_538[0] : i32 from vector<1xi32>
          %add3A_540 = arith.constant 2 : i32
          %add3A_541 = arith.addi %mul3A_276, %add3A_540 : i32
          %get3A_542 = arith.index_cast %add3A_541 : i32 to index
          %get3A_543 = arith.constant 0 : index
          %get3A_544 = tpu.vector_load %arg8[%get3A_542, %get3A_543] {strides = array<i32>} : memref<128x128xf32, #tpu.memory_space<vmem>>, vector<16xf32>,
          %add3A_545 = arith.constant 2 : i32
          %add3A_546 = arith.addi %mul3A_276, %add3A_545 : i32
          %get3A_547 = arith.index_cast %add3A_546 : i32 to index
          %get3A_548 = arith.constant 16 : index
          %get3A_549 = tpu.vector_load %arg8[%get3A_547, %get3A_548] {strides = array<i32>} : memref<128x128xf32, #tpu.memory_space<vmem>>, vector<16xf32>,
          %add3A_550 = arith.constant 2 : i32
          %add3A_551 = arith.addi %mul3A_276, %add3A_550 : i32
          %get3A_552 = arith.index_cast %add3A_551 : i32 to index
          %get3A_553 = arith.constant 32 : index
          %get3A_554 = tpu.vector_load %arg8[%get3A_552, %get3A_553] {strides = array<i32>} : memref<128x128xf32, #tpu.memory_space<vmem>>, vector<16xf32>,
          %add3A_555 = arith.constant 2 : i32
          %add3A_556 = arith.addi %mul3A_276, %add3A_555 : i32
          %get3A_557 = arith.index_cast %add3A_556 : i32 to index
          %get3A_558 = arith.constant 48 : index
          %get3A_559 = tpu.vector_load %arg8[%get3A_557, %get3A_558] {strides = array<i32>} : memref<128x128xf32, #tpu.memory_space<vmem>>, vector<16xf32>,
          %add3A_560 = arith.constant 2 : i32
          %add3A_561 = arith.addi %mul3A_276, %add3A_560 : i32
          %get3A_562 = arith.index_cast %add3A_561 : i32 to index
          %get3A_563 = arith.constant 64 : index
          %get3A_564 = tpu.vector_load %arg8[%get3A_562, %get3A_563] {strides = array<i32>} : memref<128x128xf32, #tpu.memory_space<vmem>>, vector<16xf32>,
          %add3A_565 = arith.constant 2 : i32
          %add3A_566 = arith.addi %mul3A_276, %add3A_565 : i32
          %get3A_567 = arith.index_cast %add3A_566 : i32 to index
          %get3A_568 = arith.constant 80 : index
          %get3A_569 = tpu.vector_load %arg8[%get3A_567, %get3A_568] {strides = array<i32>} : memref<128x128xf32, #tpu.memory_space<vmem>>, vector<16xf32>,
          %add3A_570 = arith.constant 2 : i32
          %add3A_571 = arith.addi %mul3A_276, %add3A_570 : i32
          %get3A_572 = arith.index_cast %add3A_571 : i32 to index
          %get3A_573 = arith.constant 96 : index
          %get3A_574 = tpu.vector_load %arg8[%get3A_572, %get3A_573] {strides = array<i32>} : memref<128x128xf32, #tpu.memory_space<vmem>>, vector<16xf32>,
          %add3A_575 = arith.constant 2 : i32
          %add3A_576 = arith.addi %mul3A_276, %add3A_575 : i32
          %get3A_577 = arith.index_cast %add3A_576 : i32 to index
          %get3A_578 = arith.constant 112 : index
          %get3A_579 = tpu.vector_load %arg8[%get3A_577, %get3A_578] {strides = array<i32>} : memref<128x128xf32, #tpu.memory_space<vmem>>, vector<16xf32>,
          %add3A_580 = arith.addf %select_n3A_495, %get3A_544 : vector<16xf32>
          %select_n3A_581 = arith.select %ne3A_537, %get3A_544, %add3A_580 : vector<16xf32>
          %add3A_582 = arith.addf %select_n3A_497, %get3A_549 : vector<16xf32>
          %select_n3A_583 = arith.select %ne3A_537, %get3A_549, %add3A_582 : vector<16xf32>
          %add3A_584 = arith.addf %select_n3A_499, %get3A_554 : vector<16xf32>
          %select_n3A_585 = arith.select %ne3A_537, %get3A_554, %add3A_584 : vector<16xf32>
          %add3A_586 = arith.addf %select_n3A_501, %get3A_559 : vector<16xf32>
          %select_n3A_587 = arith.select %ne3A_537, %get3A_559, %add3A_586 : vector<16xf32>
          %add3A_588 = arith.addf %select_n3A_503, %get3A_564 : vector<16xf32>
          %select_n3A_589 = arith.select %ne3A_537, %get3A_564, %add3A_588 : vector<16xf32>
          %add3A_590 = arith.addf %select_n3A_505, %get3A_569 : vector<16xf32>
          %select_n3A_591 = arith.select %ne3A_537, %get3A_569, %add3A_590 : vector<16xf32>
          %add3A_592 = arith.addf %select_n3A_507, %get3A_574 : vector<16xf32>
          %select_n3A_593 = arith.select %ne3A_537, %get3A_574, %add3A_592 : vector<16xf32>
          %add3A_594 = arith.addf %select_n3A_509, %get3A_579 : vector<16xf32>
          %select_n3A_595 = arith.select %ne3A_537, %get3A_579, %add3A_594 : vector<16xf32>
          %swap3A_596 = arith.index_cast %squeeze3A_539 : i32 to index
          %swap3A_597 = arith.constant 0 : index
          %swap3A_598 = tpu.vector_load %arg20[%swap3A_596, %swap3A_597] {strides = array<i32>} : memref<16x128xf32, #tpu.memory_space<vmem>>, vector<16xf32>,
          tpu.vector_store %arg20[%swap3A_596, %swap3A_597], %select_n3A_581 {strides = array<i32>} : memref<16x128xf32, #tpu.memory_space<vmem>>, vector<16xf32>,
          %swap3A_599 = arith.index_cast %squeeze3A_539 : i32 to index
          %swap3A_600 = arith.constant 16 : index
          %swap3A_601 = tpu.vector_load %arg20[%swap3A_599, %swap3A_600] {strides = array<i32>} : memref<16x128xf32, #tpu.memory_space<vmem>>, vector<16xf32>,
          tpu.vector_store %arg20[%swap3A_599, %swap3A_600], %select_n3A_583 {strides = array<i32>} : memref<16x128xf32, #tpu.memory_space<vmem>>, vector<16xf32>,
          %swap3A_602 = arith.index_cast %squeeze3A_539 : i32 to index
          %swap3A_603 = arith.constant 32 : index
          %swap3A_604 = tpu.vector_load %arg20[%swap3A_602, %swap3A_603] {strides = array<i32>} : memref<16x128xf32, #tpu.memory_space<vmem>>, vector<16xf32>,
          tpu.vector_store %arg20[%swap3A_602, %swap3A_603], %select_n3A_585 {strides = array<i32>} : memref<16x128xf32, #tpu.memory_space<vmem>>, vector<16xf32>,
          %swap3A_605 = arith.index_cast %squeeze3A_539 : i32 to index
          %swap3A_606 = arith.constant 48 : index
          %swap3A_607 = tpu.vector_load %arg20[%swap3A_605, %swap3A_606] {strides = array<i32>} : memref<16x128xf32, #tpu.memory_space<vmem>>, vector<16xf32>,
          tpu.vector_store %arg20[%swap3A_605, %swap3A_606], %select_n3A_587 {strides = array<i32>} : memref<16x128xf32, #tpu.memory_space<vmem>>, vector<16xf32>,
          %swap3A_608 = arith.index_cast %squeeze3A_539 : i32 to index
          %swap3A_609 = arith.constant 64 : index
          %swap3A_610 = tpu.vector_load %arg20[%swap3A_608, %swap3A_609] {strides = array<i32>} : memref<16x128xf32, #tpu.memory_space<vmem>>, vector<16xf32>,
          tpu.vector_store %arg20[%swap3A_608, %swap3A_609], %select_n3A_589 {strides = array<i32>} : memref<16x128xf32, #tpu.memory_space<vmem>>, vector<16xf32>,
          %swap3A_611 = arith.index_cast %squeeze3A_539 : i32 to index
          %swap3A_612 = arith.constant 80 : index
          %swap3A_613 = tpu.vector_load %arg20[%swap3A_611, %swap3A_612] {strides = array<i32>} : memref<16x128xf32, #tpu.memory_space<vmem>>, vector<16xf32>,
          tpu.vector_store %arg20[%swap3A_611, %swap3A_612], %select_n3A_591 {strides = array<i32>} : memref<16x128xf32, #tpu.memory_space<vmem>>, vector<16xf32>,
          %swap3A_614 = arith.index_cast %squeeze3A_539 : i32 to index
          %swap3A_615 = arith.constant 96 : index
          %swap3A_616 = tpu.vector_load %arg20[%swap3A_614, %swap3A_615] {strides = array<i32>} : memref<16x128xf32, #tpu.memory_space<vmem>>, vector<16xf32>,
          tpu.vector_store %arg20[%swap3A_614, %swap3A_615], %select_n3A_593 {strides = array<i32>} : memref<16x128xf32, #tpu.memory_space<vmem>>, vector<16xf32>,
          %swap3A_617 = arith.index_cast %squeeze3A_539 : i32 to index
          %swap3A_618 = arith.constant 112 : index
          %swap3A_619 = tpu.vector_load %arg20[%swap3A_617, %swap3A_618] {strides = array<i32>} : memref<16x128xf32, #tpu.memory_space<vmem>>, vector<16xf32>,
          tpu.vector_store %arg20[%swap3A_617, %swap3A_618], %select_n3A_595 {strides = array<i32>} : memref<16x128xf32, #tpu.memory_space<vmem>>, vector<16xf32>,
          %slice3A_620 = vector.extract_strided_slice %convert_element_type3A_347 {offsets = [3], sizes = [1], strides = [1]} : vector<16xi32> to vector<1xi32>
          %squeeze3A_621 = vector.extract %slice3A_620[0] : i32 from vector<1xi32>
          %ne3A_622 = arith.constant 0 : i32
          %ne3A_623 = arith.cmpi ne, %squeeze3A_621, %ne3A_622 : i32
          %slice3A_624 = vector.extract_strided_slice %min3A_354 {offsets = [3], sizes = [1], strides = [1]} : vector<16xi32> to vector<1xi32>
          %squeeze3A_625 = vector.extract %slice3A_624[0] : i32 from vector<1xi32>
          %add3A_626 = arith.constant 3 : i32
          %add3A_627 = arith.addi %mul3A_276, %add3A_626 : i32
          %get3A_628 = arith.index_cast %add3A_627 : i32 to index
          %get3A_629 = arith.constant 0 : index
          %get3A_630 = tpu.vector_load %arg8[%get3A_628, %get3A_629] {strides = array<i32>} : memref<128x128xf32, #tpu.memory_space<vmem>>, vector<16xf32>,
          %add3A_631 = arith.constant 3 : i32
          %add3A_632 = arith.addi %mul3A_276, %add3A_631 : i32
          %get3A_633 = arith.index_cast %add3A_632 : i32 to index
          %get3A_634 = arith.constant 16 : index
          %get3A_635 = tpu.vector_load %arg8[%get3A_633, %get3A_634] {strides = array<i32>} : memref<128x128xf32, #tpu.memory_space<vmem>>, vector<16xf32>,
          %add3A_636 = arith.constant 3 : i32
          %add3A_637 = arith.addi %mul3A_276, %add3A_636 : i32
          %get3A_638 = arith.index_cast %add3A_637 : i32 to index
          %get3A_639 = arith.constant 32 : index
          %get3A_640 = tpu.vector_load %arg8[%get3A_638, %get3A_639] {strides = array<i32>} : memref<128x128xf32, #tpu.memory_space<vmem>>, vector<16xf32>,
          %add3A_641 = arith.constant 3 : i32
          %add3A_642 = arith.addi %mul3A_276, %add3A_641 : i32
          %get3A_643 = arith.index_cast %add3A_642 : i32 to index
          %get3A_644 = arith.constant 48 : index
          %get3A_645 = tpu.vector_load %arg8[%get3A_643, %get3A_644] {strides = array<i32>} : memref<128x128xf32, #tpu.memory_space<vmem>>, vector<16xf32>,
          %add3A_646 = arith.constant 3 : i32
          %add3A_647 = arith.addi %mul3A_276, %add3A_646 : i32
          %get3A_648 = arith.index_cast %add3A_647 : i32 to index
          %get3A_649 = arith.constant 64 : index
          %get3A_650 = tpu.vector_load %arg8[%get3A_648, %get3A_649] {strides = array<i32>} : memref<128x128xf32, #tpu.memory_space<vmem>>, vector<16xf32>,
          %add3A_651 = arith.constant 3 : i32
          %add3A_652 = arith.addi %mul3A_276, %add3A_651 : i32
          %get3A_653 = arith.index_cast %add3A_652 : i32 to index
          %get3A_654 = arith.constant 80 : index
          %get3A_655 = tpu.vector_load %arg8[%get3A_653, %get3A_654] {strides = array<i32>} : memref<128x128xf32, #tpu.memory_space<vmem>>, vector<16xf32>,
          %add3A_656 = arith.constant 3 : i32
          %add3A_657 = arith.addi %mul3A_276, %add3A_656 : i32
          %get3A_658 = arith.index_cast %add3A_657 : i32 to index
          %get3A_659 = arith.constant 96 : index
          %get3A_660 = tpu.vector_load %arg8[%get3A_658, %get3A_659] {strides = array<i32>} : memref<128x128xf32, #tpu.memory_space<vmem>>, vector<16xf32>,
          %add3A_661 = arith.constant 3 : i32
          %add3A_662 = arith.addi %mul3A_276, %add3A_661 : i32
          %get3A_663 = arith.index_cast %add3A_662 : i32 to index
          %get3A_664 = arith.constant 112 : index
          %get3A_665 = tpu.vector_load %arg8[%get3A_663, %get3A_664] {strides = array<i32>} : memref<128x128xf32, #tpu.memory_space<vmem>>, vector<16xf32>,
          %add3A_666 = arith.addf %select_n3A_581, %get3A_630 : vector<16xf32>
          %select_n3A_667 = arith.select %ne3A_623, %get3A_630, %add3A_666 : vector<16xf32>
          %add3A_668 = arith.addf %select_n3A_583, %get3A_635 : vector<16xf32>
          %select_n3A_669 = arith.select %ne3A_623, %get3A_635, %add3A_668 : vector<16xf32>
          %add3A_670 = arith.addf %select_n3A_585, %get3A_640 : vector<16xf32>
          %select_n3A_671 = arith.select %ne3A_623, %get3A_640, %add3A_670 : vector<16xf32>
          %add3A_672 = arith.addf %select_n3A_587, %get3A_645 : vector<16xf32>
          %select_n3A_673 = arith.select %ne3A_623, %get3A_645, %add3A_672 : vector<16xf32>
          %add3A_674 = arith.addf %select_n3A_589, %get3A_650 : vector<16xf32>
          %select_n3A_675 = arith.select %ne3A_623, %get3A_650, %add3A_674 : vector<16xf32>
          %add3A_676 = arith.addf %select_n3A_591, %get3A_655 : vector<16xf32>
          %select_n3A_677 = arith.select %ne3A_623, %get3A_655, %add3A_676 : vector<16xf32>
          %add3A_678 = arith.addf %select_n3A_593, %get3A_660 : vector<16xf32>
          %select_n3A_679 = arith.select %ne3A_623, %get3A_660, %add3A_678 : vector<16xf32>
          %add3A_680 = arith.addf %select_n3A_595, %get3A_665 : vector<16xf32>
          %select_n3A_681 = arith.select %ne3A_623, %get3A_665, %add3A_680 : vector<16xf32>
          %swap3A_682 = arith.index_cast %squeeze3A_625 : i32 to index
          %swap3A_683 = arith.constant 0 : index
          %swap3A_684 = tpu.vector_load %arg20[%swap3A_682, %swap3A_683] {strides = array<i32>} : memref<16x128xf32, #tpu.memory_space<vmem>>, vector<16xf32>,
          tpu.vector_store %arg20[%swap3A_682, %swap3A_683], %select_n3A_667 {strides = array<i32>} : memref<16x128xf32, #tpu.memory_space<vmem>>, vector<16xf32>,
          %swap3A_685 = arith.index_cast %squeeze3A_625 : i32 to index
          %swap3A_686 = arith.constant 16 : index
          %swap3A_687 = tpu.vector_load %arg20[%swap3A_685, %swap3A_686] {strides = array<i32>} : memref<16x128xf32, #tpu.memory_space<vmem>>, vector<16xf32>,
          tpu.vector_store %arg20[%swap3A_685, %swap3A_686], %select_n3A_669 {strides = array<i32>} : memref<16x128xf32, #tpu.memory_space<vmem>>, vector<16xf32>,
          %swap3A_688 = arith.index_cast %squeeze3A_625 : i32 to index
          %swap3A_689 = arith.constant 32 : index
          %swap3A_690 = tpu.vector_load %arg20[%swap3A_688, %swap3A_689] {strides = array<i32>} : memref<16x128xf32, #tpu.memory_space<vmem>>, vector<16xf32>,
          tpu.vector_store %arg20[%swap3A_688, %swap3A_689], %select_n3A_671 {strides = array<i32>} : memref<16x128xf32, #tpu.memory_space<vmem>>, vector<16xf32>,
          %swap3A_691 = arith.index_cast %squeeze3A_625 : i32 to index
          %swap3A_692 = arith.constant 48 : index
          %swap3A_693 = tpu.vector_load %arg20[%swap3A_691, %swap3A_692] {strides = array<i32>} : memref<16x128xf32, #tpu.memory_space<vmem>>, vector<16xf32>,
          tpu.vector_store %arg20[%swap3A_691, %swap3A_692], %select_n3A_673 {strides = array<i32>} : memref<16x128xf32, #tpu.memory_space<vmem>>, vector<16xf32>,
          %swap3A_694 = arith.index_cast %squeeze3A_625 : i32 to index
          %swap3A_695 = arith.constant 64 : index
          %swap3A_696 = tpu.vector_load %arg20[%swap3A_694, %swap3A_695] {strides = array<i32>} : memref<16x128xf32, #tpu.memory_space<vmem>>, vector<16xf32>,
          tpu.vector_store %arg20[%swap3A_694, %swap3A_695], %select_n3A_675 {strides = array<i32>} : memref<16x128xf32, #tpu.memory_space<vmem>>, vector<16xf32>,
          %swap3A_697 = arith.index_cast %squeeze3A_625 : i32 to index
          %swap3A_698 = arith.constant 80 : index
          %swap3A_699 = tpu.vector_load %arg20[%swap3A_697, %swap3A_698] {strides = array<i32>} : memref<16x128xf32, #tpu.memory_space<vmem>>, vector<16xf32>,
          tpu.vector_store %arg20[%swap3A_697, %swap3A_698], %select_n3A_677 {strides = array<i32>} : memref<16x128xf32, #tpu.memory_space<vmem>>, vector<16xf32>,
          %swap3A_700 = arith.index_cast %squeeze3A_625 : i32 to index
          %swap3A_701 = arith.constant 96 : index
          %swap3A_702 = tpu.vector_load %arg20[%swap3A_700, %swap3A_701] {strides = array<i32>} : memref<16x128xf32, #tpu.memory_space<vmem>>, vector<16xf32>,
          tpu.vector_store %arg20[%swap3A_700, %swap3A_701], %select_n3A_679 {strides = array<i32>} : memref<16x128xf32, #tpu.memory_space<vmem>>, vector<16xf32>,
          %swap3A_703 = arith.index_cast %squeeze3A_625 : i32 to index
          %swap3A_704 = arith.constant 112 : index
          %swap3A_705 = tpu.vector_load %arg20[%swap3A_703, %swap3A_704] {strides = array<i32>} : memref<16x128xf32, #tpu.memory_space<vmem>>, vector<16xf32>,
          tpu.vector_store %arg20[%swap3A_703, %swap3A_704], %select_n3A_681 {strides = array<i32>} : memref<16x128xf32, #tpu.memory_space<vmem>>, vector<16xf32>,
          %slice3A_706 = vector.extract_strided_slice %convert_element_type3A_347 {offsets = [4], sizes = [1], strides = [1]} : vector<16xi32> to vector<1xi32>
          %squeeze3A_707 = vector.extract %slice3A_706[0] : i32 from vector<1xi32>
          %ne3A_708 = arith.constant 0 : i32
          %ne3A_709 = arith.cmpi ne, %squeeze3A_707, %ne3A_708 : i32
          %slice3A_710 = vector.extract_strided_slice %min3A_354 {offsets = [4], sizes = [1], strides = [1]} : vector<16xi32> to vector<1xi32>
          %squeeze3A_711 = vector.extract %slice3A_710[0] : i32 from vector<1xi32>
          %add3A_712 = arith.constant 4 : i32
          %add3A_713 = arith.addi %mul3A_276, %add3A_712 : i32
          %get3A_714 = arith.index_cast %add3A_713 : i32 to index
          %get3A_715 = arith.constant 0 : index
          %get3A_716 = tpu.vector_load %arg8[%get3A_714, %get3A_715] {strides = array<i32>} : memref<128x128xf32, #tpu.memory_space<vmem>>, vector<16xf32>,
          %add3A_717 = arith.constant 4 : i32
          %add3A_718 = arith.addi %mul3A_276, %add3A_717 : i32
          %get3A_719 = arith.index_cast %add3A_718 : i32 to index
          %get3A_720 = arith.constant 16 : index
          %get3A_721 = tpu.vector_load %arg8[%get3A_719, %get3A_720] {strides = array<i32>} : memref<128x128xf32, #tpu.memory_space<vmem>>, vector<16xf32>,
          %add3A_722 = arith.constant 4 : i32
          %add3A_723 = arith.addi %mul3A_276, %add3A_722 : i32
          %get3A_724 = arith.index_cast %add3A_723 : i32 to index
          %get3A_725 = arith.constant 32 : index
          %get3A_726 = tpu.vector_load %arg8[%get3A_724, %get3A_725] {strides = array<i32>} : memref<128x128xf32, #tpu.memory_space<vmem>>, vector<16xf32>,
          %add3A_727 = arith.constant 4 : i32
          %add3A_728 = arith.addi %mul3A_276, %add3A_727 : i32
          %get3A_729 = arith.index_cast %add3A_728 : i32 to index
          %get3A_730 = arith.constant 48 : index
          %get3A_731 = tpu.vector_load %arg8[%get3A_729, %get3A_730] {strides = array<i32>} : memref<128x128xf32, #tpu.memory_space<vmem>>, vector<16xf32>,
          %add3A_732 = arith.constant 4 : i32
          %add3A_733 = arith.addi %mul3A_276, %add3A_732 : i32
          %get3A_734 = arith.index_cast %add3A_733 : i32 to index
          %get3A_735 = arith.constant 64 : index
          %get3A_736 = tpu.vector_load %arg8[%get3A_734, %get3A_735] {strides = array<i32>} : memref<128x128xf32, #tpu.memory_space<vmem>>, vector<16xf32>,
          %add3A_737 = arith.constant 4 : i32
          %add3A_738 = arith.addi %mul3A_276, %add3A_737 : i32
          %get3A_739 = arith.index_cast %add3A_738 : i32 to index
          %get3A_740 = arith.constant 80 : index
          %get3A_741 = tpu.vector_load %arg8[%get3A_739, %get3A_740] {strides = array<i32>} : memref<128x128xf32, #tpu.memory_space<vmem>>, vector<16xf32>,
          %add3A_742 = arith.constant 4 : i32
          %add3A_743 = arith.addi %mul3A_276, %add3A_742 : i32
          %get3A_744 = arith.index_cast %add3A_743 : i32 to index
          %get3A_745 = arith.constant 96 : index
          %get3A_746 = tpu.vector_load %arg8[%get3A_744, %get3A_745] {strides = array<i32>} : memref<128x128xf32, #tpu.memory_space<vmem>>, vector<16xf32>,
          %add3A_747 = arith.constant 4 : i32
          %add3A_748 = arith.addi %mul3A_276, %add3A_747 : i32
          %get3A_749 = arith.index_cast %add3A_748 : i32 to index
          %get3A_750 = arith.constant 112 : index
          %get3A_751 = tpu.vector_load %arg8[%get3A_749, %get3A_750] {strides = array<i32>} : memref<128x128xf32, #tpu.memory_space<vmem>>, vector<16xf32>,
          %add3A_752 = arith.addf %select_n3A_667, %get3A_716 : vector<16xf32>
          %select_n3A_753 = arith.select %ne3A_709, %get3A_716, %add3A_752 : vector<16xf32>
          %add3A_754 = arith.addf %select_n3A_669, %get3A_721 : vector<16xf32>
          %select_n3A_755 = arith.select %ne3A_709, %get3A_721, %add3A_754 : vector<16xf32>
          %add3A_756 = arith.addf %select_n3A_671, %get3A_726 : vector<16xf32>
          %select_n3A_757 = arith.select %ne3A_709, %get3A_726, %add3A_756 : vector<16xf32>
          %add3A_758 = arith.addf %select_n3A_673, %get3A_731 : vector<16xf32>
          %select_n3A_759 = arith.select %ne3A_709, %get3A_731, %add3A_758 : vector<16xf32>
          %add3A_760 = arith.addf %select_n3A_675, %get3A_736 : vector<16xf32>
          %select_n3A_761 = arith.select %ne3A_709, %get3A_736, %add3A_760 : vector<16xf32>
          %add3A_762 = arith.addf %select_n3A_677, %get3A_741 : vector<16xf32>
          %select_n3A_763 = arith.select %ne3A_709, %get3A_741, %add3A_762 : vector<16xf32>
          %add3A_764 = arith.addf %select_n3A_679, %get3A_746 : vector<16xf32>
          %select_n3A_765 = arith.select %ne3A_709, %get3A_746, %add3A_764 : vector<16xf32>
          %add3A_766 = arith.addf %select_n3A_681, %get3A_751 : vector<16xf32>
          %select_n3A_767 = arith.select %ne3A_709, %get3A_751, %add3A_766 : vector<16xf32>
          %swap3A_768 = arith.index_cast %squeeze3A_711 : i32 to index
          %swap3A_769 = arith.constant 0 : index
          %swap3A_770 = tpu.vector_load %arg20[%swap3A_768, %swap3A_769] {strides = array<i32>} : memref<16x128xf32, #tpu.memory_space<vmem>>, vector<16xf32>,
          tpu.vector_store %arg20[%swap3A_768, %swap3A_769], %select_n3A_753 {strides = array<i32>} : memref<16x128xf32, #tpu.memory_space<vmem>>, vector<16xf32>,
          %swap3A_771 = arith.index_cast %squeeze3A_711 : i32 to index
          %swap3A_772 = arith.constant 16 : index
          %swap3A_773 = tpu.vector_load %arg20[%swap3A_771, %swap3A_772] {strides = array<i32>} : memref<16x128xf32, #tpu.memory_space<vmem>>, vector<16xf32>,
          tpu.vector_store %arg20[%swap3A_771, %swap3A_772], %select_n3A_755 {strides = array<i32>} : memref<16x128xf32, #tpu.memory_space<vmem>>, vector<16xf32>,
          %swap3A_774 = arith.index_cast %squeeze3A_711 : i32 to index
          %swap3A_775 = arith.constant 32 : index
          %swap3A_776 = tpu.vector_load %arg20[%swap3A_774, %swap3A_775] {strides = array<i32>} : memref<16x128xf32, #tpu.memory_space<vmem>>, vector<16xf32>,
          tpu.vector_store %arg20[%swap3A_774, %swap3A_775], %select_n3A_757 {strides = array<i32>} : memref<16x128xf32, #tpu.memory_space<vmem>>, vector<16xf32>,
          %swap3A_777 = arith.index_cast %squeeze3A_711 : i32 to index
          %swap3A_778 = arith.constant 48 : index
          %swap3A_779 = tpu.vector_load %arg20[%swap3A_777, %swap3A_778] {strides = array<i32>} : memref<16x128xf32, #tpu.memory_space<vmem>>, vector<16xf32>,
          tpu.vector_store %arg20[%swap3A_777, %swap3A_778], %select_n3A_759 {strides = array<i32>} : memref<16x128xf32, #tpu.memory_space<vmem>>, vector<16xf32>,
          %swap3A_780 = arith.index_cast %squeeze3A_711 : i32 to index
          %swap3A_781 = arith.constant 64 : index
          %swap3A_782 = tpu.vector_load %arg20[%swap3A_780, %swap3A_781] {strides = array<i32>} : memref<16x128xf32, #tpu.memory_space<vmem>>, vector<16xf32>,
          tpu.vector_store %arg20[%swap3A_780, %swap3A_781], %select_n3A_761 {strides = array<i32>} : memref<16x128xf32, #tpu.memory_space<vmem>>, vector<16xf32>,
          %swap3A_783 = arith.index_cast %squeeze3A_711 : i32 to index
          %swap3A_784 = arith.constant 80 : index
          %swap3A_785 = tpu.vector_load %arg20[%swap3A_783, %swap3A_784] {strides = array<i32>} : memref<16x128xf32, #tpu.memory_space<vmem>>, vector<16xf32>,
          tpu.vector_store %arg20[%swap3A_783, %swap3A_784], %select_n3A_763 {strides = array<i32>} : memref<16x128xf32, #tpu.memory_space<vmem>>, vector<16xf32>,
          %swap3A_786 = arith.index_cast %squeeze3A_711 : i32 to index
          %swap3A_787 = arith.constant 96 : index
          %swap3A_788 = tpu.vector_load %arg20[%swap3A_786, %swap3A_787] {strides = array<i32>} : memref<16x128xf32, #tpu.memory_space<vmem>>, vector<16xf32>,
          tpu.vector_store %arg20[%swap3A_786, %swap3A_787], %select_n3A_765 {strides = array<i32>} : memref<16x128xf32, #tpu.memory_space<vmem>>, vector<16xf32>,
          %swap3A_789 = arith.index_cast %squeeze3A_711 : i32 to index
          %swap3A_790 = arith.constant 112 : index
          %swap3A_791 = tpu.vector_load %arg20[%swap3A_789, %swap3A_790] {strides = array<i32>} : memref<16x128xf32, #tpu.memory_space<vmem>>, vector<16xf32>,
          tpu.vector_store %arg20[%swap3A_789, %swap3A_790], %select_n3A_767 {strides = array<i32>} : memref<16x128xf32, #tpu.memory_space<vmem>>, vector<16xf32>,
          %slice3A_792 = vector.extract_strided_slice %convert_element_type3A_347 {offsets = [5], sizes = [1], strides = [1]} : vector<16xi32> to vector<1xi32>
          %squeeze3A_793 = vector.extract %slice3A_792[0] : i32 from vector<1xi32>
          %ne3A_794 = arith.constant 0 : i32
          %ne3A_795 = arith.cmpi ne, %squeeze3A_793, %ne3A_794 : i32
          %slice3A_796 = vector.extract_strided_slice %min3A_354 {offsets = [5], sizes = [1], strides = [1]} : vector<16xi32> to vector<1xi32>
          %squeeze3A_797 = vector.extract %slice3A_796[0] : i32 from vector<1xi32>
          %add3A_798 = arith.constant 5 : i32
          %add3A_799 = arith.addi %mul3A_276, %add3A_798 : i32
          %get3A_800 = arith.index_cast %add3A_799 : i32 to index
          %get3A_801 = arith.constant 0 : index
          %get3A_802 = tpu.vector_load %arg8[%get3A_800, %get3A_801] {strides = array<i32>} : memref<128x128xf32, #tpu.memory_space<vmem>>, vector<16xf32>,
          %add3A_803 = arith.constant 5 : i32
          %add3A_804 = arith.addi %mul3A_276, %add3A_803 : i32
          %get3A_805 = arith.index_cast %add3A_804 : i32 to index
          %get3A_806 = arith.constant 16 : index
          %get3A_807 = tpu.vector_load %arg8[%get3A_805, %get3A_806] {strides = array<i32>} : memref<128x128xf32, #tpu.memory_space<vmem>>, vector<16xf32>,
          %add3A_808 = arith.constant 5 : i32
          %add3A_809 = arith.addi %mul3A_276, %add3A_808 : i32
          %get3A_810 = arith.index_cast %add3A_809 : i32 to index
          %get3A_811 = arith.constant 32 : index
          %get3A_812 = tpu.vector_load %arg8[%get3A_810, %get3A_811] {strides = array<i32>} : memref<128x128xf32, #tpu.memory_space<vmem>>, vector<16xf32>,
          %add3A_813 = arith.constant 5 : i32
          %add3A_814 = arith.addi %mul3A_276, %add3A_813 : i32
          %get3A_815 = arith.index_cast %add3A_814 : i32 to index
          %get3A_816 = arith.constant 48 : index
          %get3A_817 = tpu.vector_load %arg8[%get3A_815, %get3A_816] {strides = array<i32>} : memref<128x128xf32, #tpu.memory_space<vmem>>, vector<16xf32>,
          %add3A_818 = arith.constant 5 : i32
          %add3A_819 = arith.addi %mul3A_276, %add3A_818 : i32
          %get3A_820 = arith.index_cast %add3A_819 : i32 to index
          %get3A_821 = arith.constant 64 : index
          %get3A_822 = tpu.vector_load %arg8[%get3A_820, %get3A_821] {strides = array<i32>} : memref<128x128xf32, #tpu.memory_space<vmem>>, vector<16xf32>,
          %add3A_823 = arith.constant 5 : i32
          %add3A_824 = arith.addi %mul3A_276, %add3A_823 : i32
          %get3A_825 = arith.index_cast %add3A_824 : i32 to index
          %get3A_826 = arith.constant 80 : index
          %get3A_827 = tpu.vector_load %arg8[%get3A_825, %get3A_826] {strides = array<i32>} : memref<128x128xf32, #tpu.memory_space<vmem>>, vector<16xf32>,
          %add3A_828 = arith.constant 5 : i32
          %add3A_829 = arith.addi %mul3A_276, %add3A_828 : i32
          %get3A_830 = arith.index_cast %add3A_829 : i32 to index
          %get3A_831 = arith.constant 96 : index
          %get3A_832 = tpu.vector_load %arg8[%get3A_830, %get3A_831] {strides = array<i32>} : memref<128x128xf32, #tpu.memory_space<vmem>>, vector<16xf32>,
          %add3A_833 = arith.constant 5 : i32
          %add3A_834 = arith.addi %mul3A_276, %add3A_833 : i32
          %get3A_835 = arith.index_cast %add3A_834 : i32 to index
          %get3A_836 = arith.constant 112 : index
          %get3A_837 = tpu.vector_load %arg8[%get3A_835, %get3A_836] {strides = array<i32>} : memref<128x128xf32, #tpu.memory_space<vmem>>, vector<16xf32>,
          %add3A_838 = arith.addf %select_n3A_753, %get3A_802 : vector<16xf32>
          %select_n3A_839 = arith.select %ne3A_795, %get3A_802, %add3A_838 : vector<16xf32>
          %add3A_840 = arith.addf %select_n3A_755, %get3A_807 : vector<16xf32>
          %select_n3A_841 = arith.select %ne3A_795, %get3A_807, %add3A_840 : vector<16xf32>
          %add3A_842 = arith.addf %select_n3A_757, %get3A_812 : vector<16xf32>
          %select_n3A_843 = arith.select %ne3A_795, %get3A_812, %add3A_842 : vector<16xf32>
          %add3A_844 = arith.addf %select_n3A_759, %get3A_817 : vector<16xf32>
          %select_n3A_845 = arith.select %ne3A_795, %get3A_817, %add3A_844 : vector<16xf32>
          %add3A_846 = arith.addf %select_n3A_761, %get3A_822 : vector<16xf32>
          %select_n3A_847 = arith.select %ne3A_795, %get3A_822, %add3A_846 : vector<16xf32>
          %add3A_848 = arith.addf %select_n3A_763, %get3A_827 : vector<16xf32>
          %select_n3A_849 = arith.select %ne3A_795, %get3A_827, %add3A_848 : vector<16xf32>
          %add3A_850 = arith.addf %select_n3A_765, %get3A_832 : vector<16xf32>
          %select_n3A_851 = arith.select %ne3A_795, %get3A_832, %add3A_850 : vector<16xf32>
          %add3A_852 = arith.addf %select_n3A_767, %get3A_837 : vector<16xf32>
          %select_n3A_853 = arith.select %ne3A_795, %get3A_837, %add3A_852 : vector<16xf32>
          %swap3A_854 = arith.index_cast %squeeze3A_797 : i32 to index
          %swap3A_855 = arith.constant 0 : index
          %swap3A_856 = tpu.vector_load %arg20[%swap3A_854, %swap3A_855] {strides = array<i32>} : memref<16x128xf32, #tpu.memory_space<vmem>>, vector<16xf32>,
          tpu.vector_store %arg20[%swap3A_854, %swap3A_855], %select_n3A_839 {strides = array<i32>} : memref<16x128xf32, #tpu.memory_space<vmem>>, vector<16xf32>,
          %swap3A_857 = arith.index_cast %squeeze3A_797 : i32 to index
          %swap3A_858 = arith.constant 16 : index
          %swap3A_859 = tpu.vector_load %arg20[%swap3A_857, %swap3A_858] {strides = array<i32>} : memref<16x128xf32, #tpu.memory_space<vmem>>, vector<16xf32>,
          tpu.vector_store %arg20[%swap3A_857, %swap3A_858], %select_n3A_841 {strides = array<i32>} : memref<16x128xf32, #tpu.memory_space<vmem>>, vector<16xf32>,
          %swap3A_860 = arith.index_cast %squeeze3A_797 : i32 to index
          %swap3A_861 = arith.constant 32 : index
          %swap3A_862 = tpu.vector_load %arg20[%swap3A_860, %swap3A_861] {strides = array<i32>} : memref<16x128xf32, #tpu.memory_space<vmem>>, vector<16xf32>,
          tpu.vector_store %arg20[%swap3A_860, %swap3A_861], %select_n3A_843 {strides = array<i32>} : memref<16x128xf32, #tpu.memory_space<vmem>>, vector<16xf32>,
          %swap3A_863 = arith.index_cast %squeeze3A_797 : i32 to index
          %swap3A_864 = arith.constant 48 : index
          %swap3A_865 = tpu.vector_load %arg20[%swap3A_863, %swap3A_864] {strides = array<i32>} : memref<16x128xf32, #tpu.memory_space<vmem>>, vector<16xf32>,
          tpu.vector_store %arg20[%swap3A_863, %swap3A_864], %select_n3A_845 {strides = array<i32>} : memref<16x128xf32, #tpu.memory_space<vmem>>, vector<16xf32>,
          %swap3A_866 = arith.index_cast %squeeze3A_797 : i32 to index
          %swap3A_867 = arith.constant 64 : index
          %swap3A_868 = tpu.vector_load %arg20[%swap3A_866, %swap3A_867] {strides = array<i32>} : memref<16x128xf32, #tpu.memory_space<vmem>>, vector<16xf32>,
          tpu.vector_store %arg20[%swap3A_866, %swap3A_867], %select_n3A_847 {strides = array<i32>} : memref<16x128xf32, #tpu.memory_space<vmem>>, vector<16xf32>,
          %swap3A_869 = arith.index_cast %squeeze3A_797 : i32 to index
          %swap3A_870 = arith.constant 80 : index
          %swap3A_871 = tpu.vector_load %arg20[%swap3A_869, %swap3A_870] {strides = array<i32>} : memref<16x128xf32, #tpu.memory_space<vmem>>, vector<16xf32>,
          tpu.vector_store %arg20[%swap3A_869, %swap3A_870], %select_n3A_849 {strides = array<i32>} : memref<16x128xf32, #tpu.memory_space<vmem>>, vector<16xf32>,
          %swap3A_872 = arith.index_cast %squeeze3A_797 : i32 to index
          %swap3A_873 = arith.constant 96 : index
          %swap3A_874 = tpu.vector_load %arg20[%swap3A_872, %swap3A_873] {strides = array<i32>} : memref<16x128xf32, #tpu.memory_space<vmem>>, vector<16xf32>,
          tpu.vector_store %arg20[%swap3A_872, %swap3A_873], %select_n3A_851 {strides = array<i32>} : memref<16x128xf32, #tpu.memory_space<vmem>>, vector<16xf32>,
          %swap3A_875 = arith.index_cast %squeeze3A_797 : i32 to index
          %swap3A_876 = arith.constant 112 : index
          %swap3A_877 = tpu.vector_load %arg20[%swap3A_875, %swap3A_876] {strides = array<i32>} : memref<16x128xf32, #tpu.memory_space<vmem>>, vector<16xf32>,
          tpu.vector_store %arg20[%swap3A_875, %swap3A_876], %select_n3A_853 {strides = array<i32>} : memref<16x128xf32, #tpu.memory_space<vmem>>, vector<16xf32>,
          %slice3A_878 = vector.extract_strided_slice %convert_element_type3A_347 {offsets = [6], sizes = [1], strides = [1]} : vector<16xi32> to vector<1xi32>
          %squeeze3A_879 = vector.extract %slice3A_878[0] : i32 from vector<1xi32>
          %ne3A_880 = arith.constant 0 : i32
          %ne3A_881 = arith.cmpi ne, %squeeze3A_879, %ne3A_880 : i32
          %slice3A_882 = vector.extract_strided_slice %min3A_354 {offsets = [6], sizes = [1], strides = [1]} : vector<16xi32> to vector<1xi32>
          %squeeze3A_883 = vector.extract %slice3A_882[0] : i32 from vector<1xi32>
          %add3A_884 = arith.constant 6 : i32
          %add3A_885 = arith.addi %mul3A_276, %add3A_884 : i32
          %get3A_886 = arith.index_cast %add3A_885 : i32 to index
          %get3A_887 = arith.constant 0 : index
          %get3A_888 = tpu.vector_load %arg8[%get3A_886, %get3A_887] {strides = array<i32>} : memref<128x128xf32, #tpu.memory_space<vmem>>, vector<16xf32>,
          %add3A_889 = arith.constant 6 : i32
          %add3A_890 = arith.addi %mul3A_276, %add3A_889 : i32
          %get3A_891 = arith.index_cast %add3A_890 : i32 to index
          %get3A_892 = arith.constant 16 : index
          %get3A_893 = tpu.vector_load %arg8[%get3A_891, %get3A_892] {strides = array<i32>} : memref<128x128xf32, #tpu.memory_space<vmem>>, vector<16xf32>,
          %add3A_894 = arith.constant 6 : i32
          %add3A_895 = arith.addi %mul3A_276, %add3A_894 : i32
          %get3A_896 = arith.index_cast %add3A_895 : i32 to index
          %get3A_897 = arith.constant 32 : index
          %get3A_898 = tpu.vector_load %arg8[%get3A_896, %get3A_897] {strides = array<i32>} : memref<128x128xf32, #tpu.memory_space<vmem>>, vector<16xf32>,
          %add3A_899 = arith.constant 6 : i32
          %add3A_900 = arith.addi %mul3A_276, %add3A_899 : i32
          %get3A_901 = arith.index_cast %add3A_900 : i32 to index
          %get3A_902 = arith.constant 48 : index
          %get3A_903 = tpu.vector_load %arg8[%get3A_901, %get3A_902] {strides = array<i32>} : memref<128x128xf32, #tpu.memory_space<vmem>>, vector<16xf32>,
          %add3A_904 = arith.constant 6 : i32
          %add3A_905 = arith.addi %mul3A_276, %add3A_904 : i32
          %get3A_906 = arith.index_cast %add3A_905 : i32 to index
          %get3A_907 = arith.constant 64 : index
          %get3A_908 = tpu.vector_load %arg8[%get3A_906, %get3A_907] {strides = array<i32>} : memref<128x128xf32, #tpu.memory_space<vmem>>, vector<16xf32>,
          %add3A_909 = arith.constant 6 : i32
          %add3A_910 = arith.addi %mul3A_276, %add3A_909 : i32
          %get3A_911 = arith.index_cast %add3A_910 : i32 to index
          %get3A_912 = arith.constant 80 : index
          %get3A_913 = tpu.vector_load %arg8[%get3A_911, %get3A_912] {strides = array<i32>} : memref<128x128xf32, #tpu.memory_space<vmem>>, vector<16xf32>,
          %add3A_914 = arith.constant 6 : i32
          %add3A_915 = arith.addi %mul3A_276, %add3A_914 : i32
          %get3A_916 = arith.index_cast %add3A_915 : i32 to index
          %get3A_917 = arith.constant 96 : index
          %get3A_918 = tpu.vector_load %arg8[%get3A_916, %get3A_917] {strides = array<i32>} : memref<128x128xf32, #tpu.memory_space<vmem>>, vector<16xf32>,
          %add3A_919 = arith.constant 6 : i32
          %add3A_920 = arith.addi %mul3A_276, %add3A_919 : i32
          %get3A_921 = arith.index_cast %add3A_920 : i32 to index
          %get3A_922 = arith.constant 112 : index
          %get3A_923 = tpu.vector_load %arg8[%get3A_921, %get3A_922] {strides = array<i32>} : memref<128x128xf32, #tpu.memory_space<vmem>>, vector<16xf32>,
          %add3A_924 = arith.addf %select_n3A_839, %get3A_888 : vector<16xf32>
          %select_n3A_925 = arith.select %ne3A_881, %get3A_888, %add3A_924 : vector<16xf32>
          %add3A_926 = arith.addf %select_n3A_841, %get3A_893 : vector<16xf32>
          %select_n3A_927 = arith.select %ne3A_881, %get3A_893, %add3A_926 : vector<16xf32>
          %add3A_928 = arith.addf %select_n3A_843, %get3A_898 : vector<16xf32>
          %select_n3A_929 = arith.select %ne3A_881, %get3A_898, %add3A_928 : vector<16xf32>
          %add3A_930 = arith.addf %select_n3A_845, %get3A_903 : vector<16xf32>
          %select_n3A_931 = arith.select %ne3A_881, %get3A_903, %add3A_930 : vector<16xf32>
          %add3A_932 = arith.addf %select_n3A_847, %get3A_908 : vector<16xf32>
          %select_n3A_933 = arith.select %ne3A_881, %get3A_908, %add3A_932 : vector<16xf32>
          %add3A_934 = arith.addf %select_n3A_849, %get3A_913 : vector<16xf32>
          %select_n3A_935 = arith.select %ne3A_881, %get3A_913, %add3A_934 : vector<16xf32>
          %add3A_936 = arith.addf %select_n3A_851, %get3A_918 : vector<16xf32>
          %select_n3A_937 = arith.select %ne3A_881, %get3A_918, %add3A_936 : vector<16xf32>
          %add3A_938 = arith.addf %select_n3A_853, %get3A_923 : vector<16xf32>
          %select_n3A_939 = arith.select %ne3A_881, %get3A_923, %add3A_938 : vector<16xf32>
          %swap3A_940 = arith.index_cast %squeeze3A_883 : i32 to index
          %swap3A_941 = arith.constant 0 : index
          %swap3A_942 = tpu.vector_load %arg20[%swap3A_940, %swap3A_941] {strides = array<i32>} : memref<16x128xf32, #tpu.memory_space<vmem>>, vector<16xf32>,
          tpu.vector_store %arg20[%swap3A_940, %swap3A_941], %select_n3A_925 {strides = array<i32>} : memref<16x128xf32, #tpu.memory_space<vmem>>, vector<16xf32>,
          %swap3A_943 = arith.index_cast %squeeze3A_883 : i32 to index
          %swap3A_944 = arith.constant 16 : index
          %swap3A_945 = tpu.vector_load %arg20[%swap3A_943, %swap3A_944] {strides = array<i32>} : memref<16x128xf32, #tpu.memory_space<vmem>>, vector<16xf32>,
          tpu.vector_store %arg20[%swap3A_943, %swap3A_944], %select_n3A_927 {strides = array<i32>} : memref<16x128xf32, #tpu.memory_space<vmem>>, vector<16xf32>,
          %swap3A_946 = arith.index_cast %squeeze3A_883 : i32 to index
          %swap3A_947 = arith.constant 32 : index
          %swap3A_948 = tpu.vector_load %arg20[%swap3A_946, %swap3A_947] {strides = array<i32>} : memref<16x128xf32, #tpu.memory_space<vmem>>, vector<16xf32>,
          tpu.vector_store %arg20[%swap3A_946, %swap3A_947], %select_n3A_929 {strides = array<i32>} : memref<16x128xf32, #tpu.memory_space<vmem>>, vector<16xf32>,
          %swap3A_949 = arith.index_cast %squeeze3A_883 : i32 to index
          %swap3A_950 = arith.constant 48 : index
          %swap3A_951 = tpu.vector_load %arg20[%swap3A_949, %swap3A_950] {strides = array<i32>} : memref<16x128xf32, #tpu.memory_space<vmem>>, vector<16xf32>,
          tpu.vector_store %arg20[%swap3A_949, %swap3A_950], %select_n3A_931 {strides = array<i32>} : memref<16x128xf32, #tpu.memory_space<vmem>>, vector<16xf32>,
          %swap3A_952 = arith.index_cast %squeeze3A_883 : i32 to index
          %swap3A_953 = arith.constant 64 : index
          %swap3A_954 = tpu.vector_load %arg20[%swap3A_952, %swap3A_953] {strides = array<i32>} : memref<16x128xf32, #tpu.memory_space<vmem>>, vector<16xf32>,
          tpu.vector_store %arg20[%swap3A_952, %swap3A_953], %select_n3A_933 {strides = array<i32>} : memref<16x128xf32, #tpu.memory_space<vmem>>, vector<16xf32>,
          %swap3A_955 = arith.index_cast %squeeze3A_883 : i32 to index
          %swap3A_956 = arith.constant 80 : index
          %swap3A_957 = tpu.vector_load %arg20[%swap3A_955, %swap3A_956] {strides = array<i32>} : memref<16x128xf32, #tpu.memory_space<vmem>>, vector<16xf32>,
          tpu.vector_store %arg20[%swap3A_955, %swap3A_956], %select_n3A_935 {strides = array<i32>} : memref<16x128xf32, #tpu.memory_space<vmem>>, vector<16xf32>,
          %swap3A_958 = arith.index_cast %squeeze3A_883 : i32 to index
          %swap3A_959 = arith.constant 96 : index
          %swap3A_960 = tpu.vector_load %arg20[%swap3A_958, %swap3A_959] {strides = array<i32>} : memref<16x128xf32, #tpu.memory_space<vmem>>, vector<16xf32>,
          tpu.vector_store %arg20[%swap3A_958, %swap3A_959], %select_n3A_937 {strides = array<i32>} : memref<16x128xf32, #tpu.memory_space<vmem>>, vector<16xf32>,
          %swap3A_961 = arith.index_cast %squeeze3A_883 : i32 to index
          %swap3A_962 = arith.constant 112 : index
          %swap3A_963 = tpu.vector_load %arg20[%swap3A_961, %swap3A_962] {strides = array<i32>} : memref<16x128xf32, #tpu.memory_space<vmem>>, vector<16xf32>,
          tpu.vector_store %arg20[%swap3A_961, %swap3A_962], %select_n3A_939 {strides = array<i32>} : memref<16x128xf32, #tpu.memory_space<vmem>>, vector<16xf32>,
          %slice3A_964 = vector.extract_strided_slice %convert_element_type3A_347 {offsets = [7], sizes = [1], strides = [1]} : vector<16xi32> to vector<1xi32>
          %squeeze3A_965 = vector.extract %slice3A_964[0] : i32 from vector<1xi32>
          %ne3A_966 = arith.constant 0 : i32
          %ne3A_967 = arith.cmpi ne, %squeeze3A_965, %ne3A_966 : i32
          %slice3A_968 = vector.extract_strided_slice %min3A_354 {offsets = [7], sizes = [1], strides = [1]} : vector<16xi32> to vector<1xi32>
          %squeeze3A_969 = vector.extract %slice3A_968[0] : i32 from vector<1xi32>
          %add3A_970 = arith.constant 7 : i32
          %add3A_971 = arith.addi %mul3A_276, %add3A_970 : i32
          %get3A_972 = arith.index_cast %add3A_971 : i32 to index
          %get3A_973 = arith.constant 0 : index
          %get3A_974 = tpu.vector_load %arg8[%get3A_972, %get3A_973] {strides = array<i32>} : memref<128x128xf32, #tpu.memory_space<vmem>>, vector<16xf32>,
          %add3A_975 = arith.constant 7 : i32
          %add3A_976 = arith.addi %mul3A_276, %add3A_975 : i32
          %get3A_977 = arith.index_cast %add3A_976 : i32 to index
          %get3A_978 = arith.constant 16 : index
          %get3A_979 = tpu.vector_load %arg8[%get3A_977, %get3A_978] {strides = array<i32>} : memref<128x128xf32, #tpu.memory_space<vmem>>, vector<16xf32>,
          %add3A_980 = arith.constant 7 : i32
          %add3A_981 = arith.addi %mul3A_276, %add3A_980 : i32
          %get3A_982 = arith.index_cast %add3A_981 : i32 to index
          %get3A_983 = arith.constant 32 : index
          %get3A_984 = tpu.vector_load %arg8[%get3A_982, %get3A_983] {strides = array<i32>} : memref<128x128xf32, #tpu.memory_space<vmem>>, vector<16xf32>,
          %add3A_985 = arith.constant 7 : i32
          %add3A_986 = arith.addi %mul3A_276, %add3A_985 : i32
          %get3A_987 = arith.index_cast %add3A_986 : i32 to index
          %get3A_988 = arith.constant 48 : index
          %get3A_989 = tpu.vector_load %arg8[%get3A_987, %get3A_988] {strides = array<i32>} : memref<128x128xf32, #tpu.memory_space<vmem>>, vector<16xf32>,
          %add3A_990 = arith.constant 7 : i32
          %add3A_991 = arith.addi %mul3A_276, %add3A_990 : i32
          %get3A_992 = arith.index_cast %add3A_991 : i32 to index
          %get3A_993 = arith.constant 64 : index
          %get3A_994 = tpu.vector_load %arg8[%get3A_992, %get3A_993] {strides = array<i32>} : memref<128x128xf32, #tpu.memory_space<vmem>>, vector<16xf32>,
          %add3A_995 = arith.constant 7 : i32
          %add3A_996 = arith.addi %mul3A_276, %add3A_995 : i32
          %get3A_997 = arith.index_cast %add3A_996 : i32 to index
          %get3A_998 = arith.constant 80 : index
          %get3A_999 = tpu.vector_load %arg8[%get3A_997, %get3A_998] {strides = array<i32>} : memref<128x128xf32, #tpu.memory_space<vmem>>, vector<16xf32>,
          %add3A_1000 = arith.constant 7 : i32
          %add3A_1001 = arith.addi %mul3A_276, %add3A_1000 : i32
          %get3A_1002 = arith.index_cast %add3A_1001 : i32 to index
          %get3A_1003 = arith.constant 96 : index
          %get3A_1004 = tpu.vector_load %arg8[%get3A_1002, %get3A_1003] {strides = array<i32>} : memref<128x128xf32, #tpu.memory_space<vmem>>, vector<16xf32>,
          %add3A_1005 = arith.constant 7 : i32
          %add3A_1006 = arith.addi %mul3A_276, %add3A_1005 : i32
          %get3A_1007 = arith.index_cast %add3A_1006 : i32 to index
          %get3A_1008 = arith.constant 112 : index
          %get3A_1009 = tpu.vector_load %arg8[%get3A_1007, %get3A_1008] {strides = array<i32>} : memref<128x128xf32, #tpu.memory_space<vmem>>, vector<16xf32>,
          %add3A_1010 = arith.addf %select_n3A_925, %get3A_974 : vector<16xf32>
          %select_n3A_1011 = arith.select %ne3A_967, %get3A_974, %add3A_1010 : vector<16xf32>
          %add3A_1012 = arith.addf %select_n3A_927, %get3A_979 : vector<16xf32>
          %select_n3A_1013 = arith.select %ne3A_967, %get3A_979, %add3A_1012 : vector<16xf32>
          %add3A_1014 = arith.addf %select_n3A_929, %get3A_984 : vector<16xf32>
          %select_n3A_1015 = arith.select %ne3A_967, %get3A_984, %add3A_1014 : vector<16xf32>
          %add3A_1016 = arith.addf %select_n3A_931, %get3A_989 : vector<16xf32>
          %select_n3A_1017 = arith.select %ne3A_967, %get3A_989, %add3A_1016 : vector<16xf32>
          %add3A_1018 = arith.addf %select_n3A_933, %get3A_994 : vector<16xf32>
          %select_n3A_1019 = arith.select %ne3A_967, %get3A_994, %add3A_1018 : vector<16xf32>
          %add3A_1020 = arith.addf %select_n3A_935, %get3A_999 : vector<16xf32>
          %select_n3A_1021 = arith.select %ne3A_967, %get3A_999, %add3A_1020 : vector<16xf32>
          %add3A_1022 = arith.addf %select_n3A_937, %get3A_1004 : vector<16xf32>
          %select_n3A_1023 = arith.select %ne3A_967, %get3A_1004, %add3A_1022 : vector<16xf32>
          %add3A_1024 = arith.addf %select_n3A_939, %get3A_1009 : vector<16xf32>
          %select_n3A_1025 = arith.select %ne3A_967, %get3A_1009, %add3A_1024 : vector<16xf32>
          %swap3A_1026 = arith.index_cast %squeeze3A_969 : i32 to index
          %swap3A_1027 = arith.constant 0 : index
          %swap3A_1028 = tpu.vector_load %arg20[%swap3A_1026, %swap3A_1027] {strides = array<i32>} : memref<16x128xf32, #tpu.memory_space<vmem>>, vector<16xf32>,
          tpu.vector_store %arg20[%swap3A_1026, %swap3A_1027], %select_n3A_1011 {strides = array<i32>} : memref<16x128xf32, #tpu.memory_space<vmem>>, vector<16xf32>,
          %swap3A_1029 = arith.index_cast %squeeze3A_969 : i32 to index
          %swap3A_1030 = arith.constant 16 : index
          %swap3A_1031 = tpu.vector_load %arg20[%swap3A_1029, %swap3A_1030] {strides = array<i32>} : memref<16x128xf32, #tpu.memory_space<vmem>>, vector<16xf32>,
          tpu.vector_store %arg20[%swap3A_1029, %swap3A_1030], %select_n3A_1013 {strides = array<i32>} : memref<16x128xf32, #tpu.memory_space<vmem>>, vector<16xf32>,
          %swap3A_1032 = arith.index_cast %squeeze3A_969 : i32 to index
          %swap3A_1033 = arith.constant 32 : index
          %swap3A_1034 = tpu.vector_load %arg20[%swap3A_1032, %swap3A_1033] {strides = array<i32>} : memref<16x128xf32, #tpu.memory_space<vmem>>, vector<16xf32>,
          tpu.vector_store %arg20[%swap3A_1032, %swap3A_1033], %select_n3A_1015 {strides = array<i32>} : memref<16x128xf32, #tpu.memory_space<vmem>>, vector<16xf32>,
          %swap3A_1035 = arith.index_cast %squeeze3A_969 : i32 to index
          %swap3A_1036 = arith.constant 48 : index
          %swap3A_1037 = tpu.vector_load %arg20[%swap3A_1035, %swap3A_1036] {strides = array<i32>} : memref<16x128xf32, #tpu.memory_space<vmem>>, vector<16xf32>,
          tpu.vector_store %arg20[%swap3A_1035, %swap3A_1036], %select_n3A_1017 {strides = array<i32>} : memref<16x128xf32, #tpu.memory_space<vmem>>, vector<16xf32>,
          %swap3A_1038 = arith.index_cast %squeeze3A_969 : i32 to index
          %swap3A_1039 = arith.constant 64 : index
          %swap3A_1040 = tpu.vector_load %arg20[%swap3A_1038, %swap3A_1039] {strides = array<i32>} : memref<16x128xf32, #tpu.memory_space<vmem>>, vector<16xf32>,
          tpu.vector_store %arg20[%swap3A_1038, %swap3A_1039], %select_n3A_1019 {strides = array<i32>} : memref<16x128xf32, #tpu.memory_space<vmem>>, vector<16xf32>,
          %swap3A_1041 = arith.index_cast %squeeze3A_969 : i32 to index
          %swap3A_1042 = arith.constant 80 : index
          %swap3A_1043 = tpu.vector_load %arg20[%swap3A_1041, %swap3A_1042] {strides = array<i32>} : memref<16x128xf32, #tpu.memory_space<vmem>>, vector<16xf32>,
          tpu.vector_store %arg20[%swap3A_1041, %swap3A_1042], %select_n3A_1021 {strides = array<i32>} : memref<16x128xf32, #tpu.memory_space<vmem>>, vector<16xf32>,
          %swap3A_1044 = arith.index_cast %squeeze3A_969 : i32 to index
          %swap3A_1045 = arith.constant 96 : index
          %swap3A_1046 = tpu.vector_load %arg20[%swap3A_1044, %swap3A_1045] {strides = array<i32>} : memref<16x128xf32, #tpu.memory_space<vmem>>, vector<16xf32>,
          tpu.vector_store %arg20[%swap3A_1044, %swap3A_1045], %select_n3A_1023 {strides = array<i32>} : memref<16x128xf32, #tpu.memory_space<vmem>>, vector<16xf32>,
          %swap3A_1047 = arith.index_cast %squeeze3A_969 : i32 to index
          %swap3A_1048 = arith.constant 112 : index
          %swap3A_1049 = tpu.vector_load %arg20[%swap3A_1047, %swap3A_1048] {strides = array<i32>} : memref<16x128xf32, #tpu.memory_space<vmem>>, vector<16xf32>,
          tpu.vector_store %arg20[%swap3A_1047, %swap3A_1048], %select_n3A_1025 {strides = array<i32>} : memref<16x128xf32, #tpu.memory_space<vmem>>, vector<16xf32>,
          %slice3A_1050 = vector.extract_strided_slice %convert_element_type3A_347 {offsets = [8], sizes = [1], strides = [1]} : vector<16xi32> to vector<1xi32>
          %squeeze3A_1051 = vector.extract %slice3A_1050[0] : i32 from vector<1xi32>
          %ne3A_1052 = arith.constant 0 : i32
          %ne3A_1053 = arith.cmpi ne, %squeeze3A_1051, %ne3A_1052 : i32
          %slice3A_1054 = vector.extract_strided_slice %min3A_354 {offsets = [8], sizes = [1], strides = [1]} : vector<16xi32> to vector<1xi32>
          %squeeze3A_1055 = vector.extract %slice3A_1054[0] : i32 from vector<1xi32>
          %add3A_1056 = arith.constant 8 : i32
          %add3A_1057 = arith.addi %mul3A_276, %add3A_1056 : i32
          %get3A_1058 = arith.index_cast %add3A_1057 : i32 to index
          %get3A_1059 = arith.constant 0 : index
          %get3A_1060 = tpu.vector_load %arg8[%get3A_1058, %get3A_1059] {strides = array<i32>} : memref<128x128xf32, #tpu.memory_space<vmem>>, vector<16xf32>,
          %add3A_1061 = arith.constant 8 : i32
          %add3A_1062 = arith.addi %mul3A_276, %add3A_1061 : i32
          %get3A_1063 = arith.index_cast %add3A_1062 : i32 to index
          %get3A_1064 = arith.constant 16 : index
          %get3A_1065 = tpu.vector_load %arg8[%get3A_1063, %get3A_1064] {strides = array<i32>} : memref<128x128xf32, #tpu.memory_space<vmem>>, vector<16xf32>,
          %add3A_1066 = arith.constant 8 : i32
          %add3A_1067 = arith.addi %mul3A_276, %add3A_1066 : i32
          %get3A_1068 = arith.index_cast %add3A_1067 : i32 to index
          %get3A_1069 = arith.constant 32 : index
          %get3A_1070 = tpu.vector_load %arg8[%get3A_1068, %get3A_1069] {strides = array<i32>} : memref<128x128xf32, #tpu.memory_space<vmem>>, vector<16xf32>,
          %add3A_1071 = arith.constant 8 : i32
          %add3A_1072 = arith.addi %mul3A_276, %add3A_1071 : i32
          %get3A_1073 = arith.index_cast %add3A_1072 : i32 to index
          %get3A_1074 = arith.constant 48 : index
          %get3A_1075 = tpu.vector_load %arg8[%get3A_1073, %get3A_1074] {strides = array<i32>} : memref<128x128xf32, #tpu.memory_space<vmem>>, vector<16xf32>,
          %add3A_1076 = arith.constant 8 : i32
          %add3A_1077 = arith.addi %mul3A_276, %add3A_1076 : i32
          %get3A_1078 = arith.index_cast %add3A_1077 : i32 to index
          %get3A_1079 = arith.constant 64 : index
          %get3A_1080 = tpu.vector_load %arg8[%get3A_1078, %get3A_1079] {strides = array<i32>} : memref<128x128xf32, #tpu.memory_space<vmem>>, vector<16xf32>,
          %add3A_1081 = arith.constant 8 : i32
          %add3A_1082 = arith.addi %mul3A_276, %add3A_1081 : i32
          %get3A_1083 = arith.index_cast %add3A_1082 : i32 to index
          %get3A_1084 = arith.constant 80 : index
          %get3A_1085 = tpu.vector_load %arg8[%get3A_1083, %get3A_1084] {strides = array<i32>} : memref<128x128xf32, #tpu.memory_space<vmem>>, vector<16xf32>,
          %add3A_1086 = arith.constant 8 : i32
          %add3A_1087 = arith.addi %mul3A_276, %add3A_1086 : i32
          %get3A_1088 = arith.index_cast %add3A_1087 : i32 to index
          %get3A_1089 = arith.constant 96 : index
          %get3A_1090 = tpu.vector_load %arg8[%get3A_1088, %get3A_1089] {strides = array<i32>} : memref<128x128xf32, #tpu.memory_space<vmem>>, vector<16xf32>,
          %add3A_1091 = arith.constant 8 : i32
          %add3A_1092 = arith.addi %mul3A_276, %add3A_1091 : i32
          %get3A_1093 = arith.index_cast %add3A_1092 : i32 to index
          %get3A_1094 = arith.constant 112 : index
          %get3A_1095 = tpu.vector_load %arg8[%get3A_1093, %get3A_1094] {strides = array<i32>} : memref<128x128xf32, #tpu.memory_space<vmem>>, vector<16xf32>,
          %add3A_1096 = arith.addf %select_n3A_1011, %get3A_1060 : vector<16xf32>
          %select_n3A_1097 = arith.select %ne3A_1053, %get3A_1060, %add3A_1096 : vector<16xf32>
          %add3A_1098 = arith.addf %select_n3A_1013, %get3A_1065 : vector<16xf32>
          %select_n3A_1099 = arith.select %ne3A_1053, %get3A_1065, %add3A_1098 : vector<16xf32>
          %add3A_1100 = arith.addf %select_n3A_1015, %get3A_1070 : vector<16xf32>
          %select_n3A_1101 = arith.select %ne3A_1053, %get3A_1070, %add3A_1100 : vector<16xf32>
          %add3A_1102 = arith.addf %select_n3A_1017, %get3A_1075 : vector<16xf32>
          %select_n3A_1103 = arith.select %ne3A_1053, %get3A_1075, %add3A_1102 : vector<16xf32>
          %add3A_1104 = arith.addf %select_n3A_1019, %get3A_1080 : vector<16xf32>
          %select_n3A_1105 = arith.select %ne3A_1053, %get3A_1080, %add3A_1104 : vector<16xf32>
          %add3A_1106 = arith.addf %select_n3A_1021, %get3A_1085 : vector<16xf32>
          %select_n3A_1107 = arith.select %ne3A_1053, %get3A_1085, %add3A_1106 : vector<16xf32>
          %add3A_1108 = arith.addf %select_n3A_1023, %get3A_1090 : vector<16xf32>
          %select_n3A_1109 = arith.select %ne3A_1053, %get3A_1090, %add3A_1108 : vector<16xf32>
          %add3A_1110 = arith.addf %select_n3A_1025, %get3A_1095 : vector<16xf32>
          %select_n3A_1111 = arith.select %ne3A_1053, %get3A_1095, %add3A_1110 : vector<16xf32>
          %swap3A_1112 = arith.index_cast %squeeze3A_1055 : i32 to index
          %swap3A_1113 = arith.constant 0 : index
          %swap3A_1114 = tpu.vector_load %arg20[%swap3A_1112, %swap3A_1113] {strides = array<i32>} : memref<16x128xf32, #tpu.memory_space<vmem>>, vector<16xf32>,
          tpu.vector_store %arg20[%swap3A_1112, %swap3A_1113], %select_n3A_1097 {strides = array<i32>} : memref<16x128xf32, #tpu.memory_space<vmem>>, vector<16xf32>,
          %swap3A_1115 = arith.index_cast %squeeze3A_1055 : i32 to index
          %swap3A_1116 = arith.constant 16 : index
          %swap3A_1117 = tpu.vector_load %arg20[%swap3A_1115, %swap3A_1116] {strides = array<i32>} : memref<16x128xf32, #tpu.memory_space<vmem>>, vector<16xf32>,
          tpu.vector_store %arg20[%swap3A_1115, %swap3A_1116], %select_n3A_1099 {strides = array<i32>} : memref<16x128xf32, #tpu.memory_space<vmem>>, vector<16xf32>,
          %swap3A_1118 = arith.index_cast %squeeze3A_1055 : i32 to index
          %swap3A_1119 = arith.constant 32 : index
          %swap3A_1120 = tpu.vector_load %arg20[%swap3A_1118, %swap3A_1119] {strides = array<i32>} : memref<16x128xf32, #tpu.memory_space<vmem>>, vector<16xf32>,
          tpu.vector_store %arg20[%swap3A_1118, %swap3A_1119], %select_n3A_1101 {strides = array<i32>} : memref<16x128xf32, #tpu.memory_space<vmem>>, vector<16xf32>,
          %swap3A_1121 = arith.index_cast %squeeze3A_1055 : i32 to index
          %swap3A_1122 = arith.constant 48 : index
          %swap3A_1123 = tpu.vector_load %arg20[%swap3A_1121, %swap3A_1122] {strides = array<i32>} : memref<16x128xf32, #tpu.memory_space<vmem>>, vector<16xf32>,
          tpu.vector_store %arg20[%swap3A_1121, %swap3A_1122], %select_n3A_1103 {strides = array<i32>} : memref<16x128xf32, #tpu.memory_space<vmem>>, vector<16xf32>,
          %swap3A_1124 = arith.index_cast %squeeze3A_1055 : i32 to index
          %swap3A_1125 = arith.constant 64 : index
          %swap3A_1126 = tpu.vector_load %arg20[%swap3A_1124, %swap3A_1125] {strides = array<i32>} : memref<16x128xf32, #tpu.memory_space<vmem>>, vector<16xf32>,
          tpu.vector_store %arg20[%swap3A_1124, %swap3A_1125], %select_n3A_1105 {strides = array<i32>} : memref<16x128xf32, #tpu.memory_space<vmem>>, vector<16xf32>,
          %swap3A_1127 = arith.index_cast %squeeze3A_1055 : i32 to index
          %swap3A_1128 = arith.constant 80 : index
          %swap3A_1129 = tpu.vector_load %arg20[%swap3A_1127, %swap3A_1128] {strides = array<i32>} : memref<16x128xf32, #tpu.memory_space<vmem>>, vector<16xf32>,
          tpu.vector_store %arg20[%swap3A_1127, %swap3A_1128], %select_n3A_1107 {strides = array<i32>} : memref<16x128xf32, #tpu.memory_space<vmem>>, vector<16xf32>,
          %swap3A_1130 = arith.index_cast %squeeze3A_1055 : i32 to index
          %swap3A_1131 = arith.constant 96 : index
          %swap3A_1132 = tpu.vector_load %arg20[%swap3A_1130, %swap3A_1131] {strides = array<i32>} : memref<16x128xf32, #tpu.memory_space<vmem>>, vector<16xf32>,
          tpu.vector_store %arg20[%swap3A_1130, %swap3A_1131], %select_n3A_1109 {strides = array<i32>} : memref<16x128xf32, #tpu.memory_space<vmem>>, vector<16xf32>,
          %swap3A_1133 = arith.index_cast %squeeze3A_1055 : i32 to index
          %swap3A_1134 = arith.constant 112 : index
          %swap3A_1135 = tpu.vector_load %arg20[%swap3A_1133, %swap3A_1134] {strides = array<i32>} : memref<16x128xf32, #tpu.memory_space<vmem>>, vector<16xf32>,
          tpu.vector_store %arg20[%swap3A_1133, %swap3A_1134], %select_n3A_1111 {strides = array<i32>} : memref<16x128xf32, #tpu.memory_space<vmem>>, vector<16xf32>,
          %slice3A_1136 = vector.extract_strided_slice %convert_element_type3A_347 {offsets = [9], sizes = [1], strides = [1]} : vector<16xi32> to vector<1xi32>
          %squeeze3A_1137 = vector.extract %slice3A_1136[0] : i32 from vector<1xi32>
          %ne3A_1138 = arith.constant 0 : i32
          %ne3A_1139 = arith.cmpi ne, %squeeze3A_1137, %ne3A_1138 : i32
          %slice3A_1140 = vector.extract_strided_slice %min3A_354 {offsets = [9], sizes = [1], strides = [1]} : vector<16xi32> to vector<1xi32>
          %squeeze3A_1141 = vector.extract %slice3A_1140[0] : i32 from vector<1xi32>
          %add3A_1142 = arith.constant 9 : i32
          %add3A_1143 = arith.addi %mul3A_276, %add3A_1142 : i32
          %get3A_1144 = arith.index_cast %add3A_1143 : i32 to index
          %get3A_1145 = arith.constant 0 : index
          %get3A_1146 = tpu.vector_load %arg8[%get3A_1144, %get3A_1145] {strides = array<i32>} : memref<128x128xf32, #tpu.memory_space<vmem>>, vector<16xf32>,
          %add3A_1147 = arith.constant 9 : i32
          %add3A_1148 = arith.addi %mul3A_276, %add3A_1147 : i32
          %get3A_1149 = arith.index_cast %add3A_1148 : i32 to index
          %get3A_1150 = arith.constant 16 : index
          %get3A_1151 = tpu.vector_load %arg8[%get3A_1149, %get3A_1150] {strides = array<i32>} : memref<128x128xf32, #tpu.memory_space<vmem>>, vector<16xf32>,
          %add3A_1152 = arith.constant 9 : i32
          %add3A_1153 = arith.addi %mul3A_276, %add3A_1152 : i32
          %get3A_1154 = arith.index_cast %add3A_1153 : i32 to index
          %get3A_1155 = arith.constant 32 : index
          %get3A_1156 = tpu.vector_load %arg8[%get3A_1154, %get3A_1155] {strides = array<i32>} : memref<128x128xf32, #tpu.memory_space<vmem>>, vector<16xf32>,
          %add3A_1157 = arith.constant 9 : i32
          %add3A_1158 = arith.addi %mul3A_276, %add3A_1157 : i32
          %get3A_1159 = arith.index_cast %add3A_1158 : i32 to index
          %get3A_1160 = arith.constant 48 : index
          %get3A_1161 = tpu.vector_load %arg8[%get3A_1159, %get3A_1160] {strides = array<i32>} : memref<128x128xf32, #tpu.memory_space<vmem>>, vector<16xf32>,
          %add3A_1162 = arith.constant 9 : i32
          %add3A_1163 = arith.addi %mul3A_276, %add3A_1162 : i32
          %get3A_1164 = arith.index_cast %add3A_1163 : i32 to index
          %get3A_1165 = arith.constant 64 : index
          %get3A_1166 = tpu.vector_load %arg8[%get3A_1164, %get3A_1165] {strides = array<i32>} : memref<128x128xf32, #tpu.memory_space<vmem>>, vector<16xf32>,
          %add3A_1167 = arith.constant 9 : i32
          %add3A_1168 = arith.addi %mul3A_276, %add3A_1167 : i32
          %get3A_1169 = arith.index_cast %add3A_1168 : i32 to index
          %get3A_1170 = arith.constant 80 : index
          %get3A_1171 = tpu.vector_load %arg8[%get3A_1169, %get3A_1170] {strides = array<i32>} : memref<128x128xf32, #tpu.memory_space<vmem>>, vector<16xf32>,
          %add3A_1172 = arith.constant 9 : i32
          %add3A_1173 = arith.addi %mul3A_276, %add3A_1172 : i32
          %get3A_1174 = arith.index_cast %add3A_1173 : i32 to index
          %get3A_1175 = arith.constant 96 : index
          %get3A_1176 = tpu.vector_load %arg8[%get3A_1174, %get3A_1175] {strides = array<i32>} : memref<128x128xf32, #tpu.memory_space<vmem>>, vector<16xf32>,
          %add3A_1177 = arith.constant 9 : i32
          %add3A_1178 = arith.addi %mul3A_276, %add3A_1177 : i32
          %get3A_1179 = arith.index_cast %add3A_1178 : i32 to index
          %get3A_1180 = arith.constant 112 : index
          %get3A_1181 = tpu.vector_load %arg8[%get3A_1179, %get3A_1180] {strides = array<i32>} : memref<128x128xf32, #tpu.memory_space<vmem>>, vector<16xf32>,
          %add3A_1182 = arith.addf %select_n3A_1097, %get3A_1146 : vector<16xf32>
          %select_n3A_1183 = arith.select %ne3A_1139, %get3A_1146, %add3A_1182 : vector<16xf32>
          %add3A_1184 = arith.addf %select_n3A_1099, %get3A_1151 : vector<16xf32>
          %select_n3A_1185 = arith.select %ne3A_1139, %get3A_1151, %add3A_1184 : vector<16xf32>
          %add3A_1186 = arith.addf %select_n3A_1101, %get3A_1156 : vector<16xf32>
          %select_n3A_1187 = arith.select %ne3A_1139, %get3A_1156, %add3A_1186 : vector<16xf32>
          %add3A_1188 = arith.addf %select_n3A_1103, %get3A_1161 : vector<16xf32>
          %select_n3A_1189 = arith.select %ne3A_1139, %get3A_1161, %add3A_1188 : vector<16xf32>
          %add3A_1190 = arith.addf %select_n3A_1105, %get3A_1166 : vector<16xf32>
          %select_n3A_1191 = arith.select %ne3A_1139, %get3A_1166, %add3A_1190 : vector<16xf32>
          %add3A_1192 = arith.addf %select_n3A_1107, %get3A_1171 : vector<16xf32>
          %select_n3A_1193 = arith.select %ne3A_1139, %get3A_1171, %add3A_1192 : vector<16xf32>
          %add3A_1194 = arith.addf %select_n3A_1109, %get3A_1176 : vector<16xf32>
          %select_n3A_1195 = arith.select %ne3A_1139, %get3A_1176, %add3A_1194 : vector<16xf32>
          %add3A_1196 = arith.addf %select_n3A_1111, %get3A_1181 : vector<16xf32>
          %select_n3A_1197 = arith.select %ne3A_1139, %get3A_1181, %add3A_1196 : vector<16xf32>
          %swap3A_1198 = arith.index_cast %squeeze3A_1141 : i32 to index
          %swap3A_1199 = arith.constant 0 : index
          %swap3A_1200 = tpu.vector_load %arg20[%swap3A_1198, %swap3A_1199] {strides = array<i32>} : memref<16x128xf32, #tpu.memory_space<vmem>>, vector<16xf32>,
          tpu.vector_store %arg20[%swap3A_1198, %swap3A_1199], %select_n3A_1183 {strides = array<i32>} : memref<16x128xf32, #tpu.memory_space<vmem>>, vector<16xf32>,
          %swap3A_1201 = arith.index_cast %squeeze3A_1141 : i32 to index
          %swap3A_1202 = arith.constant 16 : index
          %swap3A_1203 = tpu.vector_load %arg20[%swap3A_1201, %swap3A_1202] {strides = array<i32>} : memref<16x128xf32, #tpu.memory_space<vmem>>, vector<16xf32>,
          tpu.vector_store %arg20[%swap3A_1201, %swap3A_1202], %select_n3A_1185 {strides = array<i32>} : memref<16x128xf32, #tpu.memory_space<vmem>>, vector<16xf32>,
          %swap3A_1204 = arith.index_cast %squeeze3A_1141 : i32 to index
          %swap3A_1205 = arith.constant 32 : index
          %swap3A_1206 = tpu.vector_load %arg20[%swap3A_1204, %swap3A_1205] {strides = array<i32>} : memref<16x128xf32, #tpu.memory_space<vmem>>, vector<16xf32>,
          tpu.vector_store %arg20[%swap3A_1204, %swap3A_1205], %select_n3A_1187 {strides = array<i32>} : memref<16x128xf32, #tpu.memory_space<vmem>>, vector<16xf32>,
          %swap3A_1207 = arith.index_cast %squeeze3A_1141 : i32 to index
          %swap3A_1208 = arith.constant 48 : index
          %swap3A_1209 = tpu.vector_load %arg20[%swap3A_1207, %swap3A_1208] {strides = array<i32>} : memref<16x128xf32, #tpu.memory_space<vmem>>, vector<16xf32>,
          tpu.vector_store %arg20[%swap3A_1207, %swap3A_1208], %select_n3A_1189 {strides = array<i32>} : memref<16x128xf32, #tpu.memory_space<vmem>>, vector<16xf32>,
          %swap3A_1210 = arith.index_cast %squeeze3A_1141 : i32 to index
          %swap3A_1211 = arith.constant 64 : index
          %swap3A_1212 = tpu.vector_load %arg20[%swap3A_1210, %swap3A_1211] {strides = array<i32>} : memref<16x128xf32, #tpu.memory_space<vmem>>, vector<16xf32>,
          tpu.vector_store %arg20[%swap3A_1210, %swap3A_1211], %select_n3A_1191 {strides = array<i32>} : memref<16x128xf32, #tpu.memory_space<vmem>>, vector<16xf32>,
          %swap3A_1213 = arith.index_cast %squeeze3A_1141 : i32 to index
          %swap3A_1214 = arith.constant 80 : index
          %swap3A_1215 = tpu.vector_load %arg20[%swap3A_1213, %swap3A_1214] {strides = array<i32>} : memref<16x128xf32, #tpu.memory_space<vmem>>, vector<16xf32>,
          tpu.vector_store %arg20[%swap3A_1213, %swap3A_1214], %select_n3A_1193 {strides = array<i32>} : memref<16x128xf32, #tpu.memory_space<vmem>>, vector<16xf32>,
          %swap3A_1216 = arith.index_cast %squeeze3A_1141 : i32 to index
          %swap3A_1217 = arith.constant 96 : index
          %swap3A_1218 = tpu.vector_load %arg20[%swap3A_1216, %swap3A_1217] {strides = array<i32>} : memref<16x128xf32, #tpu.memory_space<vmem>>, vector<16xf32>,
          tpu.vector_store %arg20[%swap3A_1216, %swap3A_1217], %select_n3A_1195 {strides = array<i32>} : memref<16x128xf32, #tpu.memory_space<vmem>>, vector<16xf32>,
          %swap3A_1219 = arith.index_cast %squeeze3A_1141 : i32 to index
          %swap3A_1220 = arith.constant 112 : index
          %swap3A_1221 = tpu.vector_load %arg20[%swap3A_1219, %swap3A_1220] {strides = array<i32>} : memref<16x128xf32, #tpu.memory_space<vmem>>, vector<16xf32>,
          tpu.vector_store %arg20[%swap3A_1219, %swap3A_1220], %select_n3A_1197 {strides = array<i32>} : memref<16x128xf32, #tpu.memory_space<vmem>>, vector<16xf32>,
          %slice3A_1222 = vector.extract_strided_slice %convert_element_type3A_347 {offsets = [10], sizes = [1], strides = [1]} : vector<16xi32> to vector<1xi32>
          %squeeze3A_1223 = vector.extract %slice3A_1222[0] : i32 from vector<1xi32>
          %ne3A_1224 = arith.constant 0 : i32
          %ne3A_1225 = arith.cmpi ne, %squeeze3A_1223, %ne3A_1224 : i32
          %slice3A_1226 = vector.extract_strided_slice %min3A_354 {offsets = [10], sizes = [1], strides = [1]} : vector<16xi32> to vector<1xi32>
          %squeeze3A_1227 = vector.extract %slice3A_1226[0] : i32 from vector<1xi32>
          %add3A_1228 = arith.constant 10 : i32
          %add3A_1229 = arith.addi %mul3A_276, %add3A_1228 : i32
          %get3A_1230 = arith.index_cast %add3A_1229 : i32 to index
          %get3A_1231 = arith.constant 0 : index
          %get3A_1232 = tpu.vector_load %arg8[%get3A_1230, %get3A_1231] {strides = array<i32>} : memref<128x128xf32, #tpu.memory_space<vmem>>, vector<16xf32>,
          %add3A_1233 = arith.constant 10 : i32
          %add3A_1234 = arith.addi %mul3A_276, %add3A_1233 : i32
          %get3A_1235 = arith.index_cast %add3A_1234 : i32 to index
          %get3A_1236 = arith.constant 16 : index
          %get3A_1237 = tpu.vector_load %arg8[%get3A_1235, %get3A_1236] {strides = array<i32>} : memref<128x128xf32, #tpu.memory_space<vmem>>, vector<16xf32>,
          %add3A_1238 = arith.constant 10 : i32
          %add3A_1239 = arith.addi %mul3A_276, %add3A_1238 : i32
          %get3A_1240 = arith.index_cast %add3A_1239 : i32 to index
          %get3A_1241 = arith.constant 32 : index
          %get3A_1242 = tpu.vector_load %arg8[%get3A_1240, %get3A_1241] {strides = array<i32>} : memref<128x128xf32, #tpu.memory_space<vmem>>, vector<16xf32>,
          %add3A_1243 = arith.constant 10 : i32
          %add3A_1244 = arith.addi %mul3A_276, %add3A_1243 : i32
          %get3A_1245 = arith.index_cast %add3A_1244 : i32 to index
          %get3A_1246 = arith.constant 48 : index
          %get3A_1247 = tpu.vector_load %arg8[%get3A_1245, %get3A_1246] {strides = array<i32>} : memref<128x128xf32, #tpu.memory_space<vmem>>, vector<16xf32>,
          %add3A_1248 = arith.constant 10 : i32
          %add3A_1249 = arith.addi %mul3A_276, %add3A_1248 : i32
          %get3A_1250 = arith.index_cast %add3A_1249 : i32 to index
          %get3A_1251 = arith.constant 64 : index
          %get3A_1252 = tpu.vector_load %arg8[%get3A_1250, %get3A_1251] {strides = array<i32>} : memref<128x128xf32, #tpu.memory_space<vmem>>, vector<16xf32>,
          %add3A_1253 = arith.constant 10 : i32
          %add3A_1254 = arith.addi %mul3A_276, %add3A_1253 : i32
          %get3A_1255 = arith.index_cast %add3A_1254 : i32 to index
          %get3A_1256 = arith.constant 80 : index
          %get3A_1257 = tpu.vector_load %arg8[%get3A_1255, %get3A_1256] {strides = array<i32>} : memref<128x128xf32, #tpu.memory_space<vmem>>, vector<16xf32>,
          %add3A_1258 = arith.constant 10 : i32
          %add3A_1259 = arith.addi %mul3A_276, %add3A_1258 : i32
          %get3A_1260 = arith.index_cast %add3A_1259 : i32 to index
          %get3A_1261 = arith.constant 96 : index
          %get3A_1262 = tpu.vector_load %arg8[%get3A_1260, %get3A_1261] {strides = array<i32>} : memref<128x128xf32, #tpu.memory_space<vmem>>, vector<16xf32>,
          %add3A_1263 = arith.constant 10 : i32
          %add3A_1264 = arith.addi %mul3A_276, %add3A_1263 : i32
          %get3A_1265 = arith.index_cast %add3A_1264 : i32 to index
          %get3A_1266 = arith.constant 112 : index
          %get3A_1267 = tpu.vector_load %arg8[%get3A_1265, %get3A_1266] {strides = array<i32>} : memref<128x128xf32, #tpu.memory_space<vmem>>, vector<16xf32>,
          %add3A_1268 = arith.addf %select_n3A_1183, %get3A_1232 : vector<16xf32>
          %select_n3A_1269 = arith.select %ne3A_1225, %get3A_1232, %add3A_1268 : vector<16xf32>
          %add3A_1270 = arith.addf %select_n3A_1185, %get3A_1237 : vector<16xf32>
          %select_n3A_1271 = arith.select %ne3A_1225, %get3A_1237, %add3A_1270 : vector<16xf32>
          %add3A_1272 = arith.addf %select_n3A_1187, %get3A_1242 : vector<16xf32>
          %select_n3A_1273 = arith.select %ne3A_1225, %get3A_1242, %add3A_1272 : vector<16xf32>
          %add3A_1274 = arith.addf %select_n3A_1189, %get3A_1247 : vector<16xf32>
          %select_n3A_1275 = arith.select %ne3A_1225, %get3A_1247, %add3A_1274 : vector<16xf32>
          %add3A_1276 = arith.addf %select_n3A_1191, %get3A_1252 : vector<16xf32>
          %select_n3A_1277 = arith.select %ne3A_1225, %get3A_1252, %add3A_1276 : vector<16xf32>
          %add3A_1278 = arith.addf %select_n3A_1193, %get3A_1257 : vector<16xf32>
          %select_n3A_1279 = arith.select %ne3A_1225, %get3A_1257, %add3A_1278 : vector<16xf32>
          %add3A_1280 = arith.addf %select_n3A_1195, %get3A_1262 : vector<16xf32>
          %select_n3A_1281 = arith.select %ne3A_1225, %get3A_1262, %add3A_1280 : vector<16xf32>
          %add3A_1282 = arith.addf %select_n3A_1197, %get3A_1267 : vector<16xf32>
          %select_n3A_1283 = arith.select %ne3A_1225, %get3A_1267, %add3A_1282 : vector<16xf32>
          %swap3A_1284 = arith.index_cast %squeeze3A_1227 : i32 to index
          %swap3A_1285 = arith.constant 0 : index
          %swap3A_1286 = tpu.vector_load %arg20[%swap3A_1284, %swap3A_1285] {strides = array<i32>} : memref<16x128xf32, #tpu.memory_space<vmem>>, vector<16xf32>,
          tpu.vector_store %arg20[%swap3A_1284, %swap3A_1285], %select_n3A_1269 {strides = array<i32>} : memref<16x128xf32, #tpu.memory_space<vmem>>, vector<16xf32>,
          %swap3A_1287 = arith.index_cast %squeeze3A_1227 : i32 to index
          %swap3A_1288 = arith.constant 16 : index
          %swap3A_1289 = tpu.vector_load %arg20[%swap3A_1287, %swap3A_1288] {strides = array<i32>} : memref<16x128xf32, #tpu.memory_space<vmem>>, vector<16xf32>,
          tpu.vector_store %arg20[%swap3A_1287, %swap3A_1288], %select_n3A_1271 {strides = array<i32>} : memref<16x128xf32, #tpu.memory_space<vmem>>, vector<16xf32>,
          %swap3A_1290 = arith.index_cast %squeeze3A_1227 : i32 to index
          %swap3A_1291 = arith.constant 32 : index
          %swap3A_1292 = tpu.vector_load %arg20[%swap3A_1290, %swap3A_1291] {strides = array<i32>} : memref<16x128xf32, #tpu.memory_space<vmem>>, vector<16xf32>,
          tpu.vector_store %arg20[%swap3A_1290, %swap3A_1291], %select_n3A_1273 {strides = array<i32>} : memref<16x128xf32, #tpu.memory_space<vmem>>, vector<16xf32>,
          %swap3A_1293 = arith.index_cast %squeeze3A_1227 : i32 to index
          %swap3A_1294 = arith.constant 48 : index
          %swap3A_1295 = tpu.vector_load %arg20[%swap3A_1293, %swap3A_1294] {strides = array<i32>} : memref<16x128xf32, #tpu.memory_space<vmem>>, vector<16xf32>,
          tpu.vector_store %arg20[%swap3A_1293, %swap3A_1294], %select_n3A_1275 {strides = array<i32>} : memref<16x128xf32, #tpu.memory_space<vmem>>, vector<16xf32>,
          %swap3A_1296 = arith.index_cast %squeeze3A_1227 : i32 to index
          %swap3A_1297 = arith.constant 64 : index
          %swap3A_1298 = tpu.vector_load %arg20[%swap3A_1296, %swap3A_1297] {strides = array<i32>} : memref<16x128xf32, #tpu.memory_space<vmem>>, vector<16xf32>,
          tpu.vector_store %arg20[%swap3A_1296, %swap3A_1297], %select_n3A_1277 {strides = array<i32>} : memref<16x128xf32, #tpu.memory_space<vmem>>, vector<16xf32>,
          %swap3A_1299 = arith.index_cast %squeeze3A_1227 : i32 to index
          %swap3A_1300 = arith.constant 80 : index
          %swap3A_1301 = tpu.vector_load %arg20[%swap3A_1299, %swap3A_1300] {strides = array<i32>} : memref<16x128xf32, #tpu.memory_space<vmem>>, vector<16xf32>,
          tpu.vector_store %arg20[%swap3A_1299, %swap3A_1300], %select_n3A_1279 {strides = array<i32>} : memref<16x128xf32, #tpu.memory_space<vmem>>, vector<16xf32>,
          %swap3A_1302 = arith.index_cast %squeeze3A_1227 : i32 to index
          %swap3A_1303 = arith.constant 96 : index
          %swap3A_1304 = tpu.vector_load %arg20[%swap3A_1302, %swap3A_1303] {strides = array<i32>} : memref<16x128xf32, #tpu.memory_space<vmem>>, vector<16xf32>,
          tpu.vector_store %arg20[%swap3A_1302, %swap3A_1303], %select_n3A_1281 {strides = array<i32>} : memref<16x128xf32, #tpu.memory_space<vmem>>, vector<16xf32>,
          %swap3A_1305 = arith.index_cast %squeeze3A_1227 : i32 to index
          %swap3A_1306 = arith.constant 112 : index
          %swap3A_1307 = tpu.vector_load %arg20[%swap3A_1305, %swap3A_1306] {strides = array<i32>} : memref<16x128xf32, #tpu.memory_space<vmem>>, vector<16xf32>,
          tpu.vector_store %arg20[%swap3A_1305, %swap3A_1306], %select_n3A_1283 {strides = array<i32>} : memref<16x128xf32, #tpu.memory_space<vmem>>, vector<16xf32>,
          %slice3A_1308 = vector.extract_strided_slice %convert_element_type3A_347 {offsets = [11], sizes = [1], strides = [1]} : vector<16xi32> to vector<1xi32>
          %squeeze3A_1309 = vector.extract %slice3A_1308[0] : i32 from vector<1xi32>
          %ne3A_1310 = arith.constant 0 : i32
          %ne3A_1311 = arith.cmpi ne, %squeeze3A_1309, %ne3A_1310 : i32
          %slice3A_1312 = vector.extract_strided_slice %min3A_354 {offsets = [11], sizes = [1], strides = [1]} : vector<16xi32> to vector<1xi32>
          %squeeze3A_1313 = vector.extract %slice3A_1312[0] : i32 from vector<1xi32>
          %add3A_1314 = arith.constant 11 : i32
          %add3A_1315 = arith.addi %mul3A_276, %add3A_1314 : i32
          %get3A_1316 = arith.index_cast %add3A_1315 : i32 to index
          %get3A_1317 = arith.constant 0 : index
          %get3A_1318 = tpu.vector_load %arg8[%get3A_1316, %get3A_1317] {strides = array<i32>} : memref<128x128xf32, #tpu.memory_space<vmem>>, vector<16xf32>,
          %add3A_1319 = arith.constant 11 : i32
          %add3A_1320 = arith.addi %mul3A_276, %add3A_1319 : i32
          %get3A_1321 = arith.index_cast %add3A_1320 : i32 to index
          %get3A_1322 = arith.constant 16 : index
          %get3A_1323 = tpu.vector_load %arg8[%get3A_1321, %get3A_1322] {strides = array<i32>} : memref<128x128xf32, #tpu.memory_space<vmem>>, vector<16xf32>,
          %add3A_1324 = arith.constant 11 : i32
          %add3A_1325 = arith.addi %mul3A_276, %add3A_1324 : i32
          %get3A_1326 = arith.index_cast %add3A_1325 : i32 to index
          %get3A_1327 = arith.constant 32 : index
          %get3A_1328 = tpu.vector_load %arg8[%get3A_1326, %get3A_1327] {strides = array<i32>} : memref<128x128xf32, #tpu.memory_space<vmem>>, vector<16xf32>,
          %add3A_1329 = arith.constant 11 : i32
          %add3A_1330 = arith.addi %mul3A_276, %add3A_1329 : i32
          %get3A_1331 = arith.index_cast %add3A_1330 : i32 to index
          %get3A_1332 = arith.constant 48 : index
          %get3A_1333 = tpu.vector_load %arg8[%get3A_1331, %get3A_1332] {strides = array<i32>} : memref<128x128xf32, #tpu.memory_space<vmem>>, vector<16xf32>,
          %add3A_1334 = arith.constant 11 : i32
          %add3A_1335 = arith.addi %mul3A_276, %add3A_1334 : i32
          %get3A_1336 = arith.index_cast %add3A_1335 : i32 to index
          %get3A_1337 = arith.constant 64 : index
          %get3A_1338 = tpu.vector_load %arg8[%get3A_1336, %get3A_1337] {strides = array<i32>} : memref<128x128xf32, #tpu.memory_space<vmem>>, vector<16xf32>,
          %add3A_1339 = arith.constant 11 : i32
          %add3A_1340 = arith.addi %mul3A_276, %add3A_1339 : i32
          %get3A_1341 = arith.index_cast %add3A_1340 : i32 to index
          %get3A_1342 = arith.constant 80 : index
          %get3A_1343 = tpu.vector_load %arg8[%get3A_1341, %get3A_1342] {strides = array<i32>} : memref<128x128xf32, #tpu.memory_space<vmem>>, vector<16xf32>,
          %add3A_1344 = arith.constant 11 : i32
          %add3A_1345 = arith.addi %mul3A_276, %add3A_1344 : i32
          %get3A_1346 = arith.index_cast %add3A_1345 : i32 to index
          %get3A_1347 = arith.constant 96 : index
          %get3A_1348 = tpu.vector_load %arg8[%get3A_1346, %get3A_1347] {strides = array<i32>} : memref<128x128xf32, #tpu.memory_space<vmem>>, vector<16xf32>,
          %add3A_1349 = arith.constant 11 : i32
          %add3A_1350 = arith.addi %mul3A_276, %add3A_1349 : i32
          %get3A_1351 = arith.index_cast %add3A_1350 : i32 to index
          %get3A_1352 = arith.constant 112 : index
          %get3A_1353 = tpu.vector_load %arg8[%get3A_1351, %get3A_1352] {strides = array<i32>} : memref<128x128xf32, #tpu.memory_space<vmem>>, vector<16xf32>,
          %add3A_1354 = arith.addf %select_n3A_1269, %get3A_1318 : vector<16xf32>
          %select_n3A_1355 = arith.select %ne3A_1311, %get3A_1318, %add3A_1354 : vector<16xf32>
          %add3A_1356 = arith.addf %select_n3A_1271, %get3A_1323 : vector<16xf32>
          %select_n3A_1357 = arith.select %ne3A_1311, %get3A_1323, %add3A_1356 : vector<16xf32>
          %add3A_1358 = arith.addf %select_n3A_1273, %get3A_1328 : vector<16xf32>
          %select_n3A_1359 = arith.select %ne3A_1311, %get3A_1328, %add3A_1358 : vector<16xf32>
          %add3A_1360 = arith.addf %select_n3A_1275, %get3A_1333 : vector<16xf32>
          %select_n3A_1361 = arith.select %ne3A_1311, %get3A_1333, %add3A_1360 : vector<16xf32>
          %add3A_1362 = arith.addf %select_n3A_1277, %get3A_1338 : vector<16xf32>
          %select_n3A_1363 = arith.select %ne3A_1311, %get3A_1338, %add3A_1362 : vector<16xf32>
          %add3A_1364 = arith.addf %select_n3A_1279, %get3A_1343 : vector<16xf32>
          %select_n3A_1365 = arith.select %ne3A_1311, %get3A_1343, %add3A_1364 : vector<16xf32>
          %add3A_1366 = arith.addf %select_n3A_1281, %get3A_1348 : vector<16xf32>
          %select_n3A_1367 = arith.select %ne3A_1311, %get3A_1348, %add3A_1366 : vector<16xf32>
          %add3A_1368 = arith.addf %select_n3A_1283, %get3A_1353 : vector<16xf32>
          %select_n3A_1369 = arith.select %ne3A_1311, %get3A_1353, %add3A_1368 : vector<16xf32>
          %swap3A_1370 = arith.index_cast %squeeze3A_1313 : i32 to index
          %swap3A_1371 = arith.constant 0 : index
          %swap3A_1372 = tpu.vector_load %arg20[%swap3A_1370, %swap3A_1371] {strides = array<i32>} : memref<16x128xf32, #tpu.memory_space<vmem>>, vector<16xf32>,
          tpu.vector_store %arg20[%swap3A_1370, %swap3A_1371], %select_n3A_1355 {strides = array<i32>} : memref<16x128xf32, #tpu.memory_space<vmem>>, vector<16xf32>,
          %swap3A_1373 = arith.index_cast %squeeze3A_1313 : i32 to index
          %swap3A_1374 = arith.constant 16 : index
          %swap3A_1375 = tpu.vector_load %arg20[%swap3A_1373, %swap3A_1374] {strides = array<i32>} : memref<16x128xf32, #tpu.memory_space<vmem>>, vector<16xf32>,
          tpu.vector_store %arg20[%swap3A_1373, %swap3A_1374], %select_n3A_1357 {strides = array<i32>} : memref<16x128xf32, #tpu.memory_space<vmem>>, vector<16xf32>,
          %swap3A_1376 = arith.index_cast %squeeze3A_1313 : i32 to index
          %swap3A_1377 = arith.constant 32 : index
          %swap3A_1378 = tpu.vector_load %arg20[%swap3A_1376, %swap3A_1377] {strides = array<i32>} : memref<16x128xf32, #tpu.memory_space<vmem>>, vector<16xf32>,
          tpu.vector_store %arg20[%swap3A_1376, %swap3A_1377], %select_n3A_1359 {strides = array<i32>} : memref<16x128xf32, #tpu.memory_space<vmem>>, vector<16xf32>,
          %swap3A_1379 = arith.index_cast %squeeze3A_1313 : i32 to index
          %swap3A_1380 = arith.constant 48 : index
          %swap3A_1381 = tpu.vector_load %arg20[%swap3A_1379, %swap3A_1380] {strides = array<i32>} : memref<16x128xf32, #tpu.memory_space<vmem>>, vector<16xf32>,
          tpu.vector_store %arg20[%swap3A_1379, %swap3A_1380], %select_n3A_1361 {strides = array<i32>} : memref<16x128xf32, #tpu.memory_space<vmem>>, vector<16xf32>,
          %swap3A_1382 = arith.index_cast %squeeze3A_1313 : i32 to index
          %swap3A_1383 = arith.constant 64 : index
          %swap3A_1384 = tpu.vector_load %arg20[%swap3A_1382, %swap3A_1383] {strides = array<i32>} : memref<16x128xf32, #tpu.memory_space<vmem>>, vector<16xf32>,
          tpu.vector_store %arg20[%swap3A_1382, %swap3A_1383], %select_n3A_1363 {strides = array<i32>} : memref<16x128xf32, #tpu.memory_space<vmem>>, vector<16xf32>,
          %swap3A_1385 = arith.index_cast %squeeze3A_1313 : i32 to index
          %swap3A_1386 = arith.constant 80 : index
          %swap3A_1387 = tpu.vector_load %arg20[%swap3A_1385, %swap3A_1386] {strides = array<i32>} : memref<16x128xf32, #tpu.memory_space<vmem>>, vector<16xf32>,
          tpu.vector_store %arg20[%swap3A_1385, %swap3A_1386], %select_n3A_1365 {strides = array<i32>} : memref<16x128xf32, #tpu.memory_space<vmem>>, vector<16xf32>,
          %swap3A_1388 = arith.index_cast %squeeze3A_1313 : i32 to index
          %swap3A_1389 = arith.constant 96 : index
          %swap3A_1390 = tpu.vector_load %arg20[%swap3A_1388, %swap3A_1389] {strides = array<i32>} : memref<16x128xf32, #tpu.memory_space<vmem>>, vector<16xf32>,
          tpu.vector_store %arg20[%swap3A_1388, %swap3A_1389], %select_n3A_1367 {strides = array<i32>} : memref<16x128xf32, #tpu.memory_space<vmem>>, vector<16xf32>,
          %swap3A_1391 = arith.index_cast %squeeze3A_1313 : i32 to index
          %swap3A_1392 = arith.constant 112 : index
          %swap3A_1393 = tpu.vector_load %arg20[%swap3A_1391, %swap3A_1392] {strides = array<i32>} : memref<16x128xf32, #tpu.memory_space<vmem>>, vector<16xf32>,
          tpu.vector_store %arg20[%swap3A_1391, %swap3A_1392], %select_n3A_1369 {strides = array<i32>} : memref<16x128xf32, #tpu.memory_space<vmem>>, vector<16xf32>,
          %slice3A_1394 = vector.extract_strided_slice %convert_element_type3A_347 {offsets = [12], sizes = [1], strides = [1]} : vector<16xi32> to vector<1xi32>
          %squeeze3A_1395 = vector.extract %slice3A_1394[0] : i32 from vector<1xi32>
          %ne3A_1396 = arith.constant 0 : i32
          %ne3A_1397 = arith.cmpi ne, %squeeze3A_1395, %ne3A_1396 : i32
          %slice3A_1398 = vector.extract_strided_slice %min3A_354 {offsets = [12], sizes = [1], strides = [1]} : vector<16xi32> to vector<1xi32>
          %squeeze3A_1399 = vector.extract %slice3A_1398[0] : i32 from vector<1xi32>
          %add3A_1400 = arith.constant 12 : i32
          %add3A_1401 = arith.addi %mul3A_276, %add3A_1400 : i32
          %get3A_1402 = arith.index_cast %add3A_1401 : i32 to index
          %get3A_1403 = arith.constant 0 : index
          %get3A_1404 = tpu.vector_load %arg8[%get3A_1402, %get3A_1403] {strides = array<i32>} : memref<128x128xf32, #tpu.memory_space<vmem>>, vector<16xf32>,
          %add3A_1405 = arith.constant 12 : i32
          %add3A_1406 = arith.addi %mul3A_276, %add3A_1405 : i32
          %get3A_1407 = arith.index_cast %add3A_1406 : i32 to index
          %get3A_1408 = arith.constant 16 : index
          %get3A_1409 = tpu.vector_load %arg8[%get3A_1407, %get3A_1408] {strides = array<i32>} : memref<128x128xf32, #tpu.memory_space<vmem>>, vector<16xf32>,
          %add3A_1410 = arith.constant 12 : i32
          %add3A_1411 = arith.addi %mul3A_276, %add3A_1410 : i32
          %get3A_1412 = arith.index_cast %add3A_1411 : i32 to index
          %get3A_1413 = arith.constant 32 : index
          %get3A_1414 = tpu.vector_load %arg8[%get3A_1412, %get3A_1413] {strides = array<i32>} : memref<128x128xf32, #tpu.memory_space<vmem>>, vector<16xf32>,
          %add3A_1415 = arith.constant 12 : i32
          %add3A_1416 = arith.addi %mul3A_276, %add3A_1415 : i32
          %get3A_1417 = arith.index_cast %add3A_1416 : i32 to index
          %get3A_1418 = arith.constant 48 : index
          %get3A_1419 = tpu.vector_load %arg8[%get3A_1417, %get3A_1418] {strides = array<i32>} : memref<128x128xf32, #tpu.memory_space<vmem>>, vector<16xf32>,
          %add3A_1420 = arith.constant 12 : i32
          %add3A_1421 = arith.addi %mul3A_276, %add3A_1420 : i32
          %get3A_1422 = arith.index_cast %add3A_1421 : i32 to index
          %get3A_1423 = arith.constant 64 : index
          %get3A_1424 = tpu.vector_load %arg8[%get3A_1422, %get3A_1423] {strides = array<i32>} : memref<128x128xf32, #tpu.memory_space<vmem>>, vector<16xf32>,
          %add3A_1425 = arith.constant 12 : i32
          %add3A_1426 = arith.addi %mul3A_276, %add3A_1425 : i32
          %get3A_1427 = arith.index_cast %add3A_1426 : i32 to index
          %get3A_1428 = arith.constant 80 : index
          %get3A_1429 = tpu.vector_load %arg8[%get3A_1427, %get3A_1428] {strides = array<i32>} : memref<128x128xf32, #tpu.memory_space<vmem>>, vector<16xf32>,
          %add3A_1430 = arith.constant 12 : i32
          %add3A_1431 = arith.addi %mul3A_276, %add3A_1430 : i32
          %get3A_1432 = arith.index_cast %add3A_1431 : i32 to index
          %get3A_1433 = arith.constant 96 : index
          %get3A_1434 = tpu.vector_load %arg8[%get3A_1432, %get3A_1433] {strides = array<i32>} : memref<128x128xf32, #tpu.memory_space<vmem>>, vector<16xf32>,
          %add3A_1435 = arith.constant 12 : i32
          %add3A_1436 = arith.addi %mul3A_276, %add3A_1435 : i32
          %get3A_1437 = arith.index_cast %add3A_1436 : i32 to index
          %get3A_1438 = arith.constant 112 : index
          %get3A_1439 = tpu.vector_load %arg8[%get3A_1437, %get3A_1438] {strides = array<i32>} : memref<128x128xf32, #tpu.memory_space<vmem>>, vector<16xf32>,
          %add3A_1440 = arith.addf %select_n3A_1355, %get3A_1404 : vector<16xf32>
          %select_n3A_1441 = arith.select %ne3A_1397, %get3A_1404, %add3A_1440 : vector<16xf32>
          %add3A_1442 = arith.addf %select_n3A_1357, %get3A_1409 : vector<16xf32>
          %select_n3A_1443 = arith.select %ne3A_1397, %get3A_1409, %add3A_1442 : vector<16xf32>
          %add3A_1444 = arith.addf %select_n3A_1359, %get3A_1414 : vector<16xf32>
          %select_n3A_1445 = arith.select %ne3A_1397, %get3A_1414, %add3A_1444 : vector<16xf32>
          %add3A_1446 = arith.addf %select_n3A_1361, %get3A_1419 : vector<16xf32>
          %select_n3A_1447 = arith.select %ne3A_1397, %get3A_1419, %add3A_1446 : vector<16xf32>
          %add3A_1448 = arith.addf %select_n3A_1363, %get3A_1424 : vector<16xf32>
          %select_n3A_1449 = arith.select %ne3A_1397, %get3A_1424, %add3A_1448 : vector<16xf32>
          %add3A_1450 = arith.addf %select_n3A_1365, %get3A_1429 : vector<16xf32>
          %select_n3A_1451 = arith.select %ne3A_1397, %get3A_1429, %add3A_1450 : vector<16xf32>
          %add3A_1452 = arith.addf %select_n3A_1367, %get3A_1434 : vector<16xf32>
          %select_n3A_1453 = arith.select %ne3A_1397, %get3A_1434, %add3A_1452 : vector<16xf32>
          %add3A_1454 = arith.addf %select_n3A_1369, %get3A_1439 : vector<16xf32>
          %select_n3A_1455 = arith.select %ne3A_1397, %get3A_1439, %add3A_1454 : vector<16xf32>
          %swap3A_1456 = arith.index_cast %squeeze3A_1399 : i32 to index
          %swap3A_1457 = arith.constant 0 : index
          %swap3A_1458 = tpu.vector_load %arg20[%swap3A_1456, %swap3A_1457] {strides = array<i32>} : memref<16x128xf32, #tpu.memory_space<vmem>>, vector<16xf32>,
          tpu.vector_store %arg20[%swap3A_1456, %swap3A_1457], %select_n3A_1441 {strides = array<i32>} : memref<16x128xf32, #tpu.memory_space<vmem>>, vector<16xf32>,
          %swap3A_1459 = arith.index_cast %squeeze3A_1399 : i32 to index
          %swap3A_1460 = arith.constant 16 : index
          %swap3A_1461 = tpu.vector_load %arg20[%swap3A_1459, %swap3A_1460] {strides = array<i32>} : memref<16x128xf32, #tpu.memory_space<vmem>>, vector<16xf32>,
          tpu.vector_store %arg20[%swap3A_1459, %swap3A_1460], %select_n3A_1443 {strides = array<i32>} : memref<16x128xf32, #tpu.memory_space<vmem>>, vector<16xf32>,
          %swap3A_1462 = arith.index_cast %squeeze3A_1399 : i32 to index
          %swap3A_1463 = arith.constant 32 : index
          %swap3A_1464 = tpu.vector_load %arg20[%swap3A_1462, %swap3A_1463] {strides = array<i32>} : memref<16x128xf32, #tpu.memory_space<vmem>>, vector<16xf32>,
          tpu.vector_store %arg20[%swap3A_1462, %swap3A_1463], %select_n3A_1445 {strides = array<i32>} : memref<16x128xf32, #tpu.memory_space<vmem>>, vector<16xf32>,
          %swap3A_1465 = arith.index_cast %squeeze3A_1399 : i32 to index
          %swap3A_1466 = arith.constant 48 : index
          %swap3A_1467 = tpu.vector_load %arg20[%swap3A_1465, %swap3A_1466] {strides = array<i32>} : memref<16x128xf32, #tpu.memory_space<vmem>>, vector<16xf32>,
          tpu.vector_store %arg20[%swap3A_1465, %swap3A_1466], %select_n3A_1447 {strides = array<i32>} : memref<16x128xf32, #tpu.memory_space<vmem>>, vector<16xf32>,
          %swap3A_1468 = arith.index_cast %squeeze3A_1399 : i32 to index
          %swap3A_1469 = arith.constant 64 : index
          %swap3A_1470 = tpu.vector_load %arg20[%swap3A_1468, %swap3A_1469] {strides = array<i32>} : memref<16x128xf32, #tpu.memory_space<vmem>>, vector<16xf32>,
          tpu.vector_store %arg20[%swap3A_1468, %swap3A_1469], %select_n3A_1449 {strides = array<i32>} : memref<16x128xf32, #tpu.memory_space<vmem>>, vector<16xf32>,
          %swap3A_1471 = arith.index_cast %squeeze3A_1399 : i32 to index
          %swap3A_1472 = arith.constant 80 : index
          %swap3A_1473 = tpu.vector_load %arg20[%swap3A_1471, %swap3A_1472] {strides = array<i32>} : memref<16x128xf32, #tpu.memory_space<vmem>>, vector<16xf32>,
          tpu.vector_store %arg20[%swap3A_1471, %swap3A_1472], %select_n3A_1451 {strides = array<i32>} : memref<16x128xf32, #tpu.memory_space<vmem>>, vector<16xf32>,
          %swap3A_1474 = arith.index_cast %squeeze3A_1399 : i32 to index
          %swap3A_1475 = arith.constant 96 : index
          %swap3A_1476 = tpu.vector_load %arg20[%swap3A_1474, %swap3A_1475] {strides = array<i32>} : memref<16x128xf32, #tpu.memory_space<vmem>>, vector<16xf32>,
          tpu.vector_store %arg20[%swap3A_1474, %swap3A_1475], %select_n3A_1453 {strides = array<i32>} : memref<16x128xf32, #tpu.memory_space<vmem>>, vector<16xf32>,
          %swap3A_1477 = arith.index_cast %squeeze3A_1399 : i32 to index
          %swap3A_1478 = arith.constant 112 : index
          %swap3A_1479 = tpu.vector_load %arg20[%swap3A_1477, %swap3A_1478] {strides = array<i32>} : memref<16x128xf32, #tpu.memory_space<vmem>>, vector<16xf32>,
          tpu.vector_store %arg20[%swap3A_1477, %swap3A_1478], %select_n3A_1455 {strides = array<i32>} : memref<16x128xf32, #tpu.memory_space<vmem>>, vector<16xf32>,
          %slice3A_1480 = vector.extract_strided_slice %convert_element_type3A_347 {offsets = [13], sizes = [1], strides = [1]} : vector<16xi32> to vector<1xi32>
          %squeeze3A_1481 = vector.extract %slice3A_1480[0] : i32 from vector<1xi32>
          %ne3A_1482 = arith.constant 0 : i32
          %ne3A_1483 = arith.cmpi ne, %squeeze3A_1481, %ne3A_1482 : i32
          %slice3A_1484 = vector.extract_strided_slice %min3A_354 {offsets = [13], sizes = [1], strides = [1]} : vector<16xi32> to vector<1xi32>
          %squeeze3A_1485 = vector.extract %slice3A_1484[0] : i32 from vector<1xi32>
          %add3A_1486 = arith.constant 13 : i32
          %add3A_1487 = arith.addi %mul3A_276, %add3A_1486 : i32
          %get3A_1488 = arith.index_cast %add3A_1487 : i32 to index
          %get3A_1489 = arith.constant 0 : index
          %get3A_1490 = tpu.vector_load %arg8[%get3A_1488, %get3A_1489] {strides = array<i32>} : memref<128x128xf32, #tpu.memory_space<vmem>>, vector<16xf32>,
          %add3A_1491 = arith.constant 13 : i32
          %add3A_1492 = arith.addi %mul3A_276, %add3A_1491 : i32
          %get3A_1493 = arith.index_cast %add3A_1492 : i32 to index
          %get3A_1494 = arith.constant 16 : index
          %get3A_1495 = tpu.vector_load %arg8[%get3A_1493, %get3A_1494] {strides = array<i32>} : memref<128x128xf32, #tpu.memory_space<vmem>>, vector<16xf32>,
          %add3A_1496 = arith.constant 13 : i32
          %add3A_1497 = arith.addi %mul3A_276, %add3A_1496 : i32
          %get3A_1498 = arith.index_cast %add3A_1497 : i32 to index
          %get3A_1499 = arith.constant 32 : index
          %get3A_1500 = tpu.vector_load %arg8[%get3A_1498, %get3A_1499] {strides = array<i32>} : memref<128x128xf32, #tpu.memory_space<vmem>>, vector<16xf32>,
          %add3A_1501 = arith.constant 13 : i32
          %add3A_1502 = arith.addi %mul3A_276, %add3A_1501 : i32
          %get3A_1503 = arith.index_cast %add3A_1502 : i32 to index
          %get3A_1504 = arith.constant 48 : index
          %get3A_1505 = tpu.vector_load %arg8[%get3A_1503, %get3A_1504] {strides = array<i32>} : memref<128x128xf32, #tpu.memory_space<vmem>>, vector<16xf32>,
          %add3A_1506 = arith.constant 13 : i32
          %add3A_1507 = arith.addi %mul3A_276, %add3A_1506 : i32
          %get3A_1508 = arith.index_cast %add3A_1507 : i32 to index
          %get3A_1509 = arith.constant 64 : index
          %get3A_1510 = tpu.vector_load %arg8[%get3A_1508, %get3A_1509] {strides = array<i32>} : memref<128x128xf32, #tpu.memory_space<vmem>>, vector<16xf32>,
          %add3A_1511 = arith.constant 13 : i32
          %add3A_1512 = arith.addi %mul3A_276, %add3A_1511 : i32
          %get3A_1513 = arith.index_cast %add3A_1512 : i32 to index
          %get3A_1514 = arith.constant 80 : index
          %get3A_1515 = tpu.vector_load %arg8[%get3A_1513, %get3A_1514] {strides = array<i32>} : memref<128x128xf32, #tpu.memory_space<vmem>>, vector<16xf32>,
          %add3A_1516 = arith.constant 13 : i32
          %add3A_1517 = arith.addi %mul3A_276, %add3A_1516 : i32
          %get3A_1518 = arith.index_cast %add3A_1517 : i32 to index
          %get3A_1519 = arith.constant 96 : index
          %get3A_1520 = tpu.vector_load %arg8[%get3A_1518, %get3A_1519] {strides = array<i32>} : memref<128x128xf32, #tpu.memory_space<vmem>>, vector<16xf32>,
          %add3A_1521 = arith.constant 13 : i32
          %add3A_1522 = arith.addi %mul3A_276, %add3A_1521 : i32
          %get3A_1523 = arith.index_cast %add3A_1522 : i32 to index
          %get3A_1524 = arith.constant 112 : index
          %get3A_1525 = tpu.vector_load %arg8[%get3A_1523, %get3A_1524] {strides = array<i32>} : memref<128x128xf32, #tpu.memory_space<vmem>>, vector<16xf32>,
          %add3A_1526 = arith.addf %select_n3A_1441, %get3A_1490 : vector<16xf32>
          %select_n3A_1527 = arith.select %ne3A_1483, %get3A_1490, %add3A_1526 : vector<16xf32>
          %add3A_1528 = arith.addf %select_n3A_1443, %get3A_1495 : vector<16xf32>
          %select_n3A_1529 = arith.select %ne3A_1483, %get3A_1495, %add3A_1528 : vector<16xf32>
          %add3A_1530 = arith.addf %select_n3A_1445, %get3A_1500 : vector<16xf32>
          %select_n3A_1531 = arith.select %ne3A_1483, %get3A_1500, %add3A_1530 : vector<16xf32>
          %add3A_1532 = arith.addf %select_n3A_1447, %get3A_1505 : vector<16xf32>
          %select_n3A_1533 = arith.select %ne3A_1483, %get3A_1505, %add3A_1532 : vector<16xf32>
          %add3A_1534 = arith.addf %select_n3A_1449, %get3A_1510 : vector<16xf32>
          %select_n3A_1535 = arith.select %ne3A_1483, %get3A_1510, %add3A_1534 : vector<16xf32>
          %add3A_1536 = arith.addf %select_n3A_1451, %get3A_1515 : vector<16xf32>
          %select_n3A_1537 = arith.select %ne3A_1483, %get3A_1515, %add3A_1536 : vector<16xf32>
          %add3A_1538 = arith.addf %select_n3A_1453, %get3A_1520 : vector<16xf32>
          %select_n3A_1539 = arith.select %ne3A_1483, %get3A_1520, %add3A_1538 : vector<16xf32>
          %add3A_1540 = arith.addf %select_n3A_1455, %get3A_1525 : vector<16xf32>
          %select_n3A_1541 = arith.select %ne3A_1483, %get3A_1525, %add3A_1540 : vector<16xf32>
          %swap3A_1542 = arith.index_cast %squeeze3A_1485 : i32 to index
          %swap3A_1543 = arith.constant 0 : index
          %swap3A_1544 = tpu.vector_load %arg20[%swap3A_1542, %swap3A_1543] {strides = array<i32>} : memref<16x128xf32, #tpu.memory_space<vmem>>, vector<16xf32>,
          tpu.vector_store %arg20[%swap3A_1542, %swap3A_1543], %select_n3A_1527 {strides = array<i32>} : memref<16x128xf32, #tpu.memory_space<vmem>>, vector<16xf32>,
          %swap3A_1545 = arith.index_cast %squeeze3A_1485 : i32 to index
          %swap3A_1546 = arith.constant 16 : index
          %swap3A_1547 = tpu.vector_load %arg20[%swap3A_1545, %swap3A_1546] {strides = array<i32>} : memref<16x128xf32, #tpu.memory_space<vmem>>, vector<16xf32>,
          tpu.vector_store %arg20[%swap3A_1545, %swap3A_1546], %select_n3A_1529 {strides = array<i32>} : memref<16x128xf32, #tpu.memory_space<vmem>>, vector<16xf32>,
          %swap3A_1548 = arith.index_cast %squeeze3A_1485 : i32 to index
          %swap3A_1549 = arith.constant 32 : index
          %swap3A_1550 = tpu.vector_load %arg20[%swap3A_1548, %swap3A_1549] {strides = array<i32>} : memref<16x128xf32, #tpu.memory_space<vmem>>, vector<16xf32>,
          tpu.vector_store %arg20[%swap3A_1548, %swap3A_1549], %select_n3A_1531 {strides = array<i32>} : memref<16x128xf32, #tpu.memory_space<vmem>>, vector<16xf32>,
          %swap3A_1551 = arith.index_cast %squeeze3A_1485 : i32 to index
          %swap3A_1552 = arith.constant 48 : index
          %swap3A_1553 = tpu.vector_load %arg20[%swap3A_1551, %swap3A_1552] {strides = array<i32>} : memref<16x128xf32, #tpu.memory_space<vmem>>, vector<16xf32>,
          tpu.vector_store %arg20[%swap3A_1551, %swap3A_1552], %select_n3A_1533 {strides = array<i32>} : memref<16x128xf32, #tpu.memory_space<vmem>>, vector<16xf32>,
          %swap3A_1554 = arith.index_cast %squeeze3A_1485 : i32 to index
          %swap3A_1555 = arith.constant 64 : index
          %swap3A_1556 = tpu.vector_load %arg20[%swap3A_1554, %swap3A_1555] {strides = array<i32>} : memref<16x128xf32, #tpu.memory_space<vmem>>, vector<16xf32>,
          tpu.vector_store %arg20[%swap3A_1554, %swap3A_1555], %select_n3A_1535 {strides = array<i32>} : memref<16x128xf32, #tpu.memory_space<vmem>>, vector<16xf32>,
          %swap3A_1557 = arith.index_cast %squeeze3A_1485 : i32 to index
          %swap3A_1558 = arith.constant 80 : index
          %swap3A_1559 = tpu.vector_load %arg20[%swap3A_1557, %swap3A_1558] {strides = array<i32>} : memref<16x128xf32, #tpu.memory_space<vmem>>, vector<16xf32>,
          tpu.vector_store %arg20[%swap3A_1557, %swap3A_1558], %select_n3A_1537 {strides = array<i32>} : memref<16x128xf32, #tpu.memory_space<vmem>>, vector<16xf32>,
          %swap3A_1560 = arith.index_cast %squeeze3A_1485 : i32 to index
          %swap3A_1561 = arith.constant 96 : index
          %swap3A_1562 = tpu.vector_load %arg20[%swap3A_1560, %swap3A_1561] {strides = array<i32>} : memref<16x128xf32, #tpu.memory_space<vmem>>, vector<16xf32>,
          tpu.vector_store %arg20[%swap3A_1560, %swap3A_1561], %select_n3A_1539 {strides = array<i32>} : memref<16x128xf32, #tpu.memory_space<vmem>>, vector<16xf32>,
          %swap3A_1563 = arith.index_cast %squeeze3A_1485 : i32 to index
          %swap3A_1564 = arith.constant 112 : index
          %swap3A_1565 = tpu.vector_load %arg20[%swap3A_1563, %swap3A_1564] {strides = array<i32>} : memref<16x128xf32, #tpu.memory_space<vmem>>, vector<16xf32>,
          tpu.vector_store %arg20[%swap3A_1563, %swap3A_1564], %select_n3A_1541 {strides = array<i32>} : memref<16x128xf32, #tpu.memory_space<vmem>>, vector<16xf32>,
          %slice3A_1566 = vector.extract_strided_slice %convert_element_type3A_347 {offsets = [14], sizes = [1], strides = [1]} : vector<16xi32> to vector<1xi32>
          %squeeze3A_1567 = vector.extract %slice3A_1566[0] : i32 from vector<1xi32>
          %ne3A_1568 = arith.constant 0 : i32
          %ne3A_1569 = arith.cmpi ne, %squeeze3A_1567, %ne3A_1568 : i32
          %slice3A_1570 = vector.extract_strided_slice %min3A_354 {offsets = [14], sizes = [1], strides = [1]} : vector<16xi32> to vector<1xi32>
          %squeeze3A_1571 = vector.extract %slice3A_1570[0] : i32 from vector<1xi32>
          %add3A_1572 = arith.constant 14 : i32
          %add3A_1573 = arith.addi %mul3A_276, %add3A_1572 : i32
          %get3A_1574 = arith.index_cast %add3A_1573 : i32 to index
          %get3A_1575 = arith.constant 0 : index
          %get3A_1576 = tpu.vector_load %arg8[%get3A_1574, %get3A_1575] {strides = array<i32>} : memref<128x128xf32, #tpu.memory_space<vmem>>, vector<16xf32>,
          %add3A_1577 = arith.constant 14 : i32
          %add3A_1578 = arith.addi %mul3A_276, %add3A_1577 : i32
          %get3A_1579 = arith.index_cast %add3A_1578 : i32 to index
          %get3A_1580 = arith.constant 16 : index
          %get3A_1581 = tpu.vector_load %arg8[%get3A_1579, %get3A_1580] {strides = array<i32>} : memref<128x128xf32, #tpu.memory_space<vmem>>, vector<16xf32>,
          %add3A_1582 = arith.constant 14 : i32
          %add3A_1583 = arith.addi %mul3A_276, %add3A_1582 : i32
          %get3A_1584 = arith.index_cast %add3A_1583 : i32 to index
          %get3A_1585 = arith.constant 32 : index
          %get3A_1586 = tpu.vector_load %arg8[%get3A_1584, %get3A_1585] {strides = array<i32>} : memref<128x128xf32, #tpu.memory_space<vmem>>, vector<16xf32>,
          %add3A_1587 = arith.constant 14 : i32
          %add3A_1588 = arith.addi %mul3A_276, %add3A_1587 : i32
          %get3A_1589 = arith.index_cast %add3A_1588 : i32 to index
          %get3A_1590 = arith.constant 48 : index
          %get3A_1591 = tpu.vector_load %arg8[%get3A_1589, %get3A_1590] {strides = array<i32>} : memref<128x128xf32, #tpu.memory_space<vmem>>, vector<16xf32>,
          %add3A_1592 = arith.constant 14 : i32
          %add3A_1593 = arith.addi %mul3A_276, %add3A_1592 : i32
          %get3A_1594 = arith.index_cast %add3A_1593 : i32 to index
          %get3A_1595 = arith.constant 64 : index
          %get3A_1596 = tpu.vector_load %arg8[%get3A_1594, %get3A_1595] {strides = array<i32>} : memref<128x128xf32, #tpu.memory_space<vmem>>, vector<16xf32>,
          %add3A_1597 = arith.constant 14 : i32
          %add3A_1598 = arith.addi %mul3A_276, %add3A_1597 : i32
          %get3A_1599 = arith.index_cast %add3A_1598 : i32 to index
          %get3A_1600 = arith.constant 80 : index
          %get3A_1601 = tpu.vector_load %arg8[%get3A_1599, %get3A_1600] {strides = array<i32>} : memref<128x128xf32, #tpu.memory_space<vmem>>, vector<16xf32>,
          %add3A_1602 = arith.constant 14 : i32
          %add3A_1603 = arith.addi %mul3A_276, %add3A_1602 : i32
          %get3A_1604 = arith.index_cast %add3A_1603 : i32 to index
          %get3A_1605 = arith.constant 96 : index
          %get3A_1606 = tpu.vector_load %arg8[%get3A_1604, %get3A_1605] {strides = array<i32>} : memref<128x128xf32, #tpu.memory_space<vmem>>, vector<16xf32>,
          %add3A_1607 = arith.constant 14 : i32
          %add3A_1608 = arith.addi %mul3A_276, %add3A_1607 : i32
          %get3A_1609 = arith.index_cast %add3A_1608 : i32 to index
          %get3A_1610 = arith.constant 112 : index
          %get3A_1611 = tpu.vector_load %arg8[%get3A_1609, %get3A_1610] {strides = array<i32>} : memref<128x128xf32, #tpu.memory_space<vmem>>, vector<16xf32>,
          %add3A_1612 = arith.addf %select_n3A_1527, %get3A_1576 : vector<16xf32>
          %select_n3A_1613 = arith.select %ne3A_1569, %get3A_1576, %add3A_1612 : vector<16xf32>
          %add3A_1614 = arith.addf %select_n3A_1529, %get3A_1581 : vector<16xf32>
          %select_n3A_1615 = arith.select %ne3A_1569, %get3A_1581, %add3A_1614 : vector<16xf32>
          %add3A_1616 = arith.addf %select_n3A_1531, %get3A_1586 : vector<16xf32>
          %select_n3A_1617 = arith.select %ne3A_1569, %get3A_1586, %add3A_1616 : vector<16xf32>
          %add3A_1618 = arith.addf %select_n3A_1533, %get3A_1591 : vector<16xf32>
          %select_n3A_1619 = arith.select %ne3A_1569, %get3A_1591, %add3A_1618 : vector<16xf32>
          %add3A_1620 = arith.addf %select_n3A_1535, %get3A_1596 : vector<16xf32>
          %select_n3A_1621 = arith.select %ne3A_1569, %get3A_1596, %add3A_1620 : vector<16xf32>
          %add3A_1622 = arith.addf %select_n3A_1537, %get3A_1601 : vector<16xf32>
          %select_n3A_1623 = arith.select %ne3A_1569, %get3A_1601, %add3A_1622 : vector<16xf32>
          %add3A_1624 = arith.addf %select_n3A_1539, %get3A_1606 : vector<16xf32>
          %select_n3A_1625 = arith.select %ne3A_1569, %get3A_1606, %add3A_1624 : vector<16xf32>
          %add3A_1626 = arith.addf %select_n3A_1541, %get3A_1611 : vector<16xf32>
          %select_n3A_1627 = arith.select %ne3A_1569, %get3A_1611, %add3A_1626 : vector<16xf32>
          %swap3A_1628 = arith.index_cast %squeeze3A_1571 : i32 to index
          %swap3A_1629 = arith.constant 0 : index
          %swap3A_1630 = tpu.vector_load %arg20[%swap3A_1628, %swap3A_1629] {strides = array<i32>} : memref<16x128xf32, #tpu.memory_space<vmem>>, vector<16xf32>,
          tpu.vector_store %arg20[%swap3A_1628, %swap3A_1629], %select_n3A_1613 {strides = array<i32>} : memref<16x128xf32, #tpu.memory_space<vmem>>, vector<16xf32>,
          %swap3A_1631 = arith.index_cast %squeeze3A_1571 : i32 to index
          %swap3A_1632 = arith.constant 16 : index
          %swap3A_1633 = tpu.vector_load %arg20[%swap3A_1631, %swap3A_1632] {strides = array<i32>} : memref<16x128xf32, #tpu.memory_space<vmem>>, vector<16xf32>,
          tpu.vector_store %arg20[%swap3A_1631, %swap3A_1632], %select_n3A_1615 {strides = array<i32>} : memref<16x128xf32, #tpu.memory_space<vmem>>, vector<16xf32>,
          %swap3A_1634 = arith.index_cast %squeeze3A_1571 : i32 to index
          %swap3A_1635 = arith.constant 32 : index
          %swap3A_1636 = tpu.vector_load %arg20[%swap3A_1634, %swap3A_1635] {strides = array<i32>} : memref<16x128xf32, #tpu.memory_space<vmem>>, vector<16xf32>,
          tpu.vector_store %arg20[%swap3A_1634, %swap3A_1635], %select_n3A_1617 {strides = array<i32>} : memref<16x128xf32, #tpu.memory_space<vmem>>, vector<16xf32>,
          %swap3A_1637 = arith.index_cast %squeeze3A_1571 : i32 to index
          %swap3A_1638 = arith.constant 48 : index
          %swap3A_1639 = tpu.vector_load %arg20[%swap3A_1637, %swap3A_1638] {strides = array<i32>} : memref<16x128xf32, #tpu.memory_space<vmem>>, vector<16xf32>,
          tpu.vector_store %arg20[%swap3A_1637, %swap3A_1638], %select_n3A_1619 {strides = array<i32>} : memref<16x128xf32, #tpu.memory_space<vmem>>, vector<16xf32>,
          %swap3A_1640 = arith.index_cast %squeeze3A_1571 : i32 to index
          %swap3A_1641 = arith.constant 64 : index
          %swap3A_1642 = tpu.vector_load %arg20[%swap3A_1640, %swap3A_1641] {strides = array<i32>} : memref<16x128xf32, #tpu.memory_space<vmem>>, vector<16xf32>,
          tpu.vector_store %arg20[%swap3A_1640, %swap3A_1641], %select_n3A_1621 {strides = array<i32>} : memref<16x128xf32, #tpu.memory_space<vmem>>, vector<16xf32>,
          %swap3A_1643 = arith.index_cast %squeeze3A_1571 : i32 to index
          %swap3A_1644 = arith.constant 80 : index
          %swap3A_1645 = tpu.vector_load %arg20[%swap3A_1643, %swap3A_1644] {strides = array<i32>} : memref<16x128xf32, #tpu.memory_space<vmem>>, vector<16xf32>,
          tpu.vector_store %arg20[%swap3A_1643, %swap3A_1644], %select_n3A_1623 {strides = array<i32>} : memref<16x128xf32, #tpu.memory_space<vmem>>, vector<16xf32>,
          %swap3A_1646 = arith.index_cast %squeeze3A_1571 : i32 to index
          %swap3A_1647 = arith.constant 96 : index
          %swap3A_1648 = tpu.vector_load %arg20[%swap3A_1646, %swap3A_1647] {strides = array<i32>} : memref<16x128xf32, #tpu.memory_space<vmem>>, vector<16xf32>,
          tpu.vector_store %arg20[%swap3A_1646, %swap3A_1647], %select_n3A_1625 {strides = array<i32>} : memref<16x128xf32, #tpu.memory_space<vmem>>, vector<16xf32>,
          %swap3A_1649 = arith.index_cast %squeeze3A_1571 : i32 to index
          %swap3A_1650 = arith.constant 112 : index
          %swap3A_1651 = tpu.vector_load %arg20[%swap3A_1649, %swap3A_1650] {strides = array<i32>} : memref<16x128xf32, #tpu.memory_space<vmem>>, vector<16xf32>,
          tpu.vector_store %arg20[%swap3A_1649, %swap3A_1650], %select_n3A_1627 {strides = array<i32>} : memref<16x128xf32, #tpu.memory_space<vmem>>, vector<16xf32>,
          %slice3A_1652 = vector.extract_strided_slice %convert_element_type3A_347 {offsets = [15], sizes = [1], strides = [1]} : vector<16xi32> to vector<1xi32>
          %squeeze3A_1653 = vector.extract %slice3A_1652[0] : i32 from vector<1xi32>
          %ne3A_1654 = arith.constant 0 : i32
          %ne3A_1655 = arith.cmpi ne, %squeeze3A_1653, %ne3A_1654 : i32
          %slice3A_1656 = vector.extract_strided_slice %min3A_354 {offsets = [15], sizes = [1], strides = [1]} : vector<16xi32> to vector<1xi32>
          %squeeze3A_1657 = vector.extract %slice3A_1656[0] : i32 from vector<1xi32>
          %add3A_1658 = arith.constant 15 : i32
          %add3A_1659 = arith.addi %mul3A_276, %add3A_1658 : i32
          %get3A_1660 = arith.index_cast %add3A_1659 : i32 to index
          %get3A_1661 = arith.constant 0 : index
          %get3A_1662 = tpu.vector_load %arg8[%get3A_1660, %get3A_1661] {strides = array<i32>} : memref<128x128xf32, #tpu.memory_space<vmem>>, vector<16xf32>,
          %add3A_1663 = arith.constant 15 : i32
          %add3A_1664 = arith.addi %mul3A_276, %add3A_1663 : i32
          %get3A_1665 = arith.index_cast %add3A_1664 : i32 to index
          %get3A_1666 = arith.constant 16 : index
          %get3A_1667 = tpu.vector_load %arg8[%get3A_1665, %get3A_1666] {strides = array<i32>} : memref<128x128xf32, #tpu.memory_space<vmem>>, vector<16xf32>,
          %add3A_1668 = arith.constant 15 : i32
          %add3A_1669 = arith.addi %mul3A_276, %add3A_1668 : i32
          %get3A_1670 = arith.index_cast %add3A_1669 : i32 to index
          %get3A_1671 = arith.constant 32 : index
          %get3A_1672 = tpu.vector_load %arg8[%get3A_1670, %get3A_1671] {strides = array<i32>} : memref<128x128xf32, #tpu.memory_space<vmem>>, vector<16xf32>,
          %add3A_1673 = arith.constant 15 : i32
          %add3A_1674 = arith.addi %mul3A_276, %add3A_1673 : i32
          %get3A_1675 = arith.index_cast %add3A_1674 : i32 to index
          %get3A_1676 = arith.constant 48 : index
          %get3A_1677 = tpu.vector_load %arg8[%get3A_1675, %get3A_1676] {strides = array<i32>} : memref<128x128xf32, #tpu.memory_space<vmem>>, vector<16xf32>,
          %add3A_1678 = arith.constant 15 : i32
          %add3A_1679 = arith.addi %mul3A_276, %add3A_1678 : i32
          %get3A_1680 = arith.index_cast %add3A_1679 : i32 to index
          %get3A_1681 = arith.constant 64 : index
          %get3A_1682 = tpu.vector_load %arg8[%get3A_1680, %get3A_1681] {strides = array<i32>} : memref<128x128xf32, #tpu.memory_space<vmem>>, vector<16xf32>,
          %add3A_1683 = arith.constant 15 : i32
          %add3A_1684 = arith.addi %mul3A_276, %add3A_1683 : i32
          %get3A_1685 = arith.index_cast %add3A_1684 : i32 to index
          %get3A_1686 = arith.constant 80 : index
          %get3A_1687 = tpu.vector_load %arg8[%get3A_1685, %get3A_1686] {strides = array<i32>} : memref<128x128xf32, #tpu.memory_space<vmem>>, vector<16xf32>,
          %add3A_1688 = arith.constant 15 : i32
          %add3A_1689 = arith.addi %mul3A_276, %add3A_1688 : i32
          %get3A_1690 = arith.index_cast %add3A_1689 : i32 to index
          %get3A_1691 = arith.constant 96 : index
          %get3A_1692 = tpu.vector_load %arg8[%get3A_1690, %get3A_1691] {strides = array<i32>} : memref<128x128xf32, #tpu.memory_space<vmem>>, vector<16xf32>,
          %add3A_1693 = arith.constant 15 : i32
          %add3A_1694 = arith.addi %mul3A_276, %add3A_1693 : i32
          %get3A_1695 = arith.index_cast %add3A_1694 : i32 to index
          %get3A_1696 = arith.constant 112 : index
          %get3A_1697 = tpu.vector_load %arg8[%get3A_1695, %get3A_1696] {strides = array<i32>} : memref<128x128xf32, #tpu.memory_space<vmem>>, vector<16xf32>,
          %add3A_1698 = arith.addf %select_n3A_1613, %get3A_1662 : vector<16xf32>
          %select_n3A_1699 = arith.select %ne3A_1655, %get3A_1662, %add3A_1698 : vector<16xf32>
          %add3A_1700 = arith.addf %select_n3A_1615, %get3A_1667 : vector<16xf32>
          %select_n3A_1701 = arith.select %ne3A_1655, %get3A_1667, %add3A_1700 : vector<16xf32>
          %add3A_1702 = arith.addf %select_n3A_1617, %get3A_1672 : vector<16xf32>
          %select_n3A_1703 = arith.select %ne3A_1655, %get3A_1672, %add3A_1702 : vector<16xf32>
          %add3A_1704 = arith.addf %select_n3A_1619, %get3A_1677 : vector<16xf32>
          %select_n3A_1705 = arith.select %ne3A_1655, %get3A_1677, %add3A_1704 : vector<16xf32>
          %add3A_1706 = arith.addf %select_n3A_1621, %get3A_1682 : vector<16xf32>
          %select_n3A_1707 = arith.select %ne3A_1655, %get3A_1682, %add3A_1706 : vector<16xf32>
          %add3A_1708 = arith.addf %select_n3A_1623, %get3A_1687 : vector<16xf32>
          %select_n3A_1709 = arith.select %ne3A_1655, %get3A_1687, %add3A_1708 : vector<16xf32>
          %add3A_1710 = arith.addf %select_n3A_1625, %get3A_1692 : vector<16xf32>
          %select_n3A_1711 = arith.select %ne3A_1655, %get3A_1692, %add3A_1710 : vector<16xf32>
          %add3A_1712 = arith.addf %select_n3A_1627, %get3A_1697 : vector<16xf32>
          %select_n3A_1713 = arith.select %ne3A_1655, %get3A_1697, %add3A_1712 : vector<16xf32>
          %swap3A_1714 = arith.index_cast %squeeze3A_1657 : i32 to index
          %swap3A_1715 = arith.constant 0 : index
          %swap3A_1716 = tpu.vector_load %arg20[%swap3A_1714, %swap3A_1715] {strides = array<i32>} : memref<16x128xf32, #tpu.memory_space<vmem>>, vector<16xf32>,
          tpu.vector_store %arg20[%swap3A_1714, %swap3A_1715], %select_n3A_1699 {strides = array<i32>} : memref<16x128xf32, #tpu.memory_space<vmem>>, vector<16xf32>,
          %swap3A_1717 = arith.index_cast %squeeze3A_1657 : i32 to index
          %swap3A_1718 = arith.constant 16 : index
          %swap3A_1719 = tpu.vector_load %arg20[%swap3A_1717, %swap3A_1718] {strides = array<i32>} : memref<16x128xf32, #tpu.memory_space<vmem>>, vector<16xf32>,
          tpu.vector_store %arg20[%swap3A_1717, %swap3A_1718], %select_n3A_1701 {strides = array<i32>} : memref<16x128xf32, #tpu.memory_space<vmem>>, vector<16xf32>,
          %swap3A_1720 = arith.index_cast %squeeze3A_1657 : i32 to index
          %swap3A_1721 = arith.constant 32 : index
          %swap3A_1722 = tpu.vector_load %arg20[%swap3A_1720, %swap3A_1721] {strides = array<i32>} : memref<16x128xf32, #tpu.memory_space<vmem>>, vector<16xf32>,
          tpu.vector_store %arg20[%swap3A_1720, %swap3A_1721], %select_n3A_1703 {strides = array<i32>} : memref<16x128xf32, #tpu.memory_space<vmem>>, vector<16xf32>,
          %swap3A_1723 = arith.index_cast %squeeze3A_1657 : i32 to index
          %swap3A_1724 = arith.constant 48 : index
          %swap3A_1725 = tpu.vector_load %arg20[%swap3A_1723, %swap3A_1724] {strides = array<i32>} : memref<16x128xf32, #tpu.memory_space<vmem>>, vector<16xf32>,
          tpu.vector_store %arg20[%swap3A_1723, %swap3A_1724], %select_n3A_1705 {strides = array<i32>} : memref<16x128xf32, #tpu.memory_space<vmem>>, vector<16xf32>,
          %swap3A_1726 = arith.index_cast %squeeze3A_1657 : i32 to index
          %swap3A_1727 = arith.constant 64 : index
          %swap3A_1728 = tpu.vector_load %arg20[%swap3A_1726, %swap3A_1727] {strides = array<i32>} : memref<16x128xf32, #tpu.memory_space<vmem>>, vector<16xf32>,
          tpu.vector_store %arg20[%swap3A_1726, %swap3A_1727], %select_n3A_1707 {strides = array<i32>} : memref<16x128xf32, #tpu.memory_space<vmem>>, vector<16xf32>,
          %swap3A_1729 = arith.index_cast %squeeze3A_1657 : i32 to index
          %swap3A_1730 = arith.constant 80 : index
          %swap3A_1731 = tpu.vector_load %arg20[%swap3A_1729, %swap3A_1730] {strides = array<i32>} : memref<16x128xf32, #tpu.memory_space<vmem>>, vector<16xf32>,
          tpu.vector_store %arg20[%swap3A_1729, %swap3A_1730], %select_n3A_1709 {strides = array<i32>} : memref<16x128xf32, #tpu.memory_space<vmem>>, vector<16xf32>,
          %swap3A_1732 = arith.index_cast %squeeze3A_1657 : i32 to index
          %swap3A_1733 = arith.constant 96 : index
          %swap3A_1734 = tpu.vector_load %arg20[%swap3A_1732, %swap3A_1733] {strides = array<i32>} : memref<16x128xf32, #tpu.memory_space<vmem>>, vector<16xf32>,
          tpu.vector_store %arg20[%swap3A_1732, %swap3A_1733], %select_n3A_1711 {strides = array<i32>} : memref<16x128xf32, #tpu.memory_space<vmem>>, vector<16xf32>,
          %swap3A_1735 = arith.index_cast %squeeze3A_1657 : i32 to index
          %swap3A_1736 = arith.constant 112 : index
          %swap3A_1737 = tpu.vector_load %arg20[%swap3A_1735, %swap3A_1736] {strides = array<i32>} : memref<16x128xf32, #tpu.memory_space<vmem>>, vector<16xf32>,
          tpu.vector_store %arg20[%swap3A_1735, %swap3A_1736], %select_n3A_1713 {strides = array<i32>} : memref<16x128xf32, #tpu.memory_space<vmem>>, vector<16xf32>,
          %slice3A_1738 = vector.extract_strided_slice %add3A_351 {offsets = [15], sizes = [1], strides = [1]} : vector<16xi32> to vector<1xi32>
          %squeeze3A_1739 = vector.extract %slice3A_1738[0] : i32 from vector<1xi32>
          scf.yield %squeeze3A_1739, %select_n3A_1699, %select_n3A_1701, %select_n3A_1703, %select_n3A_1705, %select_n3A_1707, %select_n3A_1709, %select_n3A_1711, %select_n3A_1713 : i32, vector<16xf32>, vector<16xf32>, vector<16xf32>, vector<16xf32>, vector<16xf32>, vector<16xf32>, vector<16xf32>, vector<16xf32>
        }
        %scan3A_251 = arith.constant 8 : i32
        %broadcast_in_dim3A_252 = vector.broadcast %scan3A_250#0 : i32 to vector<16xi32>
        %swap3A_253 = arith.constant 0 : index
        %swap3A_254 = tpu.vector_load %arg28[%swap3A_253] {strides = array<i32>} : memref<16xi32, #tpu.memory_space<vmem>>, vector<16xi32>,
        tpu.vector_store %arg28[%swap3A_253], %broadcast_in_dim3A_252 {strides = array<i32>} : memref<16xi32, #tpu.memory_space<vmem>>, vector<16xi32>,
        %lt3A_255 = arith.constant 16 : i32
        %lt3A_256 = arith.cmpi slt, %scan3A_250#0, %lt3A_255 : i32
        %convert_element_type3A_257 = arith.extui %lt3A_256 : i1 to i32
        %cond3A_258 = arith.constant 0 : i32
        %cond3A_259 = arith.cmpi ne, %convert_element_type3A_257, %cond3A_258 : i32
        scf.if %cond3A_259 {
          %dma_start3A_265 = arith.constant 0 : i32
          %dma_start3A_266 = arith.constant 0 : i32
          %dma_start3A_267 = tpu.memref_slice %arg33[%dma_start3A_265, %dma_start3A_266] : memref<5248x128xf32, #tpu.memory_space<vmem_shared>> -> memref<5248x128xf32, #tpu.memory_space<vmem_shared>>
          tpu.enqueue_indirect_dma source(%arg20 : memref<16x128xf32, #tpu.memory_space<vmem>>) target(%dma_start3A_267 : memref<5248x128xf32, #tpu.memory_space<vmem_shared>>) offsets(%arg24 : memref<16xi32, #tpu.memory_space<vmem>>) semaphore(%arg50 : memref<!tpu.dma_semaphore, #tpu.memory_space<semaphore_mem>>) {add = true}
        } else {
        }
        %ge3A_260 = arith.constant 16 : i32
        %ge3A_261 = arith.cmpi sge, %scan3A_250#0, %ge3A_260 : i32
        %convert_element_type3A_262 = arith.extui %ge3A_261 : i1 to i32
        %cond3A_263 = arith.constant 0 : i32
        %cond3A_264 = arith.cmpi ne, %convert_element_type3A_262, %cond3A_263 : i32
        scf.if %cond3A_264 {
          %get3A_265 = arith.constant 0 : index
          %get3A_266 = tpu.vector_load %arg12[%get3A_265] {strides = array<i32>} : memref<128xi32, #tpu.memory_space<vmem>>, vector<16xi32>,
          %mul3A_267 = arith.constant 128 : i32
          %mul3A_268 = arith.muli %add3A_94, %mul3A_267 : i32
          %add3A_269 = arith.addi %sub3A_36, %mul3A_268 : i32
          %min3A_270 = arith.constant 319872 : i32
          %min3A_271 = arith.minsi %add3A_269, %min3A_270 : i32
          %multiple_of3A_272 = tpu.assume_multiple %min3A_271, 8 : i32
          %mul3A_273 = arith.constant 128 : i32
          %mul3A_274 = arith.muli %add3A_94, %mul3A_273 : i32
          %add3A_275 = arith.addi %sub3A_36, %mul3A_274 : i32
          %iota3A = tpu.iota {dimensions = array<i32: 0>} : vector<16xi32>
          %add3A_276 = arith.constant 0 : i32
          %add3A_277 = arith.addi %multiple_of3A_272, %add3A_276 : i32
          %sub3A_278 = arith.constant 0 : i32
          %sub3A_279 = arith.subi %add3A_277, %sub3A_278 : i32
          %add3A_280 = vector.broadcast %sub3A_279 : i32 to vector<16xi32>
          %add3A_281 = arith.addi %iota3A, %add3A_280 : vector<16xi32>
          %ge3A_282 = vector.broadcast %add3A_30 : i32 to vector<16xi32>
          %ge3A_283 = arith.cmpi sge, %add3A_281, %ge3A_282 : vector<16xi32>
          %lt3A_284 = vector.broadcast %min3A : i32 to vector<16xi32>
          %lt3A_285 = arith.cmpi slt, %add3A_281, %lt3A_284 : vector<16xi32>
          %and3A_286 = arith.andi %ge3A_283, %lt3A_285 : vector<16xi1>
          %ge3A_287 = vector.broadcast %add3A_275 : i32 to vector<16xi32>
          %ge3A_288 = arith.cmpi sge, %add3A_281, %ge3A_287 : vector<16xi32>
          %and3A_289 = arith.andi %and3A_286, %ge3A_288 : vector<16xi1>
          %sub3A_290 = vector.broadcast %mul3A_38 : i32 to vector<16xi32>
          %sub3A_291 = arith.subi %get3A_266, %sub3A_290 : vector<16xi32>
          %jit3A_292 = arith.constant 5120 : i32
          %broadcast_in_dim3A_293 = vector.broadcast %jit3A_292 : i32 to vector<16xi32>
          %select_n3A_294 = arith.select %and3A_289, %sub3A_291, %broadcast_in_dim3A_293 : vector<16xi1>, vector<16xi32>
          %swap3A_295 = arith.constant 0 : index
          %swap3A_296 = tpu.vector_load %arg12[%swap3A_295] {strides = array<i32>} : memref<128xi32, #tpu.memory_space<vmem>>, vector<16xi32>,
          tpu.vector_store %arg12[%swap3A_295], %select_n3A_294 {strides = array<i32>} : memref<128xi32, #tpu.memory_space<vmem>>, vector<16xi32>,
          %get3A_297 = arith.constant 16 : index
          %get3A_298 = tpu.vector_load %arg12[%get3A_297] {strides = array<i32>} : memref<128xi32, #tpu.memory_space<vmem>>, vector<16xi32>,
          %mul3A_299 = arith.constant 128 : i32
          %mul3A_300 = arith.muli %add3A_94, %mul3A_299 : i32
          %add3A_301 = arith.addi %sub3A_36, %mul3A_300 : i32
          %min3A_302 = arith.constant 319872 : i32
          %min3A_303 = arith.minsi %add3A_301, %min3A_302 : i32
          %multiple_of3A_304 = tpu.assume_multiple %min3A_303, 8 : i32
          %mul3A_305 = arith.constant 128 : i32
          %mul3A_306 = arith.muli %add3A_94, %mul3A_305 : i32
          %add3A_307 = arith.addi %sub3A_36, %mul3A_306 : i32
          %iota3A_308 = tpu.iota {dimensions = array<i32: 0>} : vector<16xi32>
          %add3A_309 = arith.constant 16 : i32
          %add3A_310 = arith.addi %multiple_of3A_304, %add3A_309 : i32
          %sub3A_311 = arith.constant 0 : i32
          %sub3A_312 = arith.subi %add3A_310, %sub3A_311 : i32
          %add3A_313 = vector.broadcast %sub3A_312 : i32 to vector<16xi32>
          %add3A_314 = arith.addi %iota3A_308, %add3A_313 : vector<16xi32>
          %ge3A_315 = vector.broadcast %add3A_30 : i32 to vector<16xi32>
          %ge3A_316 = arith.cmpi sge, %add3A_314, %ge3A_315 : vector<16xi32>
          %lt3A_317 = vector.broadcast %min3A : i32 to vector<16xi32>
          %lt3A_318 = arith.cmpi slt, %add3A_314, %lt3A_317 : vector<16xi32>
          %and3A_319 = arith.andi %ge3A_316, %lt3A_318 : vector<16xi1>
          %ge3A_320 = vector.broadcast %add3A_307 : i32 to vector<16xi32>
          %ge3A_321 = arith.cmpi sge, %add3A_314, %ge3A_320 : vector<16xi32>
          %and3A_322 = arith.andi %and3A_319, %ge3A_321 : vector<16xi1>
          %sub3A_323 = vector.broadcast %mul3A_38 : i32 to vector<16xi32>
          %sub3A_324 = arith.subi %get3A_298, %sub3A_323 : vector<16xi32>
          %jit3A_325 = arith.constant 5120 : i32
          %broadcast_in_dim3A_326 = vector.broadcast %jit3A_325 : i32 to vector<16xi32>
          %select_n3A_327 = arith.select %and3A_322, %sub3A_324, %broadcast_in_dim3A_326 : vector<16xi1>, vector<16xi32>
          %swap3A_328 = arith.constant 16 : index
          %swap3A_329 = tpu.vector_load %arg12[%swap3A_328] {strides = array<i32>} : memref<128xi32, #tpu.memory_space<vmem>>, vector<16xi32>,
          tpu.vector_store %arg12[%swap3A_328], %select_n3A_327 {strides = array<i32>} : memref<128xi32, #tpu.memory_space<vmem>>, vector<16xi32>,
          %get3A_330 = arith.constant 32 : index
          %get3A_331 = tpu.vector_load %arg12[%get3A_330] {strides = array<i32>} : memref<128xi32, #tpu.memory_space<vmem>>, vector<16xi32>,
          %mul3A_332 = arith.constant 128 : i32
          %mul3A_333 = arith.muli %add3A_94, %mul3A_332 : i32
          %add3A_334 = arith.addi %sub3A_36, %mul3A_333 : i32
          %min3A_335 = arith.constant 319872 : i32
          %min3A_336 = arith.minsi %add3A_334, %min3A_335 : i32
          %multiple_of3A_337 = tpu.assume_multiple %min3A_336, 8 : i32
          %mul3A_338 = arith.constant 128 : i32
          %mul3A_339 = arith.muli %add3A_94, %mul3A_338 : i32
          %add3A_340 = arith.addi %sub3A_36, %mul3A_339 : i32
          %iota3A_341 = tpu.iota {dimensions = array<i32: 0>} : vector<16xi32>
          %add3A_342 = arith.constant 32 : i32
          %add3A_343 = arith.addi %multiple_of3A_337, %add3A_342 : i32
          %sub3A_344 = arith.constant 0 : i32
          %sub3A_345 = arith.subi %add3A_343, %sub3A_344 : i32
          %add3A_346 = vector.broadcast %sub3A_345 : i32 to vector<16xi32>
          %add3A_347 = arith.addi %iota3A_341, %add3A_346 : vector<16xi32>
          %ge3A_348 = vector.broadcast %add3A_30 : i32 to vector<16xi32>
          %ge3A_349 = arith.cmpi sge, %add3A_347, %ge3A_348 : vector<16xi32>
          %lt3A_350 = vector.broadcast %min3A : i32 to vector<16xi32>
          %lt3A_351 = arith.cmpi slt, %add3A_347, %lt3A_350 : vector<16xi32>
          %and3A_352 = arith.andi %ge3A_349, %lt3A_351 : vector<16xi1>
          %ge3A_353 = vector.broadcast %add3A_340 : i32 to vector<16xi32>
          %ge3A_354 = arith.cmpi sge, %add3A_347, %ge3A_353 : vector<16xi32>
          %and3A_355 = arith.andi %and3A_352, %ge3A_354 : vector<16xi1>
          %sub3A_356 = vector.broadcast %mul3A_38 : i32 to vector<16xi32>
          %sub3A_357 = arith.subi %get3A_331, %sub3A_356 : vector<16xi32>
          %jit3A_358 = arith.constant 5120 : i32
          %broadcast_in_dim3A_359 = vector.broadcast %jit3A_358 : i32 to vector<16xi32>
          %select_n3A_360 = arith.select %and3A_355, %sub3A_357, %broadcast_in_dim3A_359 : vector<16xi1>, vector<16xi32>
          %swap3A_361 = arith.constant 32 : index
          %swap3A_362 = tpu.vector_load %arg12[%swap3A_361] {strides = array<i32>} : memref<128xi32, #tpu.memory_space<vmem>>, vector<16xi32>,
          tpu.vector_store %arg12[%swap3A_361], %select_n3A_360 {strides = array<i32>} : memref<128xi32, #tpu.memory_space<vmem>>, vector<16xi32>,
          %get3A_363 = arith.constant 48 : index
          %get3A_364 = tpu.vector_load %arg12[%get3A_363] {strides = array<i32>} : memref<128xi32, #tpu.memory_space<vmem>>, vector<16xi32>,
          %mul3A_365 = arith.constant 128 : i32
          %mul3A_366 = arith.muli %add3A_94, %mul3A_365 : i32
          %add3A_367 = arith.addi %sub3A_36, %mul3A_366 : i32
          %min3A_368 = arith.constant 319872 : i32
          %min3A_369 = arith.minsi %add3A_367, %min3A_368 : i32
          %multiple_of3A_370 = tpu.assume_multiple %min3A_369, 8 : i32
          %mul3A_371 = arith.constant 128 : i32
          %mul3A_372 = arith.muli %add3A_94, %mul3A_371 : i32
          %add3A_373 = arith.addi %sub3A_36, %mul3A_372 : i32
          %iota3A_374 = tpu.iota {dimensions = array<i32: 0>} : vector<16xi32>
          %add3A_375 = arith.constant 48 : i32
          %add3A_376 = arith.addi %multiple_of3A_370, %add3A_375 : i32
          %sub3A_377 = arith.constant 0 : i32
          %sub3A_378 = arith.subi %add3A_376, %sub3A_377 : i32
          %add3A_379 = vector.broadcast %sub3A_378 : i32 to vector<16xi32>
          %add3A_380 = arith.addi %iota3A_374, %add3A_379 : vector<16xi32>
          %ge3A_381 = vector.broadcast %add3A_30 : i32 to vector<16xi32>
          %ge3A_382 = arith.cmpi sge, %add3A_380, %ge3A_381 : vector<16xi32>
          %lt3A_383 = vector.broadcast %min3A : i32 to vector<16xi32>
          %lt3A_384 = arith.cmpi slt, %add3A_380, %lt3A_383 : vector<16xi32>
          %and3A_385 = arith.andi %ge3A_382, %lt3A_384 : vector<16xi1>
          %ge3A_386 = vector.broadcast %add3A_373 : i32 to vector<16xi32>
          %ge3A_387 = arith.cmpi sge, %add3A_380, %ge3A_386 : vector<16xi32>
          %and3A_388 = arith.andi %and3A_385, %ge3A_387 : vector<16xi1>
          %sub3A_389 = vector.broadcast %mul3A_38 : i32 to vector<16xi32>
          %sub3A_390 = arith.subi %get3A_364, %sub3A_389 : vector<16xi32>
          %jit3A_391 = arith.constant 5120 : i32
          %broadcast_in_dim3A_392 = vector.broadcast %jit3A_391 : i32 to vector<16xi32>
          %select_n3A_393 = arith.select %and3A_388, %sub3A_390, %broadcast_in_dim3A_392 : vector<16xi1>, vector<16xi32>
          %swap3A_394 = arith.constant 48 : index
          %swap3A_395 = tpu.vector_load %arg12[%swap3A_394] {strides = array<i32>} : memref<128xi32, #tpu.memory_space<vmem>>, vector<16xi32>,
          tpu.vector_store %arg12[%swap3A_394], %select_n3A_393 {strides = array<i32>} : memref<128xi32, #tpu.memory_space<vmem>>, vector<16xi32>,
          %get3A_396 = arith.constant 64 : index
          %get3A_397 = tpu.vector_load %arg12[%get3A_396] {strides = array<i32>} : memref<128xi32, #tpu.memory_space<vmem>>, vector<16xi32>,
          %mul3A_398 = arith.constant 128 : i32
          %mul3A_399 = arith.muli %add3A_94, %mul3A_398 : i32
          %add3A_400 = arith.addi %sub3A_36, %mul3A_399 : i32
          %min3A_401 = arith.constant 319872 : i32
          %min3A_402 = arith.minsi %add3A_400, %min3A_401 : i32
          %multiple_of3A_403 = tpu.assume_multiple %min3A_402, 8 : i32
          %mul3A_404 = arith.constant 128 : i32
          %mul3A_405 = arith.muli %add3A_94, %mul3A_404 : i32
          %add3A_406 = arith.addi %sub3A_36, %mul3A_405 : i32
          %iota3A_407 = tpu.iota {dimensions = array<i32: 0>} : vector<16xi32>
          %add3A_408 = arith.constant 64 : i32
          %add3A_409 = arith.addi %multiple_of3A_403, %add3A_408 : i32
          %sub3A_410 = arith.constant 0 : i32
          %sub3A_411 = arith.subi %add3A_409, %sub3A_410 : i32
          %add3A_412 = vector.broadcast %sub3A_411 : i32 to vector<16xi32>
          %add3A_413 = arith.addi %iota3A_407, %add3A_412 : vector<16xi32>
          %ge3A_414 = vector.broadcast %add3A_30 : i32 to vector<16xi32>
          %ge3A_415 = arith.cmpi sge, %add3A_413, %ge3A_414 : vector<16xi32>
          %lt3A_416 = vector.broadcast %min3A : i32 to vector<16xi32>
          %lt3A_417 = arith.cmpi slt, %add3A_413, %lt3A_416 : vector<16xi32>
          %and3A_418 = arith.andi %ge3A_415, %lt3A_417 : vector<16xi1>
          %ge3A_419 = vector.broadcast %add3A_406 : i32 to vector<16xi32>
          %ge3A_420 = arith.cmpi sge, %add3A_413, %ge3A_419 : vector<16xi32>
          %and3A_421 = arith.andi %and3A_418, %ge3A_420 : vector<16xi1>
          %sub3A_422 = vector.broadcast %mul3A_38 : i32 to vector<16xi32>
          %sub3A_423 = arith.subi %get3A_397, %sub3A_422 : vector<16xi32>
          %jit3A_424 = arith.constant 5120 : i32
          %broadcast_in_dim3A_425 = vector.broadcast %jit3A_424 : i32 to vector<16xi32>
          %select_n3A_426 = arith.select %and3A_421, %sub3A_423, %broadcast_in_dim3A_425 : vector<16xi1>, vector<16xi32>
          %swap3A_427 = arith.constant 64 : index
          %swap3A_428 = tpu.vector_load %arg12[%swap3A_427] {strides = array<i32>} : memref<128xi32, #tpu.memory_space<vmem>>, vector<16xi32>,
          tpu.vector_store %arg12[%swap3A_427], %select_n3A_426 {strides = array<i32>} : memref<128xi32, #tpu.memory_space<vmem>>, vector<16xi32>,
          %get3A_429 = arith.constant 80 : index
          %get3A_430 = tpu.vector_load %arg12[%get3A_429] {strides = array<i32>} : memref<128xi32, #tpu.memory_space<vmem>>, vector<16xi32>,
          %mul3A_431 = arith.constant 128 : i32
          %mul3A_432 = arith.muli %add3A_94, %mul3A_431 : i32
          %add3A_433 = arith.addi %sub3A_36, %mul3A_432 : i32
          %min3A_434 = arith.constant 319872 : i32
          %min3A_435 = arith.minsi %add3A_433, %min3A_434 : i32
          %multiple_of3A_436 = tpu.assume_multiple %min3A_435, 8 : i32
          %mul3A_437 = arith.constant 128 : i32
          %mul3A_438 = arith.muli %add3A_94, %mul3A_437 : i32
          %add3A_439 = arith.addi %sub3A_36, %mul3A_438 : i32
          %iota3A_440 = tpu.iota {dimensions = array<i32: 0>} : vector<16xi32>
          %add3A_441 = arith.constant 80 : i32
          %add3A_442 = arith.addi %multiple_of3A_436, %add3A_441 : i32
          %sub3A_443 = arith.constant 0 : i32
          %sub3A_444 = arith.subi %add3A_442, %sub3A_443 : i32
          %add3A_445 = vector.broadcast %sub3A_444 : i32 to vector<16xi32>
          %add3A_446 = arith.addi %iota3A_440, %add3A_445 : vector<16xi32>
          %ge3A_447 = vector.broadcast %add3A_30 : i32 to vector<16xi32>
          %ge3A_448 = arith.cmpi sge, %add3A_446, %ge3A_447 : vector<16xi32>
          %lt3A_449 = vector.broadcast %min3A : i32 to vector<16xi32>
          %lt3A_450 = arith.cmpi slt, %add3A_446, %lt3A_449 : vector<16xi32>
          %and3A_451 = arith.andi %ge3A_448, %lt3A_450 : vector<16xi1>
          %ge3A_452 = vector.broadcast %add3A_439 : i32 to vector<16xi32>
          %ge3A_453 = arith.cmpi sge, %add3A_446, %ge3A_452 : vector<16xi32>
          %and3A_454 = arith.andi %and3A_451, %ge3A_453 : vector<16xi1>
          %sub3A_455 = vector.broadcast %mul3A_38 : i32 to vector<16xi32>
          %sub3A_456 = arith.subi %get3A_430, %sub3A_455 : vector<16xi32>
          %jit3A_457 = arith.constant 5120 : i32
          %broadcast_in_dim3A_458 = vector.broadcast %jit3A_457 : i32 to vector<16xi32>
          %select_n3A_459 = arith.select %and3A_454, %sub3A_456, %broadcast_in_dim3A_458 : vector<16xi1>, vector<16xi32>
          %swap3A_460 = arith.constant 80 : index
          %swap3A_461 = tpu.vector_load %arg12[%swap3A_460] {strides = array<i32>} : memref<128xi32, #tpu.memory_space<vmem>>, vector<16xi32>,
          tpu.vector_store %arg12[%swap3A_460], %select_n3A_459 {strides = array<i32>} : memref<128xi32, #tpu.memory_space<vmem>>, vector<16xi32>,
          %get3A_462 = arith.constant 96 : index
          %get3A_463 = tpu.vector_load %arg12[%get3A_462] {strides = array<i32>} : memref<128xi32, #tpu.memory_space<vmem>>, vector<16xi32>,
          %mul3A_464 = arith.constant 128 : i32
          %mul3A_465 = arith.muli %add3A_94, %mul3A_464 : i32
          %add3A_466 = arith.addi %sub3A_36, %mul3A_465 : i32
          %min3A_467 = arith.constant 319872 : i32
          %min3A_468 = arith.minsi %add3A_466, %min3A_467 : i32
          %multiple_of3A_469 = tpu.assume_multiple %min3A_468, 8 : i32
          %mul3A_470 = arith.constant 128 : i32
          %mul3A_471 = arith.muli %add3A_94, %mul3A_470 : i32
          %add3A_472 = arith.addi %sub3A_36, %mul3A_471 : i32
          %iota3A_473 = tpu.iota {dimensions = array<i32: 0>} : vector<16xi32>
          %add3A_474 = arith.constant 96 : i32
          %add3A_475 = arith.addi %multiple_of3A_469, %add3A_474 : i32
          %sub3A_476 = arith.constant 0 : i32
          %sub3A_477 = arith.subi %add3A_475, %sub3A_476 : i32
          %add3A_478 = vector.broadcast %sub3A_477 : i32 to vector<16xi32>
          %add3A_479 = arith.addi %iota3A_473, %add3A_478 : vector<16xi32>
          %ge3A_480 = vector.broadcast %add3A_30 : i32 to vector<16xi32>
          %ge3A_481 = arith.cmpi sge, %add3A_479, %ge3A_480 : vector<16xi32>
          %lt3A_482 = vector.broadcast %min3A : i32 to vector<16xi32>
          %lt3A_483 = arith.cmpi slt, %add3A_479, %lt3A_482 : vector<16xi32>
          %and3A_484 = arith.andi %ge3A_481, %lt3A_483 : vector<16xi1>
          %ge3A_485 = vector.broadcast %add3A_472 : i32 to vector<16xi32>
          %ge3A_486 = arith.cmpi sge, %add3A_479, %ge3A_485 : vector<16xi32>
          %and3A_487 = arith.andi %and3A_484, %ge3A_486 : vector<16xi1>
          %sub3A_488 = vector.broadcast %mul3A_38 : i32 to vector<16xi32>
          %sub3A_489 = arith.subi %get3A_463, %sub3A_488 : vector<16xi32>
          %jit3A_490 = arith.constant 5120 : i32
          %broadcast_in_dim3A_491 = vector.broadcast %jit3A_490 : i32 to vector<16xi32>
          %select_n3A_492 = arith.select %and3A_487, %sub3A_489, %broadcast_in_dim3A_491 : vector<16xi1>, vector<16xi32>
          %swap3A_493 = arith.constant 96 : index
          %swap3A_494 = tpu.vector_load %arg12[%swap3A_493] {strides = array<i32>} : memref<128xi32, #tpu.memory_space<vmem>>, vector<16xi32>,
          tpu.vector_store %arg12[%swap3A_493], %select_n3A_492 {strides = array<i32>} : memref<128xi32, #tpu.memory_space<vmem>>, vector<16xi32>,
          %get3A_495 = arith.constant 112 : index
          %get3A_496 = tpu.vector_load %arg12[%get3A_495] {strides = array<i32>} : memref<128xi32, #tpu.memory_space<vmem>>, vector<16xi32>,
          %mul3A_497 = arith.constant 128 : i32
          %mul3A_498 = arith.muli %add3A_94, %mul3A_497 : i32
          %add3A_499 = arith.addi %sub3A_36, %mul3A_498 : i32
          %min3A_500 = arith.constant 319872 : i32
          %min3A_501 = arith.minsi %add3A_499, %min3A_500 : i32
          %multiple_of3A_502 = tpu.assume_multiple %min3A_501, 8 : i32
          %mul3A_503 = arith.constant 128 : i32
          %mul3A_504 = arith.muli %add3A_94, %mul3A_503 : i32
          %add3A_505 = arith.addi %sub3A_36, %mul3A_504 : i32
          %iota3A_506 = tpu.iota {dimensions = array<i32: 0>} : vector<16xi32>
          %add3A_507 = arith.constant 112 : i32
          %add3A_508 = arith.addi %multiple_of3A_502, %add3A_507 : i32
          %sub3A_509 = arith.constant 0 : i32
          %sub3A_510 = arith.subi %add3A_508, %sub3A_509 : i32
          %add3A_511 = vector.broadcast %sub3A_510 : i32 to vector<16xi32>
          %add3A_512 = arith.addi %iota3A_506, %add3A_511 : vector<16xi32>
          %ge3A_513 = vector.broadcast %add3A_30 : i32 to vector<16xi32>
          %ge3A_514 = arith.cmpi sge, %add3A_512, %ge3A_513 : vector<16xi32>
          %lt3A_515 = vector.broadcast %min3A : i32 to vector<16xi32>
          %lt3A_516 = arith.cmpi slt, %add3A_512, %lt3A_515 : vector<16xi32>
          %and3A_517 = arith.andi %ge3A_514, %lt3A_516 : vector<16xi1>
          %ge3A_518 = vector.broadcast %add3A_505 : i32 to vector<16xi32>
          %ge3A_519 = arith.cmpi sge, %add3A_512, %ge3A_518 : vector<16xi32>
          %and3A_520 = arith.andi %and3A_517, %ge3A_519 : vector<16xi1>
          %sub3A_521 = vector.broadcast %mul3A_38 : i32 to vector<16xi32>
          %sub3A_522 = arith.subi %get3A_496, %sub3A_521 : vector<16xi32>
          %jit3A_523 = arith.constant 5120 : i32
          %broadcast_in_dim3A_524 = vector.broadcast %jit3A_523 : i32 to vector<16xi32>
          %select_n3A_525 = arith.select %and3A_520, %sub3A_522, %broadcast_in_dim3A_524 : vector<16xi1>, vector<16xi32>
          %swap3A_526 = arith.constant 112 : index
          %swap3A_527 = tpu.vector_load %arg12[%swap3A_526] {strides = array<i32>} : memref<128xi32, #tpu.memory_space<vmem>>, vector<16xi32>,
          tpu.vector_store %arg12[%swap3A_526], %select_n3A_525 {strides = array<i32>} : memref<128xi32, #tpu.memory_space<vmem>>, vector<16xi32>,
          %dma_start3A_528 = arith.constant 0 : i32
          %dma_start3A_529 = arith.constant 0 : i32
          %dma_start3A_530 = tpu.memref_slice %arg33[%dma_start3A_528, %dma_start3A_529] : memref<5248x128xf32, #tpu.memory_space<vmem_shared>> -> memref<5248x128xf32, #tpu.memory_space<vmem_shared>>
          tpu.enqueue_indirect_dma source(%arg8 : memref<128x128xf32, #tpu.memory_space<vmem>>) target(%dma_start3A_530 : memref<5248x128xf32, #tpu.memory_space<vmem_shared>>) offsets(%arg12 : memref<128xi32, #tpu.memory_space<vmem>>) semaphore(%arg46 : memref<!tpu.dma_semaphore, #tpu.memory_space<semaphore_mem>>) {add = true}
        } else {
        }
      } else {
      }
      %mul3A_118 = arith.constant 4 : i32
      %mul3A_119 = arith.muli %mul3A_118, %scan3A_90 : i32
      %add3A_120 = arith.constant 1 : i32
      %add3A_121 = arith.addi %mul3A_119, %add3A_120 : i32
      %ge3A_122 = arith.constant 2 : i32
      %ge3A_123 = arith.cmpi sge, %add3A_121, %ge3A_122 : i32
      %sub3A_124 = arith.constant 2 : i32
      %sub3A_125 = arith.subi %add3A_121, %sub3A_124 : i32
      %le3A_126 = arith.cmpi sle, %sub3A_125, %select_n3A_27 : i32
      %and3A_127 = arith.andi %ge3A_123, %le3A_126 : i1
      %convert_element_type3A_128 = arith.extui %and3A_127 : i1 to i32
      %cond3A_129 = arith.constant 0 : i32
      %cond3A_130 = arith.cmpi ne, %convert_element_type3A_128, %cond3A_129 : i32
      scf.if %cond3A_130 {
        %dma_wait3A = arith.constant 0 : i32
        %dma_wait3A_202 = arith.constant 0 : i32
        %dma_wait3A_203 = tpu.memref_slice %arg33[%dma_wait3A, %dma_wait3A_202] : memref<5248x128xf32, #tpu.memory_space<vmem_shared>> -> memref<5248x128xf32, #tpu.memory_space<vmem_shared>>
        tpu.wait_indirect_dma semaphore(%arg49 : memref<!tpu.dma_semaphore, #tpu.memory_space<semaphore_mem>>) src(%arg11 : memref<128x128xf32, #tpu.memory_space<vmem>>) dst(%dma_wait3A_203 : memref<5248x128xf32, #tpu.memory_space<vmem_shared>>)
      } else {
      }
      %add3A_131 = arith.constant 2 : i32
      %add3A_132 = arith.addi %add3A_121, %add3A_131 : i32
      %ge3A_133 = arith.constant 2 : i32
      %ge3A_134 = arith.cmpi sge, %add3A_132, %ge3A_133 : i32
      %add3A_135 = arith.constant 2 : i32
      %add3A_136 = arith.addi %add3A_121, %add3A_135 : i32
      %le3A_137 = arith.cmpi sle, %add3A_136, %select_n3A_27 : i32
      %and3A_138 = arith.andi %ge3A_134, %le3A_137 : i1
      %convert_element_type3A_139 = arith.extui %and3A_138 : i1 to i32
      %cond3A_140 = arith.constant 0 : i32
      %cond3A_141 = arith.cmpi ne, %convert_element_type3A_139, %cond3A_140 : i32
      scf.if %cond3A_141 {
        %add3A_202 = arith.constant 2 : i32
        %add3A_203 = arith.addi %add3A_121, %add3A_202 : i32
        %mul3A_204 = arith.constant 128 : i32
        %mul3A_205 = arith.muli %add3A_203, %mul3A_204 : i32
        %add3A_206 = arith.addi %sub3A_36, %mul3A_205 : i32
        %min3A_207 = arith.constant 319872 : i32
        %min3A_208 = arith.minsi %add3A_206, %min3A_207 : i32
        %multiple_of3A_209 = tpu.assume_multiple %min3A_208, 8 : i32
        %dma_start3A_210 = arith.constant 0 : i32
        %dma_start3A_211 = tpu.memref_slice %arg2[%multiple_of3A_209, %dma_start3A_210] : memref<320000x128xf32, #tpu.memory_space<hbm>> -> memref<128x128xf32, #tpu.memory_space<hbm>>
        %dma_start3A_212 = arith.constant 0 : i32
        %dma_start3A_213 = tpu.memref_slice %arg2[%multiple_of3A_209, %dma_start3A_212] : memref<320000x128xf32, #tpu.memory_space<hbm>> -> memref<128x128xf32, #tpu.memory_space<hbm>>
        tpu.enqueue_dma source(%dma_start3A_213 : memref<128x128xf32, #tpu.memory_space<hbm>>) target(%arg11 : memref<128x128xf32, #tpu.memory_space<vmem>>) target_semaphore(%arg37 : memref<!tpu.dma_semaphore, #tpu.memory_space<semaphore_mem>>)
        %mul3A_214 = arith.constant 128 : i32
        %mul3A_215 = arith.muli %add3A_203, %mul3A_214 : i32
        %add3A_216 = arith.addi %sub3A_36, %mul3A_215 : i32
        %min3A_217 = arith.constant 319872 : i32
        %min3A_218 = arith.minsi %add3A_216, %min3A_217 : i32
        %multiple_of3A_219 = tpu.assume_multiple %min3A_218, 8 : i32
        %dma_start3A_220 = tpu.memref_slice %arg3[%multiple_of3A_219] : memref<320000xi32, #tpu.memory_space<hbm>> -> memref<128xi32, #tpu.memory_space<hbm>>
        %dma_start3A_221 = tpu.memref_slice %arg3[%multiple_of3A_219] : memref<320000xi32, #tpu.memory_space<hbm>> -> memref<128xi32, #tpu.memory_space<hbm>>
        tpu.enqueue_dma source(%dma_start3A_221 : memref<128xi32, #tpu.memory_space<hbm>>) target(%arg15 : memref<128xi32, #tpu.memory_space<vmem>>) target_semaphore(%arg41 : memref<!tpu.dma_semaphore, #tpu.memory_space<semaphore_mem>>)
        %mul3A_222 = arith.constant 128 : i32
        %mul3A_223 = arith.muli %add3A_203, %mul3A_222 : i32
        %add3A_224 = arith.addi %sub3A_36, %mul3A_223 : i32
        %min3A_225 = arith.constant 319872 : i32
        %min3A_226 = arith.minsi %add3A_224, %min3A_225 : i32
        %multiple_of3A_227 = tpu.assume_multiple %min3A_226, 8 : i32
        %dma_start3A_228 = tpu.memref_slice %arg4[%multiple_of3A_227] : memref<320000xi32, #tpu.memory_space<hbm>> -> memref<128xi32, #tpu.memory_space<hbm>>
        %dma_start3A_229 = tpu.memref_slice %arg4[%multiple_of3A_227] : memref<320000xi32, #tpu.memory_space<hbm>> -> memref<128xi32, #tpu.memory_space<hbm>>
        tpu.enqueue_dma source(%dma_start3A_229 : memref<128xi32, #tpu.memory_space<hbm>>) target(%arg19 : memref<128xi32, #tpu.memory_space<vmem>>) target_semaphore(%arg45 : memref<!tpu.dma_semaphore, #tpu.memory_space<semaphore_mem>>)
      } else {
      }
      %le3A_142 = arith.cmpi sle, %add3A_121, %select_n3A_27 : i32
      %convert_element_type3A_143 = arith.extui %le3A_142 : i1 to i32
      %cond3A_144 = arith.constant 0 : i32
      %cond3A_145 = arith.cmpi ne, %convert_element_type3A_143, %cond3A_144 : i32
      scf.if %cond3A_145 {
        %mul3A_202 = arith.constant 128 : i32
        %mul3A_203 = arith.muli %add3A_121, %mul3A_202 : i32
        %add3A_204 = arith.addi %sub3A_36, %mul3A_203 : i32
        %min3A_205 = arith.constant 319872 : i32
        %min3A_206 = arith.minsi %add3A_204, %min3A_205 : i32
        %multiple_of3A_207 = tpu.assume_multiple %min3A_206, 8 : i32
        %dma_wait3A = arith.constant 0 : i32
        %dma_wait3A_208 = tpu.memref_slice %arg2[%multiple_of3A_207, %dma_wait3A] : memref<320000x128xf32, #tpu.memory_space<hbm>> -> memref<128x128xf32, #tpu.memory_space<hbm>>
        %dma_wait3A_209 = arith.constant 0 : i32
        %dma_wait3A_210 = tpu.memref_slice %arg2[%multiple_of3A_207, %dma_wait3A_209] : memref<320000x128xf32, #tpu.memory_space<hbm>> -> memref<128x128xf32, #tpu.memory_space<hbm>>
        tpu.wait_dma2 semaphore(%arg35 : memref<!tpu.dma_semaphore, #tpu.memory_space<semaphore_mem>>) src(%dma_wait3A_210 : memref<128x128xf32, #tpu.memory_space<hbm>>) dst(%arg9 : memref<128x128xf32, #tpu.memory_space<vmem>>)
        %mul3A_211 = arith.constant 128 : i32
        %mul3A_212 = arith.muli %add3A_121, %mul3A_211 : i32
        %add3A_213 = arith.addi %sub3A_36, %mul3A_212 : i32
        %min3A_214 = arith.constant 319872 : i32
        %min3A_215 = arith.minsi %add3A_213, %min3A_214 : i32
        %multiple_of3A_216 = tpu.assume_multiple %min3A_215, 8 : i32
        %dma_wait3A_217 = tpu.memref_slice %arg3[%multiple_of3A_216] : memref<320000xi32, #tpu.memory_space<hbm>> -> memref<128xi32, #tpu.memory_space<hbm>>
        %dma_wait3A_218 = tpu.memref_slice %arg3[%multiple_of3A_216] : memref<320000xi32, #tpu.memory_space<hbm>> -> memref<128xi32, #tpu.memory_space<hbm>>
        tpu.wait_dma2 semaphore(%arg39 : memref<!tpu.dma_semaphore, #tpu.memory_space<semaphore_mem>>) src(%dma_wait3A_218 : memref<128xi32, #tpu.memory_space<hbm>>) dst(%arg13 : memref<128xi32, #tpu.memory_space<vmem>>)
        %mul3A_219 = arith.constant 128 : i32
        %mul3A_220 = arith.muli %add3A_121, %mul3A_219 : i32
        %add3A_221 = arith.addi %sub3A_36, %mul3A_220 : i32
        %min3A_222 = arith.constant 319872 : i32
        %min3A_223 = arith.minsi %add3A_221, %min3A_222 : i32
        %multiple_of3A_224 = tpu.assume_multiple %min3A_223, 8 : i32
        %dma_wait3A_225 = tpu.memref_slice %arg4[%multiple_of3A_224] : memref<320000xi32, #tpu.memory_space<hbm>> -> memref<128xi32, #tpu.memory_space<hbm>>
        %dma_wait3A_226 = tpu.memref_slice %arg4[%multiple_of3A_224] : memref<320000xi32, #tpu.memory_space<hbm>> -> memref<128xi32, #tpu.memory_space<hbm>>
        tpu.wait_dma2 semaphore(%arg43 : memref<!tpu.dma_semaphore, #tpu.memory_space<semaphore_mem>>) src(%dma_wait3A_226 : memref<128xi32, #tpu.memory_space<hbm>>) dst(%arg17 : memref<128xi32, #tpu.memory_space<vmem>>)
        %get3A_227 = arith.constant 0 : index
        %get3A_228 = tpu.vector_load %arg13[%get3A_227] {strides = array<i32>} : memref<128xi32, #tpu.memory_space<vmem>>, vector<16xi32>,
        %mul3A_229 = arith.constant 128 : i32
        %mul3A_230 = arith.muli %add3A_121, %mul3A_229 : i32
        %add3A_231 = arith.addi %sub3A_36, %mul3A_230 : i32
        %min3A_232 = arith.constant 319872 : i32
        %min3A_233 = arith.minsi %add3A_231, %min3A_232 : i32
        %multiple_of3A_234 = tpu.assume_multiple %min3A_233, 8 : i32
        %mul3A_235 = arith.constant 128 : i32
        %mul3A_236 = arith.muli %add3A_121, %mul3A_235 : i32
        %add3A_237 = arith.addi %sub3A_36, %mul3A_236 : i32
        %iota3A = tpu.iota {dimensions = array<i32: 0>} : vector<16xi32>
        %add3A_238 = arith.constant 0 : i32
        %add3A_239 = arith.addi %multiple_of3A_234, %add3A_238 : i32
        %sub3A_240 = arith.constant 0 : i32
        %sub3A_241 = arith.subi %add3A_239, %sub3A_240 : i32
        %add3A_242 = vector.broadcast %sub3A_241 : i32 to vector<16xi32>
        %add3A_243 = arith.addi %iota3A, %add3A_242 : vector<16xi32>
        %ge3A_244 = vector.broadcast %add3A_30 : i32 to vector<16xi32>
        %ge3A_245 = arith.cmpi sge, %add3A_243, %ge3A_244 : vector<16xi32>
        %lt3A_246 = vector.broadcast %min3A : i32 to vector<16xi32>
        %lt3A_247 = arith.cmpi slt, %add3A_243, %lt3A_246 : vector<16xi32>
        %and3A_248 = arith.andi %ge3A_245, %lt3A_247 : vector<16xi1>
        %ge3A_249 = vector.broadcast %add3A_237 : i32 to vector<16xi32>
        %ge3A_250 = arith.cmpi sge, %add3A_243, %ge3A_249 : vector<16xi32>
        %and3A_251 = arith.andi %and3A_248, %ge3A_250 : vector<16xi1>
        %sub3A_252 = vector.broadcast %mul3A_38 : i32 to vector<16xi32>
        %sub3A_253 = arith.subi %get3A_228, %sub3A_252 : vector<16xi32>
        %jit3A_254 = arith.constant 5120 : i32
        %broadcast_in_dim3A = vector.broadcast %jit3A_254 : i32 to vector<16xi32>
        %select_n3A_255 = arith.select %and3A_251, %sub3A_253, %broadcast_in_dim3A : vector<16xi1>, vector<16xi32>
        %swap3A = arith.constant 0 : index
        %swap3A_256 = tpu.vector_load %arg13[%swap3A] {strides = array<i32>} : memref<128xi32, #tpu.memory_space<vmem>>, vector<16xi32>,
        tpu.vector_store %arg13[%swap3A], %select_n3A_255 {strides = array<i32>} : memref<128xi32, #tpu.memory_space<vmem>>, vector<16xi32>,
        %get3A_257 = arith.constant 16 : index
        %get3A_258 = tpu.vector_load %arg13[%get3A_257] {strides = array<i32>} : memref<128xi32, #tpu.memory_space<vmem>>, vector<16xi32>,
        %mul3A_259 = arith.constant 128 : i32
        %mul3A_260 = arith.muli %add3A_121, %mul3A_259 : i32
        %add3A_261 = arith.addi %sub3A_36, %mul3A_260 : i32
        %min3A_262 = arith.constant 319872 : i32
        %min3A_263 = arith.minsi %add3A_261, %min3A_262 : i32
        %multiple_of3A_264 = tpu.assume_multiple %min3A_263, 8 : i32
        %mul3A_265 = arith.constant 128 : i32
        %mul3A_266 = arith.muli %add3A_121, %mul3A_265 : i32
        %add3A_267 = arith.addi %sub3A_36, %mul3A_266 : i32
        %iota3A_268 = tpu.iota {dimensions = array<i32: 0>} : vector<16xi32>
        %add3A_269 = arith.constant 16 : i32
        %add3A_270 = arith.addi %multiple_of3A_264, %add3A_269 : i32
        %sub3A_271 = arith.constant 0 : i32
        %sub3A_272 = arith.subi %add3A_270, %sub3A_271 : i32
        %add3A_273 = vector.broadcast %sub3A_272 : i32 to vector<16xi32>
        %add3A_274 = arith.addi %iota3A_268, %add3A_273 : vector<16xi32>
        %ge3A_275 = vector.broadcast %add3A_30 : i32 to vector<16xi32>
        %ge3A_276 = arith.cmpi sge, %add3A_274, %ge3A_275 : vector<16xi32>
        %lt3A_277 = vector.broadcast %min3A : i32 to vector<16xi32>
        %lt3A_278 = arith.cmpi slt, %add3A_274, %lt3A_277 : vector<16xi32>
        %and3A_279 = arith.andi %ge3A_276, %lt3A_278 : vector<16xi1>
        %ge3A_280 = vector.broadcast %add3A_267 : i32 to vector<16xi32>
        %ge3A_281 = arith.cmpi sge, %add3A_274, %ge3A_280 : vector<16xi32>
        %and3A_282 = arith.andi %and3A_279, %ge3A_281 : vector<16xi1>
        %sub3A_283 = vector.broadcast %mul3A_38 : i32 to vector<16xi32>
        %sub3A_284 = arith.subi %get3A_258, %sub3A_283 : vector<16xi32>
        %jit3A_285 = arith.constant 5120 : i32
        %broadcast_in_dim3A_286 = vector.broadcast %jit3A_285 : i32 to vector<16xi32>
        %select_n3A_287 = arith.select %and3A_282, %sub3A_284, %broadcast_in_dim3A_286 : vector<16xi1>, vector<16xi32>
        %swap3A_288 = arith.constant 16 : index
        %swap3A_289 = tpu.vector_load %arg13[%swap3A_288] {strides = array<i32>} : memref<128xi32, #tpu.memory_space<vmem>>, vector<16xi32>,
        tpu.vector_store %arg13[%swap3A_288], %select_n3A_287 {strides = array<i32>} : memref<128xi32, #tpu.memory_space<vmem>>, vector<16xi32>,
        %get3A_290 = arith.constant 32 : index
        %get3A_291 = tpu.vector_load %arg13[%get3A_290] {strides = array<i32>} : memref<128xi32, #tpu.memory_space<vmem>>, vector<16xi32>,
        %mul3A_292 = arith.constant 128 : i32
        %mul3A_293 = arith.muli %add3A_121, %mul3A_292 : i32
        %add3A_294 = arith.addi %sub3A_36, %mul3A_293 : i32
        %min3A_295 = arith.constant 319872 : i32
        %min3A_296 = arith.minsi %add3A_294, %min3A_295 : i32
        %multiple_of3A_297 = tpu.assume_multiple %min3A_296, 8 : i32
        %mul3A_298 = arith.constant 128 : i32
        %mul3A_299 = arith.muli %add3A_121, %mul3A_298 : i32
        %add3A_300 = arith.addi %sub3A_36, %mul3A_299 : i32
        %iota3A_301 = tpu.iota {dimensions = array<i32: 0>} : vector<16xi32>
        %add3A_302 = arith.constant 32 : i32
        %add3A_303 = arith.addi %multiple_of3A_297, %add3A_302 : i32
        %sub3A_304 = arith.constant 0 : i32
        %sub3A_305 = arith.subi %add3A_303, %sub3A_304 : i32
        %add3A_306 = vector.broadcast %sub3A_305 : i32 to vector<16xi32>
        %add3A_307 = arith.addi %iota3A_301, %add3A_306 : vector<16xi32>
        %ge3A_308 = vector.broadcast %add3A_30 : i32 to vector<16xi32>
        %ge3A_309 = arith.cmpi sge, %add3A_307, %ge3A_308 : vector<16xi32>
        %lt3A_310 = vector.broadcast %min3A : i32 to vector<16xi32>
        %lt3A_311 = arith.cmpi slt, %add3A_307, %lt3A_310 : vector<16xi32>
        %and3A_312 = arith.andi %ge3A_309, %lt3A_311 : vector<16xi1>
        %ge3A_313 = vector.broadcast %add3A_300 : i32 to vector<16xi32>
        %ge3A_314 = arith.cmpi sge, %add3A_307, %ge3A_313 : vector<16xi32>
        %and3A_315 = arith.andi %and3A_312, %ge3A_314 : vector<16xi1>
        %sub3A_316 = vector.broadcast %mul3A_38 : i32 to vector<16xi32>
        %sub3A_317 = arith.subi %get3A_291, %sub3A_316 : vector<16xi32>
        %jit3A_318 = arith.constant 5120 : i32
        %broadcast_in_dim3A_319 = vector.broadcast %jit3A_318 : i32 to vector<16xi32>
        %select_n3A_320 = arith.select %and3A_315, %sub3A_317, %broadcast_in_dim3A_319 : vector<16xi1>, vector<16xi32>
        %swap3A_321 = arith.constant 32 : index
        %swap3A_322 = tpu.vector_load %arg13[%swap3A_321] {strides = array<i32>} : memref<128xi32, #tpu.memory_space<vmem>>, vector<16xi32>,
        tpu.vector_store %arg13[%swap3A_321], %select_n3A_320 {strides = array<i32>} : memref<128xi32, #tpu.memory_space<vmem>>, vector<16xi32>,
        %get3A_323 = arith.constant 48 : index
        %get3A_324 = tpu.vector_load %arg13[%get3A_323] {strides = array<i32>} : memref<128xi32, #tpu.memory_space<vmem>>, vector<16xi32>,
        %mul3A_325 = arith.constant 128 : i32
        %mul3A_326 = arith.muli %add3A_121, %mul3A_325 : i32
        %add3A_327 = arith.addi %sub3A_36, %mul3A_326 : i32
        %min3A_328 = arith.constant 319872 : i32
        %min3A_329 = arith.minsi %add3A_327, %min3A_328 : i32
        %multiple_of3A_330 = tpu.assume_multiple %min3A_329, 8 : i32
        %mul3A_331 = arith.constant 128 : i32
        %mul3A_332 = arith.muli %add3A_121, %mul3A_331 : i32
        %add3A_333 = arith.addi %sub3A_36, %mul3A_332 : i32
        %iota3A_334 = tpu.iota {dimensions = array<i32: 0>} : vector<16xi32>
        %add3A_335 = arith.constant 48 : i32
        %add3A_336 = arith.addi %multiple_of3A_330, %add3A_335 : i32
        %sub3A_337 = arith.constant 0 : i32
        %sub3A_338 = arith.subi %add3A_336, %sub3A_337 : i32
        %add3A_339 = vector.broadcast %sub3A_338 : i32 to vector<16xi32>
        %add3A_340 = arith.addi %iota3A_334, %add3A_339 : vector<16xi32>
        %ge3A_341 = vector.broadcast %add3A_30 : i32 to vector<16xi32>
        %ge3A_342 = arith.cmpi sge, %add3A_340, %ge3A_341 : vector<16xi32>
        %lt3A_343 = vector.broadcast %min3A : i32 to vector<16xi32>
        %lt3A_344 = arith.cmpi slt, %add3A_340, %lt3A_343 : vector<16xi32>
        %and3A_345 = arith.andi %ge3A_342, %lt3A_344 : vector<16xi1>
        %ge3A_346 = vector.broadcast %add3A_333 : i32 to vector<16xi32>
        %ge3A_347 = arith.cmpi sge, %add3A_340, %ge3A_346 : vector<16xi32>
        %and3A_348 = arith.andi %and3A_345, %ge3A_347 : vector<16xi1>
        %sub3A_349 = vector.broadcast %mul3A_38 : i32 to vector<16xi32>
        %sub3A_350 = arith.subi %get3A_324, %sub3A_349 : vector<16xi32>
        %jit3A_351 = arith.constant 5120 : i32
        %broadcast_in_dim3A_352 = vector.broadcast %jit3A_351 : i32 to vector<16xi32>
        %select_n3A_353 = arith.select %and3A_348, %sub3A_350, %broadcast_in_dim3A_352 : vector<16xi1>, vector<16xi32>
        %swap3A_354 = arith.constant 48 : index
        %swap3A_355 = tpu.vector_load %arg13[%swap3A_354] {strides = array<i32>} : memref<128xi32, #tpu.memory_space<vmem>>, vector<16xi32>,
        tpu.vector_store %arg13[%swap3A_354], %select_n3A_353 {strides = array<i32>} : memref<128xi32, #tpu.memory_space<vmem>>, vector<16xi32>,
        %get3A_356 = arith.constant 64 : index
        %get3A_357 = tpu.vector_load %arg13[%get3A_356] {strides = array<i32>} : memref<128xi32, #tpu.memory_space<vmem>>, vector<16xi32>,
        %mul3A_358 = arith.constant 128 : i32
        %mul3A_359 = arith.muli %add3A_121, %mul3A_358 : i32
        %add3A_360 = arith.addi %sub3A_36, %mul3A_359 : i32
        %min3A_361 = arith.constant 319872 : i32
        %min3A_362 = arith.minsi %add3A_360, %min3A_361 : i32
        %multiple_of3A_363 = tpu.assume_multiple %min3A_362, 8 : i32
        %mul3A_364 = arith.constant 128 : i32
        %mul3A_365 = arith.muli %add3A_121, %mul3A_364 : i32
        %add3A_366 = arith.addi %sub3A_36, %mul3A_365 : i32
        %iota3A_367 = tpu.iota {dimensions = array<i32: 0>} : vector<16xi32>
        %add3A_368 = arith.constant 64 : i32
        %add3A_369 = arith.addi %multiple_of3A_363, %add3A_368 : i32
        %sub3A_370 = arith.constant 0 : i32
        %sub3A_371 = arith.subi %add3A_369, %sub3A_370 : i32
        %add3A_372 = vector.broadcast %sub3A_371 : i32 to vector<16xi32>
        %add3A_373 = arith.addi %iota3A_367, %add3A_372 : vector<16xi32>
        %ge3A_374 = vector.broadcast %add3A_30 : i32 to vector<16xi32>
        %ge3A_375 = arith.cmpi sge, %add3A_373, %ge3A_374 : vector<16xi32>
        %lt3A_376 = vector.broadcast %min3A : i32 to vector<16xi32>
        %lt3A_377 = arith.cmpi slt, %add3A_373, %lt3A_376 : vector<16xi32>
        %and3A_378 = arith.andi %ge3A_375, %lt3A_377 : vector<16xi1>
        %ge3A_379 = vector.broadcast %add3A_366 : i32 to vector<16xi32>
        %ge3A_380 = arith.cmpi sge, %add3A_373, %ge3A_379 : vector<16xi32>
        %and3A_381 = arith.andi %and3A_378, %ge3A_380 : vector<16xi1>
        %sub3A_382 = vector.broadcast %mul3A_38 : i32 to vector<16xi32>
        %sub3A_383 = arith.subi %get3A_357, %sub3A_382 : vector<16xi32>
        %jit3A_384 = arith.constant 5120 : i32
        %broadcast_in_dim3A_385 = vector.broadcast %jit3A_384 : i32 to vector<16xi32>
        %select_n3A_386 = arith.select %and3A_381, %sub3A_383, %broadcast_in_dim3A_385 : vector<16xi1>, vector<16xi32>
        %swap3A_387 = arith.constant 64 : index
        %swap3A_388 = tpu.vector_load %arg13[%swap3A_387] {strides = array<i32>} : memref<128xi32, #tpu.memory_space<vmem>>, vector<16xi32>,
        tpu.vector_store %arg13[%swap3A_387], %select_n3A_386 {strides = array<i32>} : memref<128xi32, #tpu.memory_space<vmem>>, vector<16xi32>,
        %get3A_389 = arith.constant 80 : index
        %get3A_390 = tpu.vector_load %arg13[%get3A_389] {strides = array<i32>} : memref<128xi32, #tpu.memory_space<vmem>>, vector<16xi32>,
        %mul3A_391 = arith.constant 128 : i32
        %mul3A_392 = arith.muli %add3A_121, %mul3A_391 : i32
        %add3A_393 = arith.addi %sub3A_36, %mul3A_392 : i32
        %min3A_394 = arith.constant 319872 : i32
        %min3A_395 = arith.minsi %add3A_393, %min3A_394 : i32
        %multiple_of3A_396 = tpu.assume_multiple %min3A_395, 8 : i32
        %mul3A_397 = arith.constant 128 : i32
        %mul3A_398 = arith.muli %add3A_121, %mul3A_397 : i32
        %add3A_399 = arith.addi %sub3A_36, %mul3A_398 : i32
        %iota3A_400 = tpu.iota {dimensions = array<i32: 0>} : vector<16xi32>
        %add3A_401 = arith.constant 80 : i32
        %add3A_402 = arith.addi %multiple_of3A_396, %add3A_401 : i32
        %sub3A_403 = arith.constant 0 : i32
        %sub3A_404 = arith.subi %add3A_402, %sub3A_403 : i32
        %add3A_405 = vector.broadcast %sub3A_404 : i32 to vector<16xi32>
        %add3A_406 = arith.addi %iota3A_400, %add3A_405 : vector<16xi32>
        %ge3A_407 = vector.broadcast %add3A_30 : i32 to vector<16xi32>
        %ge3A_408 = arith.cmpi sge, %add3A_406, %ge3A_407 : vector<16xi32>
        %lt3A_409 = vector.broadcast %min3A : i32 to vector<16xi32>
        %lt3A_410 = arith.cmpi slt, %add3A_406, %lt3A_409 : vector<16xi32>
        %and3A_411 = arith.andi %ge3A_408, %lt3A_410 : vector<16xi1>
        %ge3A_412 = vector.broadcast %add3A_399 : i32 to vector<16xi32>
        %ge3A_413 = arith.cmpi sge, %add3A_406, %ge3A_412 : vector<16xi32>
        %and3A_414 = arith.andi %and3A_411, %ge3A_413 : vector<16xi1>
        %sub3A_415 = vector.broadcast %mul3A_38 : i32 to vector<16xi32>
        %sub3A_416 = arith.subi %get3A_390, %sub3A_415 : vector<16xi32>
        %jit3A_417 = arith.constant 5120 : i32
        %broadcast_in_dim3A_418 = vector.broadcast %jit3A_417 : i32 to vector<16xi32>
        %select_n3A_419 = arith.select %and3A_414, %sub3A_416, %broadcast_in_dim3A_418 : vector<16xi1>, vector<16xi32>
        %swap3A_420 = arith.constant 80 : index
        %swap3A_421 = tpu.vector_load %arg13[%swap3A_420] {strides = array<i32>} : memref<128xi32, #tpu.memory_space<vmem>>, vector<16xi32>,
        tpu.vector_store %arg13[%swap3A_420], %select_n3A_419 {strides = array<i32>} : memref<128xi32, #tpu.memory_space<vmem>>, vector<16xi32>,
        %get3A_422 = arith.constant 96 : index
        %get3A_423 = tpu.vector_load %arg13[%get3A_422] {strides = array<i32>} : memref<128xi32, #tpu.memory_space<vmem>>, vector<16xi32>,
        %mul3A_424 = arith.constant 128 : i32
        %mul3A_425 = arith.muli %add3A_121, %mul3A_424 : i32
        %add3A_426 = arith.addi %sub3A_36, %mul3A_425 : i32
        %min3A_427 = arith.constant 319872 : i32
        %min3A_428 = arith.minsi %add3A_426, %min3A_427 : i32
        %multiple_of3A_429 = tpu.assume_multiple %min3A_428, 8 : i32
        %mul3A_430 = arith.constant 128 : i32
        %mul3A_431 = arith.muli %add3A_121, %mul3A_430 : i32
        %add3A_432 = arith.addi %sub3A_36, %mul3A_431 : i32
        %iota3A_433 = tpu.iota {dimensions = array<i32: 0>} : vector<16xi32>
        %add3A_434 = arith.constant 96 : i32
        %add3A_435 = arith.addi %multiple_of3A_429, %add3A_434 : i32
        %sub3A_436 = arith.constant 0 : i32
        %sub3A_437 = arith.subi %add3A_435, %sub3A_436 : i32
        %add3A_438 = vector.broadcast %sub3A_437 : i32 to vector<16xi32>
        %add3A_439 = arith.addi %iota3A_433, %add3A_438 : vector<16xi32>
        %ge3A_440 = vector.broadcast %add3A_30 : i32 to vector<16xi32>
        %ge3A_441 = arith.cmpi sge, %add3A_439, %ge3A_440 : vector<16xi32>
        %lt3A_442 = vector.broadcast %min3A : i32 to vector<16xi32>
        %lt3A_443 = arith.cmpi slt, %add3A_439, %lt3A_442 : vector<16xi32>
        %and3A_444 = arith.andi %ge3A_441, %lt3A_443 : vector<16xi1>
        %ge3A_445 = vector.broadcast %add3A_432 : i32 to vector<16xi32>
        %ge3A_446 = arith.cmpi sge, %add3A_439, %ge3A_445 : vector<16xi32>
        %and3A_447 = arith.andi %and3A_444, %ge3A_446 : vector<16xi1>
        %sub3A_448 = vector.broadcast %mul3A_38 : i32 to vector<16xi32>
        %sub3A_449 = arith.subi %get3A_423, %sub3A_448 : vector<16xi32>
        %jit3A_450 = arith.constant 5120 : i32
        %broadcast_in_dim3A_451 = vector.broadcast %jit3A_450 : i32 to vector<16xi32>
        %select_n3A_452 = arith.select %and3A_447, %sub3A_449, %broadcast_in_dim3A_451 : vector<16xi1>, vector<16xi32>
        %swap3A_453 = arith.constant 96 : index
        %swap3A_454 = tpu.vector_load %arg13[%swap3A_453] {strides = array<i32>} : memref<128xi32, #tpu.memory_space<vmem>>, vector<16xi32>,
        tpu.vector_store %arg13[%swap3A_453], %select_n3A_452 {strides = array<i32>} : memref<128xi32, #tpu.memory_space<vmem>>, vector<16xi32>,
        %get3A_455 = arith.constant 112 : index
        %get3A_456 = tpu.vector_load %arg13[%get3A_455] {strides = array<i32>} : memref<128xi32, #tpu.memory_space<vmem>>, vector<16xi32>,
        %mul3A_457 = arith.constant 128 : i32
        %mul3A_458 = arith.muli %add3A_121, %mul3A_457 : i32
        %add3A_459 = arith.addi %sub3A_36, %mul3A_458 : i32
        %min3A_460 = arith.constant 319872 : i32
        %min3A_461 = arith.minsi %add3A_459, %min3A_460 : i32
        %multiple_of3A_462 = tpu.assume_multiple %min3A_461, 8 : i32
        %mul3A_463 = arith.constant 128 : i32
        %mul3A_464 = arith.muli %add3A_121, %mul3A_463 : i32
        %add3A_465 = arith.addi %sub3A_36, %mul3A_464 : i32
        %iota3A_466 = tpu.iota {dimensions = array<i32: 0>} : vector<16xi32>
        %add3A_467 = arith.constant 112 : i32
        %add3A_468 = arith.addi %multiple_of3A_462, %add3A_467 : i32
        %sub3A_469 = arith.constant 0 : i32
        %sub3A_470 = arith.subi %add3A_468, %sub3A_469 : i32
        %add3A_471 = vector.broadcast %sub3A_470 : i32 to vector<16xi32>
        %add3A_472 = arith.addi %iota3A_466, %add3A_471 : vector<16xi32>
        %ge3A_473 = vector.broadcast %add3A_30 : i32 to vector<16xi32>
        %ge3A_474 = arith.cmpi sge, %add3A_472, %ge3A_473 : vector<16xi32>
        %lt3A_475 = vector.broadcast %min3A : i32 to vector<16xi32>
        %lt3A_476 = arith.cmpi slt, %add3A_472, %lt3A_475 : vector<16xi32>
        %and3A_477 = arith.andi %ge3A_474, %lt3A_476 : vector<16xi1>
        %ge3A_478 = vector.broadcast %add3A_465 : i32 to vector<16xi32>
        %ge3A_479 = arith.cmpi sge, %add3A_472, %ge3A_478 : vector<16xi32>
        %and3A_480 = arith.andi %and3A_477, %ge3A_479 : vector<16xi1>
        %sub3A_481 = vector.broadcast %mul3A_38 : i32 to vector<16xi32>
        %sub3A_482 = arith.subi %get3A_456, %sub3A_481 : vector<16xi32>
        %jit3A_483 = arith.constant 5120 : i32
        %broadcast_in_dim3A_484 = vector.broadcast %jit3A_483 : i32 to vector<16xi32>
        %select_n3A_485 = arith.select %and3A_480, %sub3A_482, %broadcast_in_dim3A_484 : vector<16xi1>, vector<16xi32>
        %swap3A_486 = arith.constant 112 : index
        %swap3A_487 = tpu.vector_load %arg13[%swap3A_486] {strides = array<i32>} : memref<128xi32, #tpu.memory_space<vmem>>, vector<16xi32>,
        tpu.vector_store %arg13[%swap3A_486], %select_n3A_485 {strides = array<i32>} : memref<128xi32, #tpu.memory_space<vmem>>, vector<16xi32>,
        %dma_start3A_488 = arith.constant 0 : i32
        %dma_start3A_489 = arith.constant 0 : i32
        %dma_start3A_490 = tpu.memref_slice %arg33[%dma_start3A_488, %dma_start3A_489] : memref<5248x128xf32, #tpu.memory_space<vmem_shared>> -> memref<5248x128xf32, #tpu.memory_space<vmem_shared>>
        tpu.enqueue_indirect_dma source(%arg9 : memref<128x128xf32, #tpu.memory_space<vmem>>) target(%dma_start3A_490 : memref<5248x128xf32, #tpu.memory_space<vmem_shared>>) offsets(%arg13 : memref<128xi32, #tpu.memory_space<vmem>>) semaphore(%arg47 : memref<!tpu.dma_semaphore, #tpu.memory_space<semaphore_mem>>) {add = true}
      } else {
      }
      %mul3A_146 = arith.constant 4 : i32
      %mul3A_147 = arith.muli %mul3A_146, %scan3A_90 : i32
      %add3A_148 = arith.constant 2 : i32
      %add3A_149 = arith.addi %mul3A_147, %add3A_148 : i32
      %ge3A_150 = arith.constant 2 : i32
      %ge3A_151 = arith.cmpi sge, %add3A_149, %ge3A_150 : i32
      %sub3A_152 = arith.constant 2 : i32
      %sub3A_153 = arith.subi %add3A_149, %sub3A_152 : i32
      %le3A_154 = arith.cmpi sle, %sub3A_153, %select_n3A_27 : i32
      %and3A_155 = arith.andi %ge3A_151, %le3A_154 : i1
      %convert_element_type3A_156 = arith.extui %and3A_155 : i1 to i32
      %cond3A_157 = arith.constant 0 : i32
      %cond3A_158 = arith.cmpi ne, %convert_element_type3A_156, %cond3A_157 : i32
      scf.if %cond3A_158 {
        %get3A_202 = arith.constant 0 : index
        %get3A_203 = tpu.vector_load %arg28[%get3A_202] {strides = array<i32>} : memref<16xi32, #tpu.memory_space<vmem>>, vector<16xi32>,
        %slice3A_204 = vector.extract_strided_slice %get3A_203 {offsets = [0], sizes = [1], strides = [1]} : vector<16xi32> to vector<1xi32>
        %squeeze3A_205 = vector.extract %slice3A_204[0] : i32 from vector<1xi32>
        %lt3A_206 = arith.constant 16 : i32
        %lt3A_207 = arith.cmpi slt, %squeeze3A_205, %lt3A_206 : i32
        %convert_element_type3A_208 = arith.extui %lt3A_207 : i1 to i32
        %cond3A_209 = arith.constant 0 : i32
        %cond3A_210 = arith.cmpi ne, %convert_element_type3A_208, %cond3A_209 : i32
        scf.if %cond3A_210 {
          %dma_wait3A = arith.constant 0 : i32
          %dma_wait3A_216 = arith.constant 0 : i32
          %dma_wait3A_217 = tpu.memref_slice %arg33[%dma_wait3A, %dma_wait3A_216] : memref<5248x128xf32, #tpu.memory_space<vmem_shared>> -> memref<5248x128xf32, #tpu.memory_space<vmem_shared>>
          tpu.wait_indirect_dma semaphore(%arg50 : memref<!tpu.dma_semaphore, #tpu.memory_space<semaphore_mem>>) src(%arg20 : memref<16x128xf32, #tpu.memory_space<vmem>>) dst(%dma_wait3A_217 : memref<5248x128xf32, #tpu.memory_space<vmem_shared>>)
        } else {
        }
        %ge3A_211 = arith.constant 16 : i32
        %ge3A_212 = arith.cmpi sge, %squeeze3A_205, %ge3A_211 : i32
        %convert_element_type3A_213 = arith.extui %ge3A_212 : i1 to i32
        %cond3A_214 = arith.constant 0 : i32
        %cond3A_215 = arith.cmpi ne, %convert_element_type3A_213, %cond3A_214 : i32
        scf.if %cond3A_215 {
          %dma_wait3A = arith.constant 0 : i32
          %dma_wait3A_216 = arith.constant 0 : i32
          %dma_wait3A_217 = tpu.memref_slice %arg33[%dma_wait3A, %dma_wait3A_216] : memref<5248x128xf32, #tpu.memory_space<vmem_shared>> -> memref<5248x128xf32, #tpu.memory_space<vmem_shared>>
          tpu.wait_indirect_dma semaphore(%arg46 : memref<!tpu.dma_semaphore, #tpu.memory_space<semaphore_mem>>) src(%arg8 : memref<128x128xf32, #tpu.memory_space<vmem>>) dst(%dma_wait3A_217 : memref<5248x128xf32, #tpu.memory_space<vmem_shared>>)
        } else {
        }
      } else {
      }
      %add3A_159 = arith.constant 2 : i32
      %add3A_160 = arith.addi %add3A_149, %add3A_159 : i32
      %ge3A_161 = arith.constant 2 : i32
      %ge3A_162 = arith.cmpi sge, %add3A_160, %ge3A_161 : i32
      %add3A_163 = arith.constant 2 : i32
      %add3A_164 = arith.addi %add3A_149, %add3A_163 : i32
      %le3A_165 = arith.cmpi sle, %add3A_164, %select_n3A_27 : i32
      %and3A_166 = arith.andi %ge3A_162, %le3A_165 : i1
      %convert_element_type3A_167 = arith.extui %and3A_166 : i1 to i32
      %cond3A_168 = arith.constant 0 : i32
      %cond3A_169 = arith.cmpi ne, %convert_element_type3A_167, %cond3A_168 : i32
      scf.if %cond3A_169 {
        %add3A_202 = arith.constant 2 : i32
        %add3A_203 = arith.addi %add3A_149, %add3A_202 : i32
        %mul3A_204 = arith.constant 128 : i32
        %mul3A_205 = arith.muli %add3A_203, %mul3A_204 : i32
        %add3A_206 = arith.addi %sub3A_36, %mul3A_205 : i32
        %min3A_207 = arith.constant 319872 : i32
        %min3A_208 = arith.minsi %add3A_206, %min3A_207 : i32
        %multiple_of3A_209 = tpu.assume_multiple %min3A_208, 8 : i32
        %dma_start3A_210 = arith.constant 0 : i32
        %dma_start3A_211 = tpu.memref_slice %arg2[%multiple_of3A_209, %dma_start3A_210] : memref<320000x128xf32, #tpu.memory_space<hbm>> -> memref<128x128xf32, #tpu.memory_space<hbm>>
        %dma_start3A_212 = arith.constant 0 : i32
        %dma_start3A_213 = tpu.memref_slice %arg2[%multiple_of3A_209, %dma_start3A_212] : memref<320000x128xf32, #tpu.memory_space<hbm>> -> memref<128x128xf32, #tpu.memory_space<hbm>>
        tpu.enqueue_dma source(%dma_start3A_213 : memref<128x128xf32, #tpu.memory_space<hbm>>) target(%arg8 : memref<128x128xf32, #tpu.memory_space<vmem>>) target_semaphore(%arg34 : memref<!tpu.dma_semaphore, #tpu.memory_space<semaphore_mem>>)
        %mul3A_214 = arith.constant 128 : i32
        %mul3A_215 = arith.muli %add3A_203, %mul3A_214 : i32
        %add3A_216 = arith.addi %sub3A_36, %mul3A_215 : i32
        %min3A_217 = arith.constant 319872 : i32
        %min3A_218 = arith.minsi %add3A_216, %min3A_217 : i32
        %multiple_of3A_219 = tpu.assume_multiple %min3A_218, 8 : i32
        %dma_start3A_220 = tpu.memref_slice %arg3[%multiple_of3A_219] : memref<320000xi32, #tpu.memory_space<hbm>> -> memref<128xi32, #tpu.memory_space<hbm>>
        %dma_start3A_221 = tpu.memref_slice %arg3[%multiple_of3A_219] : memref<320000xi32, #tpu.memory_space<hbm>> -> memref<128xi32, #tpu.memory_space<hbm>>
        tpu.enqueue_dma source(%dma_start3A_221 : memref<128xi32, #tpu.memory_space<hbm>>) target(%arg12 : memref<128xi32, #tpu.memory_space<vmem>>) target_semaphore(%arg38 : memref<!tpu.dma_semaphore, #tpu.memory_space<semaphore_mem>>)
        %mul3A_222 = arith.constant 128 : i32
        %mul3A_223 = arith.muli %add3A_203, %mul3A_222 : i32
        %add3A_224 = arith.addi %sub3A_36, %mul3A_223 : i32
        %min3A_225 = arith.constant 319872 : i32
        %min3A_226 = arith.minsi %add3A_224, %min3A_225 : i32
        %multiple_of3A_227 = tpu.assume_multiple %min3A_226, 8 : i32
        %dma_start3A_228 = tpu.memref_slice %arg4[%multiple_of3A_227] : memref<320000xi32, #tpu.memory_space<hbm>> -> memref<128xi32, #tpu.memory_space<hbm>>
        %dma_start3A_229 = tpu.memref_slice %arg4[%multiple_of3A_227] : memref<320000xi32, #tpu.memory_space<hbm>> -> memref<128xi32, #tpu.memory_space<hbm>>
        tpu.enqueue_dma source(%dma_start3A_229 : memref<128xi32, #tpu.memory_space<hbm>>) target(%arg16 : memref<128xi32, #tpu.memory_space<vmem>>) target_semaphore(%arg42 : memref<!tpu.dma_semaphore, #tpu.memory_space<semaphore_mem>>)
      } else {
      }
      %le3A_170 = arith.cmpi sle, %add3A_149, %select_n3A_27 : i32
      %convert_element_type3A_171 = arith.extui %le3A_170 : i1 to i32
      %cond3A_172 = arith.constant 0 : i32
      %cond3A_173 = arith.cmpi ne, %convert_element_type3A_171, %cond3A_172 : i32
      scf.if %cond3A_173 {
        %mul3A_202 = arith.constant 128 : i32
        %mul3A_203 = arith.muli %add3A_149, %mul3A_202 : i32
        %add3A_204 = arith.addi %sub3A_36, %mul3A_203 : i32
        %min3A_205 = arith.constant 319872 : i32
        %min3A_206 = arith.minsi %add3A_204, %min3A_205 : i32
        %multiple_of3A_207 = tpu.assume_multiple %min3A_206, 8 : i32
        %dma_wait3A = arith.constant 0 : i32
        %dma_wait3A_208 = tpu.memref_slice %arg2[%multiple_of3A_207, %dma_wait3A] : memref<320000x128xf32, #tpu.memory_space<hbm>> -> memref<128x128xf32, #tpu.memory_space<hbm>>
        %dma_wait3A_209 = arith.constant 0 : i32
        %dma_wait3A_210 = tpu.memref_slice %arg2[%multiple_of3A_207, %dma_wait3A_209] : memref<320000x128xf32, #tpu.memory_space<hbm>> -> memref<128x128xf32, #tpu.memory_space<hbm>>
        tpu.wait_dma2 semaphore(%arg36 : memref<!tpu.dma_semaphore, #tpu.memory_space<semaphore_mem>>) src(%dma_wait3A_210 : memref<128x128xf32, #tpu.memory_space<hbm>>) dst(%arg10 : memref<128x128xf32, #tpu.memory_space<vmem>>)
        %mul3A_211 = arith.constant 128 : i32
        %mul3A_212 = arith.muli %add3A_149, %mul3A_211 : i32
        %add3A_213 = arith.addi %sub3A_36, %mul3A_212 : i32
        %min3A_214 = arith.constant 319872 : i32
        %min3A_215 = arith.minsi %add3A_213, %min3A_214 : i32
        %multiple_of3A_216 = tpu.assume_multiple %min3A_215, 8 : i32
        %dma_wait3A_217 = tpu.memref_slice %arg3[%multiple_of3A_216] : memref<320000xi32, #tpu.memory_space<hbm>> -> memref<128xi32, #tpu.memory_space<hbm>>
        %dma_wait3A_218 = tpu.memref_slice %arg3[%multiple_of3A_216] : memref<320000xi32, #tpu.memory_space<hbm>> -> memref<128xi32, #tpu.memory_space<hbm>>
        tpu.wait_dma2 semaphore(%arg40 : memref<!tpu.dma_semaphore, #tpu.memory_space<semaphore_mem>>) src(%dma_wait3A_218 : memref<128xi32, #tpu.memory_space<hbm>>) dst(%arg14 : memref<128xi32, #tpu.memory_space<vmem>>)
        %mul3A_219 = arith.constant 128 : i32
        %mul3A_220 = arith.muli %add3A_149, %mul3A_219 : i32
        %add3A_221 = arith.addi %sub3A_36, %mul3A_220 : i32
        %min3A_222 = arith.constant 319872 : i32
        %min3A_223 = arith.minsi %add3A_221, %min3A_222 : i32
        %multiple_of3A_224 = tpu.assume_multiple %min3A_223, 8 : i32
        %dma_wait3A_225 = tpu.memref_slice %arg4[%multiple_of3A_224] : memref<320000xi32, #tpu.memory_space<hbm>> -> memref<128xi32, #tpu.memory_space<hbm>>
        %dma_wait3A_226 = tpu.memref_slice %arg4[%multiple_of3A_224] : memref<320000xi32, #tpu.memory_space<hbm>> -> memref<128xi32, #tpu.memory_space<hbm>>
        tpu.wait_dma2 semaphore(%arg44 : memref<!tpu.dma_semaphore, #tpu.memory_space<semaphore_mem>>) src(%dma_wait3A_226 : memref<128xi32, #tpu.memory_space<hbm>>) dst(%arg18 : memref<128xi32, #tpu.memory_space<vmem>>)
        %broadcast_in_dim3A = arith.constant 5120 : i32
        %broadcast_in_dim3A_227 = vector.broadcast %broadcast_in_dim3A : i32 to vector<16xi32>
        %swap3A = arith.constant 0 : index
        %swap3A_228 = tpu.vector_load %arg26[%swap3A] {strides = array<i32>} : memref<16xi32, #tpu.memory_space<vmem>>, vector<16xi32>,
        tpu.vector_store %arg26[%swap3A], %broadcast_in_dim3A_227 {strides = array<i32>} : memref<16xi32, #tpu.memory_space<vmem>>, vector<16xi32>,
        %broadcast_in_dim3A_229 = arith.constant 0.000000e+00 : f32
        %broadcast_in_dim3A_230 = vector.broadcast %broadcast_in_dim3A_229 : f32 to vector<16xf32>
        %broadcast_in_dim3A_231 = arith.constant 0.000000e+00 : f32
        %broadcast_in_dim3A_232 = vector.broadcast %broadcast_in_dim3A_231 : f32 to vector<16xf32>
        %broadcast_in_dim3A_233 = arith.constant 0.000000e+00 : f32
        %broadcast_in_dim3A_234 = vector.broadcast %broadcast_in_dim3A_233 : f32 to vector<16xf32>
        %broadcast_in_dim3A_235 = arith.constant 0.000000e+00 : f32
        %broadcast_in_dim3A_236 = vector.broadcast %broadcast_in_dim3A_235 : f32 to vector<16xf32>
        %broadcast_in_dim3A_237 = arith.constant 0.000000e+00 : f32
        %broadcast_in_dim3A_238 = vector.broadcast %broadcast_in_dim3A_237 : f32 to vector<16xf32>
        %broadcast_in_dim3A_239 = arith.constant 0.000000e+00 : f32
        %broadcast_in_dim3A_240 = vector.broadcast %broadcast_in_dim3A_239 : f32 to vector<16xf32>
        %broadcast_in_dim3A_241 = arith.constant 0.000000e+00 : f32
        %broadcast_in_dim3A_242 = vector.broadcast %broadcast_in_dim3A_241 : f32 to vector<16xf32>
        %broadcast_in_dim3A_243 = arith.constant 0.000000e+00 : f32
        %broadcast_in_dim3A_244 = vector.broadcast %broadcast_in_dim3A_243 : f32 to vector<16xf32>
        %scan3A_245 = arith.constant 0 : i32
        %scan3A_246 = arith.constant 0 : i32
        %scan3A_247 = arith.constant 8 : i32
        %scan3A_248 = arith.addi %scan3A_246, %scan3A_247 : i32
        %scan3A_249 = arith.constant 1 : i32
        %scan3A_250:9 = scf.for %scan3A_265 = %scan3A_246 to %scan3A_248 step %scan3A_249 iter_args(%scan3A_266 = %scan3A_245, %scan3A_267 = %broadcast_in_dim3A_230, %scan3A_268 = %broadcast_in_dim3A_232, %scan3A_269 = %broadcast_in_dim3A_234, %scan3A_270 = %broadcast_in_dim3A_236, %scan3A_271 = %broadcast_in_dim3A_238, %scan3A_272 = %broadcast_in_dim3A_240, %scan3A_273 = %broadcast_in_dim3A_242, %scan3A_274 = %broadcast_in_dim3A_244) -> (i32, vector<16xf32>, vector<16xf32>, vector<16xf32>, vector<16xf32>, vector<16xf32>, vector<16xf32>, vector<16xf32>, vector<16xf32>)  : i32 {
          %mul3A_275 = arith.constant 16 : i32
          %mul3A_276 = arith.muli %scan3A_265, %mul3A_275 : i32
          %mul3A_277 = arith.constant 128 : i32
          %mul3A_278 = arith.muli %add3A_149, %mul3A_277 : i32
          %add3A_279 = arith.addi %sub3A_36, %mul3A_278 : i32
          %min3A_280 = arith.constant 319872 : i32
          %min3A_281 = arith.minsi %add3A_279, %min3A_280 : i32
          %multiple_of3A_282 = tpu.assume_multiple %min3A_281, 8 : i32
          %mul3A_283 = arith.constant 128 : i32
          %mul3A_284 = arith.muli %add3A_149, %mul3A_283 : i32
          %add3A_285 = arith.addi %sub3A_36, %mul3A_284 : i32
          %iota3A = tpu.iota {dimensions = array<i32: 0>} : vector<16xi32>
          %mul3A_286 = arith.constant 16 : i32
          %mul3A_287 = arith.muli %scan3A_265, %mul3A_286 : i32
          %add3A_288 = arith.addi %multiple_of3A_282, %mul3A_287 : i32
          %sub3A_289 = arith.constant 0 : i32
          %sub3A_290 = arith.subi %add3A_288, %sub3A_289 : i32
          %add3A_291 = vector.broadcast %sub3A_290 : i32 to vector<16xi32>
          %add3A_292 = arith.addi %iota3A, %add3A_291 : vector<16xi32>
          %ge3A_293 = vector.broadcast %add3A_30 : i32 to vector<16xi32>
          %ge3A_294 = arith.cmpi sge, %add3A_292, %ge3A_293 : vector<16xi32>
          %lt3A_295 = vector.broadcast %min3A : i32 to vector<16xi32>
          %lt3A_296 = arith.cmpi slt, %add3A_292, %lt3A_295 : vector<16xi32>
          %and3A_297 = arith.andi %ge3A_294, %lt3A_296 : vector<16xi1>
          %ge3A_298 = vector.broadcast %add3A_285 : i32 to vector<16xi32>
          %ge3A_299 = arith.cmpi sge, %add3A_292, %ge3A_298 : vector<16xi32>
          %and3A_300 = arith.andi %and3A_297, %ge3A_299 : vector<16xi1>
          %convert_element_type3A_301 = arith.extui %and3A_300 : vector<16xi1> to vector<16xi32>
          %sub3A_302 = arith.constant 1 : i32
          %sub3A_303 = vector.broadcast %sub3A_302 : i32 to vector<16xi32>
          %sub3A_304 = arith.subi %sub3A_303, %convert_element_type3A_301 : vector<16xi32>
          %mul3A_305 = arith.constant 128 : i32
          %mul3A_306 = arith.muli %add3A_149, %mul3A_305 : i32
          %add3A_307 = arith.addi %sub3A_36, %mul3A_306 : i32
          %min3A_308 = arith.constant 319872 : i32
          %min3A_309 = arith.minsi %add3A_307, %min3A_308 : i32
          %multiple_of3A_310 = tpu.assume_multiple %min3A_309, 8 : i32
          %mul3A_311 = arith.constant 128 : i32
          %mul3A_312 = arith.muli %add3A_149, %mul3A_311 : i32
          %add3A_313 = arith.addi %sub3A_36, %mul3A_312 : i32
          %iota3A_314 = tpu.iota {dimensions = array<i32: 0>} : vector<16xi32>
          %mul3A_315 = arith.constant 16 : i32
          %mul3A_316 = arith.muli %scan3A_265, %mul3A_315 : i32
          %add3A_317 = arith.addi %multiple_of3A_310, %mul3A_316 : i32
          %sub3A_318 = arith.constant 1 : i32
          %sub3A_319 = arith.subi %add3A_317, %sub3A_318 : i32
          %add3A_320 = vector.broadcast %sub3A_319 : i32 to vector<16xi32>
          %add3A_321 = arith.addi %iota3A_314, %add3A_320 : vector<16xi32>
          %ge3A_322 = vector.broadcast %add3A_30 : i32 to vector<16xi32>
          %ge3A_323 = arith.cmpi sge, %add3A_321, %ge3A_322 : vector<16xi32>
          %lt3A_324 = vector.broadcast %min3A : i32 to vector<16xi32>
          %lt3A_325 = arith.cmpi slt, %add3A_321, %lt3A_324 : vector<16xi32>
          %and3A_326 = arith.andi %ge3A_323, %lt3A_325 : vector<16xi1>
          %ge3A_327 = vector.broadcast %add3A_313 : i32 to vector<16xi32>
          %ge3A_328 = arith.cmpi sge, %add3A_321, %ge3A_327 : vector<16xi32>
          %and3A_329 = arith.andi %and3A_326, %ge3A_328 : vector<16xi1>
          %convert_element_type3A_330 = arith.extui %and3A_329 : vector<16xi1> to vector<16xi32>
          %sub3A_331 = arith.constant 1 : i32
          %sub3A_332 = vector.broadcast %sub3A_331 : i32 to vector<16xi32>
          %sub3A_333 = arith.subi %sub3A_332, %convert_element_type3A_330 : vector<16xi32>
          %get3A_334 = arith.index_cast %mul3A_276 : i32 to index
          %get3A_335 = tpu.vector_load %arg14[%get3A_334] {strides = array<i32>} : memref<128xi32, #tpu.memory_space<vmem>>, vector<16xi32>,
          %mul3A_336 = arith.constant 20000 : i32
          %mul3A_337 = vector.broadcast %mul3A_336 : i32 to vector<16xi32>
          %mul3A_338 = arith.muli %sub3A_304, %mul3A_337 : vector<16xi32>
          %add3A_339 = arith.addi %get3A_335, %mul3A_338 : vector<16xi32>
          %get3A_340 = arith.index_cast %mul3A_276 : i32 to index
          %get3A_341 = tpu.vector_load %arg18[%get3A_340] {strides = array<i32>} : memref<128xi32, #tpu.memory_space<vmem>>, vector<16xi32>,
          %mul3A_342 = arith.constant 20000 : i32
          %mul3A_343 = vector.broadcast %mul3A_342 : i32 to vector<16xi32>
          %mul3A_344 = arith.muli %sub3A_333, %mul3A_343 : vector<16xi32>
          %add3A_345 = arith.addi %get3A_341, %mul3A_344 : vector<16xi32>
          %ne3A_346 = arith.cmpi ne, %add3A_339, %add3A_345 : vector<16xi32>
          %convert_element_type3A_347 = arith.extui %ne3A_346 : vector<16xi1> to vector<16xi32>
          %broadcast_in_dim3A_348 = arith.constant true
          %broadcast_in_dim3A_349 = vector.broadcast %broadcast_in_dim3A_348 : i1 to vector<16xi1>
          %masked_cumsum3A = tpu.scan <sum>, %convert_element_type3A_347 masked %broadcast_in_dim3A_349 : vector<16xi32>, vector<16xi1> -> vector<16xi32>
          %add3A_350 = vector.broadcast %scan3A_266 : i32 to vector<16xi32>
          %add3A_351 = arith.addi %add3A_350, %masked_cumsum3A : vector<16xi32>
          %min3A_352 = arith.constant 15 : i32
          %min3A_353 = vector.broadcast %min3A_352 : i32 to vector<16xi32>
          %min3A_354 = arith.minsi %add3A_351, %min3A_353 : vector<16xi32>
          %sub3A_355 = vector.broadcast %mul3A_38 : i32 to vector<16xi32>
          %sub3A_356 = arith.subi %add3A_339, %sub3A_355 : vector<16xi32>
          %jit3A_357 = arith.constant 0 : i32
          %jit3A_358 = arith.constant 5120 : i32
          %max3A = vector.broadcast %jit3A_357 : i32 to vector<16xi32>
          %max3A_359 = arith.maxsi %max3A, %sub3A_356 : vector<16xi32>
          %min3A_360 = vector.broadcast %jit3A_358 : i32 to vector<16xi32>
          %min3A_361 = arith.minsi %min3A_360, %max3A_359 : vector<16xi32>
          tpu.vector_store_idx %arg26[%min3A_354], %min3A_361 : memref<16xi32, #tpu.memory_space<vmem>>[vector<16xi32>], vector<16xi32>,
          %slice3A_362 = vector.extract_strided_slice %convert_element_type3A_347 {offsets = [0], sizes = [1], strides = [1]} : vector<16xi32> to vector<1xi32>
          %squeeze3A_363 = vector.extract %slice3A_362[0] : i32 from vector<1xi32>
          %ne3A_364 = arith.constant 0 : i32
          %ne3A_365 = arith.cmpi ne, %squeeze3A_363, %ne3A_364 : i32
          %slice3A_366 = vector.extract_strided_slice %min3A_354 {offsets = [0], sizes = [1], strides = [1]} : vector<16xi32> to vector<1xi32>
          %squeeze3A_367 = vector.extract %slice3A_366[0] : i32 from vector<1xi32>
          %add3A_368 = arith.constant 0 : i32
          %add3A_369 = arith.addi %mul3A_276, %add3A_368 : i32
          %get3A_370 = arith.index_cast %add3A_369 : i32 to index
          %get3A_371 = arith.constant 0 : index
          %get3A_372 = tpu.vector_load %arg10[%get3A_370, %get3A_371] {strides = array<i32>} : memref<128x128xf32, #tpu.memory_space<vmem>>, vector<16xf32>,
          %add3A_373 = arith.constant 0 : i32
          %add3A_374 = arith.addi %mul3A_276, %add3A_373 : i32
          %get3A_375 = arith.index_cast %add3A_374 : i32 to index
          %get3A_376 = arith.constant 16 : index
          %get3A_377 = tpu.vector_load %arg10[%get3A_375, %get3A_376] {strides = array<i32>} : memref<128x128xf32, #tpu.memory_space<vmem>>, vector<16xf32>,
          %add3A_378 = arith.constant 0 : i32
          %add3A_379 = arith.addi %mul3A_276, %add3A_378 : i32
          %get3A_380 = arith.index_cast %add3A_379 : i32 to index
          %get3A_381 = arith.constant 32 : index
          %get3A_382 = tpu.vector_load %arg10[%get3A_380, %get3A_381] {strides = array<i32>} : memref<128x128xf32, #tpu.memory_space<vmem>>, vector<16xf32>,
          %add3A_383 = arith.constant 0 : i32
          %add3A_384 = arith.addi %mul3A_276, %add3A_383 : i32
          %get3A_385 = arith.index_cast %add3A_384 : i32 to index
          %get3A_386 = arith.constant 48 : index
          %get3A_387 = tpu.vector_load %arg10[%get3A_385, %get3A_386] {strides = array<i32>} : memref<128x128xf32, #tpu.memory_space<vmem>>, vector<16xf32>,
          %add3A_388 = arith.constant 0 : i32
          %add3A_389 = arith.addi %mul3A_276, %add3A_388 : i32
          %get3A_390 = arith.index_cast %add3A_389 : i32 to index
          %get3A_391 = arith.constant 64 : index
          %get3A_392 = tpu.vector_load %arg10[%get3A_390, %get3A_391] {strides = array<i32>} : memref<128x128xf32, #tpu.memory_space<vmem>>, vector<16xf32>,
          %add3A_393 = arith.constant 0 : i32
          %add3A_394 = arith.addi %mul3A_276, %add3A_393 : i32
          %get3A_395 = arith.index_cast %add3A_394 : i32 to index
          %get3A_396 = arith.constant 80 : index
          %get3A_397 = tpu.vector_load %arg10[%get3A_395, %get3A_396] {strides = array<i32>} : memref<128x128xf32, #tpu.memory_space<vmem>>, vector<16xf32>,
          %add3A_398 = arith.constant 0 : i32
          %add3A_399 = arith.addi %mul3A_276, %add3A_398 : i32
          %get3A_400 = arith.index_cast %add3A_399 : i32 to index
          %get3A_401 = arith.constant 96 : index
          %get3A_402 = tpu.vector_load %arg10[%get3A_400, %get3A_401] {strides = array<i32>} : memref<128x128xf32, #tpu.memory_space<vmem>>, vector<16xf32>,
          %add3A_403 = arith.constant 0 : i32
          %add3A_404 = arith.addi %mul3A_276, %add3A_403 : i32
          %get3A_405 = arith.index_cast %add3A_404 : i32 to index
          %get3A_406 = arith.constant 112 : index
          %get3A_407 = tpu.vector_load %arg10[%get3A_405, %get3A_406] {strides = array<i32>} : memref<128x128xf32, #tpu.memory_space<vmem>>, vector<16xf32>,
          %add3A_408 = arith.addf %scan3A_267, %get3A_372 : vector<16xf32>
          %select_n3A_409 = arith.select %ne3A_365, %get3A_372, %add3A_408 : vector<16xf32>
          %add3A_410 = arith.addf %scan3A_268, %get3A_377 : vector<16xf32>
          %select_n3A_411 = arith.select %ne3A_365, %get3A_377, %add3A_410 : vector<16xf32>
          %add3A_412 = arith.addf %scan3A_269, %get3A_382 : vector<16xf32>
          %select_n3A_413 = arith.select %ne3A_365, %get3A_382, %add3A_412 : vector<16xf32>
          %add3A_414 = arith.addf %scan3A_270, %get3A_387 : vector<16xf32>
          %select_n3A_415 = arith.select %ne3A_365, %get3A_387, %add3A_414 : vector<16xf32>
          %add3A_416 = arith.addf %scan3A_271, %get3A_392 : vector<16xf32>
          %select_n3A_417 = arith.select %ne3A_365, %get3A_392, %add3A_416 : vector<16xf32>
          %add3A_418 = arith.addf %scan3A_272, %get3A_397 : vector<16xf32>
          %select_n3A_419 = arith.select %ne3A_365, %get3A_397, %add3A_418 : vector<16xf32>
          %add3A_420 = arith.addf %scan3A_273, %get3A_402 : vector<16xf32>
          %select_n3A_421 = arith.select %ne3A_365, %get3A_402, %add3A_420 : vector<16xf32>
          %add3A_422 = arith.addf %scan3A_274, %get3A_407 : vector<16xf32>
          %select_n3A_423 = arith.select %ne3A_365, %get3A_407, %add3A_422 : vector<16xf32>
          %swap3A_424 = arith.index_cast %squeeze3A_367 : i32 to index
          %swap3A_425 = arith.constant 0 : index
          %swap3A_426 = tpu.vector_load %arg22[%swap3A_424, %swap3A_425] {strides = array<i32>} : memref<16x128xf32, #tpu.memory_space<vmem>>, vector<16xf32>,
          tpu.vector_store %arg22[%swap3A_424, %swap3A_425], %select_n3A_409 {strides = array<i32>} : memref<16x128xf32, #tpu.memory_space<vmem>>, vector<16xf32>,
          %swap3A_427 = arith.index_cast %squeeze3A_367 : i32 to index
          %swap3A_428 = arith.constant 16 : index
          %swap3A_429 = tpu.vector_load %arg22[%swap3A_427, %swap3A_428] {strides = array<i32>} : memref<16x128xf32, #tpu.memory_space<vmem>>, vector<16xf32>,
          tpu.vector_store %arg22[%swap3A_427, %swap3A_428], %select_n3A_411 {strides = array<i32>} : memref<16x128xf32, #tpu.memory_space<vmem>>, vector<16xf32>,
          %swap3A_430 = arith.index_cast %squeeze3A_367 : i32 to index
          %swap3A_431 = arith.constant 32 : index
          %swap3A_432 = tpu.vector_load %arg22[%swap3A_430, %swap3A_431] {strides = array<i32>} : memref<16x128xf32, #tpu.memory_space<vmem>>, vector<16xf32>,
          tpu.vector_store %arg22[%swap3A_430, %swap3A_431], %select_n3A_413 {strides = array<i32>} : memref<16x128xf32, #tpu.memory_space<vmem>>, vector<16xf32>,
          %swap3A_433 = arith.index_cast %squeeze3A_367 : i32 to index
          %swap3A_434 = arith.constant 48 : index
          %swap3A_435 = tpu.vector_load %arg22[%swap3A_433, %swap3A_434] {strides = array<i32>} : memref<16x128xf32, #tpu.memory_space<vmem>>, vector<16xf32>,
          tpu.vector_store %arg22[%swap3A_433, %swap3A_434], %select_n3A_415 {strides = array<i32>} : memref<16x128xf32, #tpu.memory_space<vmem>>, vector<16xf32>,
          %swap3A_436 = arith.index_cast %squeeze3A_367 : i32 to index
          %swap3A_437 = arith.constant 64 : index
          %swap3A_438 = tpu.vector_load %arg22[%swap3A_436, %swap3A_437] {strides = array<i32>} : memref<16x128xf32, #tpu.memory_space<vmem>>, vector<16xf32>,
          tpu.vector_store %arg22[%swap3A_436, %swap3A_437], %select_n3A_417 {strides = array<i32>} : memref<16x128xf32, #tpu.memory_space<vmem>>, vector<16xf32>,
          %swap3A_439 = arith.index_cast %squeeze3A_367 : i32 to index
          %swap3A_440 = arith.constant 80 : index
          %swap3A_441 = tpu.vector_load %arg22[%swap3A_439, %swap3A_440] {strides = array<i32>} : memref<16x128xf32, #tpu.memory_space<vmem>>, vector<16xf32>,
          tpu.vector_store %arg22[%swap3A_439, %swap3A_440], %select_n3A_419 {strides = array<i32>} : memref<16x128xf32, #tpu.memory_space<vmem>>, vector<16xf32>,
          %swap3A_442 = arith.index_cast %squeeze3A_367 : i32 to index
          %swap3A_443 = arith.constant 96 : index
          %swap3A_444 = tpu.vector_load %arg22[%swap3A_442, %swap3A_443] {strides = array<i32>} : memref<16x128xf32, #tpu.memory_space<vmem>>, vector<16xf32>,
          tpu.vector_store %arg22[%swap3A_442, %swap3A_443], %select_n3A_421 {strides = array<i32>} : memref<16x128xf32, #tpu.memory_space<vmem>>, vector<16xf32>,
          %swap3A_445 = arith.index_cast %squeeze3A_367 : i32 to index
          %swap3A_446 = arith.constant 112 : index
          %swap3A_447 = tpu.vector_load %arg22[%swap3A_445, %swap3A_446] {strides = array<i32>} : memref<16x128xf32, #tpu.memory_space<vmem>>, vector<16xf32>,
          tpu.vector_store %arg22[%swap3A_445, %swap3A_446], %select_n3A_423 {strides = array<i32>} : memref<16x128xf32, #tpu.memory_space<vmem>>, vector<16xf32>,
          %slice3A_448 = vector.extract_strided_slice %convert_element_type3A_347 {offsets = [1], sizes = [1], strides = [1]} : vector<16xi32> to vector<1xi32>
          %squeeze3A_449 = vector.extract %slice3A_448[0] : i32 from vector<1xi32>
          %ne3A_450 = arith.constant 0 : i32
          %ne3A_451 = arith.cmpi ne, %squeeze3A_449, %ne3A_450 : i32
          %slice3A_452 = vector.extract_strided_slice %min3A_354 {offsets = [1], sizes = [1], strides = [1]} : vector<16xi32> to vector<1xi32>
          %squeeze3A_453 = vector.extract %slice3A_452[0] : i32 from vector<1xi32>
          %add3A_454 = arith.constant 1 : i32
          %add3A_455 = arith.addi %mul3A_276, %add3A_454 : i32
          %get3A_456 = arith.index_cast %add3A_455 : i32 to index
          %get3A_457 = arith.constant 0 : index
          %get3A_458 = tpu.vector_load %arg10[%get3A_456, %get3A_457] {strides = array<i32>} : memref<128x128xf32, #tpu.memory_space<vmem>>, vector<16xf32>,
          %add3A_459 = arith.constant 1 : i32
          %add3A_460 = arith.addi %mul3A_276, %add3A_459 : i32
          %get3A_461 = arith.index_cast %add3A_460 : i32 to index
          %get3A_462 = arith.constant 16 : index
          %get3A_463 = tpu.vector_load %arg10[%get3A_461, %get3A_462] {strides = array<i32>} : memref<128x128xf32, #tpu.memory_space<vmem>>, vector<16xf32>,
          %add3A_464 = arith.constant 1 : i32
          %add3A_465 = arith.addi %mul3A_276, %add3A_464 : i32
          %get3A_466 = arith.index_cast %add3A_465 : i32 to index
          %get3A_467 = arith.constant 32 : index
          %get3A_468 = tpu.vector_load %arg10[%get3A_466, %get3A_467] {strides = array<i32>} : memref<128x128xf32, #tpu.memory_space<vmem>>, vector<16xf32>,
          %add3A_469 = arith.constant 1 : i32
          %add3A_470 = arith.addi %mul3A_276, %add3A_469 : i32
          %get3A_471 = arith.index_cast %add3A_470 : i32 to index
          %get3A_472 = arith.constant 48 : index
          %get3A_473 = tpu.vector_load %arg10[%get3A_471, %get3A_472] {strides = array<i32>} : memref<128x128xf32, #tpu.memory_space<vmem>>, vector<16xf32>,
          %add3A_474 = arith.constant 1 : i32
          %add3A_475 = arith.addi %mul3A_276, %add3A_474 : i32
          %get3A_476 = arith.index_cast %add3A_475 : i32 to index
          %get3A_477 = arith.constant 64 : index
          %get3A_478 = tpu.vector_load %arg10[%get3A_476, %get3A_477] {strides = array<i32>} : memref<128x128xf32, #tpu.memory_space<vmem>>, vector<16xf32>,
          %add3A_479 = arith.constant 1 : i32
          %add3A_480 = arith.addi %mul3A_276, %add3A_479 : i32
          %get3A_481 = arith.index_cast %add3A_480 : i32 to index
          %get3A_482 = arith.constant 80 : index
          %get3A_483 = tpu.vector_load %arg10[%get3A_481, %get3A_482] {strides = array<i32>} : memref<128x128xf32, #tpu.memory_space<vmem>>, vector<16xf32>,
          %add3A_484 = arith.constant 1 : i32
          %add3A_485 = arith.addi %mul3A_276, %add3A_484 : i32
          %get3A_486 = arith.index_cast %add3A_485 : i32 to index
          %get3A_487 = arith.constant 96 : index
          %get3A_488 = tpu.vector_load %arg10[%get3A_486, %get3A_487] {strides = array<i32>} : memref<128x128xf32, #tpu.memory_space<vmem>>, vector<16xf32>,
          %add3A_489 = arith.constant 1 : i32
          %add3A_490 = arith.addi %mul3A_276, %add3A_489 : i32
          %get3A_491 = arith.index_cast %add3A_490 : i32 to index
          %get3A_492 = arith.constant 112 : index
          %get3A_493 = tpu.vector_load %arg10[%get3A_491, %get3A_492] {strides = array<i32>} : memref<128x128xf32, #tpu.memory_space<vmem>>, vector<16xf32>,
          %add3A_494 = arith.addf %select_n3A_409, %get3A_458 : vector<16xf32>
          %select_n3A_495 = arith.select %ne3A_451, %get3A_458, %add3A_494 : vector<16xf32>
          %add3A_496 = arith.addf %select_n3A_411, %get3A_463 : vector<16xf32>
          %select_n3A_497 = arith.select %ne3A_451, %get3A_463, %add3A_496 : vector<16xf32>
          %add3A_498 = arith.addf %select_n3A_413, %get3A_468 : vector<16xf32>
          %select_n3A_499 = arith.select %ne3A_451, %get3A_468, %add3A_498 : vector<16xf32>
          %add3A_500 = arith.addf %select_n3A_415, %get3A_473 : vector<16xf32>
          %select_n3A_501 = arith.select %ne3A_451, %get3A_473, %add3A_500 : vector<16xf32>
          %add3A_502 = arith.addf %select_n3A_417, %get3A_478 : vector<16xf32>
          %select_n3A_503 = arith.select %ne3A_451, %get3A_478, %add3A_502 : vector<16xf32>
          %add3A_504 = arith.addf %select_n3A_419, %get3A_483 : vector<16xf32>
          %select_n3A_505 = arith.select %ne3A_451, %get3A_483, %add3A_504 : vector<16xf32>
          %add3A_506 = arith.addf %select_n3A_421, %get3A_488 : vector<16xf32>
          %select_n3A_507 = arith.select %ne3A_451, %get3A_488, %add3A_506 : vector<16xf32>
          %add3A_508 = arith.addf %select_n3A_423, %get3A_493 : vector<16xf32>
          %select_n3A_509 = arith.select %ne3A_451, %get3A_493, %add3A_508 : vector<16xf32>
          %swap3A_510 = arith.index_cast %squeeze3A_453 : i32 to index
          %swap3A_511 = arith.constant 0 : index
          %swap3A_512 = tpu.vector_load %arg22[%swap3A_510, %swap3A_511] {strides = array<i32>} : memref<16x128xf32, #tpu.memory_space<vmem>>, vector<16xf32>,
          tpu.vector_store %arg22[%swap3A_510, %swap3A_511], %select_n3A_495 {strides = array<i32>} : memref<16x128xf32, #tpu.memory_space<vmem>>, vector<16xf32>,
          %swap3A_513 = arith.index_cast %squeeze3A_453 : i32 to index
          %swap3A_514 = arith.constant 16 : index
          %swap3A_515 = tpu.vector_load %arg22[%swap3A_513, %swap3A_514] {strides = array<i32>} : memref<16x128xf32, #tpu.memory_space<vmem>>, vector<16xf32>,
          tpu.vector_store %arg22[%swap3A_513, %swap3A_514], %select_n3A_497 {strides = array<i32>} : memref<16x128xf32, #tpu.memory_space<vmem>>, vector<16xf32>,
          %swap3A_516 = arith.index_cast %squeeze3A_453 : i32 to index
          %swap3A_517 = arith.constant 32 : index
          %swap3A_518 = tpu.vector_load %arg22[%swap3A_516, %swap3A_517] {strides = array<i32>} : memref<16x128xf32, #tpu.memory_space<vmem>>, vector<16xf32>,
          tpu.vector_store %arg22[%swap3A_516, %swap3A_517], %select_n3A_499 {strides = array<i32>} : memref<16x128xf32, #tpu.memory_space<vmem>>, vector<16xf32>,
          %swap3A_519 = arith.index_cast %squeeze3A_453 : i32 to index
          %swap3A_520 = arith.constant 48 : index
          %swap3A_521 = tpu.vector_load %arg22[%swap3A_519, %swap3A_520] {strides = array<i32>} : memref<16x128xf32, #tpu.memory_space<vmem>>, vector<16xf32>,
          tpu.vector_store %arg22[%swap3A_519, %swap3A_520], %select_n3A_501 {strides = array<i32>} : memref<16x128xf32, #tpu.memory_space<vmem>>, vector<16xf32>,
          %swap3A_522 = arith.index_cast %squeeze3A_453 : i32 to index
          %swap3A_523 = arith.constant 64 : index
          %swap3A_524 = tpu.vector_load %arg22[%swap3A_522, %swap3A_523] {strides = array<i32>} : memref<16x128xf32, #tpu.memory_space<vmem>>, vector<16xf32>,
          tpu.vector_store %arg22[%swap3A_522, %swap3A_523], %select_n3A_503 {strides = array<i32>} : memref<16x128xf32, #tpu.memory_space<vmem>>, vector<16xf32>,
          %swap3A_525 = arith.index_cast %squeeze3A_453 : i32 to index
          %swap3A_526 = arith.constant 80 : index
          %swap3A_527 = tpu.vector_load %arg22[%swap3A_525, %swap3A_526] {strides = array<i32>} : memref<16x128xf32, #tpu.memory_space<vmem>>, vector<16xf32>,
          tpu.vector_store %arg22[%swap3A_525, %swap3A_526], %select_n3A_505 {strides = array<i32>} : memref<16x128xf32, #tpu.memory_space<vmem>>, vector<16xf32>,
          %swap3A_528 = arith.index_cast %squeeze3A_453 : i32 to index
          %swap3A_529 = arith.constant 96 : index
          %swap3A_530 = tpu.vector_load %arg22[%swap3A_528, %swap3A_529] {strides = array<i32>} : memref<16x128xf32, #tpu.memory_space<vmem>>, vector<16xf32>,
          tpu.vector_store %arg22[%swap3A_528, %swap3A_529], %select_n3A_507 {strides = array<i32>} : memref<16x128xf32, #tpu.memory_space<vmem>>, vector<16xf32>,
          %swap3A_531 = arith.index_cast %squeeze3A_453 : i32 to index
          %swap3A_532 = arith.constant 112 : index
          %swap3A_533 = tpu.vector_load %arg22[%swap3A_531, %swap3A_532] {strides = array<i32>} : memref<16x128xf32, #tpu.memory_space<vmem>>, vector<16xf32>,
          tpu.vector_store %arg22[%swap3A_531, %swap3A_532], %select_n3A_509 {strides = array<i32>} : memref<16x128xf32, #tpu.memory_space<vmem>>, vector<16xf32>,
          %slice3A_534 = vector.extract_strided_slice %convert_element_type3A_347 {offsets = [2], sizes = [1], strides = [1]} : vector<16xi32> to vector<1xi32>
          %squeeze3A_535 = vector.extract %slice3A_534[0] : i32 from vector<1xi32>
          %ne3A_536 = arith.constant 0 : i32
          %ne3A_537 = arith.cmpi ne, %squeeze3A_535, %ne3A_536 : i32
          %slice3A_538 = vector.extract_strided_slice %min3A_354 {offsets = [2], sizes = [1], strides = [1]} : vector<16xi32> to vector<1xi32>
          %squeeze3A_539 = vector.extract %slice3A_538[0] : i32 from vector<1xi32>
          %add3A_540 = arith.constant 2 : i32
          %add3A_541 = arith.addi %mul3A_276, %add3A_540 : i32
          %get3A_542 = arith.index_cast %add3A_541 : i32 to index
          %get3A_543 = arith.constant 0 : index
          %get3A_544 = tpu.vector_load %arg10[%get3A_542, %get3A_543] {strides = array<i32>} : memref<128x128xf32, #tpu.memory_space<vmem>>, vector<16xf32>,
          %add3A_545 = arith.constant 2 : i32
          %add3A_546 = arith.addi %mul3A_276, %add3A_545 : i32
          %get3A_547 = arith.index_cast %add3A_546 : i32 to index
          %get3A_548 = arith.constant 16 : index
          %get3A_549 = tpu.vector_load %arg10[%get3A_547, %get3A_548] {strides = array<i32>} : memref<128x128xf32, #tpu.memory_space<vmem>>, vector<16xf32>,
          %add3A_550 = arith.constant 2 : i32
          %add3A_551 = arith.addi %mul3A_276, %add3A_550 : i32
          %get3A_552 = arith.index_cast %add3A_551 : i32 to index
          %get3A_553 = arith.constant 32 : index
          %get3A_554 = tpu.vector_load %arg10[%get3A_552, %get3A_553] {strides = array<i32>} : memref<128x128xf32, #tpu.memory_space<vmem>>, vector<16xf32>,
          %add3A_555 = arith.constant 2 : i32
          %add3A_556 = arith.addi %mul3A_276, %add3A_555 : i32
          %get3A_557 = arith.index_cast %add3A_556 : i32 to index
          %get3A_558 = arith.constant 48 : index
          %get3A_559 = tpu.vector_load %arg10[%get3A_557, %get3A_558] {strides = array<i32>} : memref<128x128xf32, #tpu.memory_space<vmem>>, vector<16xf32>,
          %add3A_560 = arith.constant 2 : i32
          %add3A_561 = arith.addi %mul3A_276, %add3A_560 : i32
          %get3A_562 = arith.index_cast %add3A_561 : i32 to index
          %get3A_563 = arith.constant 64 : index
          %get3A_564 = tpu.vector_load %arg10[%get3A_562, %get3A_563] {strides = array<i32>} : memref<128x128xf32, #tpu.memory_space<vmem>>, vector<16xf32>,
          %add3A_565 = arith.constant 2 : i32
          %add3A_566 = arith.addi %mul3A_276, %add3A_565 : i32
          %get3A_567 = arith.index_cast %add3A_566 : i32 to index
          %get3A_568 = arith.constant 80 : index
          %get3A_569 = tpu.vector_load %arg10[%get3A_567, %get3A_568] {strides = array<i32>} : memref<128x128xf32, #tpu.memory_space<vmem>>, vector<16xf32>,
          %add3A_570 = arith.constant 2 : i32
          %add3A_571 = arith.addi %mul3A_276, %add3A_570 : i32
          %get3A_572 = arith.index_cast %add3A_571 : i32 to index
          %get3A_573 = arith.constant 96 : index
          %get3A_574 = tpu.vector_load %arg10[%get3A_572, %get3A_573] {strides = array<i32>} : memref<128x128xf32, #tpu.memory_space<vmem>>, vector<16xf32>,
          %add3A_575 = arith.constant 2 : i32
          %add3A_576 = arith.addi %mul3A_276, %add3A_575 : i32
          %get3A_577 = arith.index_cast %add3A_576 : i32 to index
          %get3A_578 = arith.constant 112 : index
          %get3A_579 = tpu.vector_load %arg10[%get3A_577, %get3A_578] {strides = array<i32>} : memref<128x128xf32, #tpu.memory_space<vmem>>, vector<16xf32>,
          %add3A_580 = arith.addf %select_n3A_495, %get3A_544 : vector<16xf32>
          %select_n3A_581 = arith.select %ne3A_537, %get3A_544, %add3A_580 : vector<16xf32>
          %add3A_582 = arith.addf %select_n3A_497, %get3A_549 : vector<16xf32>
          %select_n3A_583 = arith.select %ne3A_537, %get3A_549, %add3A_582 : vector<16xf32>
          %add3A_584 = arith.addf %select_n3A_499, %get3A_554 : vector<16xf32>
          %select_n3A_585 = arith.select %ne3A_537, %get3A_554, %add3A_584 : vector<16xf32>
          %add3A_586 = arith.addf %select_n3A_501, %get3A_559 : vector<16xf32>
          %select_n3A_587 = arith.select %ne3A_537, %get3A_559, %add3A_586 : vector<16xf32>
          %add3A_588 = arith.addf %select_n3A_503, %get3A_564 : vector<16xf32>
          %select_n3A_589 = arith.select %ne3A_537, %get3A_564, %add3A_588 : vector<16xf32>
          %add3A_590 = arith.addf %select_n3A_505, %get3A_569 : vector<16xf32>
          %select_n3A_591 = arith.select %ne3A_537, %get3A_569, %add3A_590 : vector<16xf32>
          %add3A_592 = arith.addf %select_n3A_507, %get3A_574 : vector<16xf32>
          %select_n3A_593 = arith.select %ne3A_537, %get3A_574, %add3A_592 : vector<16xf32>
          %add3A_594 = arith.addf %select_n3A_509, %get3A_579 : vector<16xf32>
          %select_n3A_595 = arith.select %ne3A_537, %get3A_579, %add3A_594 : vector<16xf32>
          %swap3A_596 = arith.index_cast %squeeze3A_539 : i32 to index
          %swap3A_597 = arith.constant 0 : index
          %swap3A_598 = tpu.vector_load %arg22[%swap3A_596, %swap3A_597] {strides = array<i32>} : memref<16x128xf32, #tpu.memory_space<vmem>>, vector<16xf32>,
          tpu.vector_store %arg22[%swap3A_596, %swap3A_597], %select_n3A_581 {strides = array<i32>} : memref<16x128xf32, #tpu.memory_space<vmem>>, vector<16xf32>,
          %swap3A_599 = arith.index_cast %squeeze3A_539 : i32 to index
          %swap3A_600 = arith.constant 16 : index
          %swap3A_601 = tpu.vector_load %arg22[%swap3A_599, %swap3A_600] {strides = array<i32>} : memref<16x128xf32, #tpu.memory_space<vmem>>, vector<16xf32>,
          tpu.vector_store %arg22[%swap3A_599, %swap3A_600], %select_n3A_583 {strides = array<i32>} : memref<16x128xf32, #tpu.memory_space<vmem>>, vector<16xf32>,
          %swap3A_602 = arith.index_cast %squeeze3A_539 : i32 to index
          %swap3A_603 = arith.constant 32 : index
          %swap3A_604 = tpu.vector_load %arg22[%swap3A_602, %swap3A_603] {strides = array<i32>} : memref<16x128xf32, #tpu.memory_space<vmem>>, vector<16xf32>,
          tpu.vector_store %arg22[%swap3A_602, %swap3A_603], %select_n3A_585 {strides = array<i32>} : memref<16x128xf32, #tpu.memory_space<vmem>>, vector<16xf32>,
          %swap3A_605 = arith.index_cast %squeeze3A_539 : i32 to index
          %swap3A_606 = arith.constant 48 : index
          %swap3A_607 = tpu.vector_load %arg22[%swap3A_605, %swap3A_606] {strides = array<i32>} : memref<16x128xf32, #tpu.memory_space<vmem>>, vector<16xf32>,
          tpu.vector_store %arg22[%swap3A_605, %swap3A_606], %select_n3A_587 {strides = array<i32>} : memref<16x128xf32, #tpu.memory_space<vmem>>, vector<16xf32>,
          %swap3A_608 = arith.index_cast %squeeze3A_539 : i32 to index
          %swap3A_609 = arith.constant 64 : index
          %swap3A_610 = tpu.vector_load %arg22[%swap3A_608, %swap3A_609] {strides = array<i32>} : memref<16x128xf32, #tpu.memory_space<vmem>>, vector<16xf32>,
          tpu.vector_store %arg22[%swap3A_608, %swap3A_609], %select_n3A_589 {strides = array<i32>} : memref<16x128xf32, #tpu.memory_space<vmem>>, vector<16xf32>,
          %swap3A_611 = arith.index_cast %squeeze3A_539 : i32 to index
          %swap3A_612 = arith.constant 80 : index
          %swap3A_613 = tpu.vector_load %arg22[%swap3A_611, %swap3A_612] {strides = array<i32>} : memref<16x128xf32, #tpu.memory_space<vmem>>, vector<16xf32>,
          tpu.vector_store %arg22[%swap3A_611, %swap3A_612], %select_n3A_591 {strides = array<i32>} : memref<16x128xf32, #tpu.memory_space<vmem>>, vector<16xf32>,
          %swap3A_614 = arith.index_cast %squeeze3A_539 : i32 to index
          %swap3A_615 = arith.constant 96 : index
          %swap3A_616 = tpu.vector_load %arg22[%swap3A_614, %swap3A_615] {strides = array<i32>} : memref<16x128xf32, #tpu.memory_space<vmem>>, vector<16xf32>,
          tpu.vector_store %arg22[%swap3A_614, %swap3A_615], %select_n3A_593 {strides = array<i32>} : memref<16x128xf32, #tpu.memory_space<vmem>>, vector<16xf32>,
          %swap3A_617 = arith.index_cast %squeeze3A_539 : i32 to index
          %swap3A_618 = arith.constant 112 : index
          %swap3A_619 = tpu.vector_load %arg22[%swap3A_617, %swap3A_618] {strides = array<i32>} : memref<16x128xf32, #tpu.memory_space<vmem>>, vector<16xf32>,
          tpu.vector_store %arg22[%swap3A_617, %swap3A_618], %select_n3A_595 {strides = array<i32>} : memref<16x128xf32, #tpu.memory_space<vmem>>, vector<16xf32>,
          %slice3A_620 = vector.extract_strided_slice %convert_element_type3A_347 {offsets = [3], sizes = [1], strides = [1]} : vector<16xi32> to vector<1xi32>
          %squeeze3A_621 = vector.extract %slice3A_620[0] : i32 from vector<1xi32>
          %ne3A_622 = arith.constant 0 : i32
          %ne3A_623 = arith.cmpi ne, %squeeze3A_621, %ne3A_622 : i32
          %slice3A_624 = vector.extract_strided_slice %min3A_354 {offsets = [3], sizes = [1], strides = [1]} : vector<16xi32> to vector<1xi32>
          %squeeze3A_625 = vector.extract %slice3A_624[0] : i32 from vector<1xi32>
          %add3A_626 = arith.constant 3 : i32
          %add3A_627 = arith.addi %mul3A_276, %add3A_626 : i32
          %get3A_628 = arith.index_cast %add3A_627 : i32 to index
          %get3A_629 = arith.constant 0 : index
          %get3A_630 = tpu.vector_load %arg10[%get3A_628, %get3A_629] {strides = array<i32>} : memref<128x128xf32, #tpu.memory_space<vmem>>, vector<16xf32>,
          %add3A_631 = arith.constant 3 : i32
          %add3A_632 = arith.addi %mul3A_276, %add3A_631 : i32
          %get3A_633 = arith.index_cast %add3A_632 : i32 to index
          %get3A_634 = arith.constant 16 : index
          %get3A_635 = tpu.vector_load %arg10[%get3A_633, %get3A_634] {strides = array<i32>} : memref<128x128xf32, #tpu.memory_space<vmem>>, vector<16xf32>,
          %add3A_636 = arith.constant 3 : i32
          %add3A_637 = arith.addi %mul3A_276, %add3A_636 : i32
          %get3A_638 = arith.index_cast %add3A_637 : i32 to index
          %get3A_639 = arith.constant 32 : index
          %get3A_640 = tpu.vector_load %arg10[%get3A_638, %get3A_639] {strides = array<i32>} : memref<128x128xf32, #tpu.memory_space<vmem>>, vector<16xf32>,
          %add3A_641 = arith.constant 3 : i32
          %add3A_642 = arith.addi %mul3A_276, %add3A_641 : i32
          %get3A_643 = arith.index_cast %add3A_642 : i32 to index
          %get3A_644 = arith.constant 48 : index
          %get3A_645 = tpu.vector_load %arg10[%get3A_643, %get3A_644] {strides = array<i32>} : memref<128x128xf32, #tpu.memory_space<vmem>>, vector<16xf32>,
          %add3A_646 = arith.constant 3 : i32
          %add3A_647 = arith.addi %mul3A_276, %add3A_646 : i32
          %get3A_648 = arith.index_cast %add3A_647 : i32 to index
          %get3A_649 = arith.constant 64 : index
          %get3A_650 = tpu.vector_load %arg10[%get3A_648, %get3A_649] {strides = array<i32>} : memref<128x128xf32, #tpu.memory_space<vmem>>, vector<16xf32>,
          %add3A_651 = arith.constant 3 : i32
          %add3A_652 = arith.addi %mul3A_276, %add3A_651 : i32
          %get3A_653 = arith.index_cast %add3A_652 : i32 to index
          %get3A_654 = arith.constant 80 : index
          %get3A_655 = tpu.vector_load %arg10[%get3A_653, %get3A_654] {strides = array<i32>} : memref<128x128xf32, #tpu.memory_space<vmem>>, vector<16xf32>,
          %add3A_656 = arith.constant 3 : i32
          %add3A_657 = arith.addi %mul3A_276, %add3A_656 : i32
          %get3A_658 = arith.index_cast %add3A_657 : i32 to index
          %get3A_659 = arith.constant 96 : index
          %get3A_660 = tpu.vector_load %arg10[%get3A_658, %get3A_659] {strides = array<i32>} : memref<128x128xf32, #tpu.memory_space<vmem>>, vector<16xf32>,
          %add3A_661 = arith.constant 3 : i32
          %add3A_662 = arith.addi %mul3A_276, %add3A_661 : i32
          %get3A_663 = arith.index_cast %add3A_662 : i32 to index
          %get3A_664 = arith.constant 112 : index
          %get3A_665 = tpu.vector_load %arg10[%get3A_663, %get3A_664] {strides = array<i32>} : memref<128x128xf32, #tpu.memory_space<vmem>>, vector<16xf32>,
          %add3A_666 = arith.addf %select_n3A_581, %get3A_630 : vector<16xf32>
          %select_n3A_667 = arith.select %ne3A_623, %get3A_630, %add3A_666 : vector<16xf32>
          %add3A_668 = arith.addf %select_n3A_583, %get3A_635 : vector<16xf32>
          %select_n3A_669 = arith.select %ne3A_623, %get3A_635, %add3A_668 : vector<16xf32>
          %add3A_670 = arith.addf %select_n3A_585, %get3A_640 : vector<16xf32>
          %select_n3A_671 = arith.select %ne3A_623, %get3A_640, %add3A_670 : vector<16xf32>
          %add3A_672 = arith.addf %select_n3A_587, %get3A_645 : vector<16xf32>
          %select_n3A_673 = arith.select %ne3A_623, %get3A_645, %add3A_672 : vector<16xf32>
          %add3A_674 = arith.addf %select_n3A_589, %get3A_650 : vector<16xf32>
          %select_n3A_675 = arith.select %ne3A_623, %get3A_650, %add3A_674 : vector<16xf32>
          %add3A_676 = arith.addf %select_n3A_591, %get3A_655 : vector<16xf32>
          %select_n3A_677 = arith.select %ne3A_623, %get3A_655, %add3A_676 : vector<16xf32>
          %add3A_678 = arith.addf %select_n3A_593, %get3A_660 : vector<16xf32>
          %select_n3A_679 = arith.select %ne3A_623, %get3A_660, %add3A_678 : vector<16xf32>
          %add3A_680 = arith.addf %select_n3A_595, %get3A_665 : vector<16xf32>
          %select_n3A_681 = arith.select %ne3A_623, %get3A_665, %add3A_680 : vector<16xf32>
          %swap3A_682 = arith.index_cast %squeeze3A_625 : i32 to index
          %swap3A_683 = arith.constant 0 : index
          %swap3A_684 = tpu.vector_load %arg22[%swap3A_682, %swap3A_683] {strides = array<i32>} : memref<16x128xf32, #tpu.memory_space<vmem>>, vector<16xf32>,
          tpu.vector_store %arg22[%swap3A_682, %swap3A_683], %select_n3A_667 {strides = array<i32>} : memref<16x128xf32, #tpu.memory_space<vmem>>, vector<16xf32>,
          %swap3A_685 = arith.index_cast %squeeze3A_625 : i32 to index
          %swap3A_686 = arith.constant 16 : index
          %swap3A_687 = tpu.vector_load %arg22[%swap3A_685, %swap3A_686] {strides = array<i32>} : memref<16x128xf32, #tpu.memory_space<vmem>>, vector<16xf32>,
          tpu.vector_store %arg22[%swap3A_685, %swap3A_686], %select_n3A_669 {strides = array<i32>} : memref<16x128xf32, #tpu.memory_space<vmem>>, vector<16xf32>,
          %swap3A_688 = arith.index_cast %squeeze3A_625 : i32 to index
          %swap3A_689 = arith.constant 32 : index
          %swap3A_690 = tpu.vector_load %arg22[%swap3A_688, %swap3A_689] {strides = array<i32>} : memref<16x128xf32, #tpu.memory_space<vmem>>, vector<16xf32>,
          tpu.vector_store %arg22[%swap3A_688, %swap3A_689], %select_n3A_671 {strides = array<i32>} : memref<16x128xf32, #tpu.memory_space<vmem>>, vector<16xf32>,
          %swap3A_691 = arith.index_cast %squeeze3A_625 : i32 to index
          %swap3A_692 = arith.constant 48 : index
          %swap3A_693 = tpu.vector_load %arg22[%swap3A_691, %swap3A_692] {strides = array<i32>} : memref<16x128xf32, #tpu.memory_space<vmem>>, vector<16xf32>,
          tpu.vector_store %arg22[%swap3A_691, %swap3A_692], %select_n3A_673 {strides = array<i32>} : memref<16x128xf32, #tpu.memory_space<vmem>>, vector<16xf32>,
          %swap3A_694 = arith.index_cast %squeeze3A_625 : i32 to index
          %swap3A_695 = arith.constant 64 : index
          %swap3A_696 = tpu.vector_load %arg22[%swap3A_694, %swap3A_695] {strides = array<i32>} : memref<16x128xf32, #tpu.memory_space<vmem>>, vector<16xf32>,
          tpu.vector_store %arg22[%swap3A_694, %swap3A_695], %select_n3A_675 {strides = array<i32>} : memref<16x128xf32, #tpu.memory_space<vmem>>, vector<16xf32>,
          %swap3A_697 = arith.index_cast %squeeze3A_625 : i32 to index
          %swap3A_698 = arith.constant 80 : index
          %swap3A_699 = tpu.vector_load %arg22[%swap3A_697, %swap3A_698] {strides = array<i32>} : memref<16x128xf32, #tpu.memory_space<vmem>>, vector<16xf32>,
          tpu.vector_store %arg22[%swap3A_697, %swap3A_698], %select_n3A_677 {strides = array<i32>} : memref<16x128xf32, #tpu.memory_space<vmem>>, vector<16xf32>,
          %swap3A_700 = arith.index_cast %squeeze3A_625 : i32 to index
          %swap3A_701 = arith.constant 96 : index
          %swap3A_702 = tpu.vector_load %arg22[%swap3A_700, %swap3A_701] {strides = array<i32>} : memref<16x128xf32, #tpu.memory_space<vmem>>, vector<16xf32>,
          tpu.vector_store %arg22[%swap3A_700, %swap3A_701], %select_n3A_679 {strides = array<i32>} : memref<16x128xf32, #tpu.memory_space<vmem>>, vector<16xf32>,
          %swap3A_703 = arith.index_cast %squeeze3A_625 : i32 to index
          %swap3A_704 = arith.constant 112 : index
          %swap3A_705 = tpu.vector_load %arg22[%swap3A_703, %swap3A_704] {strides = array<i32>} : memref<16x128xf32, #tpu.memory_space<vmem>>, vector<16xf32>,
          tpu.vector_store %arg22[%swap3A_703, %swap3A_704], %select_n3A_681 {strides = array<i32>} : memref<16x128xf32, #tpu.memory_space<vmem>>, vector<16xf32>,
          %slice3A_706 = vector.extract_strided_slice %convert_element_type3A_347 {offsets = [4], sizes = [1], strides = [1]} : vector<16xi32> to vector<1xi32>
          %squeeze3A_707 = vector.extract %slice3A_706[0] : i32 from vector<1xi32>
          %ne3A_708 = arith.constant 0 : i32
          %ne3A_709 = arith.cmpi ne, %squeeze3A_707, %ne3A_708 : i32
          %slice3A_710 = vector.extract_strided_slice %min3A_354 {offsets = [4], sizes = [1], strides = [1]} : vector<16xi32> to vector<1xi32>
          %squeeze3A_711 = vector.extract %slice3A_710[0] : i32 from vector<1xi32>
          %add3A_712 = arith.constant 4 : i32
          %add3A_713 = arith.addi %mul3A_276, %add3A_712 : i32
          %get3A_714 = arith.index_cast %add3A_713 : i32 to index
          %get3A_715 = arith.constant 0 : index
          %get3A_716 = tpu.vector_load %arg10[%get3A_714, %get3A_715] {strides = array<i32>} : memref<128x128xf32, #tpu.memory_space<vmem>>, vector<16xf32>,
          %add3A_717 = arith.constant 4 : i32
          %add3A_718 = arith.addi %mul3A_276, %add3A_717 : i32
          %get3A_719 = arith.index_cast %add3A_718 : i32 to index
          %get3A_720 = arith.constant 16 : index
          %get3A_721 = tpu.vector_load %arg10[%get3A_719, %get3A_720] {strides = array<i32>} : memref<128x128xf32, #tpu.memory_space<vmem>>, vector<16xf32>,
          %add3A_722 = arith.constant 4 : i32
          %add3A_723 = arith.addi %mul3A_276, %add3A_722 : i32
          %get3A_724 = arith.index_cast %add3A_723 : i32 to index
          %get3A_725 = arith.constant 32 : index
          %get3A_726 = tpu.vector_load %arg10[%get3A_724, %get3A_725] {strides = array<i32>} : memref<128x128xf32, #tpu.memory_space<vmem>>, vector<16xf32>,
          %add3A_727 = arith.constant 4 : i32
          %add3A_728 = arith.addi %mul3A_276, %add3A_727 : i32
          %get3A_729 = arith.index_cast %add3A_728 : i32 to index
          %get3A_730 = arith.constant 48 : index
          %get3A_731 = tpu.vector_load %arg10[%get3A_729, %get3A_730] {strides = array<i32>} : memref<128x128xf32, #tpu.memory_space<vmem>>, vector<16xf32>,
          %add3A_732 = arith.constant 4 : i32
          %add3A_733 = arith.addi %mul3A_276, %add3A_732 : i32
          %get3A_734 = arith.index_cast %add3A_733 : i32 to index
          %get3A_735 = arith.constant 64 : index
          %get3A_736 = tpu.vector_load %arg10[%get3A_734, %get3A_735] {strides = array<i32>} : memref<128x128xf32, #tpu.memory_space<vmem>>, vector<16xf32>,
          %add3A_737 = arith.constant 4 : i32
          %add3A_738 = arith.addi %mul3A_276, %add3A_737 : i32
          %get3A_739 = arith.index_cast %add3A_738 : i32 to index
          %get3A_740 = arith.constant 80 : index
          %get3A_741 = tpu.vector_load %arg10[%get3A_739, %get3A_740] {strides = array<i32>} : memref<128x128xf32, #tpu.memory_space<vmem>>, vector<16xf32>,
          %add3A_742 = arith.constant 4 : i32
          %add3A_743 = arith.addi %mul3A_276, %add3A_742 : i32
          %get3A_744 = arith.index_cast %add3A_743 : i32 to index
          %get3A_745 = arith.constant 96 : index
          %get3A_746 = tpu.vector_load %arg10[%get3A_744, %get3A_745] {strides = array<i32>} : memref<128x128xf32, #tpu.memory_space<vmem>>, vector<16xf32>,
          %add3A_747 = arith.constant 4 : i32
          %add3A_748 = arith.addi %mul3A_276, %add3A_747 : i32
          %get3A_749 = arith.index_cast %add3A_748 : i32 to index
          %get3A_750 = arith.constant 112 : index
          %get3A_751 = tpu.vector_load %arg10[%get3A_749, %get3A_750] {strides = array<i32>} : memref<128x128xf32, #tpu.memory_space<vmem>>, vector<16xf32>,
          %add3A_752 = arith.addf %select_n3A_667, %get3A_716 : vector<16xf32>
          %select_n3A_753 = arith.select %ne3A_709, %get3A_716, %add3A_752 : vector<16xf32>
          %add3A_754 = arith.addf %select_n3A_669, %get3A_721 : vector<16xf32>
          %select_n3A_755 = arith.select %ne3A_709, %get3A_721, %add3A_754 : vector<16xf32>
          %add3A_756 = arith.addf %select_n3A_671, %get3A_726 : vector<16xf32>
          %select_n3A_757 = arith.select %ne3A_709, %get3A_726, %add3A_756 : vector<16xf32>
          %add3A_758 = arith.addf %select_n3A_673, %get3A_731 : vector<16xf32>
          %select_n3A_759 = arith.select %ne3A_709, %get3A_731, %add3A_758 : vector<16xf32>
          %add3A_760 = arith.addf %select_n3A_675, %get3A_736 : vector<16xf32>
          %select_n3A_761 = arith.select %ne3A_709, %get3A_736, %add3A_760 : vector<16xf32>
          %add3A_762 = arith.addf %select_n3A_677, %get3A_741 : vector<16xf32>
          %select_n3A_763 = arith.select %ne3A_709, %get3A_741, %add3A_762 : vector<16xf32>
          %add3A_764 = arith.addf %select_n3A_679, %get3A_746 : vector<16xf32>
          %select_n3A_765 = arith.select %ne3A_709, %get3A_746, %add3A_764 : vector<16xf32>
          %add3A_766 = arith.addf %select_n3A_681, %get3A_751 : vector<16xf32>
          %select_n3A_767 = arith.select %ne3A_709, %get3A_751, %add3A_766 : vector<16xf32>
          %swap3A_768 = arith.index_cast %squeeze3A_711 : i32 to index
          %swap3A_769 = arith.constant 0 : index
          %swap3A_770 = tpu.vector_load %arg22[%swap3A_768, %swap3A_769] {strides = array<i32>} : memref<16x128xf32, #tpu.memory_space<vmem>>, vector<16xf32>,
          tpu.vector_store %arg22[%swap3A_768, %swap3A_769], %select_n3A_753 {strides = array<i32>} : memref<16x128xf32, #tpu.memory_space<vmem>>, vector<16xf32>,
          %swap3A_771 = arith.index_cast %squeeze3A_711 : i32 to index
          %swap3A_772 = arith.constant 16 : index
          %swap3A_773 = tpu.vector_load %arg22[%swap3A_771, %swap3A_772] {strides = array<i32>} : memref<16x128xf32, #tpu.memory_space<vmem>>, vector<16xf32>,
          tpu.vector_store %arg22[%swap3A_771, %swap3A_772], %select_n3A_755 {strides = array<i32>} : memref<16x128xf32, #tpu.memory_space<vmem>>, vector<16xf32>,
          %swap3A_774 = arith.index_cast %squeeze3A_711 : i32 to index
          %swap3A_775 = arith.constant 32 : index
          %swap3A_776 = tpu.vector_load %arg22[%swap3A_774, %swap3A_775] {strides = array<i32>} : memref<16x128xf32, #tpu.memory_space<vmem>>, vector<16xf32>,
          tpu.vector_store %arg22[%swap3A_774, %swap3A_775], %select_n3A_757 {strides = array<i32>} : memref<16x128xf32, #tpu.memory_space<vmem>>, vector<16xf32>,
          %swap3A_777 = arith.index_cast %squeeze3A_711 : i32 to index
          %swap3A_778 = arith.constant 48 : index
          %swap3A_779 = tpu.vector_load %arg22[%swap3A_777, %swap3A_778] {strides = array<i32>} : memref<16x128xf32, #tpu.memory_space<vmem>>, vector<16xf32>,
          tpu.vector_store %arg22[%swap3A_777, %swap3A_778], %select_n3A_759 {strides = array<i32>} : memref<16x128xf32, #tpu.memory_space<vmem>>, vector<16xf32>,
          %swap3A_780 = arith.index_cast %squeeze3A_711 : i32 to index
          %swap3A_781 = arith.constant 64 : index
          %swap3A_782 = tpu.vector_load %arg22[%swap3A_780, %swap3A_781] {strides = array<i32>} : memref<16x128xf32, #tpu.memory_space<vmem>>, vector<16xf32>,
          tpu.vector_store %arg22[%swap3A_780, %swap3A_781], %select_n3A_761 {strides = array<i32>} : memref<16x128xf32, #tpu.memory_space<vmem>>, vector<16xf32>,
          %swap3A_783 = arith.index_cast %squeeze3A_711 : i32 to index
          %swap3A_784 = arith.constant 80 : index
          %swap3A_785 = tpu.vector_load %arg22[%swap3A_783, %swap3A_784] {strides = array<i32>} : memref<16x128xf32, #tpu.memory_space<vmem>>, vector<16xf32>,
          tpu.vector_store %arg22[%swap3A_783, %swap3A_784], %select_n3A_763 {strides = array<i32>} : memref<16x128xf32, #tpu.memory_space<vmem>>, vector<16xf32>,
          %swap3A_786 = arith.index_cast %squeeze3A_711 : i32 to index
          %swap3A_787 = arith.constant 96 : index
          %swap3A_788 = tpu.vector_load %arg22[%swap3A_786, %swap3A_787] {strides = array<i32>} : memref<16x128xf32, #tpu.memory_space<vmem>>, vector<16xf32>,
          tpu.vector_store %arg22[%swap3A_786, %swap3A_787], %select_n3A_765 {strides = array<i32>} : memref<16x128xf32, #tpu.memory_space<vmem>>, vector<16xf32>,
          %swap3A_789 = arith.index_cast %squeeze3A_711 : i32 to index
          %swap3A_790 = arith.constant 112 : index
          %swap3A_791 = tpu.vector_load %arg22[%swap3A_789, %swap3A_790] {strides = array<i32>} : memref<16x128xf32, #tpu.memory_space<vmem>>, vector<16xf32>,
          tpu.vector_store %arg22[%swap3A_789, %swap3A_790], %select_n3A_767 {strides = array<i32>} : memref<16x128xf32, #tpu.memory_space<vmem>>, vector<16xf32>,
          %slice3A_792 = vector.extract_strided_slice %convert_element_type3A_347 {offsets = [5], sizes = [1], strides = [1]} : vector<16xi32> to vector<1xi32>
          %squeeze3A_793 = vector.extract %slice3A_792[0] : i32 from vector<1xi32>
          %ne3A_794 = arith.constant 0 : i32
          %ne3A_795 = arith.cmpi ne, %squeeze3A_793, %ne3A_794 : i32
          %slice3A_796 = vector.extract_strided_slice %min3A_354 {offsets = [5], sizes = [1], strides = [1]} : vector<16xi32> to vector<1xi32>
          %squeeze3A_797 = vector.extract %slice3A_796[0] : i32 from vector<1xi32>
          %add3A_798 = arith.constant 5 : i32
          %add3A_799 = arith.addi %mul3A_276, %add3A_798 : i32
          %get3A_800 = arith.index_cast %add3A_799 : i32 to index
          %get3A_801 = arith.constant 0 : index
          %get3A_802 = tpu.vector_load %arg10[%get3A_800, %get3A_801] {strides = array<i32>} : memref<128x128xf32, #tpu.memory_space<vmem>>, vector<16xf32>,
          %add3A_803 = arith.constant 5 : i32
          %add3A_804 = arith.addi %mul3A_276, %add3A_803 : i32
          %get3A_805 = arith.index_cast %add3A_804 : i32 to index
          %get3A_806 = arith.constant 16 : index
          %get3A_807 = tpu.vector_load %arg10[%get3A_805, %get3A_806] {strides = array<i32>} : memref<128x128xf32, #tpu.memory_space<vmem>>, vector<16xf32>,
          %add3A_808 = arith.constant 5 : i32
          %add3A_809 = arith.addi %mul3A_276, %add3A_808 : i32
          %get3A_810 = arith.index_cast %add3A_809 : i32 to index
          %get3A_811 = arith.constant 32 : index
          %get3A_812 = tpu.vector_load %arg10[%get3A_810, %get3A_811] {strides = array<i32>} : memref<128x128xf32, #tpu.memory_space<vmem>>, vector<16xf32>,
          %add3A_813 = arith.constant 5 : i32
          %add3A_814 = arith.addi %mul3A_276, %add3A_813 : i32
          %get3A_815 = arith.index_cast %add3A_814 : i32 to index
          %get3A_816 = arith.constant 48 : index
          %get3A_817 = tpu.vector_load %arg10[%get3A_815, %get3A_816] {strides = array<i32>} : memref<128x128xf32, #tpu.memory_space<vmem>>, vector<16xf32>,
          %add3A_818 = arith.constant 5 : i32
          %add3A_819 = arith.addi %mul3A_276, %add3A_818 : i32
          %get3A_820 = arith.index_cast %add3A_819 : i32 to index
          %get3A_821 = arith.constant 64 : index
          %get3A_822 = tpu.vector_load %arg10[%get3A_820, %get3A_821] {strides = array<i32>} : memref<128x128xf32, #tpu.memory_space<vmem>>, vector<16xf32>,
          %add3A_823 = arith.constant 5 : i32
          %add3A_824 = arith.addi %mul3A_276, %add3A_823 : i32
          %get3A_825 = arith.index_cast %add3A_824 : i32 to index
          %get3A_826 = arith.constant 80 : index
          %get3A_827 = tpu.vector_load %arg10[%get3A_825, %get3A_826] {strides = array<i32>} : memref<128x128xf32, #tpu.memory_space<vmem>>, vector<16xf32>,
          %add3A_828 = arith.constant 5 : i32
          %add3A_829 = arith.addi %mul3A_276, %add3A_828 : i32
          %get3A_830 = arith.index_cast %add3A_829 : i32 to index
          %get3A_831 = arith.constant 96 : index
          %get3A_832 = tpu.vector_load %arg10[%get3A_830, %get3A_831] {strides = array<i32>} : memref<128x128xf32, #tpu.memory_space<vmem>>, vector<16xf32>,
          %add3A_833 = arith.constant 5 : i32
          %add3A_834 = arith.addi %mul3A_276, %add3A_833 : i32
          %get3A_835 = arith.index_cast %add3A_834 : i32 to index
          %get3A_836 = arith.constant 112 : index
          %get3A_837 = tpu.vector_load %arg10[%get3A_835, %get3A_836] {strides = array<i32>} : memref<128x128xf32, #tpu.memory_space<vmem>>, vector<16xf32>,
          %add3A_838 = arith.addf %select_n3A_753, %get3A_802 : vector<16xf32>
          %select_n3A_839 = arith.select %ne3A_795, %get3A_802, %add3A_838 : vector<16xf32>
          %add3A_840 = arith.addf %select_n3A_755, %get3A_807 : vector<16xf32>
          %select_n3A_841 = arith.select %ne3A_795, %get3A_807, %add3A_840 : vector<16xf32>
          %add3A_842 = arith.addf %select_n3A_757, %get3A_812 : vector<16xf32>
          %select_n3A_843 = arith.select %ne3A_795, %get3A_812, %add3A_842 : vector<16xf32>
          %add3A_844 = arith.addf %select_n3A_759, %get3A_817 : vector<16xf32>
          %select_n3A_845 = arith.select %ne3A_795, %get3A_817, %add3A_844 : vector<16xf32>
          %add3A_846 = arith.addf %select_n3A_761, %get3A_822 : vector<16xf32>
          %select_n3A_847 = arith.select %ne3A_795, %get3A_822, %add3A_846 : vector<16xf32>
          %add3A_848 = arith.addf %select_n3A_763, %get3A_827 : vector<16xf32>
          %select_n3A_849 = arith.select %ne3A_795, %get3A_827, %add3A_848 : vector<16xf32>
          %add3A_850 = arith.addf %select_n3A_765, %get3A_832 : vector<16xf32>
          %select_n3A_851 = arith.select %ne3A_795, %get3A_832, %add3A_850 : vector<16xf32>
          %add3A_852 = arith.addf %select_n3A_767, %get3A_837 : vector<16xf32>
          %select_n3A_853 = arith.select %ne3A_795, %get3A_837, %add3A_852 : vector<16xf32>
          %swap3A_854 = arith.index_cast %squeeze3A_797 : i32 to index
          %swap3A_855 = arith.constant 0 : index
          %swap3A_856 = tpu.vector_load %arg22[%swap3A_854, %swap3A_855] {strides = array<i32>} : memref<16x128xf32, #tpu.memory_space<vmem>>, vector<16xf32>,
          tpu.vector_store %arg22[%swap3A_854, %swap3A_855], %select_n3A_839 {strides = array<i32>} : memref<16x128xf32, #tpu.memory_space<vmem>>, vector<16xf32>,
          %swap3A_857 = arith.index_cast %squeeze3A_797 : i32 to index
          %swap3A_858 = arith.constant 16 : index
          %swap3A_859 = tpu.vector_load %arg22[%swap3A_857, %swap3A_858] {strides = array<i32>} : memref<16x128xf32, #tpu.memory_space<vmem>>, vector<16xf32>,
          tpu.vector_store %arg22[%swap3A_857, %swap3A_858], %select_n3A_841 {strides = array<i32>} : memref<16x128xf32, #tpu.memory_space<vmem>>, vector<16xf32>,
          %swap3A_860 = arith.index_cast %squeeze3A_797 : i32 to index
          %swap3A_861 = arith.constant 32 : index
          %swap3A_862 = tpu.vector_load %arg22[%swap3A_860, %swap3A_861] {strides = array<i32>} : memref<16x128xf32, #tpu.memory_space<vmem>>, vector<16xf32>,
          tpu.vector_store %arg22[%swap3A_860, %swap3A_861], %select_n3A_843 {strides = array<i32>} : memref<16x128xf32, #tpu.memory_space<vmem>>, vector<16xf32>,
          %swap3A_863 = arith.index_cast %squeeze3A_797 : i32 to index
          %swap3A_864 = arith.constant 48 : index
          %swap3A_865 = tpu.vector_load %arg22[%swap3A_863, %swap3A_864] {strides = array<i32>} : memref<16x128xf32, #tpu.memory_space<vmem>>, vector<16xf32>,
          tpu.vector_store %arg22[%swap3A_863, %swap3A_864], %select_n3A_845 {strides = array<i32>} : memref<16x128xf32, #tpu.memory_space<vmem>>, vector<16xf32>,
          %swap3A_866 = arith.index_cast %squeeze3A_797 : i32 to index
          %swap3A_867 = arith.constant 64 : index
          %swap3A_868 = tpu.vector_load %arg22[%swap3A_866, %swap3A_867] {strides = array<i32>} : memref<16x128xf32, #tpu.memory_space<vmem>>, vector<16xf32>,
          tpu.vector_store %arg22[%swap3A_866, %swap3A_867], %select_n3A_847 {strides = array<i32>} : memref<16x128xf32, #tpu.memory_space<vmem>>, vector<16xf32>,
          %swap3A_869 = arith.index_cast %squeeze3A_797 : i32 to index
          %swap3A_870 = arith.constant 80 : index
          %swap3A_871 = tpu.vector_load %arg22[%swap3A_869, %swap3A_870] {strides = array<i32>} : memref<16x128xf32, #tpu.memory_space<vmem>>, vector<16xf32>,
          tpu.vector_store %arg22[%swap3A_869, %swap3A_870], %select_n3A_849 {strides = array<i32>} : memref<16x128xf32, #tpu.memory_space<vmem>>, vector<16xf32>,
          %swap3A_872 = arith.index_cast %squeeze3A_797 : i32 to index
          %swap3A_873 = arith.constant 96 : index
          %swap3A_874 = tpu.vector_load %arg22[%swap3A_872, %swap3A_873] {strides = array<i32>} : memref<16x128xf32, #tpu.memory_space<vmem>>, vector<16xf32>,
          tpu.vector_store %arg22[%swap3A_872, %swap3A_873], %select_n3A_851 {strides = array<i32>} : memref<16x128xf32, #tpu.memory_space<vmem>>, vector<16xf32>,
          %swap3A_875 = arith.index_cast %squeeze3A_797 : i32 to index
          %swap3A_876 = arith.constant 112 : index
          %swap3A_877 = tpu.vector_load %arg22[%swap3A_875, %swap3A_876] {strides = array<i32>} : memref<16x128xf32, #tpu.memory_space<vmem>>, vector<16xf32>,
          tpu.vector_store %arg22[%swap3A_875, %swap3A_876], %select_n3A_853 {strides = array<i32>} : memref<16x128xf32, #tpu.memory_space<vmem>>, vector<16xf32>,
          %slice3A_878 = vector.extract_strided_slice %convert_element_type3A_347 {offsets = [6], sizes = [1], strides = [1]} : vector<16xi32> to vector<1xi32>
          %squeeze3A_879 = vector.extract %slice3A_878[0] : i32 from vector<1xi32>
          %ne3A_880 = arith.constant 0 : i32
          %ne3A_881 = arith.cmpi ne, %squeeze3A_879, %ne3A_880 : i32
          %slice3A_882 = vector.extract_strided_slice %min3A_354 {offsets = [6], sizes = [1], strides = [1]} : vector<16xi32> to vector<1xi32>
          %squeeze3A_883 = vector.extract %slice3A_882[0] : i32 from vector<1xi32>
          %add3A_884 = arith.constant 6 : i32
          %add3A_885 = arith.addi %mul3A_276, %add3A_884 : i32
          %get3A_886 = arith.index_cast %add3A_885 : i32 to index
          %get3A_887 = arith.constant 0 : index
          %get3A_888 = tpu.vector_load %arg10[%get3A_886, %get3A_887] {strides = array<i32>} : memref<128x128xf32, #tpu.memory_space<vmem>>, vector<16xf32>,
          %add3A_889 = arith.constant 6 : i32
          %add3A_890 = arith.addi %mul3A_276, %add3A_889 : i32
          %get3A_891 = arith.index_cast %add3A_890 : i32 to index
          %get3A_892 = arith.constant 16 : index
          %get3A_893 = tpu.vector_load %arg10[%get3A_891, %get3A_892] {strides = array<i32>} : memref<128x128xf32, #tpu.memory_space<vmem>>, vector<16xf32>,
          %add3A_894 = arith.constant 6 : i32
          %add3A_895 = arith.addi %mul3A_276, %add3A_894 : i32
          %get3A_896 = arith.index_cast %add3A_895 : i32 to index
          %get3A_897 = arith.constant 32 : index
          %get3A_898 = tpu.vector_load %arg10[%get3A_896, %get3A_897] {strides = array<i32>} : memref<128x128xf32, #tpu.memory_space<vmem>>, vector<16xf32>,
          %add3A_899 = arith.constant 6 : i32
          %add3A_900 = arith.addi %mul3A_276, %add3A_899 : i32
          %get3A_901 = arith.index_cast %add3A_900 : i32 to index
          %get3A_902 = arith.constant 48 : index
          %get3A_903 = tpu.vector_load %arg10[%get3A_901, %get3A_902] {strides = array<i32>} : memref<128x128xf32, #tpu.memory_space<vmem>>, vector<16xf32>,
          %add3A_904 = arith.constant 6 : i32
          %add3A_905 = arith.addi %mul3A_276, %add3A_904 : i32
          %get3A_906 = arith.index_cast %add3A_905 : i32 to index
          %get3A_907 = arith.constant 64 : index
          %get3A_908 = tpu.vector_load %arg10[%get3A_906, %get3A_907] {strides = array<i32>} : memref<128x128xf32, #tpu.memory_space<vmem>>, vector<16xf32>,
          %add3A_909 = arith.constant 6 : i32
          %add3A_910 = arith.addi %mul3A_276, %add3A_909 : i32
          %get3A_911 = arith.index_cast %add3A_910 : i32 to index
          %get3A_912 = arith.constant 80 : index
          %get3A_913 = tpu.vector_load %arg10[%get3A_911, %get3A_912] {strides = array<i32>} : memref<128x128xf32, #tpu.memory_space<vmem>>, vector<16xf32>,
          %add3A_914 = arith.constant 6 : i32
          %add3A_915 = arith.addi %mul3A_276, %add3A_914 : i32
          %get3A_916 = arith.index_cast %add3A_915 : i32 to index
          %get3A_917 = arith.constant 96 : index
          %get3A_918 = tpu.vector_load %arg10[%get3A_916, %get3A_917] {strides = array<i32>} : memref<128x128xf32, #tpu.memory_space<vmem>>, vector<16xf32>,
          %add3A_919 = arith.constant 6 : i32
          %add3A_920 = arith.addi %mul3A_276, %add3A_919 : i32
          %get3A_921 = arith.index_cast %add3A_920 : i32 to index
          %get3A_922 = arith.constant 112 : index
          %get3A_923 = tpu.vector_load %arg10[%get3A_921, %get3A_922] {strides = array<i32>} : memref<128x128xf32, #tpu.memory_space<vmem>>, vector<16xf32>,
          %add3A_924 = arith.addf %select_n3A_839, %get3A_888 : vector<16xf32>
          %select_n3A_925 = arith.select %ne3A_881, %get3A_888, %add3A_924 : vector<16xf32>
          %add3A_926 = arith.addf %select_n3A_841, %get3A_893 : vector<16xf32>
          %select_n3A_927 = arith.select %ne3A_881, %get3A_893, %add3A_926 : vector<16xf32>
          %add3A_928 = arith.addf %select_n3A_843, %get3A_898 : vector<16xf32>
          %select_n3A_929 = arith.select %ne3A_881, %get3A_898, %add3A_928 : vector<16xf32>
          %add3A_930 = arith.addf %select_n3A_845, %get3A_903 : vector<16xf32>
          %select_n3A_931 = arith.select %ne3A_881, %get3A_903, %add3A_930 : vector<16xf32>
          %add3A_932 = arith.addf %select_n3A_847, %get3A_908 : vector<16xf32>
          %select_n3A_933 = arith.select %ne3A_881, %get3A_908, %add3A_932 : vector<16xf32>
          %add3A_934 = arith.addf %select_n3A_849, %get3A_913 : vector<16xf32>
          %select_n3A_935 = arith.select %ne3A_881, %get3A_913, %add3A_934 : vector<16xf32>
          %add3A_936 = arith.addf %select_n3A_851, %get3A_918 : vector<16xf32>
          %select_n3A_937 = arith.select %ne3A_881, %get3A_918, %add3A_936 : vector<16xf32>
          %add3A_938 = arith.addf %select_n3A_853, %get3A_923 : vector<16xf32>
          %select_n3A_939 = arith.select %ne3A_881, %get3A_923, %add3A_938 : vector<16xf32>
          %swap3A_940 = arith.index_cast %squeeze3A_883 : i32 to index
          %swap3A_941 = arith.constant 0 : index
          %swap3A_942 = tpu.vector_load %arg22[%swap3A_940, %swap3A_941] {strides = array<i32>} : memref<16x128xf32, #tpu.memory_space<vmem>>, vector<16xf32>,
          tpu.vector_store %arg22[%swap3A_940, %swap3A_941], %select_n3A_925 {strides = array<i32>} : memref<16x128xf32, #tpu.memory_space<vmem>>, vector<16xf32>,
          %swap3A_943 = arith.index_cast %squeeze3A_883 : i32 to index
          %swap3A_944 = arith.constant 16 : index
          %swap3A_945 = tpu.vector_load %arg22[%swap3A_943, %swap3A_944] {strides = array<i32>} : memref<16x128xf32, #tpu.memory_space<vmem>>, vector<16xf32>,
          tpu.vector_store %arg22[%swap3A_943, %swap3A_944], %select_n3A_927 {strides = array<i32>} : memref<16x128xf32, #tpu.memory_space<vmem>>, vector<16xf32>,
          %swap3A_946 = arith.index_cast %squeeze3A_883 : i32 to index
          %swap3A_947 = arith.constant 32 : index
          %swap3A_948 = tpu.vector_load %arg22[%swap3A_946, %swap3A_947] {strides = array<i32>} : memref<16x128xf32, #tpu.memory_space<vmem>>, vector<16xf32>,
          tpu.vector_store %arg22[%swap3A_946, %swap3A_947], %select_n3A_929 {strides = array<i32>} : memref<16x128xf32, #tpu.memory_space<vmem>>, vector<16xf32>,
          %swap3A_949 = arith.index_cast %squeeze3A_883 : i32 to index
          %swap3A_950 = arith.constant 48 : index
          %swap3A_951 = tpu.vector_load %arg22[%swap3A_949, %swap3A_950] {strides = array<i32>} : memref<16x128xf32, #tpu.memory_space<vmem>>, vector<16xf32>,
          tpu.vector_store %arg22[%swap3A_949, %swap3A_950], %select_n3A_931 {strides = array<i32>} : memref<16x128xf32, #tpu.memory_space<vmem>>, vector<16xf32>,
          %swap3A_952 = arith.index_cast %squeeze3A_883 : i32 to index
          %swap3A_953 = arith.constant 64 : index
          %swap3A_954 = tpu.vector_load %arg22[%swap3A_952, %swap3A_953] {strides = array<i32>} : memref<16x128xf32, #tpu.memory_space<vmem>>, vector<16xf32>,
          tpu.vector_store %arg22[%swap3A_952, %swap3A_953], %select_n3A_933 {strides = array<i32>} : memref<16x128xf32, #tpu.memory_space<vmem>>, vector<16xf32>,
          %swap3A_955 = arith.index_cast %squeeze3A_883 : i32 to index
          %swap3A_956 = arith.constant 80 : index
          %swap3A_957 = tpu.vector_load %arg22[%swap3A_955, %swap3A_956] {strides = array<i32>} : memref<16x128xf32, #tpu.memory_space<vmem>>, vector<16xf32>,
          tpu.vector_store %arg22[%swap3A_955, %swap3A_956], %select_n3A_935 {strides = array<i32>} : memref<16x128xf32, #tpu.memory_space<vmem>>, vector<16xf32>,
          %swap3A_958 = arith.index_cast %squeeze3A_883 : i32 to index
          %swap3A_959 = arith.constant 96 : index
          %swap3A_960 = tpu.vector_load %arg22[%swap3A_958, %swap3A_959] {strides = array<i32>} : memref<16x128xf32, #tpu.memory_space<vmem>>, vector<16xf32>,
          tpu.vector_store %arg22[%swap3A_958, %swap3A_959], %select_n3A_937 {strides = array<i32>} : memref<16x128xf32, #tpu.memory_space<vmem>>, vector<16xf32>,
          %swap3A_961 = arith.index_cast %squeeze3A_883 : i32 to index
          %swap3A_962 = arith.constant 112 : index
          %swap3A_963 = tpu.vector_load %arg22[%swap3A_961, %swap3A_962] {strides = array<i32>} : memref<16x128xf32, #tpu.memory_space<vmem>>, vector<16xf32>,
          tpu.vector_store %arg22[%swap3A_961, %swap3A_962], %select_n3A_939 {strides = array<i32>} : memref<16x128xf32, #tpu.memory_space<vmem>>, vector<16xf32>,
          %slice3A_964 = vector.extract_strided_slice %convert_element_type3A_347 {offsets = [7], sizes = [1], strides = [1]} : vector<16xi32> to vector<1xi32>
          %squeeze3A_965 = vector.extract %slice3A_964[0] : i32 from vector<1xi32>
          %ne3A_966 = arith.constant 0 : i32
          %ne3A_967 = arith.cmpi ne, %squeeze3A_965, %ne3A_966 : i32
          %slice3A_968 = vector.extract_strided_slice %min3A_354 {offsets = [7], sizes = [1], strides = [1]} : vector<16xi32> to vector<1xi32>
          %squeeze3A_969 = vector.extract %slice3A_968[0] : i32 from vector<1xi32>
          %add3A_970 = arith.constant 7 : i32
          %add3A_971 = arith.addi %mul3A_276, %add3A_970 : i32
          %get3A_972 = arith.index_cast %add3A_971 : i32 to index
          %get3A_973 = arith.constant 0 : index
          %get3A_974 = tpu.vector_load %arg10[%get3A_972, %get3A_973] {strides = array<i32>} : memref<128x128xf32, #tpu.memory_space<vmem>>, vector<16xf32>,
          %add3A_975 = arith.constant 7 : i32
          %add3A_976 = arith.addi %mul3A_276, %add3A_975 : i32
          %get3A_977 = arith.index_cast %add3A_976 : i32 to index
          %get3A_978 = arith.constant 16 : index
          %get3A_979 = tpu.vector_load %arg10[%get3A_977, %get3A_978] {strides = array<i32>} : memref<128x128xf32, #tpu.memory_space<vmem>>, vector<16xf32>,
          %add3A_980 = arith.constant 7 : i32
          %add3A_981 = arith.addi %mul3A_276, %add3A_980 : i32
          %get3A_982 = arith.index_cast %add3A_981 : i32 to index
          %get3A_983 = arith.constant 32 : index
          %get3A_984 = tpu.vector_load %arg10[%get3A_982, %get3A_983] {strides = array<i32>} : memref<128x128xf32, #tpu.memory_space<vmem>>, vector<16xf32>,
          %add3A_985 = arith.constant 7 : i32
          %add3A_986 = arith.addi %mul3A_276, %add3A_985 : i32
          %get3A_987 = arith.index_cast %add3A_986 : i32 to index
          %get3A_988 = arith.constant 48 : index
          %get3A_989 = tpu.vector_load %arg10[%get3A_987, %get3A_988] {strides = array<i32>} : memref<128x128xf32, #tpu.memory_space<vmem>>, vector<16xf32>,
          %add3A_990 = arith.constant 7 : i32
          %add3A_991 = arith.addi %mul3A_276, %add3A_990 : i32
          %get3A_992 = arith.index_cast %add3A_991 : i32 to index
          %get3A_993 = arith.constant 64 : index
          %get3A_994 = tpu.vector_load %arg10[%get3A_992, %get3A_993] {strides = array<i32>} : memref<128x128xf32, #tpu.memory_space<vmem>>, vector<16xf32>,
          %add3A_995 = arith.constant 7 : i32
          %add3A_996 = arith.addi %mul3A_276, %add3A_995 : i32
          %get3A_997 = arith.index_cast %add3A_996 : i32 to index
          %get3A_998 = arith.constant 80 : index
          %get3A_999 = tpu.vector_load %arg10[%get3A_997, %get3A_998] {strides = array<i32>} : memref<128x128xf32, #tpu.memory_space<vmem>>, vector<16xf32>,
          %add3A_1000 = arith.constant 7 : i32
          %add3A_1001 = arith.addi %mul3A_276, %add3A_1000 : i32
          %get3A_1002 = arith.index_cast %add3A_1001 : i32 to index
          %get3A_1003 = arith.constant 96 : index
          %get3A_1004 = tpu.vector_load %arg10[%get3A_1002, %get3A_1003] {strides = array<i32>} : memref<128x128xf32, #tpu.memory_space<vmem>>, vector<16xf32>,
          %add3A_1005 = arith.constant 7 : i32
          %add3A_1006 = arith.addi %mul3A_276, %add3A_1005 : i32
          %get3A_1007 = arith.index_cast %add3A_1006 : i32 to index
          %get3A_1008 = arith.constant 112 : index
          %get3A_1009 = tpu.vector_load %arg10[%get3A_1007, %get3A_1008] {strides = array<i32>} : memref<128x128xf32, #tpu.memory_space<vmem>>, vector<16xf32>,
          %add3A_1010 = arith.addf %select_n3A_925, %get3A_974 : vector<16xf32>
          %select_n3A_1011 = arith.select %ne3A_967, %get3A_974, %add3A_1010 : vector<16xf32>
          %add3A_1012 = arith.addf %select_n3A_927, %get3A_979 : vector<16xf32>
          %select_n3A_1013 = arith.select %ne3A_967, %get3A_979, %add3A_1012 : vector<16xf32>
          %add3A_1014 = arith.addf %select_n3A_929, %get3A_984 : vector<16xf32>
          %select_n3A_1015 = arith.select %ne3A_967, %get3A_984, %add3A_1014 : vector<16xf32>
          %add3A_1016 = arith.addf %select_n3A_931, %get3A_989 : vector<16xf32>
          %select_n3A_1017 = arith.select %ne3A_967, %get3A_989, %add3A_1016 : vector<16xf32>
          %add3A_1018 = arith.addf %select_n3A_933, %get3A_994 : vector<16xf32>
          %select_n3A_1019 = arith.select %ne3A_967, %get3A_994, %add3A_1018 : vector<16xf32>
          %add3A_1020 = arith.addf %select_n3A_935, %get3A_999 : vector<16xf32>
          %select_n3A_1021 = arith.select %ne3A_967, %get3A_999, %add3A_1020 : vector<16xf32>
          %add3A_1022 = arith.addf %select_n3A_937, %get3A_1004 : vector<16xf32>
          %select_n3A_1023 = arith.select %ne3A_967, %get3A_1004, %add3A_1022 : vector<16xf32>
          %add3A_1024 = arith.addf %select_n3A_939, %get3A_1009 : vector<16xf32>
          %select_n3A_1025 = arith.select %ne3A_967, %get3A_1009, %add3A_1024 : vector<16xf32>
          %swap3A_1026 = arith.index_cast %squeeze3A_969 : i32 to index
          %swap3A_1027 = arith.constant 0 : index
          %swap3A_1028 = tpu.vector_load %arg22[%swap3A_1026, %swap3A_1027] {strides = array<i32>} : memref<16x128xf32, #tpu.memory_space<vmem>>, vector<16xf32>,
          tpu.vector_store %arg22[%swap3A_1026, %swap3A_1027], %select_n3A_1011 {strides = array<i32>} : memref<16x128xf32, #tpu.memory_space<vmem>>, vector<16xf32>,
          %swap3A_1029 = arith.index_cast %squeeze3A_969 : i32 to index
          %swap3A_1030 = arith.constant 16 : index
          %swap3A_1031 = tpu.vector_load %arg22[%swap3A_1029, %swap3A_1030] {strides = array<i32>} : memref<16x128xf32, #tpu.memory_space<vmem>>, vector<16xf32>,
          tpu.vector_store %arg22[%swap3A_1029, %swap3A_1030], %select_n3A_1013 {strides = array<i32>} : memref<16x128xf32, #tpu.memory_space<vmem>>, vector<16xf32>,
          %swap3A_1032 = arith.index_cast %squeeze3A_969 : i32 to index
          %swap3A_1033 = arith.constant 32 : index
          %swap3A_1034 = tpu.vector_load %arg22[%swap3A_1032, %swap3A_1033] {strides = array<i32>} : memref<16x128xf32, #tpu.memory_space<vmem>>, vector<16xf32>,
          tpu.vector_store %arg22[%swap3A_1032, %swap3A_1033], %select_n3A_1015 {strides = array<i32>} : memref<16x128xf32, #tpu.memory_space<vmem>>, vector<16xf32>,
          %swap3A_1035 = arith.index_cast %squeeze3A_969 : i32 to index
          %swap3A_1036 = arith.constant 48 : index
          %swap3A_1037 = tpu.vector_load %arg22[%swap3A_1035, %swap3A_1036] {strides = array<i32>} : memref<16x128xf32, #tpu.memory_space<vmem>>, vector<16xf32>,
          tpu.vector_store %arg22[%swap3A_1035, %swap3A_1036], %select_n3A_1017 {strides = array<i32>} : memref<16x128xf32, #tpu.memory_space<vmem>>, vector<16xf32>,
          %swap3A_1038 = arith.index_cast %squeeze3A_969 : i32 to index
          %swap3A_1039 = arith.constant 64 : index
          %swap3A_1040 = tpu.vector_load %arg22[%swap3A_1038, %swap3A_1039] {strides = array<i32>} : memref<16x128xf32, #tpu.memory_space<vmem>>, vector<16xf32>,
          tpu.vector_store %arg22[%swap3A_1038, %swap3A_1039], %select_n3A_1019 {strides = array<i32>} : memref<16x128xf32, #tpu.memory_space<vmem>>, vector<16xf32>,
          %swap3A_1041 = arith.index_cast %squeeze3A_969 : i32 to index
          %swap3A_1042 = arith.constant 80 : index
          %swap3A_1043 = tpu.vector_load %arg22[%swap3A_1041, %swap3A_1042] {strides = array<i32>} : memref<16x128xf32, #tpu.memory_space<vmem>>, vector<16xf32>,
          tpu.vector_store %arg22[%swap3A_1041, %swap3A_1042], %select_n3A_1021 {strides = array<i32>} : memref<16x128xf32, #tpu.memory_space<vmem>>, vector<16xf32>,
          %swap3A_1044 = arith.index_cast %squeeze3A_969 : i32 to index
          %swap3A_1045 = arith.constant 96 : index
          %swap3A_1046 = tpu.vector_load %arg22[%swap3A_1044, %swap3A_1045] {strides = array<i32>} : memref<16x128xf32, #tpu.memory_space<vmem>>, vector<16xf32>,
          tpu.vector_store %arg22[%swap3A_1044, %swap3A_1045], %select_n3A_1023 {strides = array<i32>} : memref<16x128xf32, #tpu.memory_space<vmem>>, vector<16xf32>,
          %swap3A_1047 = arith.index_cast %squeeze3A_969 : i32 to index
          %swap3A_1048 = arith.constant 112 : index
          %swap3A_1049 = tpu.vector_load %arg22[%swap3A_1047, %swap3A_1048] {strides = array<i32>} : memref<16x128xf32, #tpu.memory_space<vmem>>, vector<16xf32>,
          tpu.vector_store %arg22[%swap3A_1047, %swap3A_1048], %select_n3A_1025 {strides = array<i32>} : memref<16x128xf32, #tpu.memory_space<vmem>>, vector<16xf32>,
          %slice3A_1050 = vector.extract_strided_slice %convert_element_type3A_347 {offsets = [8], sizes = [1], strides = [1]} : vector<16xi32> to vector<1xi32>
          %squeeze3A_1051 = vector.extract %slice3A_1050[0] : i32 from vector<1xi32>
          %ne3A_1052 = arith.constant 0 : i32
          %ne3A_1053 = arith.cmpi ne, %squeeze3A_1051, %ne3A_1052 : i32
          %slice3A_1054 = vector.extract_strided_slice %min3A_354 {offsets = [8], sizes = [1], strides = [1]} : vector<16xi32> to vector<1xi32>
          %squeeze3A_1055 = vector.extract %slice3A_1054[0] : i32 from vector<1xi32>
          %add3A_1056 = arith.constant 8 : i32
          %add3A_1057 = arith.addi %mul3A_276, %add3A_1056 : i32
          %get3A_1058 = arith.index_cast %add3A_1057 : i32 to index
          %get3A_1059 = arith.constant 0 : index
          %get3A_1060 = tpu.vector_load %arg10[%get3A_1058, %get3A_1059] {strides = array<i32>} : memref<128x128xf32, #tpu.memory_space<vmem>>, vector<16xf32>,
          %add3A_1061 = arith.constant 8 : i32
          %add3A_1062 = arith.addi %mul3A_276, %add3A_1061 : i32
          %get3A_1063 = arith.index_cast %add3A_1062 : i32 to index
          %get3A_1064 = arith.constant 16 : index
          %get3A_1065 = tpu.vector_load %arg10[%get3A_1063, %get3A_1064] {strides = array<i32>} : memref<128x128xf32, #tpu.memory_space<vmem>>, vector<16xf32>,
          %add3A_1066 = arith.constant 8 : i32
          %add3A_1067 = arith.addi %mul3A_276, %add3A_1066 : i32
          %get3A_1068 = arith.index_cast %add3A_1067 : i32 to index
          %get3A_1069 = arith.constant 32 : index
          %get3A_1070 = tpu.vector_load %arg10[%get3A_1068, %get3A_1069] {strides = array<i32>} : memref<128x128xf32, #tpu.memory_space<vmem>>, vector<16xf32>,
          %add3A_1071 = arith.constant 8 : i32
          %add3A_1072 = arith.addi %mul3A_276, %add3A_1071 : i32
          %get3A_1073 = arith.index_cast %add3A_1072 : i32 to index
          %get3A_1074 = arith.constant 48 : index
          %get3A_1075 = tpu.vector_load %arg10[%get3A_1073, %get3A_1074] {strides = array<i32>} : memref<128x128xf32, #tpu.memory_space<vmem>>, vector<16xf32>,
          %add3A_1076 = arith.constant 8 : i32
          %add3A_1077 = arith.addi %mul3A_276, %add3A_1076 : i32
          %get3A_1078 = arith.index_cast %add3A_1077 : i32 to index
          %get3A_1079 = arith.constant 64 : index
          %get3A_1080 = tpu.vector_load %arg10[%get3A_1078, %get3A_1079] {strides = array<i32>} : memref<128x128xf32, #tpu.memory_space<vmem>>, vector<16xf32>,
          %add3A_1081 = arith.constant 8 : i32
          %add3A_1082 = arith.addi %mul3A_276, %add3A_1081 : i32
          %get3A_1083 = arith.index_cast %add3A_1082 : i32 to index
          %get3A_1084 = arith.constant 80 : index
          %get3A_1085 = tpu.vector_load %arg10[%get3A_1083, %get3A_1084] {strides = array<i32>} : memref<128x128xf32, #tpu.memory_space<vmem>>, vector<16xf32>,
          %add3A_1086 = arith.constant 8 : i32
          %add3A_1087 = arith.addi %mul3A_276, %add3A_1086 : i32
          %get3A_1088 = arith.index_cast %add3A_1087 : i32 to index
          %get3A_1089 = arith.constant 96 : index
          %get3A_1090 = tpu.vector_load %arg10[%get3A_1088, %get3A_1089] {strides = array<i32>} : memref<128x128xf32, #tpu.memory_space<vmem>>, vector<16xf32>,
          %add3A_1091 = arith.constant 8 : i32
          %add3A_1092 = arith.addi %mul3A_276, %add3A_1091 : i32
          %get3A_1093 = arith.index_cast %add3A_1092 : i32 to index
          %get3A_1094 = arith.constant 112 : index
          %get3A_1095 = tpu.vector_load %arg10[%get3A_1093, %get3A_1094] {strides = array<i32>} : memref<128x128xf32, #tpu.memory_space<vmem>>, vector<16xf32>,
          %add3A_1096 = arith.addf %select_n3A_1011, %get3A_1060 : vector<16xf32>
          %select_n3A_1097 = arith.select %ne3A_1053, %get3A_1060, %add3A_1096 : vector<16xf32>
          %add3A_1098 = arith.addf %select_n3A_1013, %get3A_1065 : vector<16xf32>
          %select_n3A_1099 = arith.select %ne3A_1053, %get3A_1065, %add3A_1098 : vector<16xf32>
          %add3A_1100 = arith.addf %select_n3A_1015, %get3A_1070 : vector<16xf32>
          %select_n3A_1101 = arith.select %ne3A_1053, %get3A_1070, %add3A_1100 : vector<16xf32>
          %add3A_1102 = arith.addf %select_n3A_1017, %get3A_1075 : vector<16xf32>
          %select_n3A_1103 = arith.select %ne3A_1053, %get3A_1075, %add3A_1102 : vector<16xf32>
          %add3A_1104 = arith.addf %select_n3A_1019, %get3A_1080 : vector<16xf32>
          %select_n3A_1105 = arith.select %ne3A_1053, %get3A_1080, %add3A_1104 : vector<16xf32>
          %add3A_1106 = arith.addf %select_n3A_1021, %get3A_1085 : vector<16xf32>
          %select_n3A_1107 = arith.select %ne3A_1053, %get3A_1085, %add3A_1106 : vector<16xf32>
          %add3A_1108 = arith.addf %select_n3A_1023, %get3A_1090 : vector<16xf32>
          %select_n3A_1109 = arith.select %ne3A_1053, %get3A_1090, %add3A_1108 : vector<16xf32>
          %add3A_1110 = arith.addf %select_n3A_1025, %get3A_1095 : vector<16xf32>
          %select_n3A_1111 = arith.select %ne3A_1053, %get3A_1095, %add3A_1110 : vector<16xf32>
          %swap3A_1112 = arith.index_cast %squeeze3A_1055 : i32 to index
          %swap3A_1113 = arith.constant 0 : index
          %swap3A_1114 = tpu.vector_load %arg22[%swap3A_1112, %swap3A_1113] {strides = array<i32>} : memref<16x128xf32, #tpu.memory_space<vmem>>, vector<16xf32>,
          tpu.vector_store %arg22[%swap3A_1112, %swap3A_1113], %select_n3A_1097 {strides = array<i32>} : memref<16x128xf32, #tpu.memory_space<vmem>>, vector<16xf32>,
          %swap3A_1115 = arith.index_cast %squeeze3A_1055 : i32 to index
          %swap3A_1116 = arith.constant 16 : index
          %swap3A_1117 = tpu.vector_load %arg22[%swap3A_1115, %swap3A_1116] {strides = array<i32>} : memref<16x128xf32, #tpu.memory_space<vmem>>, vector<16xf32>,
          tpu.vector_store %arg22[%swap3A_1115, %swap3A_1116], %select_n3A_1099 {strides = array<i32>} : memref<16x128xf32, #tpu.memory_space<vmem>>, vector<16xf32>,
          %swap3A_1118 = arith.index_cast %squeeze3A_1055 : i32 to index
          %swap3A_1119 = arith.constant 32 : index
          %swap3A_1120 = tpu.vector_load %arg22[%swap3A_1118, %swap3A_1119] {strides = array<i32>} : memref<16x128xf32, #tpu.memory_space<vmem>>, vector<16xf32>,
          tpu.vector_store %arg22[%swap3A_1118, %swap3A_1119], %select_n3A_1101 {strides = array<i32>} : memref<16x128xf32, #tpu.memory_space<vmem>>, vector<16xf32>,
          %swap3A_1121 = arith.index_cast %squeeze3A_1055 : i32 to index
          %swap3A_1122 = arith.constant 48 : index
          %swap3A_1123 = tpu.vector_load %arg22[%swap3A_1121, %swap3A_1122] {strides = array<i32>} : memref<16x128xf32, #tpu.memory_space<vmem>>, vector<16xf32>,
          tpu.vector_store %arg22[%swap3A_1121, %swap3A_1122], %select_n3A_1103 {strides = array<i32>} : memref<16x128xf32, #tpu.memory_space<vmem>>, vector<16xf32>,
          %swap3A_1124 = arith.index_cast %squeeze3A_1055 : i32 to index
          %swap3A_1125 = arith.constant 64 : index
          %swap3A_1126 = tpu.vector_load %arg22[%swap3A_1124, %swap3A_1125] {strides = array<i32>} : memref<16x128xf32, #tpu.memory_space<vmem>>, vector<16xf32>,
          tpu.vector_store %arg22[%swap3A_1124, %swap3A_1125], %select_n3A_1105 {strides = array<i32>} : memref<16x128xf32, #tpu.memory_space<vmem>>, vector<16xf32>,
          %swap3A_1127 = arith.index_cast %squeeze3A_1055 : i32 to index
          %swap3A_1128 = arith.constant 80 : index
          %swap3A_1129 = tpu.vector_load %arg22[%swap3A_1127, %swap3A_1128] {strides = array<i32>} : memref<16x128xf32, #tpu.memory_space<vmem>>, vector<16xf32>,
          tpu.vector_store %arg22[%swap3A_1127, %swap3A_1128], %select_n3A_1107 {strides = array<i32>} : memref<16x128xf32, #tpu.memory_space<vmem>>, vector<16xf32>,
          %swap3A_1130 = arith.index_cast %squeeze3A_1055 : i32 to index
          %swap3A_1131 = arith.constant 96 : index
          %swap3A_1132 = tpu.vector_load %arg22[%swap3A_1130, %swap3A_1131] {strides = array<i32>} : memref<16x128xf32, #tpu.memory_space<vmem>>, vector<16xf32>,
          tpu.vector_store %arg22[%swap3A_1130, %swap3A_1131], %select_n3A_1109 {strides = array<i32>} : memref<16x128xf32, #tpu.memory_space<vmem>>, vector<16xf32>,
          %swap3A_1133 = arith.index_cast %squeeze3A_1055 : i32 to index
          %swap3A_1134 = arith.constant 112 : index
          %swap3A_1135 = tpu.vector_load %arg22[%swap3A_1133, %swap3A_1134] {strides = array<i32>} : memref<16x128xf32, #tpu.memory_space<vmem>>, vector<16xf32>,
          tpu.vector_store %arg22[%swap3A_1133, %swap3A_1134], %select_n3A_1111 {strides = array<i32>} : memref<16x128xf32, #tpu.memory_space<vmem>>, vector<16xf32>,
          %slice3A_1136 = vector.extract_strided_slice %convert_element_type3A_347 {offsets = [9], sizes = [1], strides = [1]} : vector<16xi32> to vector<1xi32>
          %squeeze3A_1137 = vector.extract %slice3A_1136[0] : i32 from vector<1xi32>
          %ne3A_1138 = arith.constant 0 : i32
          %ne3A_1139 = arith.cmpi ne, %squeeze3A_1137, %ne3A_1138 : i32
          %slice3A_1140 = vector.extract_strided_slice %min3A_354 {offsets = [9], sizes = [1], strides = [1]} : vector<16xi32> to vector<1xi32>
          %squeeze3A_1141 = vector.extract %slice3A_1140[0] : i32 from vector<1xi32>
          %add3A_1142 = arith.constant 9 : i32
          %add3A_1143 = arith.addi %mul3A_276, %add3A_1142 : i32
          %get3A_1144 = arith.index_cast %add3A_1143 : i32 to index
          %get3A_1145 = arith.constant 0 : index
          %get3A_1146 = tpu.vector_load %arg10[%get3A_1144, %get3A_1145] {strides = array<i32>} : memref<128x128xf32, #tpu.memory_space<vmem>>, vector<16xf32>,
          %add3A_1147 = arith.constant 9 : i32
          %add3A_1148 = arith.addi %mul3A_276, %add3A_1147 : i32
          %get3A_1149 = arith.index_cast %add3A_1148 : i32 to index
          %get3A_1150 = arith.constant 16 : index
          %get3A_1151 = tpu.vector_load %arg10[%get3A_1149, %get3A_1150] {strides = array<i32>} : memref<128x128xf32, #tpu.memory_space<vmem>>, vector<16xf32>,
          %add3A_1152 = arith.constant 9 : i32
          %add3A_1153 = arith.addi %mul3A_276, %add3A_1152 : i32
          %get3A_1154 = arith.index_cast %add3A_1153 : i32 to index
          %get3A_1155 = arith.constant 32 : index
          %get3A_1156 = tpu.vector_load %arg10[%get3A_1154, %get3A_1155] {strides = array<i32>} : memref<128x128xf32, #tpu.memory_space<vmem>>, vector<16xf32>,
          %add3A_1157 = arith.constant 9 : i32
          %add3A_1158 = arith.addi %mul3A_276, %add3A_1157 : i32
          %get3A_1159 = arith.index_cast %add3A_1158 : i32 to index
          %get3A_1160 = arith.constant 48 : index
          %get3A_1161 = tpu.vector_load %arg10[%get3A_1159, %get3A_1160] {strides = array<i32>} : memref<128x128xf32, #tpu.memory_space<vmem>>, vector<16xf32>,
          %add3A_1162 = arith.constant 9 : i32
          %add3A_1163 = arith.addi %mul3A_276, %add3A_1162 : i32
          %get3A_1164 = arith.index_cast %add3A_1163 : i32 to index
          %get3A_1165 = arith.constant 64 : index
          %get3A_1166 = tpu.vector_load %arg10[%get3A_1164, %get3A_1165] {strides = array<i32>} : memref<128x128xf32, #tpu.memory_space<vmem>>, vector<16xf32>,
          %add3A_1167 = arith.constant 9 : i32
          %add3A_1168 = arith.addi %mul3A_276, %add3A_1167 : i32
          %get3A_1169 = arith.index_cast %add3A_1168 : i32 to index
          %get3A_1170 = arith.constant 80 : index
          %get3A_1171 = tpu.vector_load %arg10[%get3A_1169, %get3A_1170] {strides = array<i32>} : memref<128x128xf32, #tpu.memory_space<vmem>>, vector<16xf32>,
          %add3A_1172 = arith.constant 9 : i32
          %add3A_1173 = arith.addi %mul3A_276, %add3A_1172 : i32
          %get3A_1174 = arith.index_cast %add3A_1173 : i32 to index
          %get3A_1175 = arith.constant 96 : index
          %get3A_1176 = tpu.vector_load %arg10[%get3A_1174, %get3A_1175] {strides = array<i32>} : memref<128x128xf32, #tpu.memory_space<vmem>>, vector<16xf32>,
          %add3A_1177 = arith.constant 9 : i32
          %add3A_1178 = arith.addi %mul3A_276, %add3A_1177 : i32
          %get3A_1179 = arith.index_cast %add3A_1178 : i32 to index
          %get3A_1180 = arith.constant 112 : index
          %get3A_1181 = tpu.vector_load %arg10[%get3A_1179, %get3A_1180] {strides = array<i32>} : memref<128x128xf32, #tpu.memory_space<vmem>>, vector<16xf32>,
          %add3A_1182 = arith.addf %select_n3A_1097, %get3A_1146 : vector<16xf32>
          %select_n3A_1183 = arith.select %ne3A_1139, %get3A_1146, %add3A_1182 : vector<16xf32>
          %add3A_1184 = arith.addf %select_n3A_1099, %get3A_1151 : vector<16xf32>
          %select_n3A_1185 = arith.select %ne3A_1139, %get3A_1151, %add3A_1184 : vector<16xf32>
          %add3A_1186 = arith.addf %select_n3A_1101, %get3A_1156 : vector<16xf32>
          %select_n3A_1187 = arith.select %ne3A_1139, %get3A_1156, %add3A_1186 : vector<16xf32>
          %add3A_1188 = arith.addf %select_n3A_1103, %get3A_1161 : vector<16xf32>
          %select_n3A_1189 = arith.select %ne3A_1139, %get3A_1161, %add3A_1188 : vector<16xf32>
          %add3A_1190 = arith.addf %select_n3A_1105, %get3A_1166 : vector<16xf32>
          %select_n3A_1191 = arith.select %ne3A_1139, %get3A_1166, %add3A_1190 : vector<16xf32>
          %add3A_1192 = arith.addf %select_n3A_1107, %get3A_1171 : vector<16xf32>
          %select_n3A_1193 = arith.select %ne3A_1139, %get3A_1171, %add3A_1192 : vector<16xf32>
          %add3A_1194 = arith.addf %select_n3A_1109, %get3A_1176 : vector<16xf32>
          %select_n3A_1195 = arith.select %ne3A_1139, %get3A_1176, %add3A_1194 : vector<16xf32>
          %add3A_1196 = arith.addf %select_n3A_1111, %get3A_1181 : vector<16xf32>
          %select_n3A_1197 = arith.select %ne3A_1139, %get3A_1181, %add3A_1196 : vector<16xf32>
          %swap3A_1198 = arith.index_cast %squeeze3A_1141 : i32 to index
          %swap3A_1199 = arith.constant 0 : index
          %swap3A_1200 = tpu.vector_load %arg22[%swap3A_1198, %swap3A_1199] {strides = array<i32>} : memref<16x128xf32, #tpu.memory_space<vmem>>, vector<16xf32>,
          tpu.vector_store %arg22[%swap3A_1198, %swap3A_1199], %select_n3A_1183 {strides = array<i32>} : memref<16x128xf32, #tpu.memory_space<vmem>>, vector<16xf32>,
          %swap3A_1201 = arith.index_cast %squeeze3A_1141 : i32 to index
          %swap3A_1202 = arith.constant 16 : index
          %swap3A_1203 = tpu.vector_load %arg22[%swap3A_1201, %swap3A_1202] {strides = array<i32>} : memref<16x128xf32, #tpu.memory_space<vmem>>, vector<16xf32>,
          tpu.vector_store %arg22[%swap3A_1201, %swap3A_1202], %select_n3A_1185 {strides = array<i32>} : memref<16x128xf32, #tpu.memory_space<vmem>>, vector<16xf32>,
          %swap3A_1204 = arith.index_cast %squeeze3A_1141 : i32 to index
          %swap3A_1205 = arith.constant 32 : index
          %swap3A_1206 = tpu.vector_load %arg22[%swap3A_1204, %swap3A_1205] {strides = array<i32>} : memref<16x128xf32, #tpu.memory_space<vmem>>, vector<16xf32>,
          tpu.vector_store %arg22[%swap3A_1204, %swap3A_1205], %select_n3A_1187 {strides = array<i32>} : memref<16x128xf32, #tpu.memory_space<vmem>>, vector<16xf32>,
          %swap3A_1207 = arith.index_cast %squeeze3A_1141 : i32 to index
          %swap3A_1208 = arith.constant 48 : index
          %swap3A_1209 = tpu.vector_load %arg22[%swap3A_1207, %swap3A_1208] {strides = array<i32>} : memref<16x128xf32, #tpu.memory_space<vmem>>, vector<16xf32>,
          tpu.vector_store %arg22[%swap3A_1207, %swap3A_1208], %select_n3A_1189 {strides = array<i32>} : memref<16x128xf32, #tpu.memory_space<vmem>>, vector<16xf32>,
          %swap3A_1210 = arith.index_cast %squeeze3A_1141 : i32 to index
          %swap3A_1211 = arith.constant 64 : index
          %swap3A_1212 = tpu.vector_load %arg22[%swap3A_1210, %swap3A_1211] {strides = array<i32>} : memref<16x128xf32, #tpu.memory_space<vmem>>, vector<16xf32>,
          tpu.vector_store %arg22[%swap3A_1210, %swap3A_1211], %select_n3A_1191 {strides = array<i32>} : memref<16x128xf32, #tpu.memory_space<vmem>>, vector<16xf32>,
          %swap3A_1213 = arith.index_cast %squeeze3A_1141 : i32 to index
          %swap3A_1214 = arith.constant 80 : index
          %swap3A_1215 = tpu.vector_load %arg22[%swap3A_1213, %swap3A_1214] {strides = array<i32>} : memref<16x128xf32, #tpu.memory_space<vmem>>, vector<16xf32>,
          tpu.vector_store %arg22[%swap3A_1213, %swap3A_1214], %select_n3A_1193 {strides = array<i32>} : memref<16x128xf32, #tpu.memory_space<vmem>>, vector<16xf32>,
          %swap3A_1216 = arith.index_cast %squeeze3A_1141 : i32 to index
          %swap3A_1217 = arith.constant 96 : index
          %swap3A_1218 = tpu.vector_load %arg22[%swap3A_1216, %swap3A_1217] {strides = array<i32>} : memref<16x128xf32, #tpu.memory_space<vmem>>, vector<16xf32>,
          tpu.vector_store %arg22[%swap3A_1216, %swap3A_1217], %select_n3A_1195 {strides = array<i32>} : memref<16x128xf32, #tpu.memory_space<vmem>>, vector<16xf32>,
          %swap3A_1219 = arith.index_cast %squeeze3A_1141 : i32 to index
          %swap3A_1220 = arith.constant 112 : index
          %swap3A_1221 = tpu.vector_load %arg22[%swap3A_1219, %swap3A_1220] {strides = array<i32>} : memref<16x128xf32, #tpu.memory_space<vmem>>, vector<16xf32>,
          tpu.vector_store %arg22[%swap3A_1219, %swap3A_1220], %select_n3A_1197 {strides = array<i32>} : memref<16x128xf32, #tpu.memory_space<vmem>>, vector<16xf32>,
          %slice3A_1222 = vector.extract_strided_slice %convert_element_type3A_347 {offsets = [10], sizes = [1], strides = [1]} : vector<16xi32> to vector<1xi32>
          %squeeze3A_1223 = vector.extract %slice3A_1222[0] : i32 from vector<1xi32>
          %ne3A_1224 = arith.constant 0 : i32
          %ne3A_1225 = arith.cmpi ne, %squeeze3A_1223, %ne3A_1224 : i32
          %slice3A_1226 = vector.extract_strided_slice %min3A_354 {offsets = [10], sizes = [1], strides = [1]} : vector<16xi32> to vector<1xi32>
          %squeeze3A_1227 = vector.extract %slice3A_1226[0] : i32 from vector<1xi32>
          %add3A_1228 = arith.constant 10 : i32
          %add3A_1229 = arith.addi %mul3A_276, %add3A_1228 : i32
          %get3A_1230 = arith.index_cast %add3A_1229 : i32 to index
          %get3A_1231 = arith.constant 0 : index
          %get3A_1232 = tpu.vector_load %arg10[%get3A_1230, %get3A_1231] {strides = array<i32>} : memref<128x128xf32, #tpu.memory_space<vmem>>, vector<16xf32>,
          %add3A_1233 = arith.constant 10 : i32
          %add3A_1234 = arith.addi %mul3A_276, %add3A_1233 : i32
          %get3A_1235 = arith.index_cast %add3A_1234 : i32 to index
          %get3A_1236 = arith.constant 16 : index
          %get3A_1237 = tpu.vector_load %arg10[%get3A_1235, %get3A_1236] {strides = array<i32>} : memref<128x128xf32, #tpu.memory_space<vmem>>, vector<16xf32>,
          %add3A_1238 = arith.constant 10 : i32
          %add3A_1239 = arith.addi %mul3A_276, %add3A_1238 : i32
          %get3A_1240 = arith.index_cast %add3A_1239 : i32 to index
          %get3A_1241 = arith.constant 32 : index
          %get3A_1242 = tpu.vector_load %arg10[%get3A_1240, %get3A_1241] {strides = array<i32>} : memref<128x128xf32, #tpu.memory_space<vmem>>, vector<16xf32>,
          %add3A_1243 = arith.constant 10 : i32
          %add3A_1244 = arith.addi %mul3A_276, %add3A_1243 : i32
          %get3A_1245 = arith.index_cast %add3A_1244 : i32 to index
          %get3A_1246 = arith.constant 48 : index
          %get3A_1247 = tpu.vector_load %arg10[%get3A_1245, %get3A_1246] {strides = array<i32>} : memref<128x128xf32, #tpu.memory_space<vmem>>, vector<16xf32>,
          %add3A_1248 = arith.constant 10 : i32
          %add3A_1249 = arith.addi %mul3A_276, %add3A_1248 : i32
          %get3A_1250 = arith.index_cast %add3A_1249 : i32 to index
          %get3A_1251 = arith.constant 64 : index
          %get3A_1252 = tpu.vector_load %arg10[%get3A_1250, %get3A_1251] {strides = array<i32>} : memref<128x128xf32, #tpu.memory_space<vmem>>, vector<16xf32>,
          %add3A_1253 = arith.constant 10 : i32
          %add3A_1254 = arith.addi %mul3A_276, %add3A_1253 : i32
          %get3A_1255 = arith.index_cast %add3A_1254 : i32 to index
          %get3A_1256 = arith.constant 80 : index
          %get3A_1257 = tpu.vector_load %arg10[%get3A_1255, %get3A_1256] {strides = array<i32>} : memref<128x128xf32, #tpu.memory_space<vmem>>, vector<16xf32>,
          %add3A_1258 = arith.constant 10 : i32
          %add3A_1259 = arith.addi %mul3A_276, %add3A_1258 : i32
          %get3A_1260 = arith.index_cast %add3A_1259 : i32 to index
          %get3A_1261 = arith.constant 96 : index
          %get3A_1262 = tpu.vector_load %arg10[%get3A_1260, %get3A_1261] {strides = array<i32>} : memref<128x128xf32, #tpu.memory_space<vmem>>, vector<16xf32>,
          %add3A_1263 = arith.constant 10 : i32
          %add3A_1264 = arith.addi %mul3A_276, %add3A_1263 : i32
          %get3A_1265 = arith.index_cast %add3A_1264 : i32 to index
          %get3A_1266 = arith.constant 112 : index
          %get3A_1267 = tpu.vector_load %arg10[%get3A_1265, %get3A_1266] {strides = array<i32>} : memref<128x128xf32, #tpu.memory_space<vmem>>, vector<16xf32>,
          %add3A_1268 = arith.addf %select_n3A_1183, %get3A_1232 : vector<16xf32>
          %select_n3A_1269 = arith.select %ne3A_1225, %get3A_1232, %add3A_1268 : vector<16xf32>
          %add3A_1270 = arith.addf %select_n3A_1185, %get3A_1237 : vector<16xf32>
          %select_n3A_1271 = arith.select %ne3A_1225, %get3A_1237, %add3A_1270 : vector<16xf32>
          %add3A_1272 = arith.addf %select_n3A_1187, %get3A_1242 : vector<16xf32>
          %select_n3A_1273 = arith.select %ne3A_1225, %get3A_1242, %add3A_1272 : vector<16xf32>
          %add3A_1274 = arith.addf %select_n3A_1189, %get3A_1247 : vector<16xf32>
          %select_n3A_1275 = arith.select %ne3A_1225, %get3A_1247, %add3A_1274 : vector<16xf32>
          %add3A_1276 = arith.addf %select_n3A_1191, %get3A_1252 : vector<16xf32>
          %select_n3A_1277 = arith.select %ne3A_1225, %get3A_1252, %add3A_1276 : vector<16xf32>
          %add3A_1278 = arith.addf %select_n3A_1193, %get3A_1257 : vector<16xf32>
          %select_n3A_1279 = arith.select %ne3A_1225, %get3A_1257, %add3A_1278 : vector<16xf32>
          %add3A_1280 = arith.addf %select_n3A_1195, %get3A_1262 : vector<16xf32>
          %select_n3A_1281 = arith.select %ne3A_1225, %get3A_1262, %add3A_1280 : vector<16xf32>
          %add3A_1282 = arith.addf %select_n3A_1197, %get3A_1267 : vector<16xf32>
          %select_n3A_1283 = arith.select %ne3A_1225, %get3A_1267, %add3A_1282 : vector<16xf32>
          %swap3A_1284 = arith.index_cast %squeeze3A_1227 : i32 to index
          %swap3A_1285 = arith.constant 0 : index
          %swap3A_1286 = tpu.vector_load %arg22[%swap3A_1284, %swap3A_1285] {strides = array<i32>} : memref<16x128xf32, #tpu.memory_space<vmem>>, vector<16xf32>,
          tpu.vector_store %arg22[%swap3A_1284, %swap3A_1285], %select_n3A_1269 {strides = array<i32>} : memref<16x128xf32, #tpu.memory_space<vmem>>, vector<16xf32>,
          %swap3A_1287 = arith.index_cast %squeeze3A_1227 : i32 to index
          %swap3A_1288 = arith.constant 16 : index
          %swap3A_1289 = tpu.vector_load %arg22[%swap3A_1287, %swap3A_1288] {strides = array<i32>} : memref<16x128xf32, #tpu.memory_space<vmem>>, vector<16xf32>,
          tpu.vector_store %arg22[%swap3A_1287, %swap3A_1288], %select_n3A_1271 {strides = array<i32>} : memref<16x128xf32, #tpu.memory_space<vmem>>, vector<16xf32>,
          %swap3A_1290 = arith.index_cast %squeeze3A_1227 : i32 to index
          %swap3A_1291 = arith.constant 32 : index
          %swap3A_1292 = tpu.vector_load %arg22[%swap3A_1290, %swap3A_1291] {strides = array<i32>} : memref<16x128xf32, #tpu.memory_space<vmem>>, vector<16xf32>,
          tpu.vector_store %arg22[%swap3A_1290, %swap3A_1291], %select_n3A_1273 {strides = array<i32>} : memref<16x128xf32, #tpu.memory_space<vmem>>, vector<16xf32>,
          %swap3A_1293 = arith.index_cast %squeeze3A_1227 : i32 to index
          %swap3A_1294 = arith.constant 48 : index
          %swap3A_1295 = tpu.vector_load %arg22[%swap3A_1293, %swap3A_1294] {strides = array<i32>} : memref<16x128xf32, #tpu.memory_space<vmem>>, vector<16xf32>,
          tpu.vector_store %arg22[%swap3A_1293, %swap3A_1294], %select_n3A_1275 {strides = array<i32>} : memref<16x128xf32, #tpu.memory_space<vmem>>, vector<16xf32>,
          %swap3A_1296 = arith.index_cast %squeeze3A_1227 : i32 to index
          %swap3A_1297 = arith.constant 64 : index
          %swap3A_1298 = tpu.vector_load %arg22[%swap3A_1296, %swap3A_1297] {strides = array<i32>} : memref<16x128xf32, #tpu.memory_space<vmem>>, vector<16xf32>,
          tpu.vector_store %arg22[%swap3A_1296, %swap3A_1297], %select_n3A_1277 {strides = array<i32>} : memref<16x128xf32, #tpu.memory_space<vmem>>, vector<16xf32>,
          %swap3A_1299 = arith.index_cast %squeeze3A_1227 : i32 to index
          %swap3A_1300 = arith.constant 80 : index
          %swap3A_1301 = tpu.vector_load %arg22[%swap3A_1299, %swap3A_1300] {strides = array<i32>} : memref<16x128xf32, #tpu.memory_space<vmem>>, vector<16xf32>,
          tpu.vector_store %arg22[%swap3A_1299, %swap3A_1300], %select_n3A_1279 {strides = array<i32>} : memref<16x128xf32, #tpu.memory_space<vmem>>, vector<16xf32>,
          %swap3A_1302 = arith.index_cast %squeeze3A_1227 : i32 to index
          %swap3A_1303 = arith.constant 96 : index
          %swap3A_1304 = tpu.vector_load %arg22[%swap3A_1302, %swap3A_1303] {strides = array<i32>} : memref<16x128xf32, #tpu.memory_space<vmem>>, vector<16xf32>,
          tpu.vector_store %arg22[%swap3A_1302, %swap3A_1303], %select_n3A_1281 {strides = array<i32>} : memref<16x128xf32, #tpu.memory_space<vmem>>, vector<16xf32>,
          %swap3A_1305 = arith.index_cast %squeeze3A_1227 : i32 to index
          %swap3A_1306 = arith.constant 112 : index
          %swap3A_1307 = tpu.vector_load %arg22[%swap3A_1305, %swap3A_1306] {strides = array<i32>} : memref<16x128xf32, #tpu.memory_space<vmem>>, vector<16xf32>,
          tpu.vector_store %arg22[%swap3A_1305, %swap3A_1306], %select_n3A_1283 {strides = array<i32>} : memref<16x128xf32, #tpu.memory_space<vmem>>, vector<16xf32>,
          %slice3A_1308 = vector.extract_strided_slice %convert_element_type3A_347 {offsets = [11], sizes = [1], strides = [1]} : vector<16xi32> to vector<1xi32>
          %squeeze3A_1309 = vector.extract %slice3A_1308[0] : i32 from vector<1xi32>
          %ne3A_1310 = arith.constant 0 : i32
          %ne3A_1311 = arith.cmpi ne, %squeeze3A_1309, %ne3A_1310 : i32
          %slice3A_1312 = vector.extract_strided_slice %min3A_354 {offsets = [11], sizes = [1], strides = [1]} : vector<16xi32> to vector<1xi32>
          %squeeze3A_1313 = vector.extract %slice3A_1312[0] : i32 from vector<1xi32>
          %add3A_1314 = arith.constant 11 : i32
          %add3A_1315 = arith.addi %mul3A_276, %add3A_1314 : i32
          %get3A_1316 = arith.index_cast %add3A_1315 : i32 to index
          %get3A_1317 = arith.constant 0 : index
          %get3A_1318 = tpu.vector_load %arg10[%get3A_1316, %get3A_1317] {strides = array<i32>} : memref<128x128xf32, #tpu.memory_space<vmem>>, vector<16xf32>,
          %add3A_1319 = arith.constant 11 : i32
          %add3A_1320 = arith.addi %mul3A_276, %add3A_1319 : i32
          %get3A_1321 = arith.index_cast %add3A_1320 : i32 to index
          %get3A_1322 = arith.constant 16 : index
          %get3A_1323 = tpu.vector_load %arg10[%get3A_1321, %get3A_1322] {strides = array<i32>} : memref<128x128xf32, #tpu.memory_space<vmem>>, vector<16xf32>,
          %add3A_1324 = arith.constant 11 : i32
          %add3A_1325 = arith.addi %mul3A_276, %add3A_1324 : i32
          %get3A_1326 = arith.index_cast %add3A_1325 : i32 to index
          %get3A_1327 = arith.constant 32 : index
          %get3A_1328 = tpu.vector_load %arg10[%get3A_1326, %get3A_1327] {strides = array<i32>} : memref<128x128xf32, #tpu.memory_space<vmem>>, vector<16xf32>,
          %add3A_1329 = arith.constant 11 : i32
          %add3A_1330 = arith.addi %mul3A_276, %add3A_1329 : i32
          %get3A_1331 = arith.index_cast %add3A_1330 : i32 to index
          %get3A_1332 = arith.constant 48 : index
          %get3A_1333 = tpu.vector_load %arg10[%get3A_1331, %get3A_1332] {strides = array<i32>} : memref<128x128xf32, #tpu.memory_space<vmem>>, vector<16xf32>,
          %add3A_1334 = arith.constant 11 : i32
          %add3A_1335 = arith.addi %mul3A_276, %add3A_1334 : i32
          %get3A_1336 = arith.index_cast %add3A_1335 : i32 to index
          %get3A_1337 = arith.constant 64 : index
          %get3A_1338 = tpu.vector_load %arg10[%get3A_1336, %get3A_1337] {strides = array<i32>} : memref<128x128xf32, #tpu.memory_space<vmem>>, vector<16xf32>,
          %add3A_1339 = arith.constant 11 : i32
          %add3A_1340 = arith.addi %mul3A_276, %add3A_1339 : i32
          %get3A_1341 = arith.index_cast %add3A_1340 : i32 to index
          %get3A_1342 = arith.constant 80 : index
          %get3A_1343 = tpu.vector_load %arg10[%get3A_1341, %get3A_1342] {strides = array<i32>} : memref<128x128xf32, #tpu.memory_space<vmem>>, vector<16xf32>,
          %add3A_1344 = arith.constant 11 : i32
          %add3A_1345 = arith.addi %mul3A_276, %add3A_1344 : i32
          %get3A_1346 = arith.index_cast %add3A_1345 : i32 to index
          %get3A_1347 = arith.constant 96 : index
          %get3A_1348 = tpu.vector_load %arg10[%get3A_1346, %get3A_1347] {strides = array<i32>} : memref<128x128xf32, #tpu.memory_space<vmem>>, vector<16xf32>,
          %add3A_1349 = arith.constant 11 : i32
          %add3A_1350 = arith.addi %mul3A_276, %add3A_1349 : i32
          %get3A_1351 = arith.index_cast %add3A_1350 : i32 to index
          %get3A_1352 = arith.constant 112 : index
          %get3A_1353 = tpu.vector_load %arg10[%get3A_1351, %get3A_1352] {strides = array<i32>} : memref<128x128xf32, #tpu.memory_space<vmem>>, vector<16xf32>,
          %add3A_1354 = arith.addf %select_n3A_1269, %get3A_1318 : vector<16xf32>
          %select_n3A_1355 = arith.select %ne3A_1311, %get3A_1318, %add3A_1354 : vector<16xf32>
          %add3A_1356 = arith.addf %select_n3A_1271, %get3A_1323 : vector<16xf32>
          %select_n3A_1357 = arith.select %ne3A_1311, %get3A_1323, %add3A_1356 : vector<16xf32>
          %add3A_1358 = arith.addf %select_n3A_1273, %get3A_1328 : vector<16xf32>
          %select_n3A_1359 = arith.select %ne3A_1311, %get3A_1328, %add3A_1358 : vector<16xf32>
          %add3A_1360 = arith.addf %select_n3A_1275, %get3A_1333 : vector<16xf32>
          %select_n3A_1361 = arith.select %ne3A_1311, %get3A_1333, %add3A_1360 : vector<16xf32>
          %add3A_1362 = arith.addf %select_n3A_1277, %get3A_1338 : vector<16xf32>
          %select_n3A_1363 = arith.select %ne3A_1311, %get3A_1338, %add3A_1362 : vector<16xf32>
          %add3A_1364 = arith.addf %select_n3A_1279, %get3A_1343 : vector<16xf32>
          %select_n3A_1365 = arith.select %ne3A_1311, %get3A_1343, %add3A_1364 : vector<16xf32>
          %add3A_1366 = arith.addf %select_n3A_1281, %get3A_1348 : vector<16xf32>
          %select_n3A_1367 = arith.select %ne3A_1311, %get3A_1348, %add3A_1366 : vector<16xf32>
          %add3A_1368 = arith.addf %select_n3A_1283, %get3A_1353 : vector<16xf32>
          %select_n3A_1369 = arith.select %ne3A_1311, %get3A_1353, %add3A_1368 : vector<16xf32>
          %swap3A_1370 = arith.index_cast %squeeze3A_1313 : i32 to index
          %swap3A_1371 = arith.constant 0 : index
          %swap3A_1372 = tpu.vector_load %arg22[%swap3A_1370, %swap3A_1371] {strides = array<i32>} : memref<16x128xf32, #tpu.memory_space<vmem>>, vector<16xf32>,
          tpu.vector_store %arg22[%swap3A_1370, %swap3A_1371], %select_n3A_1355 {strides = array<i32>} : memref<16x128xf32, #tpu.memory_space<vmem>>, vector<16xf32>,
          %swap3A_1373 = arith.index_cast %squeeze3A_1313 : i32 to index
          %swap3A_1374 = arith.constant 16 : index
          %swap3A_1375 = tpu.vector_load %arg22[%swap3A_1373, %swap3A_1374] {strides = array<i32>} : memref<16x128xf32, #tpu.memory_space<vmem>>, vector<16xf32>,
          tpu.vector_store %arg22[%swap3A_1373, %swap3A_1374], %select_n3A_1357 {strides = array<i32>} : memref<16x128xf32, #tpu.memory_space<vmem>>, vector<16xf32>,
          %swap3A_1376 = arith.index_cast %squeeze3A_1313 : i32 to index
          %swap3A_1377 = arith.constant 32 : index
          %swap3A_1378 = tpu.vector_load %arg22[%swap3A_1376, %swap3A_1377] {strides = array<i32>} : memref<16x128xf32, #tpu.memory_space<vmem>>, vector<16xf32>,
          tpu.vector_store %arg22[%swap3A_1376, %swap3A_1377], %select_n3A_1359 {strides = array<i32>} : memref<16x128xf32, #tpu.memory_space<vmem>>, vector<16xf32>,
          %swap3A_1379 = arith.index_cast %squeeze3A_1313 : i32 to index
          %swap3A_1380 = arith.constant 48 : index
          %swap3A_1381 = tpu.vector_load %arg22[%swap3A_1379, %swap3A_1380] {strides = array<i32>} : memref<16x128xf32, #tpu.memory_space<vmem>>, vector<16xf32>,
          tpu.vector_store %arg22[%swap3A_1379, %swap3A_1380], %select_n3A_1361 {strides = array<i32>} : memref<16x128xf32, #tpu.memory_space<vmem>>, vector<16xf32>,
          %swap3A_1382 = arith.index_cast %squeeze3A_1313 : i32 to index
          %swap3A_1383 = arith.constant 64 : index
          %swap3A_1384 = tpu.vector_load %arg22[%swap3A_1382, %swap3A_1383] {strides = array<i32>} : memref<16x128xf32, #tpu.memory_space<vmem>>, vector<16xf32>,
          tpu.vector_store %arg22[%swap3A_1382, %swap3A_1383], %select_n3A_1363 {strides = array<i32>} : memref<16x128xf32, #tpu.memory_space<vmem>>, vector<16xf32>,
          %swap3A_1385 = arith.index_cast %squeeze3A_1313 : i32 to index
          %swap3A_1386 = arith.constant 80 : index
          %swap3A_1387 = tpu.vector_load %arg22[%swap3A_1385, %swap3A_1386] {strides = array<i32>} : memref<16x128xf32, #tpu.memory_space<vmem>>, vector<16xf32>,
          tpu.vector_store %arg22[%swap3A_1385, %swap3A_1386], %select_n3A_1365 {strides = array<i32>} : memref<16x128xf32, #tpu.memory_space<vmem>>, vector<16xf32>,
          %swap3A_1388 = arith.index_cast %squeeze3A_1313 : i32 to index
          %swap3A_1389 = arith.constant 96 : index
          %swap3A_1390 = tpu.vector_load %arg22[%swap3A_1388, %swap3A_1389] {strides = array<i32>} : memref<16x128xf32, #tpu.memory_space<vmem>>, vector<16xf32>,
          tpu.vector_store %arg22[%swap3A_1388, %swap3A_1389], %select_n3A_1367 {strides = array<i32>} : memref<16x128xf32, #tpu.memory_space<vmem>>, vector<16xf32>,
          %swap3A_1391 = arith.index_cast %squeeze3A_1313 : i32 to index
          %swap3A_1392 = arith.constant 112 : index
          %swap3A_1393 = tpu.vector_load %arg22[%swap3A_1391, %swap3A_1392] {strides = array<i32>} : memref<16x128xf32, #tpu.memory_space<vmem>>, vector<16xf32>,
          tpu.vector_store %arg22[%swap3A_1391, %swap3A_1392], %select_n3A_1369 {strides = array<i32>} : memref<16x128xf32, #tpu.memory_space<vmem>>, vector<16xf32>,
          %slice3A_1394 = vector.extract_strided_slice %convert_element_type3A_347 {offsets = [12], sizes = [1], strides = [1]} : vector<16xi32> to vector<1xi32>
          %squeeze3A_1395 = vector.extract %slice3A_1394[0] : i32 from vector<1xi32>
          %ne3A_1396 = arith.constant 0 : i32
          %ne3A_1397 = arith.cmpi ne, %squeeze3A_1395, %ne3A_1396 : i32
          %slice3A_1398 = vector.extract_strided_slice %min3A_354 {offsets = [12], sizes = [1], strides = [1]} : vector<16xi32> to vector<1xi32>
          %squeeze3A_1399 = vector.extract %slice3A_1398[0] : i32 from vector<1xi32>
          %add3A_1400 = arith.constant 12 : i32
          %add3A_1401 = arith.addi %mul3A_276, %add3A_1400 : i32
          %get3A_1402 = arith.index_cast %add3A_1401 : i32 to index
          %get3A_1403 = arith.constant 0 : index
          %get3A_1404 = tpu.vector_load %arg10[%get3A_1402, %get3A_1403] {strides = array<i32>} : memref<128x128xf32, #tpu.memory_space<vmem>>, vector<16xf32>,
          %add3A_1405 = arith.constant 12 : i32
          %add3A_1406 = arith.addi %mul3A_276, %add3A_1405 : i32
          %get3A_1407 = arith.index_cast %add3A_1406 : i32 to index
          %get3A_1408 = arith.constant 16 : index
          %get3A_1409 = tpu.vector_load %arg10[%get3A_1407, %get3A_1408] {strides = array<i32>} : memref<128x128xf32, #tpu.memory_space<vmem>>, vector<16xf32>,
          %add3A_1410 = arith.constant 12 : i32
          %add3A_1411 = arith.addi %mul3A_276, %add3A_1410 : i32
          %get3A_1412 = arith.index_cast %add3A_1411 : i32 to index
          %get3A_1413 = arith.constant 32 : index
          %get3A_1414 = tpu.vector_load %arg10[%get3A_1412, %get3A_1413] {strides = array<i32>} : memref<128x128xf32, #tpu.memory_space<vmem>>, vector<16xf32>,
          %add3A_1415 = arith.constant 12 : i32
          %add3A_1416 = arith.addi %mul3A_276, %add3A_1415 : i32
          %get3A_1417 = arith.index_cast %add3A_1416 : i32 to index
          %get3A_1418 = arith.constant 48 : index
          %get3A_1419 = tpu.vector_load %arg10[%get3A_1417, %get3A_1418] {strides = array<i32>} : memref<128x128xf32, #tpu.memory_space<vmem>>, vector<16xf32>,
          %add3A_1420 = arith.constant 12 : i32
          %add3A_1421 = arith.addi %mul3A_276, %add3A_1420 : i32
          %get3A_1422 = arith.index_cast %add3A_1421 : i32 to index
          %get3A_1423 = arith.constant 64 : index
          %get3A_1424 = tpu.vector_load %arg10[%get3A_1422, %get3A_1423] {strides = array<i32>} : memref<128x128xf32, #tpu.memory_space<vmem>>, vector<16xf32>,
          %add3A_1425 = arith.constant 12 : i32
          %add3A_1426 = arith.addi %mul3A_276, %add3A_1425 : i32
          %get3A_1427 = arith.index_cast %add3A_1426 : i32 to index
          %get3A_1428 = arith.constant 80 : index
          %get3A_1429 = tpu.vector_load %arg10[%get3A_1427, %get3A_1428] {strides = array<i32>} : memref<128x128xf32, #tpu.memory_space<vmem>>, vector<16xf32>,
          %add3A_1430 = arith.constant 12 : i32
          %add3A_1431 = arith.addi %mul3A_276, %add3A_1430 : i32
          %get3A_1432 = arith.index_cast %add3A_1431 : i32 to index
          %get3A_1433 = arith.constant 96 : index
          %get3A_1434 = tpu.vector_load %arg10[%get3A_1432, %get3A_1433] {strides = array<i32>} : memref<128x128xf32, #tpu.memory_space<vmem>>, vector<16xf32>,
          %add3A_1435 = arith.constant 12 : i32
          %add3A_1436 = arith.addi %mul3A_276, %add3A_1435 : i32
          %get3A_1437 = arith.index_cast %add3A_1436 : i32 to index
          %get3A_1438 = arith.constant 112 : index
          %get3A_1439 = tpu.vector_load %arg10[%get3A_1437, %get3A_1438] {strides = array<i32>} : memref<128x128xf32, #tpu.memory_space<vmem>>, vector<16xf32>,
          %add3A_1440 = arith.addf %select_n3A_1355, %get3A_1404 : vector<16xf32>
          %select_n3A_1441 = arith.select %ne3A_1397, %get3A_1404, %add3A_1440 : vector<16xf32>
          %add3A_1442 = arith.addf %select_n3A_1357, %get3A_1409 : vector<16xf32>
          %select_n3A_1443 = arith.select %ne3A_1397, %get3A_1409, %add3A_1442 : vector<16xf32>
          %add3A_1444 = arith.addf %select_n3A_1359, %get3A_1414 : vector<16xf32>
          %select_n3A_1445 = arith.select %ne3A_1397, %get3A_1414, %add3A_1444 : vector<16xf32>
          %add3A_1446 = arith.addf %select_n3A_1361, %get3A_1419 : vector<16xf32>
          %select_n3A_1447 = arith.select %ne3A_1397, %get3A_1419, %add3A_1446 : vector<16xf32>
          %add3A_1448 = arith.addf %select_n3A_1363, %get3A_1424 : vector<16xf32>
          %select_n3A_1449 = arith.select %ne3A_1397, %get3A_1424, %add3A_1448 : vector<16xf32>
          %add3A_1450 = arith.addf %select_n3A_1365, %get3A_1429 : vector<16xf32>
          %select_n3A_1451 = arith.select %ne3A_1397, %get3A_1429, %add3A_1450 : vector<16xf32>
          %add3A_1452 = arith.addf %select_n3A_1367, %get3A_1434 : vector<16xf32>
          %select_n3A_1453 = arith.select %ne3A_1397, %get3A_1434, %add3A_1452 : vector<16xf32>
          %add3A_1454 = arith.addf %select_n3A_1369, %get3A_1439 : vector<16xf32>
          %select_n3A_1455 = arith.select %ne3A_1397, %get3A_1439, %add3A_1454 : vector<16xf32>
          %swap3A_1456 = arith.index_cast %squeeze3A_1399 : i32 to index
          %swap3A_1457 = arith.constant 0 : index
          %swap3A_1458 = tpu.vector_load %arg22[%swap3A_1456, %swap3A_1457] {strides = array<i32>} : memref<16x128xf32, #tpu.memory_space<vmem>>, vector<16xf32>,
          tpu.vector_store %arg22[%swap3A_1456, %swap3A_1457], %select_n3A_1441 {strides = array<i32>} : memref<16x128xf32, #tpu.memory_space<vmem>>, vector<16xf32>,
          %swap3A_1459 = arith.index_cast %squeeze3A_1399 : i32 to index
          %swap3A_1460 = arith.constant 16 : index
          %swap3A_1461 = tpu.vector_load %arg22[%swap3A_1459, %swap3A_1460] {strides = array<i32>} : memref<16x128xf32, #tpu.memory_space<vmem>>, vector<16xf32>,
          tpu.vector_store %arg22[%swap3A_1459, %swap3A_1460], %select_n3A_1443 {strides = array<i32>} : memref<16x128xf32, #tpu.memory_space<vmem>>, vector<16xf32>,
          %swap3A_1462 = arith.index_cast %squeeze3A_1399 : i32 to index
          %swap3A_1463 = arith.constant 32 : index
          %swap3A_1464 = tpu.vector_load %arg22[%swap3A_1462, %swap3A_1463] {strides = array<i32>} : memref<16x128xf32, #tpu.memory_space<vmem>>, vector<16xf32>,
          tpu.vector_store %arg22[%swap3A_1462, %swap3A_1463], %select_n3A_1445 {strides = array<i32>} : memref<16x128xf32, #tpu.memory_space<vmem>>, vector<16xf32>,
          %swap3A_1465 = arith.index_cast %squeeze3A_1399 : i32 to index
          %swap3A_1466 = arith.constant 48 : index
          %swap3A_1467 = tpu.vector_load %arg22[%swap3A_1465, %swap3A_1466] {strides = array<i32>} : memref<16x128xf32, #tpu.memory_space<vmem>>, vector<16xf32>,
          tpu.vector_store %arg22[%swap3A_1465, %swap3A_1466], %select_n3A_1447 {strides = array<i32>} : memref<16x128xf32, #tpu.memory_space<vmem>>, vector<16xf32>,
          %swap3A_1468 = arith.index_cast %squeeze3A_1399 : i32 to index
          %swap3A_1469 = arith.constant 64 : index
          %swap3A_1470 = tpu.vector_load %arg22[%swap3A_1468, %swap3A_1469] {strides = array<i32>} : memref<16x128xf32, #tpu.memory_space<vmem>>, vector<16xf32>,
          tpu.vector_store %arg22[%swap3A_1468, %swap3A_1469], %select_n3A_1449 {strides = array<i32>} : memref<16x128xf32, #tpu.memory_space<vmem>>, vector<16xf32>,
          %swap3A_1471 = arith.index_cast %squeeze3A_1399 : i32 to index
          %swap3A_1472 = arith.constant 80 : index
          %swap3A_1473 = tpu.vector_load %arg22[%swap3A_1471, %swap3A_1472] {strides = array<i32>} : memref<16x128xf32, #tpu.memory_space<vmem>>, vector<16xf32>,
          tpu.vector_store %arg22[%swap3A_1471, %swap3A_1472], %select_n3A_1451 {strides = array<i32>} : memref<16x128xf32, #tpu.memory_space<vmem>>, vector<16xf32>,
          %swap3A_1474 = arith.index_cast %squeeze3A_1399 : i32 to index
          %swap3A_1475 = arith.constant 96 : index
          %swap3A_1476 = tpu.vector_load %arg22[%swap3A_1474, %swap3A_1475] {strides = array<i32>} : memref<16x128xf32, #tpu.memory_space<vmem>>, vector<16xf32>,
          tpu.vector_store %arg22[%swap3A_1474, %swap3A_1475], %select_n3A_1453 {strides = array<i32>} : memref<16x128xf32, #tpu.memory_space<vmem>>, vector<16xf32>,
          %swap3A_1477 = arith.index_cast %squeeze3A_1399 : i32 to index
          %swap3A_1478 = arith.constant 112 : index
          %swap3A_1479 = tpu.vector_load %arg22[%swap3A_1477, %swap3A_1478] {strides = array<i32>} : memref<16x128xf32, #tpu.memory_space<vmem>>, vector<16xf32>,
          tpu.vector_store %arg22[%swap3A_1477, %swap3A_1478], %select_n3A_1455 {strides = array<i32>} : memref<16x128xf32, #tpu.memory_space<vmem>>, vector<16xf32>,
          %slice3A_1480 = vector.extract_strided_slice %convert_element_type3A_347 {offsets = [13], sizes = [1], strides = [1]} : vector<16xi32> to vector<1xi32>
          %squeeze3A_1481 = vector.extract %slice3A_1480[0] : i32 from vector<1xi32>
          %ne3A_1482 = arith.constant 0 : i32
          %ne3A_1483 = arith.cmpi ne, %squeeze3A_1481, %ne3A_1482 : i32
          %slice3A_1484 = vector.extract_strided_slice %min3A_354 {offsets = [13], sizes = [1], strides = [1]} : vector<16xi32> to vector<1xi32>
          %squeeze3A_1485 = vector.extract %slice3A_1484[0] : i32 from vector<1xi32>
          %add3A_1486 = arith.constant 13 : i32
          %add3A_1487 = arith.addi %mul3A_276, %add3A_1486 : i32
          %get3A_1488 = arith.index_cast %add3A_1487 : i32 to index
          %get3A_1489 = arith.constant 0 : index
          %get3A_1490 = tpu.vector_load %arg10[%get3A_1488, %get3A_1489] {strides = array<i32>} : memref<128x128xf32, #tpu.memory_space<vmem>>, vector<16xf32>,
          %add3A_1491 = arith.constant 13 : i32
          %add3A_1492 = arith.addi %mul3A_276, %add3A_1491 : i32
          %get3A_1493 = arith.index_cast %add3A_1492 : i32 to index
          %get3A_1494 = arith.constant 16 : index
          %get3A_1495 = tpu.vector_load %arg10[%get3A_1493, %get3A_1494] {strides = array<i32>} : memref<128x128xf32, #tpu.memory_space<vmem>>, vector<16xf32>,
          %add3A_1496 = arith.constant 13 : i32
          %add3A_1497 = arith.addi %mul3A_276, %add3A_1496 : i32
          %get3A_1498 = arith.index_cast %add3A_1497 : i32 to index
          %get3A_1499 = arith.constant 32 : index
          %get3A_1500 = tpu.vector_load %arg10[%get3A_1498, %get3A_1499] {strides = array<i32>} : memref<128x128xf32, #tpu.memory_space<vmem>>, vector<16xf32>,
          %add3A_1501 = arith.constant 13 : i32
          %add3A_1502 = arith.addi %mul3A_276, %add3A_1501 : i32
          %get3A_1503 = arith.index_cast %add3A_1502 : i32 to index
          %get3A_1504 = arith.constant 48 : index
          %get3A_1505 = tpu.vector_load %arg10[%get3A_1503, %get3A_1504] {strides = array<i32>} : memref<128x128xf32, #tpu.memory_space<vmem>>, vector<16xf32>,
          %add3A_1506 = arith.constant 13 : i32
          %add3A_1507 = arith.addi %mul3A_276, %add3A_1506 : i32
          %get3A_1508 = arith.index_cast %add3A_1507 : i32 to index
          %get3A_1509 = arith.constant 64 : index
          %get3A_1510 = tpu.vector_load %arg10[%get3A_1508, %get3A_1509] {strides = array<i32>} : memref<128x128xf32, #tpu.memory_space<vmem>>, vector<16xf32>,
          %add3A_1511 = arith.constant 13 : i32
          %add3A_1512 = arith.addi %mul3A_276, %add3A_1511 : i32
          %get3A_1513 = arith.index_cast %add3A_1512 : i32 to index
          %get3A_1514 = arith.constant 80 : index
          %get3A_1515 = tpu.vector_load %arg10[%get3A_1513, %get3A_1514] {strides = array<i32>} : memref<128x128xf32, #tpu.memory_space<vmem>>, vector<16xf32>,
          %add3A_1516 = arith.constant 13 : i32
          %add3A_1517 = arith.addi %mul3A_276, %add3A_1516 : i32
          %get3A_1518 = arith.index_cast %add3A_1517 : i32 to index
          %get3A_1519 = arith.constant 96 : index
          %get3A_1520 = tpu.vector_load %arg10[%get3A_1518, %get3A_1519] {strides = array<i32>} : memref<128x128xf32, #tpu.memory_space<vmem>>, vector<16xf32>,
          %add3A_1521 = arith.constant 13 : i32
          %add3A_1522 = arith.addi %mul3A_276, %add3A_1521 : i32
          %get3A_1523 = arith.index_cast %add3A_1522 : i32 to index
          %get3A_1524 = arith.constant 112 : index
          %get3A_1525 = tpu.vector_load %arg10[%get3A_1523, %get3A_1524] {strides = array<i32>} : memref<128x128xf32, #tpu.memory_space<vmem>>, vector<16xf32>,
          %add3A_1526 = arith.addf %select_n3A_1441, %get3A_1490 : vector<16xf32>
          %select_n3A_1527 = arith.select %ne3A_1483, %get3A_1490, %add3A_1526 : vector<16xf32>
          %add3A_1528 = arith.addf %select_n3A_1443, %get3A_1495 : vector<16xf32>
          %select_n3A_1529 = arith.select %ne3A_1483, %get3A_1495, %add3A_1528 : vector<16xf32>
          %add3A_1530 = arith.addf %select_n3A_1445, %get3A_1500 : vector<16xf32>
          %select_n3A_1531 = arith.select %ne3A_1483, %get3A_1500, %add3A_1530 : vector<16xf32>
          %add3A_1532 = arith.addf %select_n3A_1447, %get3A_1505 : vector<16xf32>
          %select_n3A_1533 = arith.select %ne3A_1483, %get3A_1505, %add3A_1532 : vector<16xf32>
          %add3A_1534 = arith.addf %select_n3A_1449, %get3A_1510 : vector<16xf32>
          %select_n3A_1535 = arith.select %ne3A_1483, %get3A_1510, %add3A_1534 : vector<16xf32>
          %add3A_1536 = arith.addf %select_n3A_1451, %get3A_1515 : vector<16xf32>
          %select_n3A_1537 = arith.select %ne3A_1483, %get3A_1515, %add3A_1536 : vector<16xf32>
          %add3A_1538 = arith.addf %select_n3A_1453, %get3A_1520 : vector<16xf32>
          %select_n3A_1539 = arith.select %ne3A_1483, %get3A_1520, %add3A_1538 : vector<16xf32>
          %add3A_1540 = arith.addf %select_n3A_1455, %get3A_1525 : vector<16xf32>
          %select_n3A_1541 = arith.select %ne3A_1483, %get3A_1525, %add3A_1540 : vector<16xf32>
          %swap3A_1542 = arith.index_cast %squeeze3A_1485 : i32 to index
          %swap3A_1543 = arith.constant 0 : index
          %swap3A_1544 = tpu.vector_load %arg22[%swap3A_1542, %swap3A_1543] {strides = array<i32>} : memref<16x128xf32, #tpu.memory_space<vmem>>, vector<16xf32>,
          tpu.vector_store %arg22[%swap3A_1542, %swap3A_1543], %select_n3A_1527 {strides = array<i32>} : memref<16x128xf32, #tpu.memory_space<vmem>>, vector<16xf32>,
          %swap3A_1545 = arith.index_cast %squeeze3A_1485 : i32 to index
          %swap3A_1546 = arith.constant 16 : index
          %swap3A_1547 = tpu.vector_load %arg22[%swap3A_1545, %swap3A_1546] {strides = array<i32>} : memref<16x128xf32, #tpu.memory_space<vmem>>, vector<16xf32>,
          tpu.vector_store %arg22[%swap3A_1545, %swap3A_1546], %select_n3A_1529 {strides = array<i32>} : memref<16x128xf32, #tpu.memory_space<vmem>>, vector<16xf32>,
          %swap3A_1548 = arith.index_cast %squeeze3A_1485 : i32 to index
          %swap3A_1549 = arith.constant 32 : index
          %swap3A_1550 = tpu.vector_load %arg22[%swap3A_1548, %swap3A_1549] {strides = array<i32>} : memref<16x128xf32, #tpu.memory_space<vmem>>, vector<16xf32>,
          tpu.vector_store %arg22[%swap3A_1548, %swap3A_1549], %select_n3A_1531 {strides = array<i32>} : memref<16x128xf32, #tpu.memory_space<vmem>>, vector<16xf32>,
          %swap3A_1551 = arith.index_cast %squeeze3A_1485 : i32 to index
          %swap3A_1552 = arith.constant 48 : index
          %swap3A_1553 = tpu.vector_load %arg22[%swap3A_1551, %swap3A_1552] {strides = array<i32>} : memref<16x128xf32, #tpu.memory_space<vmem>>, vector<16xf32>,
          tpu.vector_store %arg22[%swap3A_1551, %swap3A_1552], %select_n3A_1533 {strides = array<i32>} : memref<16x128xf32, #tpu.memory_space<vmem>>, vector<16xf32>,
          %swap3A_1554 = arith.index_cast %squeeze3A_1485 : i32 to index
          %swap3A_1555 = arith.constant 64 : index
          %swap3A_1556 = tpu.vector_load %arg22[%swap3A_1554, %swap3A_1555] {strides = array<i32>} : memref<16x128xf32, #tpu.memory_space<vmem>>, vector<16xf32>,
          tpu.vector_store %arg22[%swap3A_1554, %swap3A_1555], %select_n3A_1535 {strides = array<i32>} : memref<16x128xf32, #tpu.memory_space<vmem>>, vector<16xf32>,
          %swap3A_1557 = arith.index_cast %squeeze3A_1485 : i32 to index
          %swap3A_1558 = arith.constant 80 : index
          %swap3A_1559 = tpu.vector_load %arg22[%swap3A_1557, %swap3A_1558] {strides = array<i32>} : memref<16x128xf32, #tpu.memory_space<vmem>>, vector<16xf32>,
          tpu.vector_store %arg22[%swap3A_1557, %swap3A_1558], %select_n3A_1537 {strides = array<i32>} : memref<16x128xf32, #tpu.memory_space<vmem>>, vector<16xf32>,
          %swap3A_1560 = arith.index_cast %squeeze3A_1485 : i32 to index
          %swap3A_1561 = arith.constant 96 : index
          %swap3A_1562 = tpu.vector_load %arg22[%swap3A_1560, %swap3A_1561] {strides = array<i32>} : memref<16x128xf32, #tpu.memory_space<vmem>>, vector<16xf32>,
          tpu.vector_store %arg22[%swap3A_1560, %swap3A_1561], %select_n3A_1539 {strides = array<i32>} : memref<16x128xf32, #tpu.memory_space<vmem>>, vector<16xf32>,
          %swap3A_1563 = arith.index_cast %squeeze3A_1485 : i32 to index
          %swap3A_1564 = arith.constant 112 : index
          %swap3A_1565 = tpu.vector_load %arg22[%swap3A_1563, %swap3A_1564] {strides = array<i32>} : memref<16x128xf32, #tpu.memory_space<vmem>>, vector<16xf32>,
          tpu.vector_store %arg22[%swap3A_1563, %swap3A_1564], %select_n3A_1541 {strides = array<i32>} : memref<16x128xf32, #tpu.memory_space<vmem>>, vector<16xf32>,
          %slice3A_1566 = vector.extract_strided_slice %convert_element_type3A_347 {offsets = [14], sizes = [1], strides = [1]} : vector<16xi32> to vector<1xi32>
          %squeeze3A_1567 = vector.extract %slice3A_1566[0] : i32 from vector<1xi32>
          %ne3A_1568 = arith.constant 0 : i32
          %ne3A_1569 = arith.cmpi ne, %squeeze3A_1567, %ne3A_1568 : i32
          %slice3A_1570 = vector.extract_strided_slice %min3A_354 {offsets = [14], sizes = [1], strides = [1]} : vector<16xi32> to vector<1xi32>
          %squeeze3A_1571 = vector.extract %slice3A_1570[0] : i32 from vector<1xi32>
          %add3A_1572 = arith.constant 14 : i32
          %add3A_1573 = arith.addi %mul3A_276, %add3A_1572 : i32
          %get3A_1574 = arith.index_cast %add3A_1573 : i32 to index
          %get3A_1575 = arith.constant 0 : index
          %get3A_1576 = tpu.vector_load %arg10[%get3A_1574, %get3A_1575] {strides = array<i32>} : memref<128x128xf32, #tpu.memory_space<vmem>>, vector<16xf32>,
          %add3A_1577 = arith.constant 14 : i32
          %add3A_1578 = arith.addi %mul3A_276, %add3A_1577 : i32
          %get3A_1579 = arith.index_cast %add3A_1578 : i32 to index
          %get3A_1580 = arith.constant 16 : index
          %get3A_1581 = tpu.vector_load %arg10[%get3A_1579, %get3A_1580] {strides = array<i32>} : memref<128x128xf32, #tpu.memory_space<vmem>>, vector<16xf32>,
          %add3A_1582 = arith.constant 14 : i32
          %add3A_1583 = arith.addi %mul3A_276, %add3A_1582 : i32
          %get3A_1584 = arith.index_cast %add3A_1583 : i32 to index
          %get3A_1585 = arith.constant 32 : index
          %get3A_1586 = tpu.vector_load %arg10[%get3A_1584, %get3A_1585] {strides = array<i32>} : memref<128x128xf32, #tpu.memory_space<vmem>>, vector<16xf32>,
          %add3A_1587 = arith.constant 14 : i32
          %add3A_1588 = arith.addi %mul3A_276, %add3A_1587 : i32
          %get3A_1589 = arith.index_cast %add3A_1588 : i32 to index
          %get3A_1590 = arith.constant 48 : index
          %get3A_1591 = tpu.vector_load %arg10[%get3A_1589, %get3A_1590] {strides = array<i32>} : memref<128x128xf32, #tpu.memory_space<vmem>>, vector<16xf32>,
          %add3A_1592 = arith.constant 14 : i32
          %add3A_1593 = arith.addi %mul3A_276, %add3A_1592 : i32
          %get3A_1594 = arith.index_cast %add3A_1593 : i32 to index
          %get3A_1595 = arith.constant 64 : index
          %get3A_1596 = tpu.vector_load %arg10[%get3A_1594, %get3A_1595] {strides = array<i32>} : memref<128x128xf32, #tpu.memory_space<vmem>>, vector<16xf32>,
          %add3A_1597 = arith.constant 14 : i32
          %add3A_1598 = arith.addi %mul3A_276, %add3A_1597 : i32
          %get3A_1599 = arith.index_cast %add3A_1598 : i32 to index
          %get3A_1600 = arith.constant 80 : index
          %get3A_1601 = tpu.vector_load %arg10[%get3A_1599, %get3A_1600] {strides = array<i32>} : memref<128x128xf32, #tpu.memory_space<vmem>>, vector<16xf32>,
          %add3A_1602 = arith.constant 14 : i32
          %add3A_1603 = arith.addi %mul3A_276, %add3A_1602 : i32
          %get3A_1604 = arith.index_cast %add3A_1603 : i32 to index
          %get3A_1605 = arith.constant 96 : index
          %get3A_1606 = tpu.vector_load %arg10[%get3A_1604, %get3A_1605] {strides = array<i32>} : memref<128x128xf32, #tpu.memory_space<vmem>>, vector<16xf32>,
          %add3A_1607 = arith.constant 14 : i32
          %add3A_1608 = arith.addi %mul3A_276, %add3A_1607 : i32
          %get3A_1609 = arith.index_cast %add3A_1608 : i32 to index
          %get3A_1610 = arith.constant 112 : index
          %get3A_1611 = tpu.vector_load %arg10[%get3A_1609, %get3A_1610] {strides = array<i32>} : memref<128x128xf32, #tpu.memory_space<vmem>>, vector<16xf32>,
          %add3A_1612 = arith.addf %select_n3A_1527, %get3A_1576 : vector<16xf32>
          %select_n3A_1613 = arith.select %ne3A_1569, %get3A_1576, %add3A_1612 : vector<16xf32>
          %add3A_1614 = arith.addf %select_n3A_1529, %get3A_1581 : vector<16xf32>
          %select_n3A_1615 = arith.select %ne3A_1569, %get3A_1581, %add3A_1614 : vector<16xf32>
          %add3A_1616 = arith.addf %select_n3A_1531, %get3A_1586 : vector<16xf32>
          %select_n3A_1617 = arith.select %ne3A_1569, %get3A_1586, %add3A_1616 : vector<16xf32>
          %add3A_1618 = arith.addf %select_n3A_1533, %get3A_1591 : vector<16xf32>
          %select_n3A_1619 = arith.select %ne3A_1569, %get3A_1591, %add3A_1618 : vector<16xf32>
          %add3A_1620 = arith.addf %select_n3A_1535, %get3A_1596 : vector<16xf32>
          %select_n3A_1621 = arith.select %ne3A_1569, %get3A_1596, %add3A_1620 : vector<16xf32>
          %add3A_1622 = arith.addf %select_n3A_1537, %get3A_1601 : vector<16xf32>
          %select_n3A_1623 = arith.select %ne3A_1569, %get3A_1601, %add3A_1622 : vector<16xf32>
          %add3A_1624 = arith.addf %select_n3A_1539, %get3A_1606 : vector<16xf32>
          %select_n3A_1625 = arith.select %ne3A_1569, %get3A_1606, %add3A_1624 : vector<16xf32>
          %add3A_1626 = arith.addf %select_n3A_1541, %get3A_1611 : vector<16xf32>
          %select_n3A_1627 = arith.select %ne3A_1569, %get3A_1611, %add3A_1626 : vector<16xf32>
          %swap3A_1628 = arith.index_cast %squeeze3A_1571 : i32 to index
          %swap3A_1629 = arith.constant 0 : index
          %swap3A_1630 = tpu.vector_load %arg22[%swap3A_1628, %swap3A_1629] {strides = array<i32>} : memref<16x128xf32, #tpu.memory_space<vmem>>, vector<16xf32>,
          tpu.vector_store %arg22[%swap3A_1628, %swap3A_1629], %select_n3A_1613 {strides = array<i32>} : memref<16x128xf32, #tpu.memory_space<vmem>>, vector<16xf32>,
          %swap3A_1631 = arith.index_cast %squeeze3A_1571 : i32 to index
          %swap3A_1632 = arith.constant 16 : index
          %swap3A_1633 = tpu.vector_load %arg22[%swap3A_1631, %swap3A_1632] {strides = array<i32>} : memref<16x128xf32, #tpu.memory_space<vmem>>, vector<16xf32>,
          tpu.vector_store %arg22[%swap3A_1631, %swap3A_1632], %select_n3A_1615 {strides = array<i32>} : memref<16x128xf32, #tpu.memory_space<vmem>>, vector<16xf32>,
          %swap3A_1634 = arith.index_cast %squeeze3A_1571 : i32 to index
          %swap3A_1635 = arith.constant 32 : index
          %swap3A_1636 = tpu.vector_load %arg22[%swap3A_1634, %swap3A_1635] {strides = array<i32>} : memref<16x128xf32, #tpu.memory_space<vmem>>, vector<16xf32>,
          tpu.vector_store %arg22[%swap3A_1634, %swap3A_1635], %select_n3A_1617 {strides = array<i32>} : memref<16x128xf32, #tpu.memory_space<vmem>>, vector<16xf32>,
          %swap3A_1637 = arith.index_cast %squeeze3A_1571 : i32 to index
          %swap3A_1638 = arith.constant 48 : index
          %swap3A_1639 = tpu.vector_load %arg22[%swap3A_1637, %swap3A_1638] {strides = array<i32>} : memref<16x128xf32, #tpu.memory_space<vmem>>, vector<16xf32>,
          tpu.vector_store %arg22[%swap3A_1637, %swap3A_1638], %select_n3A_1619 {strides = array<i32>} : memref<16x128xf32, #tpu.memory_space<vmem>>, vector<16xf32>,
          %swap3A_1640 = arith.index_cast %squeeze3A_1571 : i32 to index
          %swap3A_1641 = arith.constant 64 : index
          %swap3A_1642 = tpu.vector_load %arg22[%swap3A_1640, %swap3A_1641] {strides = array<i32>} : memref<16x128xf32, #tpu.memory_space<vmem>>, vector<16xf32>,
          tpu.vector_store %arg22[%swap3A_1640, %swap3A_1641], %select_n3A_1621 {strides = array<i32>} : memref<16x128xf32, #tpu.memory_space<vmem>>, vector<16xf32>,
          %swap3A_1643 = arith.index_cast %squeeze3A_1571 : i32 to index
          %swap3A_1644 = arith.constant 80 : index
          %swap3A_1645 = tpu.vector_load %arg22[%swap3A_1643, %swap3A_1644] {strides = array<i32>} : memref<16x128xf32, #tpu.memory_space<vmem>>, vector<16xf32>,
          tpu.vector_store %arg22[%swap3A_1643, %swap3A_1644], %select_n3A_1623 {strides = array<i32>} : memref<16x128xf32, #tpu.memory_space<vmem>>, vector<16xf32>,
          %swap3A_1646 = arith.index_cast %squeeze3A_1571 : i32 to index
          %swap3A_1647 = arith.constant 96 : index
          %swap3A_1648 = tpu.vector_load %arg22[%swap3A_1646, %swap3A_1647] {strides = array<i32>} : memref<16x128xf32, #tpu.memory_space<vmem>>, vector<16xf32>,
          tpu.vector_store %arg22[%swap3A_1646, %swap3A_1647], %select_n3A_1625 {strides = array<i32>} : memref<16x128xf32, #tpu.memory_space<vmem>>, vector<16xf32>,
          %swap3A_1649 = arith.index_cast %squeeze3A_1571 : i32 to index
          %swap3A_1650 = arith.constant 112 : index
          %swap3A_1651 = tpu.vector_load %arg22[%swap3A_1649, %swap3A_1650] {strides = array<i32>} : memref<16x128xf32, #tpu.memory_space<vmem>>, vector<16xf32>,
          tpu.vector_store %arg22[%swap3A_1649, %swap3A_1650], %select_n3A_1627 {strides = array<i32>} : memref<16x128xf32, #tpu.memory_space<vmem>>, vector<16xf32>,
          %slice3A_1652 = vector.extract_strided_slice %convert_element_type3A_347 {offsets = [15], sizes = [1], strides = [1]} : vector<16xi32> to vector<1xi32>
          %squeeze3A_1653 = vector.extract %slice3A_1652[0] : i32 from vector<1xi32>
          %ne3A_1654 = arith.constant 0 : i32
          %ne3A_1655 = arith.cmpi ne, %squeeze3A_1653, %ne3A_1654 : i32
          %slice3A_1656 = vector.extract_strided_slice %min3A_354 {offsets = [15], sizes = [1], strides = [1]} : vector<16xi32> to vector<1xi32>
          %squeeze3A_1657 = vector.extract %slice3A_1656[0] : i32 from vector<1xi32>
          %add3A_1658 = arith.constant 15 : i32
          %add3A_1659 = arith.addi %mul3A_276, %add3A_1658 : i32
          %get3A_1660 = arith.index_cast %add3A_1659 : i32 to index
          %get3A_1661 = arith.constant 0 : index
          %get3A_1662 = tpu.vector_load %arg10[%get3A_1660, %get3A_1661] {strides = array<i32>} : memref<128x128xf32, #tpu.memory_space<vmem>>, vector<16xf32>,
          %add3A_1663 = arith.constant 15 : i32
          %add3A_1664 = arith.addi %mul3A_276, %add3A_1663 : i32
          %get3A_1665 = arith.index_cast %add3A_1664 : i32 to index
          %get3A_1666 = arith.constant 16 : index
          %get3A_1667 = tpu.vector_load %arg10[%get3A_1665, %get3A_1666] {strides = array<i32>} : memref<128x128xf32, #tpu.memory_space<vmem>>, vector<16xf32>,
          %add3A_1668 = arith.constant 15 : i32
          %add3A_1669 = arith.addi %mul3A_276, %add3A_1668 : i32
          %get3A_1670 = arith.index_cast %add3A_1669 : i32 to index
          %get3A_1671 = arith.constant 32 : index
          %get3A_1672 = tpu.vector_load %arg10[%get3A_1670, %get3A_1671] {strides = array<i32>} : memref<128x128xf32, #tpu.memory_space<vmem>>, vector<16xf32>,
          %add3A_1673 = arith.constant 15 : i32
          %add3A_1674 = arith.addi %mul3A_276, %add3A_1673 : i32
          %get3A_1675 = arith.index_cast %add3A_1674 : i32 to index
          %get3A_1676 = arith.constant 48 : index
          %get3A_1677 = tpu.vector_load %arg10[%get3A_1675, %get3A_1676] {strides = array<i32>} : memref<128x128xf32, #tpu.memory_space<vmem>>, vector<16xf32>,
          %add3A_1678 = arith.constant 15 : i32
          %add3A_1679 = arith.addi %mul3A_276, %add3A_1678 : i32
          %get3A_1680 = arith.index_cast %add3A_1679 : i32 to index
          %get3A_1681 = arith.constant 64 : index
          %get3A_1682 = tpu.vector_load %arg10[%get3A_1680, %get3A_1681] {strides = array<i32>} : memref<128x128xf32, #tpu.memory_space<vmem>>, vector<16xf32>,
          %add3A_1683 = arith.constant 15 : i32
          %add3A_1684 = arith.addi %mul3A_276, %add3A_1683 : i32
          %get3A_1685 = arith.index_cast %add3A_1684 : i32 to index
          %get3A_1686 = arith.constant 80 : index
          %get3A_1687 = tpu.vector_load %arg10[%get3A_1685, %get3A_1686] {strides = array<i32>} : memref<128x128xf32, #tpu.memory_space<vmem>>, vector<16xf32>,
          %add3A_1688 = arith.constant 15 : i32
          %add3A_1689 = arith.addi %mul3A_276, %add3A_1688 : i32
          %get3A_1690 = arith.index_cast %add3A_1689 : i32 to index
          %get3A_1691 = arith.constant 96 : index
          %get3A_1692 = tpu.vector_load %arg10[%get3A_1690, %get3A_1691] {strides = array<i32>} : memref<128x128xf32, #tpu.memory_space<vmem>>, vector<16xf32>,
          %add3A_1693 = arith.constant 15 : i32
          %add3A_1694 = arith.addi %mul3A_276, %add3A_1693 : i32
          %get3A_1695 = arith.index_cast %add3A_1694 : i32 to index
          %get3A_1696 = arith.constant 112 : index
          %get3A_1697 = tpu.vector_load %arg10[%get3A_1695, %get3A_1696] {strides = array<i32>} : memref<128x128xf32, #tpu.memory_space<vmem>>, vector<16xf32>,
          %add3A_1698 = arith.addf %select_n3A_1613, %get3A_1662 : vector<16xf32>
          %select_n3A_1699 = arith.select %ne3A_1655, %get3A_1662, %add3A_1698 : vector<16xf32>
          %add3A_1700 = arith.addf %select_n3A_1615, %get3A_1667 : vector<16xf32>
          %select_n3A_1701 = arith.select %ne3A_1655, %get3A_1667, %add3A_1700 : vector<16xf32>
          %add3A_1702 = arith.addf %select_n3A_1617, %get3A_1672 : vector<16xf32>
          %select_n3A_1703 = arith.select %ne3A_1655, %get3A_1672, %add3A_1702 : vector<16xf32>
          %add3A_1704 = arith.addf %select_n3A_1619, %get3A_1677 : vector<16xf32>
          %select_n3A_1705 = arith.select %ne3A_1655, %get3A_1677, %add3A_1704 : vector<16xf32>
          %add3A_1706 = arith.addf %select_n3A_1621, %get3A_1682 : vector<16xf32>
          %select_n3A_1707 = arith.select %ne3A_1655, %get3A_1682, %add3A_1706 : vector<16xf32>
          %add3A_1708 = arith.addf %select_n3A_1623, %get3A_1687 : vector<16xf32>
          %select_n3A_1709 = arith.select %ne3A_1655, %get3A_1687, %add3A_1708 : vector<16xf32>
          %add3A_1710 = arith.addf %select_n3A_1625, %get3A_1692 : vector<16xf32>
          %select_n3A_1711 = arith.select %ne3A_1655, %get3A_1692, %add3A_1710 : vector<16xf32>
          %add3A_1712 = arith.addf %select_n3A_1627, %get3A_1697 : vector<16xf32>
          %select_n3A_1713 = arith.select %ne3A_1655, %get3A_1697, %add3A_1712 : vector<16xf32>
          %swap3A_1714 = arith.index_cast %squeeze3A_1657 : i32 to index
          %swap3A_1715 = arith.constant 0 : index
          %swap3A_1716 = tpu.vector_load %arg22[%swap3A_1714, %swap3A_1715] {strides = array<i32>} : memref<16x128xf32, #tpu.memory_space<vmem>>, vector<16xf32>,
          tpu.vector_store %arg22[%swap3A_1714, %swap3A_1715], %select_n3A_1699 {strides = array<i32>} : memref<16x128xf32, #tpu.memory_space<vmem>>, vector<16xf32>,
          %swap3A_1717 = arith.index_cast %squeeze3A_1657 : i32 to index
          %swap3A_1718 = arith.constant 16 : index
          %swap3A_1719 = tpu.vector_load %arg22[%swap3A_1717, %swap3A_1718] {strides = array<i32>} : memref<16x128xf32, #tpu.memory_space<vmem>>, vector<16xf32>,
          tpu.vector_store %arg22[%swap3A_1717, %swap3A_1718], %select_n3A_1701 {strides = array<i32>} : memref<16x128xf32, #tpu.memory_space<vmem>>, vector<16xf32>,
          %swap3A_1720 = arith.index_cast %squeeze3A_1657 : i32 to index
          %swap3A_1721 = arith.constant 32 : index
          %swap3A_1722 = tpu.vector_load %arg22[%swap3A_1720, %swap3A_1721] {strides = array<i32>} : memref<16x128xf32, #tpu.memory_space<vmem>>, vector<16xf32>,
          tpu.vector_store %arg22[%swap3A_1720, %swap3A_1721], %select_n3A_1703 {strides = array<i32>} : memref<16x128xf32, #tpu.memory_space<vmem>>, vector<16xf32>,
          %swap3A_1723 = arith.index_cast %squeeze3A_1657 : i32 to index
          %swap3A_1724 = arith.constant 48 : index
          %swap3A_1725 = tpu.vector_load %arg22[%swap3A_1723, %swap3A_1724] {strides = array<i32>} : memref<16x128xf32, #tpu.memory_space<vmem>>, vector<16xf32>,
          tpu.vector_store %arg22[%swap3A_1723, %swap3A_1724], %select_n3A_1705 {strides = array<i32>} : memref<16x128xf32, #tpu.memory_space<vmem>>, vector<16xf32>,
          %swap3A_1726 = arith.index_cast %squeeze3A_1657 : i32 to index
          %swap3A_1727 = arith.constant 64 : index
          %swap3A_1728 = tpu.vector_load %arg22[%swap3A_1726, %swap3A_1727] {strides = array<i32>} : memref<16x128xf32, #tpu.memory_space<vmem>>, vector<16xf32>,
          tpu.vector_store %arg22[%swap3A_1726, %swap3A_1727], %select_n3A_1707 {strides = array<i32>} : memref<16x128xf32, #tpu.memory_space<vmem>>, vector<16xf32>,
          %swap3A_1729 = arith.index_cast %squeeze3A_1657 : i32 to index
          %swap3A_1730 = arith.constant 80 : index
          %swap3A_1731 = tpu.vector_load %arg22[%swap3A_1729, %swap3A_1730] {strides = array<i32>} : memref<16x128xf32, #tpu.memory_space<vmem>>, vector<16xf32>,
          tpu.vector_store %arg22[%swap3A_1729, %swap3A_1730], %select_n3A_1709 {strides = array<i32>} : memref<16x128xf32, #tpu.memory_space<vmem>>, vector<16xf32>,
          %swap3A_1732 = arith.index_cast %squeeze3A_1657 : i32 to index
          %swap3A_1733 = arith.constant 96 : index
          %swap3A_1734 = tpu.vector_load %arg22[%swap3A_1732, %swap3A_1733] {strides = array<i32>} : memref<16x128xf32, #tpu.memory_space<vmem>>, vector<16xf32>,
          tpu.vector_store %arg22[%swap3A_1732, %swap3A_1733], %select_n3A_1711 {strides = array<i32>} : memref<16x128xf32, #tpu.memory_space<vmem>>, vector<16xf32>,
          %swap3A_1735 = arith.index_cast %squeeze3A_1657 : i32 to index
          %swap3A_1736 = arith.constant 112 : index
          %swap3A_1737 = tpu.vector_load %arg22[%swap3A_1735, %swap3A_1736] {strides = array<i32>} : memref<16x128xf32, #tpu.memory_space<vmem>>, vector<16xf32>,
          tpu.vector_store %arg22[%swap3A_1735, %swap3A_1736], %select_n3A_1713 {strides = array<i32>} : memref<16x128xf32, #tpu.memory_space<vmem>>, vector<16xf32>,
          %slice3A_1738 = vector.extract_strided_slice %add3A_351 {offsets = [15], sizes = [1], strides = [1]} : vector<16xi32> to vector<1xi32>
          %squeeze3A_1739 = vector.extract %slice3A_1738[0] : i32 from vector<1xi32>
          scf.yield %squeeze3A_1739, %select_n3A_1699, %select_n3A_1701, %select_n3A_1703, %select_n3A_1705, %select_n3A_1707, %select_n3A_1709, %select_n3A_1711, %select_n3A_1713 : i32, vector<16xf32>, vector<16xf32>, vector<16xf32>, vector<16xf32>, vector<16xf32>, vector<16xf32>, vector<16xf32>, vector<16xf32>
        }
        %scan3A_251 = arith.constant 8 : i32
        %broadcast_in_dim3A_252 = vector.broadcast %scan3A_250#0 : i32 to vector<16xi32>
        %swap3A_253 = arith.constant 0 : index
        %swap3A_254 = tpu.vector_load %arg30[%swap3A_253] {strides = array<i32>} : memref<16xi32, #tpu.memory_space<vmem>>, vector<16xi32>,
        tpu.vector_store %arg30[%swap3A_253], %broadcast_in_dim3A_252 {strides = array<i32>} : memref<16xi32, #tpu.memory_space<vmem>>, vector<16xi32>,
        %lt3A_255 = arith.constant 16 : i32
        %lt3A_256 = arith.cmpi slt, %scan3A_250#0, %lt3A_255 : i32
        %convert_element_type3A_257 = arith.extui %lt3A_256 : i1 to i32
        %cond3A_258 = arith.constant 0 : i32
        %cond3A_259 = arith.cmpi ne, %convert_element_type3A_257, %cond3A_258 : i32
        scf.if %cond3A_259 {
          %dma_start3A_265 = arith.constant 0 : i32
          %dma_start3A_266 = arith.constant 0 : i32
          %dma_start3A_267 = tpu.memref_slice %arg33[%dma_start3A_265, %dma_start3A_266] : memref<5248x128xf32, #tpu.memory_space<vmem_shared>> -> memref<5248x128xf32, #tpu.memory_space<vmem_shared>>
          tpu.enqueue_indirect_dma source(%arg22 : memref<16x128xf32, #tpu.memory_space<vmem>>) target(%dma_start3A_267 : memref<5248x128xf32, #tpu.memory_space<vmem_shared>>) offsets(%arg26 : memref<16xi32, #tpu.memory_space<vmem>>) semaphore(%arg52 : memref<!tpu.dma_semaphore, #tpu.memory_space<semaphore_mem>>) {add = true}
        } else {
        }
        %ge3A_260 = arith.constant 16 : i32
        %ge3A_261 = arith.cmpi sge, %scan3A_250#0, %ge3A_260 : i32
        %convert_element_type3A_262 = arith.extui %ge3A_261 : i1 to i32
        %cond3A_263 = arith.constant 0 : i32
        %cond3A_264 = arith.cmpi ne, %convert_element_type3A_262, %cond3A_263 : i32
        scf.if %cond3A_264 {
          %get3A_265 = arith.constant 0 : index
          %get3A_266 = tpu.vector_load %arg14[%get3A_265] {strides = array<i32>} : memref<128xi32, #tpu.memory_space<vmem>>, vector<16xi32>,
          %mul3A_267 = arith.constant 128 : i32
          %mul3A_268 = arith.muli %add3A_149, %mul3A_267 : i32
          %add3A_269 = arith.addi %sub3A_36, %mul3A_268 : i32
          %min3A_270 = arith.constant 319872 : i32
          %min3A_271 = arith.minsi %add3A_269, %min3A_270 : i32
          %multiple_of3A_272 = tpu.assume_multiple %min3A_271, 8 : i32
          %mul3A_273 = arith.constant 128 : i32
          %mul3A_274 = arith.muli %add3A_149, %mul3A_273 : i32
          %add3A_275 = arith.addi %sub3A_36, %mul3A_274 : i32
          %iota3A = tpu.iota {dimensions = array<i32: 0>} : vector<16xi32>
          %add3A_276 = arith.constant 0 : i32
          %add3A_277 = arith.addi %multiple_of3A_272, %add3A_276 : i32
          %sub3A_278 = arith.constant 0 : i32
          %sub3A_279 = arith.subi %add3A_277, %sub3A_278 : i32
          %add3A_280 = vector.broadcast %sub3A_279 : i32 to vector<16xi32>
          %add3A_281 = arith.addi %iota3A, %add3A_280 : vector<16xi32>
          %ge3A_282 = vector.broadcast %add3A_30 : i32 to vector<16xi32>
          %ge3A_283 = arith.cmpi sge, %add3A_281, %ge3A_282 : vector<16xi32>
          %lt3A_284 = vector.broadcast %min3A : i32 to vector<16xi32>
          %lt3A_285 = arith.cmpi slt, %add3A_281, %lt3A_284 : vector<16xi32>
          %and3A_286 = arith.andi %ge3A_283, %lt3A_285 : vector<16xi1>
          %ge3A_287 = vector.broadcast %add3A_275 : i32 to vector<16xi32>
          %ge3A_288 = arith.cmpi sge, %add3A_281, %ge3A_287 : vector<16xi32>
          %and3A_289 = arith.andi %and3A_286, %ge3A_288 : vector<16xi1>
          %sub3A_290 = vector.broadcast %mul3A_38 : i32 to vector<16xi32>
          %sub3A_291 = arith.subi %get3A_266, %sub3A_290 : vector<16xi32>
          %jit3A_292 = arith.constant 5120 : i32
          %broadcast_in_dim3A_293 = vector.broadcast %jit3A_292 : i32 to vector<16xi32>
          %select_n3A_294 = arith.select %and3A_289, %sub3A_291, %broadcast_in_dim3A_293 : vector<16xi1>, vector<16xi32>
          %swap3A_295 = arith.constant 0 : index
          %swap3A_296 = tpu.vector_load %arg14[%swap3A_295] {strides = array<i32>} : memref<128xi32, #tpu.memory_space<vmem>>, vector<16xi32>,
          tpu.vector_store %arg14[%swap3A_295], %select_n3A_294 {strides = array<i32>} : memref<128xi32, #tpu.memory_space<vmem>>, vector<16xi32>,
          %get3A_297 = arith.constant 16 : index
          %get3A_298 = tpu.vector_load %arg14[%get3A_297] {strides = array<i32>} : memref<128xi32, #tpu.memory_space<vmem>>, vector<16xi32>,
          %mul3A_299 = arith.constant 128 : i32
          %mul3A_300 = arith.muli %add3A_149, %mul3A_299 : i32
          %add3A_301 = arith.addi %sub3A_36, %mul3A_300 : i32
          %min3A_302 = arith.constant 319872 : i32
          %min3A_303 = arith.minsi %add3A_301, %min3A_302 : i32
          %multiple_of3A_304 = tpu.assume_multiple %min3A_303, 8 : i32
          %mul3A_305 = arith.constant 128 : i32
          %mul3A_306 = arith.muli %add3A_149, %mul3A_305 : i32
          %add3A_307 = arith.addi %sub3A_36, %mul3A_306 : i32
          %iota3A_308 = tpu.iota {dimensions = array<i32: 0>} : vector<16xi32>
          %add3A_309 = arith.constant 16 : i32
          %add3A_310 = arith.addi %multiple_of3A_304, %add3A_309 : i32
          %sub3A_311 = arith.constant 0 : i32
          %sub3A_312 = arith.subi %add3A_310, %sub3A_311 : i32
          %add3A_313 = vector.broadcast %sub3A_312 : i32 to vector<16xi32>
          %add3A_314 = arith.addi %iota3A_308, %add3A_313 : vector<16xi32>
          %ge3A_315 = vector.broadcast %add3A_30 : i32 to vector<16xi32>
          %ge3A_316 = arith.cmpi sge, %add3A_314, %ge3A_315 : vector<16xi32>
          %lt3A_317 = vector.broadcast %min3A : i32 to vector<16xi32>
          %lt3A_318 = arith.cmpi slt, %add3A_314, %lt3A_317 : vector<16xi32>
          %and3A_319 = arith.andi %ge3A_316, %lt3A_318 : vector<16xi1>
          %ge3A_320 = vector.broadcast %add3A_307 : i32 to vector<16xi32>
          %ge3A_321 = arith.cmpi sge, %add3A_314, %ge3A_320 : vector<16xi32>
          %and3A_322 = arith.andi %and3A_319, %ge3A_321 : vector<16xi1>
          %sub3A_323 = vector.broadcast %mul3A_38 : i32 to vector<16xi32>
          %sub3A_324 = arith.subi %get3A_298, %sub3A_323 : vector<16xi32>
          %jit3A_325 = arith.constant 5120 : i32
          %broadcast_in_dim3A_326 = vector.broadcast %jit3A_325 : i32 to vector<16xi32>
          %select_n3A_327 = arith.select %and3A_322, %sub3A_324, %broadcast_in_dim3A_326 : vector<16xi1>, vector<16xi32>
          %swap3A_328 = arith.constant 16 : index
          %swap3A_329 = tpu.vector_load %arg14[%swap3A_328] {strides = array<i32>} : memref<128xi32, #tpu.memory_space<vmem>>, vector<16xi32>,
          tpu.vector_store %arg14[%swap3A_328], %select_n3A_327 {strides = array<i32>} : memref<128xi32, #tpu.memory_space<vmem>>, vector<16xi32>,
          %get3A_330 = arith.constant 32 : index
          %get3A_331 = tpu.vector_load %arg14[%get3A_330] {strides = array<i32>} : memref<128xi32, #tpu.memory_space<vmem>>, vector<16xi32>,
          %mul3A_332 = arith.constant 128 : i32
          %mul3A_333 = arith.muli %add3A_149, %mul3A_332 : i32
          %add3A_334 = arith.addi %sub3A_36, %mul3A_333 : i32
          %min3A_335 = arith.constant 319872 : i32
          %min3A_336 = arith.minsi %add3A_334, %min3A_335 : i32
          %multiple_of3A_337 = tpu.assume_multiple %min3A_336, 8 : i32
          %mul3A_338 = arith.constant 128 : i32
          %mul3A_339 = arith.muli %add3A_149, %mul3A_338 : i32
          %add3A_340 = arith.addi %sub3A_36, %mul3A_339 : i32
          %iota3A_341 = tpu.iota {dimensions = array<i32: 0>} : vector<16xi32>
          %add3A_342 = arith.constant 32 : i32
          %add3A_343 = arith.addi %multiple_of3A_337, %add3A_342 : i32
          %sub3A_344 = arith.constant 0 : i32
          %sub3A_345 = arith.subi %add3A_343, %sub3A_344 : i32
          %add3A_346 = vector.broadcast %sub3A_345 : i32 to vector<16xi32>
          %add3A_347 = arith.addi %iota3A_341, %add3A_346 : vector<16xi32>
          %ge3A_348 = vector.broadcast %add3A_30 : i32 to vector<16xi32>
          %ge3A_349 = arith.cmpi sge, %add3A_347, %ge3A_348 : vector<16xi32>
          %lt3A_350 = vector.broadcast %min3A : i32 to vector<16xi32>
          %lt3A_351 = arith.cmpi slt, %add3A_347, %lt3A_350 : vector<16xi32>
          %and3A_352 = arith.andi %ge3A_349, %lt3A_351 : vector<16xi1>
          %ge3A_353 = vector.broadcast %add3A_340 : i32 to vector<16xi32>
          %ge3A_354 = arith.cmpi sge, %add3A_347, %ge3A_353 : vector<16xi32>
          %and3A_355 = arith.andi %and3A_352, %ge3A_354 : vector<16xi1>
          %sub3A_356 = vector.broadcast %mul3A_38 : i32 to vector<16xi32>
          %sub3A_357 = arith.subi %get3A_331, %sub3A_356 : vector<16xi32>
          %jit3A_358 = arith.constant 5120 : i32
          %broadcast_in_dim3A_359 = vector.broadcast %jit3A_358 : i32 to vector<16xi32>
          %select_n3A_360 = arith.select %and3A_355, %sub3A_357, %broadcast_in_dim3A_359 : vector<16xi1>, vector<16xi32>
          %swap3A_361 = arith.constant 32 : index
          %swap3A_362 = tpu.vector_load %arg14[%swap3A_361] {strides = array<i32>} : memref<128xi32, #tpu.memory_space<vmem>>, vector<16xi32>,
          tpu.vector_store %arg14[%swap3A_361], %select_n3A_360 {strides = array<i32>} : memref<128xi32, #tpu.memory_space<vmem>>, vector<16xi32>,
          %get3A_363 = arith.constant 48 : index
          %get3A_364 = tpu.vector_load %arg14[%get3A_363] {strides = array<i32>} : memref<128xi32, #tpu.memory_space<vmem>>, vector<16xi32>,
          %mul3A_365 = arith.constant 128 : i32
          %mul3A_366 = arith.muli %add3A_149, %mul3A_365 : i32
          %add3A_367 = arith.addi %sub3A_36, %mul3A_366 : i32
          %min3A_368 = arith.constant 319872 : i32
          %min3A_369 = arith.minsi %add3A_367, %min3A_368 : i32
          %multiple_of3A_370 = tpu.assume_multiple %min3A_369, 8 : i32
          %mul3A_371 = arith.constant 128 : i32
          %mul3A_372 = arith.muli %add3A_149, %mul3A_371 : i32
          %add3A_373 = arith.addi %sub3A_36, %mul3A_372 : i32
          %iota3A_374 = tpu.iota {dimensions = array<i32: 0>} : vector<16xi32>
          %add3A_375 = arith.constant 48 : i32
          %add3A_376 = arith.addi %multiple_of3A_370, %add3A_375 : i32
          %sub3A_377 = arith.constant 0 : i32
          %sub3A_378 = arith.subi %add3A_376, %sub3A_377 : i32
          %add3A_379 = vector.broadcast %sub3A_378 : i32 to vector<16xi32>
          %add3A_380 = arith.addi %iota3A_374, %add3A_379 : vector<16xi32>
          %ge3A_381 = vector.broadcast %add3A_30 : i32 to vector<16xi32>
          %ge3A_382 = arith.cmpi sge, %add3A_380, %ge3A_381 : vector<16xi32>
          %lt3A_383 = vector.broadcast %min3A : i32 to vector<16xi32>
          %lt3A_384 = arith.cmpi slt, %add3A_380, %lt3A_383 : vector<16xi32>
          %and3A_385 = arith.andi %ge3A_382, %lt3A_384 : vector<16xi1>
          %ge3A_386 = vector.broadcast %add3A_373 : i32 to vector<16xi32>
          %ge3A_387 = arith.cmpi sge, %add3A_380, %ge3A_386 : vector<16xi32>
          %and3A_388 = arith.andi %and3A_385, %ge3A_387 : vector<16xi1>
          %sub3A_389 = vector.broadcast %mul3A_38 : i32 to vector<16xi32>
          %sub3A_390 = arith.subi %get3A_364, %sub3A_389 : vector<16xi32>
          %jit3A_391 = arith.constant 5120 : i32
          %broadcast_in_dim3A_392 = vector.broadcast %jit3A_391 : i32 to vector<16xi32>
          %select_n3A_393 = arith.select %and3A_388, %sub3A_390, %broadcast_in_dim3A_392 : vector<16xi1>, vector<16xi32>
          %swap3A_394 = arith.constant 48 : index
          %swap3A_395 = tpu.vector_load %arg14[%swap3A_394] {strides = array<i32>} : memref<128xi32, #tpu.memory_space<vmem>>, vector<16xi32>,
          tpu.vector_store %arg14[%swap3A_394], %select_n3A_393 {strides = array<i32>} : memref<128xi32, #tpu.memory_space<vmem>>, vector<16xi32>,
          %get3A_396 = arith.constant 64 : index
          %get3A_397 = tpu.vector_load %arg14[%get3A_396] {strides = array<i32>} : memref<128xi32, #tpu.memory_space<vmem>>, vector<16xi32>,
          %mul3A_398 = arith.constant 128 : i32
          %mul3A_399 = arith.muli %add3A_149, %mul3A_398 : i32
          %add3A_400 = arith.addi %sub3A_36, %mul3A_399 : i32
          %min3A_401 = arith.constant 319872 : i32
          %min3A_402 = arith.minsi %add3A_400, %min3A_401 : i32
          %multiple_of3A_403 = tpu.assume_multiple %min3A_402, 8 : i32
          %mul3A_404 = arith.constant 128 : i32
          %mul3A_405 = arith.muli %add3A_149, %mul3A_404 : i32
          %add3A_406 = arith.addi %sub3A_36, %mul3A_405 : i32
          %iota3A_407 = tpu.iota {dimensions = array<i32: 0>} : vector<16xi32>
          %add3A_408 = arith.constant 64 : i32
          %add3A_409 = arith.addi %multiple_of3A_403, %add3A_408 : i32
          %sub3A_410 = arith.constant 0 : i32
          %sub3A_411 = arith.subi %add3A_409, %sub3A_410 : i32
          %add3A_412 = vector.broadcast %sub3A_411 : i32 to vector<16xi32>
          %add3A_413 = arith.addi %iota3A_407, %add3A_412 : vector<16xi32>
          %ge3A_414 = vector.broadcast %add3A_30 : i32 to vector<16xi32>
          %ge3A_415 = arith.cmpi sge, %add3A_413, %ge3A_414 : vector<16xi32>
          %lt3A_416 = vector.broadcast %min3A : i32 to vector<16xi32>
          %lt3A_417 = arith.cmpi slt, %add3A_413, %lt3A_416 : vector<16xi32>
          %and3A_418 = arith.andi %ge3A_415, %lt3A_417 : vector<16xi1>
          %ge3A_419 = vector.broadcast %add3A_406 : i32 to vector<16xi32>
          %ge3A_420 = arith.cmpi sge, %add3A_413, %ge3A_419 : vector<16xi32>
          %and3A_421 = arith.andi %and3A_418, %ge3A_420 : vector<16xi1>
          %sub3A_422 = vector.broadcast %mul3A_38 : i32 to vector<16xi32>
          %sub3A_423 = arith.subi %get3A_397, %sub3A_422 : vector<16xi32>
          %jit3A_424 = arith.constant 5120 : i32
          %broadcast_in_dim3A_425 = vector.broadcast %jit3A_424 : i32 to vector<16xi32>
          %select_n3A_426 = arith.select %and3A_421, %sub3A_423, %broadcast_in_dim3A_425 : vector<16xi1>, vector<16xi32>
          %swap3A_427 = arith.constant 64 : index
          %swap3A_428 = tpu.vector_load %arg14[%swap3A_427] {strides = array<i32>} : memref<128xi32, #tpu.memory_space<vmem>>, vector<16xi32>,
          tpu.vector_store %arg14[%swap3A_427], %select_n3A_426 {strides = array<i32>} : memref<128xi32, #tpu.memory_space<vmem>>, vector<16xi32>,
          %get3A_429 = arith.constant 80 : index
          %get3A_430 = tpu.vector_load %arg14[%get3A_429] {strides = array<i32>} : memref<128xi32, #tpu.memory_space<vmem>>, vector<16xi32>,
          %mul3A_431 = arith.constant 128 : i32
          %mul3A_432 = arith.muli %add3A_149, %mul3A_431 : i32
          %add3A_433 = arith.addi %sub3A_36, %mul3A_432 : i32
          %min3A_434 = arith.constant 319872 : i32
          %min3A_435 = arith.minsi %add3A_433, %min3A_434 : i32
          %multiple_of3A_436 = tpu.assume_multiple %min3A_435, 8 : i32
          %mul3A_437 = arith.constant 128 : i32
          %mul3A_438 = arith.muli %add3A_149, %mul3A_437 : i32
          %add3A_439 = arith.addi %sub3A_36, %mul3A_438 : i32
          %iota3A_440 = tpu.iota {dimensions = array<i32: 0>} : vector<16xi32>
          %add3A_441 = arith.constant 80 : i32
          %add3A_442 = arith.addi %multiple_of3A_436, %add3A_441 : i32
          %sub3A_443 = arith.constant 0 : i32
          %sub3A_444 = arith.subi %add3A_442, %sub3A_443 : i32
          %add3A_445 = vector.broadcast %sub3A_444 : i32 to vector<16xi32>
          %add3A_446 = arith.addi %iota3A_440, %add3A_445 : vector<16xi32>
          %ge3A_447 = vector.broadcast %add3A_30 : i32 to vector<16xi32>
          %ge3A_448 = arith.cmpi sge, %add3A_446, %ge3A_447 : vector<16xi32>
          %lt3A_449 = vector.broadcast %min3A : i32 to vector<16xi32>
          %lt3A_450 = arith.cmpi slt, %add3A_446, %lt3A_449 : vector<16xi32>
          %and3A_451 = arith.andi %ge3A_448, %lt3A_450 : vector<16xi1>
          %ge3A_452 = vector.broadcast %add3A_439 : i32 to vector<16xi32>
          %ge3A_453 = arith.cmpi sge, %add3A_446, %ge3A_452 : vector<16xi32>
          %and3A_454 = arith.andi %and3A_451, %ge3A_453 : vector<16xi1>
          %sub3A_455 = vector.broadcast %mul3A_38 : i32 to vector<16xi32>
          %sub3A_456 = arith.subi %get3A_430, %sub3A_455 : vector<16xi32>
          %jit3A_457 = arith.constant 5120 : i32
          %broadcast_in_dim3A_458 = vector.broadcast %jit3A_457 : i32 to vector<16xi32>
          %select_n3A_459 = arith.select %and3A_454, %sub3A_456, %broadcast_in_dim3A_458 : vector<16xi1>, vector<16xi32>
          %swap3A_460 = arith.constant 80 : index
          %swap3A_461 = tpu.vector_load %arg14[%swap3A_460] {strides = array<i32>} : memref<128xi32, #tpu.memory_space<vmem>>, vector<16xi32>,
          tpu.vector_store %arg14[%swap3A_460], %select_n3A_459 {strides = array<i32>} : memref<128xi32, #tpu.memory_space<vmem>>, vector<16xi32>,
          %get3A_462 = arith.constant 96 : index
          %get3A_463 = tpu.vector_load %arg14[%get3A_462] {strides = array<i32>} : memref<128xi32, #tpu.memory_space<vmem>>, vector<16xi32>,
          %mul3A_464 = arith.constant 128 : i32
          %mul3A_465 = arith.muli %add3A_149, %mul3A_464 : i32
          %add3A_466 = arith.addi %sub3A_36, %mul3A_465 : i32
          %min3A_467 = arith.constant 319872 : i32
          %min3A_468 = arith.minsi %add3A_466, %min3A_467 : i32
          %multiple_of3A_469 = tpu.assume_multiple %min3A_468, 8 : i32
          %mul3A_470 = arith.constant 128 : i32
          %mul3A_471 = arith.muli %add3A_149, %mul3A_470 : i32
          %add3A_472 = arith.addi %sub3A_36, %mul3A_471 : i32
          %iota3A_473 = tpu.iota {dimensions = array<i32: 0>} : vector<16xi32>
          %add3A_474 = arith.constant 96 : i32
          %add3A_475 = arith.addi %multiple_of3A_469, %add3A_474 : i32
          %sub3A_476 = arith.constant 0 : i32
          %sub3A_477 = arith.subi %add3A_475, %sub3A_476 : i32
          %add3A_478 = vector.broadcast %sub3A_477 : i32 to vector<16xi32>
          %add3A_479 = arith.addi %iota3A_473, %add3A_478 : vector<16xi32>
          %ge3A_480 = vector.broadcast %add3A_30 : i32 to vector<16xi32>
          %ge3A_481 = arith.cmpi sge, %add3A_479, %ge3A_480 : vector<16xi32>
          %lt3A_482 = vector.broadcast %min3A : i32 to vector<16xi32>
          %lt3A_483 = arith.cmpi slt, %add3A_479, %lt3A_482 : vector<16xi32>
          %and3A_484 = arith.andi %ge3A_481, %lt3A_483 : vector<16xi1>
          %ge3A_485 = vector.broadcast %add3A_472 : i32 to vector<16xi32>
          %ge3A_486 = arith.cmpi sge, %add3A_479, %ge3A_485 : vector<16xi32>
          %and3A_487 = arith.andi %and3A_484, %ge3A_486 : vector<16xi1>
          %sub3A_488 = vector.broadcast %mul3A_38 : i32 to vector<16xi32>
          %sub3A_489 = arith.subi %get3A_463, %sub3A_488 : vector<16xi32>
          %jit3A_490 = arith.constant 5120 : i32
          %broadcast_in_dim3A_491 = vector.broadcast %jit3A_490 : i32 to vector<16xi32>
          %select_n3A_492 = arith.select %and3A_487, %sub3A_489, %broadcast_in_dim3A_491 : vector<16xi1>, vector<16xi32>
          %swap3A_493 = arith.constant 96 : index
          %swap3A_494 = tpu.vector_load %arg14[%swap3A_493] {strides = array<i32>} : memref<128xi32, #tpu.memory_space<vmem>>, vector<16xi32>,
          tpu.vector_store %arg14[%swap3A_493], %select_n3A_492 {strides = array<i32>} : memref<128xi32, #tpu.memory_space<vmem>>, vector<16xi32>,
          %get3A_495 = arith.constant 112 : index
          %get3A_496 = tpu.vector_load %arg14[%get3A_495] {strides = array<i32>} : memref<128xi32, #tpu.memory_space<vmem>>, vector<16xi32>,
          %mul3A_497 = arith.constant 128 : i32
          %mul3A_498 = arith.muli %add3A_149, %mul3A_497 : i32
          %add3A_499 = arith.addi %sub3A_36, %mul3A_498 : i32
          %min3A_500 = arith.constant 319872 : i32
          %min3A_501 = arith.minsi %add3A_499, %min3A_500 : i32
          %multiple_of3A_502 = tpu.assume_multiple %min3A_501, 8 : i32
          %mul3A_503 = arith.constant 128 : i32
          %mul3A_504 = arith.muli %add3A_149, %mul3A_503 : i32
          %add3A_505 = arith.addi %sub3A_36, %mul3A_504 : i32
          %iota3A_506 = tpu.iota {dimensions = array<i32: 0>} : vector<16xi32>
          %add3A_507 = arith.constant 112 : i32
          %add3A_508 = arith.addi %multiple_of3A_502, %add3A_507 : i32
          %sub3A_509 = arith.constant 0 : i32
          %sub3A_510 = arith.subi %add3A_508, %sub3A_509 : i32
          %add3A_511 = vector.broadcast %sub3A_510 : i32 to vector<16xi32>
          %add3A_512 = arith.addi %iota3A_506, %add3A_511 : vector<16xi32>
          %ge3A_513 = vector.broadcast %add3A_30 : i32 to vector<16xi32>
          %ge3A_514 = arith.cmpi sge, %add3A_512, %ge3A_513 : vector<16xi32>
          %lt3A_515 = vector.broadcast %min3A : i32 to vector<16xi32>
          %lt3A_516 = arith.cmpi slt, %add3A_512, %lt3A_515 : vector<16xi32>
          %and3A_517 = arith.andi %ge3A_514, %lt3A_516 : vector<16xi1>
          %ge3A_518 = vector.broadcast %add3A_505 : i32 to vector<16xi32>
          %ge3A_519 = arith.cmpi sge, %add3A_512, %ge3A_518 : vector<16xi32>
          %and3A_520 = arith.andi %and3A_517, %ge3A_519 : vector<16xi1>
          %sub3A_521 = vector.broadcast %mul3A_38 : i32 to vector<16xi32>
          %sub3A_522 = arith.subi %get3A_496, %sub3A_521 : vector<16xi32>
          %jit3A_523 = arith.constant 5120 : i32
          %broadcast_in_dim3A_524 = vector.broadcast %jit3A_523 : i32 to vector<16xi32>
          %select_n3A_525 = arith.select %and3A_520, %sub3A_522, %broadcast_in_dim3A_524 : vector<16xi1>, vector<16xi32>
          %swap3A_526 = arith.constant 112 : index
          %swap3A_527 = tpu.vector_load %arg14[%swap3A_526] {strides = array<i32>} : memref<128xi32, #tpu.memory_space<vmem>>, vector<16xi32>,
          tpu.vector_store %arg14[%swap3A_526], %select_n3A_525 {strides = array<i32>} : memref<128xi32, #tpu.memory_space<vmem>>, vector<16xi32>,
          %dma_start3A_528 = arith.constant 0 : i32
          %dma_start3A_529 = arith.constant 0 : i32
          %dma_start3A_530 = tpu.memref_slice %arg33[%dma_start3A_528, %dma_start3A_529] : memref<5248x128xf32, #tpu.memory_space<vmem_shared>> -> memref<5248x128xf32, #tpu.memory_space<vmem_shared>>
          tpu.enqueue_indirect_dma source(%arg10 : memref<128x128xf32, #tpu.memory_space<vmem>>) target(%dma_start3A_530 : memref<5248x128xf32, #tpu.memory_space<vmem_shared>>) offsets(%arg14 : memref<128xi32, #tpu.memory_space<vmem>>) semaphore(%arg48 : memref<!tpu.dma_semaphore, #tpu.memory_space<semaphore_mem>>) {add = true}
        } else {
        }
      } else {
      }
      %mul3A_174 = arith.constant 4 : i32
      %mul3A_175 = arith.muli %mul3A_174, %scan3A_90 : i32
      %add3A_176 = arith.constant 3 : i32
      %add3A_177 = arith.addi %mul3A_175, %add3A_176 : i32
      %ge3A_178 = arith.constant 2 : i32
      %ge3A_179 = arith.cmpi sge, %add3A_177, %ge3A_178 : i32
      %sub3A_180 = arith.constant 2 : i32
      %sub3A_181 = arith.subi %add3A_177, %sub3A_180 : i32
      %le3A_182 = arith.cmpi sle, %sub3A_181, %select_n3A_27 : i32
      %and3A_183 = arith.andi %ge3A_179, %le3A_182 : i1
      %convert_element_type3A_184 = arith.extui %and3A_183 : i1 to i32
      %cond3A_185 = arith.constant 0 : i32
      %cond3A_186 = arith.cmpi ne, %convert_element_type3A_184, %cond3A_185 : i32
      scf.if %cond3A_186 {
        %dma_wait3A = arith.constant 0 : i32
        %dma_wait3A_202 = arith.constant 0 : i32
        %dma_wait3A_203 = tpu.memref_slice %arg33[%dma_wait3A, %dma_wait3A_202] : memref<5248x128xf32, #tpu.memory_space<vmem_shared>> -> memref<5248x128xf32, #tpu.memory_space<vmem_shared>>
        tpu.wait_indirect_dma semaphore(%arg47 : memref<!tpu.dma_semaphore, #tpu.memory_space<semaphore_mem>>) src(%arg9 : memref<128x128xf32, #tpu.memory_space<vmem>>) dst(%dma_wait3A_203 : memref<5248x128xf32, #tpu.memory_space<vmem_shared>>)
      } else {
      }
      %add3A_187 = arith.constant 2 : i32
      %add3A_188 = arith.addi %add3A_177, %add3A_187 : i32
      %ge3A_189 = arith.constant 2 : i32
      %ge3A_190 = arith.cmpi sge, %add3A_188, %ge3A_189 : i32
      %add3A_191 = arith.constant 2 : i32
      %add3A_192 = arith.addi %add3A_177, %add3A_191 : i32
      %le3A_193 = arith.cmpi sle, %add3A_192, %select_n3A_27 : i32
      %and3A_194 = arith.andi %ge3A_190, %le3A_193 : i1
      %convert_element_type3A_195 = arith.extui %and3A_194 : i1 to i32
      %cond3A_196 = arith.constant 0 : i32
      %cond3A_197 = arith.cmpi ne, %convert_element_type3A_195, %cond3A_196 : i32
      scf.if %cond3A_197 {
        %add3A_202 = arith.constant 2 : i32
        %add3A_203 = arith.addi %add3A_177, %add3A_202 : i32
        %mul3A_204 = arith.constant 128 : i32
        %mul3A_205 = arith.muli %add3A_203, %mul3A_204 : i32
        %add3A_206 = arith.addi %sub3A_36, %mul3A_205 : i32
        %min3A_207 = arith.constant 319872 : i32
        %min3A_208 = arith.minsi %add3A_206, %min3A_207 : i32
        %multiple_of3A_209 = tpu.assume_multiple %min3A_208, 8 : i32
        %dma_start3A_210 = arith.constant 0 : i32
        %dma_start3A_211 = tpu.memref_slice %arg2[%multiple_of3A_209, %dma_start3A_210] : memref<320000x128xf32, #tpu.memory_space<hbm>> -> memref<128x128xf32, #tpu.memory_space<hbm>>
        %dma_start3A_212 = arith.constant 0 : i32
        %dma_start3A_213 = tpu.memref_slice %arg2[%multiple_of3A_209, %dma_start3A_212] : memref<320000x128xf32, #tpu.memory_space<hbm>> -> memref<128x128xf32, #tpu.memory_space<hbm>>
        tpu.enqueue_dma source(%dma_start3A_213 : memref<128x128xf32, #tpu.memory_space<hbm>>) target(%arg9 : memref<128x128xf32, #tpu.memory_space<vmem>>) target_semaphore(%arg35 : memref<!tpu.dma_semaphore, #tpu.memory_space<semaphore_mem>>)
        %mul3A_214 = arith.constant 128 : i32
        %mul3A_215 = arith.muli %add3A_203, %mul3A_214 : i32
        %add3A_216 = arith.addi %sub3A_36, %mul3A_215 : i32
        %min3A_217 = arith.constant 319872 : i32
        %min3A_218 = arith.minsi %add3A_216, %min3A_217 : i32
        %multiple_of3A_219 = tpu.assume_multiple %min3A_218, 8 : i32
        %dma_start3A_220 = tpu.memref_slice %arg3[%multiple_of3A_219] : memref<320000xi32, #tpu.memory_space<hbm>> -> memref<128xi32, #tpu.memory_space<hbm>>
        %dma_start3A_221 = tpu.memref_slice %arg3[%multiple_of3A_219] : memref<320000xi32, #tpu.memory_space<hbm>> -> memref<128xi32, #tpu.memory_space<hbm>>
        tpu.enqueue_dma source(%dma_start3A_221 : memref<128xi32, #tpu.memory_space<hbm>>) target(%arg13 : memref<128xi32, #tpu.memory_space<vmem>>) target_semaphore(%arg39 : memref<!tpu.dma_semaphore, #tpu.memory_space<semaphore_mem>>)
        %mul3A_222 = arith.constant 128 : i32
        %mul3A_223 = arith.muli %add3A_203, %mul3A_222 : i32
        %add3A_224 = arith.addi %sub3A_36, %mul3A_223 : i32
        %min3A_225 = arith.constant 319872 : i32
        %min3A_226 = arith.minsi %add3A_224, %min3A_225 : i32
        %multiple_of3A_227 = tpu.assume_multiple %min3A_226, 8 : i32
        %dma_start3A_228 = tpu.memref_slice %arg4[%multiple_of3A_227] : memref<320000xi32, #tpu.memory_space<hbm>> -> memref<128xi32, #tpu.memory_space<hbm>>
        %dma_start3A_229 = tpu.memref_slice %arg4[%multiple_of3A_227] : memref<320000xi32, #tpu.memory_space<hbm>> -> memref<128xi32, #tpu.memory_space<hbm>>
        tpu.enqueue_dma source(%dma_start3A_229 : memref<128xi32, #tpu.memory_space<hbm>>) target(%arg17 : memref<128xi32, #tpu.memory_space<vmem>>) target_semaphore(%arg43 : memref<!tpu.dma_semaphore, #tpu.memory_space<semaphore_mem>>)
      } else {
      }
      %le3A_198 = arith.cmpi sle, %add3A_177, %select_n3A_27 : i32
      %convert_element_type3A_199 = arith.extui %le3A_198 : i1 to i32
      %cond3A_200 = arith.constant 0 : i32
      %cond3A_201 = arith.cmpi ne, %convert_element_type3A_199, %cond3A_200 : i32
      scf.if %cond3A_201 {
        %mul3A_202 = arith.constant 128 : i32
        %mul3A_203 = arith.muli %add3A_177, %mul3A_202 : i32
        %add3A_204 = arith.addi %sub3A_36, %mul3A_203 : i32
        %min3A_205 = arith.constant 319872 : i32
        %min3A_206 = arith.minsi %add3A_204, %min3A_205 : i32
        %multiple_of3A_207 = tpu.assume_multiple %min3A_206, 8 : i32
        %dma_wait3A = arith.constant 0 : i32
        %dma_wait3A_208 = tpu.memref_slice %arg2[%multiple_of3A_207, %dma_wait3A] : memref<320000x128xf32, #tpu.memory_space<hbm>> -> memref<128x128xf32, #tpu.memory_space<hbm>>
        %dma_wait3A_209 = arith.constant 0 : i32
        %dma_wait3A_210 = tpu.memref_slice %arg2[%multiple_of3A_207, %dma_wait3A_209] : memref<320000x128xf32, #tpu.memory_space<hbm>> -> memref<128x128xf32, #tpu.memory_space<hbm>>
        tpu.wait_dma2 semaphore(%arg37 : memref<!tpu.dma_semaphore, #tpu.memory_space<semaphore_mem>>) src(%dma_wait3A_210 : memref<128x128xf32, #tpu.memory_space<hbm>>) dst(%arg11 : memref<128x128xf32, #tpu.memory_space<vmem>>)
        %mul3A_211 = arith.constant 128 : i32
        %mul3A_212 = arith.muli %add3A_177, %mul3A_211 : i32
        %add3A_213 = arith.addi %sub3A_36, %mul3A_212 : i32
        %min3A_214 = arith.constant 319872 : i32
        %min3A_215 = arith.minsi %add3A_213, %min3A_214 : i32
        %multiple_of3A_216 = tpu.assume_multiple %min3A_215, 8 : i32
        %dma_wait3A_217 = tpu.memref_slice %arg3[%multiple_of3A_216] : memref<320000xi32, #tpu.memory_space<hbm>> -> memref<128xi32, #tpu.memory_space<hbm>>
        %dma_wait3A_218 = tpu.memref_slice %arg3[%multiple_of3A_216] : memref<320000xi32, #tpu.memory_space<hbm>> -> memref<128xi32, #tpu.memory_space<hbm>>
        tpu.wait_dma2 semaphore(%arg41 : memref<!tpu.dma_semaphore, #tpu.memory_space<semaphore_mem>>) src(%dma_wait3A_218 : memref<128xi32, #tpu.memory_space<hbm>>) dst(%arg15 : memref<128xi32, #tpu.memory_space<vmem>>)
        %mul3A_219 = arith.constant 128 : i32
        %mul3A_220 = arith.muli %add3A_177, %mul3A_219 : i32
        %add3A_221 = arith.addi %sub3A_36, %mul3A_220 : i32
        %min3A_222 = arith.constant 319872 : i32
        %min3A_223 = arith.minsi %add3A_221, %min3A_222 : i32
        %multiple_of3A_224 = tpu.assume_multiple %min3A_223, 8 : i32
        %dma_wait3A_225 = tpu.memref_slice %arg4[%multiple_of3A_224] : memref<320000xi32, #tpu.memory_space<hbm>> -> memref<128xi32, #tpu.memory_space<hbm>>
        %dma_wait3A_226 = tpu.memref_slice %arg4[%multiple_of3A_224] : memref<320000xi32, #tpu.memory_space<hbm>> -> memref<128xi32, #tpu.memory_space<hbm>>
        tpu.wait_dma2 semaphore(%arg45 : memref<!tpu.dma_semaphore, #tpu.memory_space<semaphore_mem>>) src(%dma_wait3A_226 : memref<128xi32, #tpu.memory_space<hbm>>) dst(%arg19 : memref<128xi32, #tpu.memory_space<vmem>>)
        %get3A_227 = arith.constant 0 : index
        %get3A_228 = tpu.vector_load %arg15[%get3A_227] {strides = array<i32>} : memref<128xi32, #tpu.memory_space<vmem>>, vector<16xi32>,
        %mul3A_229 = arith.constant 128 : i32
        %mul3A_230 = arith.muli %add3A_177, %mul3A_229 : i32
        %add3A_231 = arith.addi %sub3A_36, %mul3A_230 : i32
        %min3A_232 = arith.constant 319872 : i32
        %min3A_233 = arith.minsi %add3A_231, %min3A_232 : i32
        %multiple_of3A_234 = tpu.assume_multiple %min3A_233, 8 : i32
        %mul3A_235 = arith.constant 128 : i32
        %mul3A_236 = arith.muli %add3A_177, %mul3A_235 : i32
        %add3A_237 = arith.addi %sub3A_36, %mul3A_236 : i32
        %iota3A = tpu.iota {dimensions = array<i32: 0>} : vector<16xi32>
        %add3A_238 = arith.constant 0 : i32
        %add3A_239 = arith.addi %multiple_of3A_234, %add3A_238 : i32
        %sub3A_240 = arith.constant 0 : i32
        %sub3A_241 = arith.subi %add3A_239, %sub3A_240 : i32
        %add3A_242 = vector.broadcast %sub3A_241 : i32 to vector<16xi32>
        %add3A_243 = arith.addi %iota3A, %add3A_242 : vector<16xi32>
        %ge3A_244 = vector.broadcast %add3A_30 : i32 to vector<16xi32>
        %ge3A_245 = arith.cmpi sge, %add3A_243, %ge3A_244 : vector<16xi32>
        %lt3A_246 = vector.broadcast %min3A : i32 to vector<16xi32>
        %lt3A_247 = arith.cmpi slt, %add3A_243, %lt3A_246 : vector<16xi32>
        %and3A_248 = arith.andi %ge3A_245, %lt3A_247 : vector<16xi1>
        %ge3A_249 = vector.broadcast %add3A_237 : i32 to vector<16xi32>
        %ge3A_250 = arith.cmpi sge, %add3A_243, %ge3A_249 : vector<16xi32>
        %and3A_251 = arith.andi %and3A_248, %ge3A_250 : vector<16xi1>
        %sub3A_252 = vector.broadcast %mul3A_38 : i32 to vector<16xi32>
        %sub3A_253 = arith.subi %get3A_228, %sub3A_252 : vector<16xi32>
        %jit3A_254 = arith.constant 5120 : i32
        %broadcast_in_dim3A = vector.broadcast %jit3A_254 : i32 to vector<16xi32>
        %select_n3A_255 = arith.select %and3A_251, %sub3A_253, %broadcast_in_dim3A : vector<16xi1>, vector<16xi32>
        %swap3A = arith.constant 0 : index
        %swap3A_256 = tpu.vector_load %arg15[%swap3A] {strides = array<i32>} : memref<128xi32, #tpu.memory_space<vmem>>, vector<16xi32>,
        tpu.vector_store %arg15[%swap3A], %select_n3A_255 {strides = array<i32>} : memref<128xi32, #tpu.memory_space<vmem>>, vector<16xi32>,
        %get3A_257 = arith.constant 16 : index
        %get3A_258 = tpu.vector_load %arg15[%get3A_257] {strides = array<i32>} : memref<128xi32, #tpu.memory_space<vmem>>, vector<16xi32>,
        %mul3A_259 = arith.constant 128 : i32
        %mul3A_260 = arith.muli %add3A_177, %mul3A_259 : i32
        %add3A_261 = arith.addi %sub3A_36, %mul3A_260 : i32
        %min3A_262 = arith.constant 319872 : i32
        %min3A_263 = arith.minsi %add3A_261, %min3A_262 : i32
        %multiple_of3A_264 = tpu.assume_multiple %min3A_263, 8 : i32
        %mul3A_265 = arith.constant 128 : i32
        %mul3A_266 = arith.muli %add3A_177, %mul3A_265 : i32
        %add3A_267 = arith.addi %sub3A_36, %mul3A_266 : i32
        %iota3A_268 = tpu.iota {dimensions = array<i32: 0>} : vector<16xi32>
        %add3A_269 = arith.constant 16 : i32
        %add3A_270 = arith.addi %multiple_of3A_264, %add3A_269 : i32
        %sub3A_271 = arith.constant 0 : i32
        %sub3A_272 = arith.subi %add3A_270, %sub3A_271 : i32
        %add3A_273 = vector.broadcast %sub3A_272 : i32 to vector<16xi32>
        %add3A_274 = arith.addi %iota3A_268, %add3A_273 : vector<16xi32>
        %ge3A_275 = vector.broadcast %add3A_30 : i32 to vector<16xi32>
        %ge3A_276 = arith.cmpi sge, %add3A_274, %ge3A_275 : vector<16xi32>
        %lt3A_277 = vector.broadcast %min3A : i32 to vector<16xi32>
        %lt3A_278 = arith.cmpi slt, %add3A_274, %lt3A_277 : vector<16xi32>
        %and3A_279 = arith.andi %ge3A_276, %lt3A_278 : vector<16xi1>
        %ge3A_280 = vector.broadcast %add3A_267 : i32 to vector<16xi32>
        %ge3A_281 = arith.cmpi sge, %add3A_274, %ge3A_280 : vector<16xi32>
        %and3A_282 = arith.andi %and3A_279, %ge3A_281 : vector<16xi1>
        %sub3A_283 = vector.broadcast %mul3A_38 : i32 to vector<16xi32>
        %sub3A_284 = arith.subi %get3A_258, %sub3A_283 : vector<16xi32>
        %jit3A_285 = arith.constant 5120 : i32
        %broadcast_in_dim3A_286 = vector.broadcast %jit3A_285 : i32 to vector<16xi32>
        %select_n3A_287 = arith.select %and3A_282, %sub3A_284, %broadcast_in_dim3A_286 : vector<16xi1>, vector<16xi32>
        %swap3A_288 = arith.constant 16 : index
        %swap3A_289 = tpu.vector_load %arg15[%swap3A_288] {strides = array<i32>} : memref<128xi32, #tpu.memory_space<vmem>>, vector<16xi32>,
        tpu.vector_store %arg15[%swap3A_288], %select_n3A_287 {strides = array<i32>} : memref<128xi32, #tpu.memory_space<vmem>>, vector<16xi32>,
        %get3A_290 = arith.constant 32 : index
        %get3A_291 = tpu.vector_load %arg15[%get3A_290] {strides = array<i32>} : memref<128xi32, #tpu.memory_space<vmem>>, vector<16xi32>,
        %mul3A_292 = arith.constant 128 : i32
        %mul3A_293 = arith.muli %add3A_177, %mul3A_292 : i32
        %add3A_294 = arith.addi %sub3A_36, %mul3A_293 : i32
        %min3A_295 = arith.constant 319872 : i32
        %min3A_296 = arith.minsi %add3A_294, %min3A_295 : i32
        %multiple_of3A_297 = tpu.assume_multiple %min3A_296, 8 : i32
        %mul3A_298 = arith.constant 128 : i32
        %mul3A_299 = arith.muli %add3A_177, %mul3A_298 : i32
        %add3A_300 = arith.addi %sub3A_36, %mul3A_299 : i32
        %iota3A_301 = tpu.iota {dimensions = array<i32: 0>} : vector<16xi32>
        %add3A_302 = arith.constant 32 : i32
        %add3A_303 = arith.addi %multiple_of3A_297, %add3A_302 : i32
        %sub3A_304 = arith.constant 0 : i32
        %sub3A_305 = arith.subi %add3A_303, %sub3A_304 : i32
        %add3A_306 = vector.broadcast %sub3A_305 : i32 to vector<16xi32>
        %add3A_307 = arith.addi %iota3A_301, %add3A_306 : vector<16xi32>
        %ge3A_308 = vector.broadcast %add3A_30 : i32 to vector<16xi32>
        %ge3A_309 = arith.cmpi sge, %add3A_307, %ge3A_308 : vector<16xi32>
        %lt3A_310 = vector.broadcast %min3A : i32 to vector<16xi32>
        %lt3A_311 = arith.cmpi slt, %add3A_307, %lt3A_310 : vector<16xi32>
        %and3A_312 = arith.andi %ge3A_309, %lt3A_311 : vector<16xi1>
        %ge3A_313 = vector.broadcast %add3A_300 : i32 to vector<16xi32>
        %ge3A_314 = arith.cmpi sge, %add3A_307, %ge3A_313 : vector<16xi32>
        %and3A_315 = arith.andi %and3A_312, %ge3A_314 : vector<16xi1>
        %sub3A_316 = vector.broadcast %mul3A_38 : i32 to vector<16xi32>
        %sub3A_317 = arith.subi %get3A_291, %sub3A_316 : vector<16xi32>
        %jit3A_318 = arith.constant 5120 : i32
        %broadcast_in_dim3A_319 = vector.broadcast %jit3A_318 : i32 to vector<16xi32>
        %select_n3A_320 = arith.select %and3A_315, %sub3A_317, %broadcast_in_dim3A_319 : vector<16xi1>, vector<16xi32>
        %swap3A_321 = arith.constant 32 : index
        %swap3A_322 = tpu.vector_load %arg15[%swap3A_321] {strides = array<i32>} : memref<128xi32, #tpu.memory_space<vmem>>, vector<16xi32>,
        tpu.vector_store %arg15[%swap3A_321], %select_n3A_320 {strides = array<i32>} : memref<128xi32, #tpu.memory_space<vmem>>, vector<16xi32>,
        %get3A_323 = arith.constant 48 : index
        %get3A_324 = tpu.vector_load %arg15[%get3A_323] {strides = array<i32>} : memref<128xi32, #tpu.memory_space<vmem>>, vector<16xi32>,
        %mul3A_325 = arith.constant 128 : i32
        %mul3A_326 = arith.muli %add3A_177, %mul3A_325 : i32
        %add3A_327 = arith.addi %sub3A_36, %mul3A_326 : i32
        %min3A_328 = arith.constant 319872 : i32
        %min3A_329 = arith.minsi %add3A_327, %min3A_328 : i32
        %multiple_of3A_330 = tpu.assume_multiple %min3A_329, 8 : i32
        %mul3A_331 = arith.constant 128 : i32
        %mul3A_332 = arith.muli %add3A_177, %mul3A_331 : i32
        %add3A_333 = arith.addi %sub3A_36, %mul3A_332 : i32
        %iota3A_334 = tpu.iota {dimensions = array<i32: 0>} : vector<16xi32>
        %add3A_335 = arith.constant 48 : i32
        %add3A_336 = arith.addi %multiple_of3A_330, %add3A_335 : i32
        %sub3A_337 = arith.constant 0 : i32
        %sub3A_338 = arith.subi %add3A_336, %sub3A_337 : i32
        %add3A_339 = vector.broadcast %sub3A_338 : i32 to vector<16xi32>
        %add3A_340 = arith.addi %iota3A_334, %add3A_339 : vector<16xi32>
        %ge3A_341 = vector.broadcast %add3A_30 : i32 to vector<16xi32>
        %ge3A_342 = arith.cmpi sge, %add3A_340, %ge3A_341 : vector<16xi32>
        %lt3A_343 = vector.broadcast %min3A : i32 to vector<16xi32>
        %lt3A_344 = arith.cmpi slt, %add3A_340, %lt3A_343 : vector<16xi32>
        %and3A_345 = arith.andi %ge3A_342, %lt3A_344 : vector<16xi1>
        %ge3A_346 = vector.broadcast %add3A_333 : i32 to vector<16xi32>
        %ge3A_347 = arith.cmpi sge, %add3A_340, %ge3A_346 : vector<16xi32>
        %and3A_348 = arith.andi %and3A_345, %ge3A_347 : vector<16xi1>
        %sub3A_349 = vector.broadcast %mul3A_38 : i32 to vector<16xi32>
        %sub3A_350 = arith.subi %get3A_324, %sub3A_349 : vector<16xi32>
        %jit3A_351 = arith.constant 5120 : i32
        %broadcast_in_dim3A_352 = vector.broadcast %jit3A_351 : i32 to vector<16xi32>
        %select_n3A_353 = arith.select %and3A_348, %sub3A_350, %broadcast_in_dim3A_352 : vector<16xi1>, vector<16xi32>
        %swap3A_354 = arith.constant 48 : index
        %swap3A_355 = tpu.vector_load %arg15[%swap3A_354] {strides = array<i32>} : memref<128xi32, #tpu.memory_space<vmem>>, vector<16xi32>,
        tpu.vector_store %arg15[%swap3A_354], %select_n3A_353 {strides = array<i32>} : memref<128xi32, #tpu.memory_space<vmem>>, vector<16xi32>,
        %get3A_356 = arith.constant 64 : index
        %get3A_357 = tpu.vector_load %arg15[%get3A_356] {strides = array<i32>} : memref<128xi32, #tpu.memory_space<vmem>>, vector<16xi32>,
        %mul3A_358 = arith.constant 128 : i32
        %mul3A_359 = arith.muli %add3A_177, %mul3A_358 : i32
        %add3A_360 = arith.addi %sub3A_36, %mul3A_359 : i32
        %min3A_361 = arith.constant 319872 : i32
        %min3A_362 = arith.minsi %add3A_360, %min3A_361 : i32
        %multiple_of3A_363 = tpu.assume_multiple %min3A_362, 8 : i32
        %mul3A_364 = arith.constant 128 : i32
        %mul3A_365 = arith.muli %add3A_177, %mul3A_364 : i32
        %add3A_366 = arith.addi %sub3A_36, %mul3A_365 : i32
        %iota3A_367 = tpu.iota {dimensions = array<i32: 0>} : vector<16xi32>
        %add3A_368 = arith.constant 64 : i32
        %add3A_369 = arith.addi %multiple_of3A_363, %add3A_368 : i32
        %sub3A_370 = arith.constant 0 : i32
        %sub3A_371 = arith.subi %add3A_369, %sub3A_370 : i32
        %add3A_372 = vector.broadcast %sub3A_371 : i32 to vector<16xi32>
        %add3A_373 = arith.addi %iota3A_367, %add3A_372 : vector<16xi32>
        %ge3A_374 = vector.broadcast %add3A_30 : i32 to vector<16xi32>
        %ge3A_375 = arith.cmpi sge, %add3A_373, %ge3A_374 : vector<16xi32>
        %lt3A_376 = vector.broadcast %min3A : i32 to vector<16xi32>
        %lt3A_377 = arith.cmpi slt, %add3A_373, %lt3A_376 : vector<16xi32>
        %and3A_378 = arith.andi %ge3A_375, %lt3A_377 : vector<16xi1>
        %ge3A_379 = vector.broadcast %add3A_366 : i32 to vector<16xi32>
        %ge3A_380 = arith.cmpi sge, %add3A_373, %ge3A_379 : vector<16xi32>
        %and3A_381 = arith.andi %and3A_378, %ge3A_380 : vector<16xi1>
        %sub3A_382 = vector.broadcast %mul3A_38 : i32 to vector<16xi32>
        %sub3A_383 = arith.subi %get3A_357, %sub3A_382 : vector<16xi32>
        %jit3A_384 = arith.constant 5120 : i32
        %broadcast_in_dim3A_385 = vector.broadcast %jit3A_384 : i32 to vector<16xi32>
        %select_n3A_386 = arith.select %and3A_381, %sub3A_383, %broadcast_in_dim3A_385 : vector<16xi1>, vector<16xi32>
        %swap3A_387 = arith.constant 64 : index
        %swap3A_388 = tpu.vector_load %arg15[%swap3A_387] {strides = array<i32>} : memref<128xi32, #tpu.memory_space<vmem>>, vector<16xi32>,
        tpu.vector_store %arg15[%swap3A_387], %select_n3A_386 {strides = array<i32>} : memref<128xi32, #tpu.memory_space<vmem>>, vector<16xi32>,
        %get3A_389 = arith.constant 80 : index
        %get3A_390 = tpu.vector_load %arg15[%get3A_389] {strides = array<i32>} : memref<128xi32, #tpu.memory_space<vmem>>, vector<16xi32>,
        %mul3A_391 = arith.constant 128 : i32
        %mul3A_392 = arith.muli %add3A_177, %mul3A_391 : i32
        %add3A_393 = arith.addi %sub3A_36, %mul3A_392 : i32
        %min3A_394 = arith.constant 319872 : i32
        %min3A_395 = arith.minsi %add3A_393, %min3A_394 : i32
        %multiple_of3A_396 = tpu.assume_multiple %min3A_395, 8 : i32
        %mul3A_397 = arith.constant 128 : i32
        %mul3A_398 = arith.muli %add3A_177, %mul3A_397 : i32
        %add3A_399 = arith.addi %sub3A_36, %mul3A_398 : i32
        %iota3A_400 = tpu.iota {dimensions = array<i32: 0>} : vector<16xi32>
        %add3A_401 = arith.constant 80 : i32
        %add3A_402 = arith.addi %multiple_of3A_396, %add3A_401 : i32
        %sub3A_403 = arith.constant 0 : i32
        %sub3A_404 = arith.subi %add3A_402, %sub3A_403 : i32
        %add3A_405 = vector.broadcast %sub3A_404 : i32 to vector<16xi32>
        %add3A_406 = arith.addi %iota3A_400, %add3A_405 : vector<16xi32>
        %ge3A_407 = vector.broadcast %add3A_30 : i32 to vector<16xi32>
        %ge3A_408 = arith.cmpi sge, %add3A_406, %ge3A_407 : vector<16xi32>
        %lt3A_409 = vector.broadcast %min3A : i32 to vector<16xi32>
        %lt3A_410 = arith.cmpi slt, %add3A_406, %lt3A_409 : vector<16xi32>
        %and3A_411 = arith.andi %ge3A_408, %lt3A_410 : vector<16xi1>
        %ge3A_412 = vector.broadcast %add3A_399 : i32 to vector<16xi32>
        %ge3A_413 = arith.cmpi sge, %add3A_406, %ge3A_412 : vector<16xi32>
        %and3A_414 = arith.andi %and3A_411, %ge3A_413 : vector<16xi1>
        %sub3A_415 = vector.broadcast %mul3A_38 : i32 to vector<16xi32>
        %sub3A_416 = arith.subi %get3A_390, %sub3A_415 : vector<16xi32>
        %jit3A_417 = arith.constant 5120 : i32
        %broadcast_in_dim3A_418 = vector.broadcast %jit3A_417 : i32 to vector<16xi32>
        %select_n3A_419 = arith.select %and3A_414, %sub3A_416, %broadcast_in_dim3A_418 : vector<16xi1>, vector<16xi32>
        %swap3A_420 = arith.constant 80 : index
        %swap3A_421 = tpu.vector_load %arg15[%swap3A_420] {strides = array<i32>} : memref<128xi32, #tpu.memory_space<vmem>>, vector<16xi32>,
        tpu.vector_store %arg15[%swap3A_420], %select_n3A_419 {strides = array<i32>} : memref<128xi32, #tpu.memory_space<vmem>>, vector<16xi32>,
        %get3A_422 = arith.constant 96 : index
        %get3A_423 = tpu.vector_load %arg15[%get3A_422] {strides = array<i32>} : memref<128xi32, #tpu.memory_space<vmem>>, vector<16xi32>,
        %mul3A_424 = arith.constant 128 : i32
        %mul3A_425 = arith.muli %add3A_177, %mul3A_424 : i32
        %add3A_426 = arith.addi %sub3A_36, %mul3A_425 : i32
        %min3A_427 = arith.constant 319872 : i32
        %min3A_428 = arith.minsi %add3A_426, %min3A_427 : i32
        %multiple_of3A_429 = tpu.assume_multiple %min3A_428, 8 : i32
        %mul3A_430 = arith.constant 128 : i32
        %mul3A_431 = arith.muli %add3A_177, %mul3A_430 : i32
        %add3A_432 = arith.addi %sub3A_36, %mul3A_431 : i32
        %iota3A_433 = tpu.iota {dimensions = array<i32: 0>} : vector<16xi32>
        %add3A_434 = arith.constant 96 : i32
        %add3A_435 = arith.addi %multiple_of3A_429, %add3A_434 : i32
        %sub3A_436 = arith.constant 0 : i32
        %sub3A_437 = arith.subi %add3A_435, %sub3A_436 : i32
        %add3A_438 = vector.broadcast %sub3A_437 : i32 to vector<16xi32>
        %add3A_439 = arith.addi %iota3A_433, %add3A_438 : vector<16xi32>
        %ge3A_440 = vector.broadcast %add3A_30 : i32 to vector<16xi32>
        %ge3A_441 = arith.cmpi sge, %add3A_439, %ge3A_440 : vector<16xi32>
        %lt3A_442 = vector.broadcast %min3A : i32 to vector<16xi32>
        %lt3A_443 = arith.cmpi slt, %add3A_439, %lt3A_442 : vector<16xi32>
        %and3A_444 = arith.andi %ge3A_441, %lt3A_443 : vector<16xi1>
        %ge3A_445 = vector.broadcast %add3A_432 : i32 to vector<16xi32>
        %ge3A_446 = arith.cmpi sge, %add3A_439, %ge3A_445 : vector<16xi32>
        %and3A_447 = arith.andi %and3A_444, %ge3A_446 : vector<16xi1>
        %sub3A_448 = vector.broadcast %mul3A_38 : i32 to vector<16xi32>
        %sub3A_449 = arith.subi %get3A_423, %sub3A_448 : vector<16xi32>
        %jit3A_450 = arith.constant 5120 : i32
        %broadcast_in_dim3A_451 = vector.broadcast %jit3A_450 : i32 to vector<16xi32>
        %select_n3A_452 = arith.select %and3A_447, %sub3A_449, %broadcast_in_dim3A_451 : vector<16xi1>, vector<16xi32>
        %swap3A_453 = arith.constant 96 : index
        %swap3A_454 = tpu.vector_load %arg15[%swap3A_453] {strides = array<i32>} : memref<128xi32, #tpu.memory_space<vmem>>, vector<16xi32>,
        tpu.vector_store %arg15[%swap3A_453], %select_n3A_452 {strides = array<i32>} : memref<128xi32, #tpu.memory_space<vmem>>, vector<16xi32>,
        %get3A_455 = arith.constant 112 : index
        %get3A_456 = tpu.vector_load %arg15[%get3A_455] {strides = array<i32>} : memref<128xi32, #tpu.memory_space<vmem>>, vector<16xi32>,
        %mul3A_457 = arith.constant 128 : i32
        %mul3A_458 = arith.muli %add3A_177, %mul3A_457 : i32
        %add3A_459 = arith.addi %sub3A_36, %mul3A_458 : i32
        %min3A_460 = arith.constant 319872 : i32
        %min3A_461 = arith.minsi %add3A_459, %min3A_460 : i32
        %multiple_of3A_462 = tpu.assume_multiple %min3A_461, 8 : i32
        %mul3A_463 = arith.constant 128 : i32
        %mul3A_464 = arith.muli %add3A_177, %mul3A_463 : i32
        %add3A_465 = arith.addi %sub3A_36, %mul3A_464 : i32
        %iota3A_466 = tpu.iota {dimensions = array<i32: 0>} : vector<16xi32>
        %add3A_467 = arith.constant 112 : i32
        %add3A_468 = arith.addi %multiple_of3A_462, %add3A_467 : i32
        %sub3A_469 = arith.constant 0 : i32
        %sub3A_470 = arith.subi %add3A_468, %sub3A_469 : i32
        %add3A_471 = vector.broadcast %sub3A_470 : i32 to vector<16xi32>
        %add3A_472 = arith.addi %iota3A_466, %add3A_471 : vector<16xi32>
        %ge3A_473 = vector.broadcast %add3A_30 : i32 to vector<16xi32>
        %ge3A_474 = arith.cmpi sge, %add3A_472, %ge3A_473 : vector<16xi32>
        %lt3A_475 = vector.broadcast %min3A : i32 to vector<16xi32>
        %lt3A_476 = arith.cmpi slt, %add3A_472, %lt3A_475 : vector<16xi32>
        %and3A_477 = arith.andi %ge3A_474, %lt3A_476 : vector<16xi1>
        %ge3A_478 = vector.broadcast %add3A_465 : i32 to vector<16xi32>
        %ge3A_479 = arith.cmpi sge, %add3A_472, %ge3A_478 : vector<16xi32>
        %and3A_480 = arith.andi %and3A_477, %ge3A_479 : vector<16xi1>
        %sub3A_481 = vector.broadcast %mul3A_38 : i32 to vector<16xi32>
        %sub3A_482 = arith.subi %get3A_456, %sub3A_481 : vector<16xi32>
        %jit3A_483 = arith.constant 5120 : i32
        %broadcast_in_dim3A_484 = vector.broadcast %jit3A_483 : i32 to vector<16xi32>
        %select_n3A_485 = arith.select %and3A_480, %sub3A_482, %broadcast_in_dim3A_484 : vector<16xi1>, vector<16xi32>
        %swap3A_486 = arith.constant 112 : index
        %swap3A_487 = tpu.vector_load %arg15[%swap3A_486] {strides = array<i32>} : memref<128xi32, #tpu.memory_space<vmem>>, vector<16xi32>,
        tpu.vector_store %arg15[%swap3A_486], %select_n3A_485 {strides = array<i32>} : memref<128xi32, #tpu.memory_space<vmem>>, vector<16xi32>,
        %dma_start3A_488 = arith.constant 0 : i32
        %dma_start3A_489 = arith.constant 0 : i32
        %dma_start3A_490 = tpu.memref_slice %arg33[%dma_start3A_488, %dma_start3A_489] : memref<5248x128xf32, #tpu.memory_space<vmem_shared>> -> memref<5248x128xf32, #tpu.memory_space<vmem_shared>>
        tpu.enqueue_indirect_dma source(%arg11 : memref<128x128xf32, #tpu.memory_space<vmem>>) target(%dma_start3A_490 : memref<5248x128xf32, #tpu.memory_space<vmem_shared>>) offsets(%arg15 : memref<128xi32, #tpu.memory_space<vmem>>) semaphore(%arg49 : memref<!tpu.dma_semaphore, #tpu.memory_space<semaphore_mem>>) {add = true}
      } else {
      }
    }
    %scan3A_68 = arith.constant 40 : i32
    %barrier3A_69 = arith.constant 0 : index
    tpu.barrier barrier_id(%barrier3A_69)
    %eq3A_70 = arith.constant 0 : i32
    %eq3A_71 = arith.cmpi eq, %arg0, %eq3A_70 : i32
    %convert_element_type3A_72 = arith.extui %eq3A_71 : i1 to i32
    %cond3A_73 = arith.constant 0 : i32
    %cond3A_74 = arith.cmpi ne, %convert_element_type3A_72, %cond3A_73 : i32
    scf.if %cond3A_74 {
      %mul3A_90 = arith.constant 320 : i32
      %mul3A_91 = arith.muli %arg1, %mul3A_90 : i32
      %mul3A_92 = arith.constant 320 : i32
      %mul3A_93 = arith.muli %arg1, %mul3A_92 : i32
      "tpu.region"() ({
        %run_scoped3A = tpu.sem_alloc : memref<!tpu.dma_semaphore, #tpu.memory_space<semaphore_mem>>
        %dma_start3A_94 = arith.constant 0 : i32
        %dma_start3A_95 = tpu.memref_slice %arg7[%mul3A_93, %dma_start3A_94] : memref<10000x128xf32, #tpu.memory_space<hbm>> -> memref<320x128xf32, #tpu.memory_space<hbm>>
        %dma_start3A_96 = arith.constant 0 : i32
        %dma_start3A_97 = tpu.memref_slice %arg33[%mul3A_91, %dma_start3A_96] : memref<5248x128xf32, #tpu.memory_space<vmem_shared>> -> memref<320x128xf32, #tpu.memory_space<vmem_shared>>
        tpu.enqueue_dma source(%dma_start3A_97 : memref<320x128xf32, #tpu.memory_space<vmem_shared>>) target(%dma_start3A_95 : memref<320x128xf32, #tpu.memory_space<hbm>>) target_semaphore(%run_scoped3A : memref<!tpu.dma_semaphore, #tpu.memory_space<semaphore_mem>>)
        %dma_wait3A = arith.constant 0 : i32
        %dma_wait3A_98 = tpu.memref_slice %arg7[%mul3A_93, %dma_wait3A] : memref<10000x128xf32, #tpu.memory_space<hbm>> -> memref<320x128xf32, #tpu.memory_space<hbm>>
        %dma_wait3A_99 = arith.constant 0 : i32
        %dma_wait3A_100 = tpu.memref_slice %arg33[%mul3A_91, %dma_wait3A_99] : memref<5248x128xf32, #tpu.memory_space<vmem_shared>> -> memref<320x128xf32, #tpu.memory_space<vmem_shared>>
        tpu.wait_dma2 semaphore(%run_scoped3A : memref<!tpu.dma_semaphore, #tpu.memory_space<semaphore_mem>>) src(%dma_wait3A_100 : memref<320x128xf32, #tpu.memory_space<vmem_shared>>) dst(%dma_wait3A_98 : memref<320x128xf32, #tpu.memory_space<hbm>>)
        tpu.yield
      }) : () -> ()
    } else {
    }
    %eq3A_75 = arith.constant 1 : i32
    %eq3A_76 = arith.cmpi eq, %arg0, %eq3A_75 : i32
    %lt3A = arith.constant 15 : i32
    %lt3A_77 = arith.cmpi slt, %arg1, %lt3A : i32
    %and3A_78 = arith.andi %eq3A_76, %lt3A_77 : i1
    %convert_element_type3A_79 = arith.extui %and3A_78 : i1 to i32
    %cond3A_80 = arith.constant 0 : i32
    %cond3A_81 = arith.cmpi ne, %convert_element_type3A_79, %cond3A_80 : i32
    scf.if %cond3A_81 {
      %mul3A_90 = arith.constant 304 : i32
      %mul3A_91 = arith.muli %arg1, %mul3A_90 : i32
      %mul3A_92 = arith.constant 304 : i32
      %mul3A_93 = arith.muli %arg1, %mul3A_92 : i32
      %add3A_94 = arith.constant 5120 : i32
      %add3A_95 = arith.addi %add3A_94, %mul3A_93 : i32
      "tpu.region"() ({
        %run_scoped3A = tpu.sem_alloc : memref<!tpu.dma_semaphore, #tpu.memory_space<semaphore_mem>>
        %dma_start3A_96 = arith.constant 0 : i32
        %dma_start3A_97 = tpu.memref_slice %arg7[%add3A_95, %dma_start3A_96] : memref<10000x128xf32, #tpu.memory_space<hbm>> -> memref<304x128xf32, #tpu.memory_space<hbm>>
        %dma_start3A_98 = arith.constant 0 : i32
        %dma_start3A_99 = tpu.memref_slice %arg33[%mul3A_91, %dma_start3A_98] : memref<5248x128xf32, #tpu.memory_space<vmem_shared>> -> memref<304x128xf32, #tpu.memory_space<vmem_shared>>
        tpu.enqueue_dma source(%dma_start3A_99 : memref<304x128xf32, #tpu.memory_space<vmem_shared>>) target(%dma_start3A_97 : memref<304x128xf32, #tpu.memory_space<hbm>>) target_semaphore(%run_scoped3A : memref<!tpu.dma_semaphore, #tpu.memory_space<semaphore_mem>>)
        %dma_wait3A = arith.constant 0 : i32
        %dma_wait3A_100 = tpu.memref_slice %arg7[%add3A_95, %dma_wait3A] : memref<10000x128xf32, #tpu.memory_space<hbm>> -> memref<304x128xf32, #tpu.memory_space<hbm>>
        %dma_wait3A_101 = arith.constant 0 : i32
        %dma_wait3A_102 = tpu.memref_slice %arg33[%mul3A_91, %dma_wait3A_101] : memref<5248x128xf32, #tpu.memory_space<vmem_shared>> -> memref<304x128xf32, #tpu.memory_space<vmem_shared>>
        tpu.wait_dma2 semaphore(%run_scoped3A : memref<!tpu.dma_semaphore, #tpu.memory_space<semaphore_mem>>) src(%dma_wait3A_102 : memref<304x128xf32, #tpu.memory_space<vmem_shared>>) dst(%dma_wait3A_100 : memref<304x128xf32, #tpu.memory_space<hbm>>)
        tpu.yield
      }) : () -> ()
    } else {
    }
    %eq3A_82 = arith.constant 1 : i32
    %eq3A_83 = arith.cmpi eq, %arg0, %eq3A_82 : i32
    %eq3A_84 = arith.constant 15 : i32
    %eq3A_85 = arith.cmpi eq, %arg1, %eq3A_84 : i32
    %and3A_86 = arith.andi %eq3A_83, %eq3A_85 : i1
    %convert_element_type3A_87 = arith.extui %and3A_86 : i1 to i32
    %cond3A_88 = arith.constant 0 : i32
    %cond3A_89 = arith.cmpi ne, %convert_element_type3A_87, %cond3A_88 : i32
    scf.if %cond3A_89 {
      "tpu.region"() ({
        %run_scoped3A = tpu.sem_alloc : memref<!tpu.dma_semaphore, #tpu.memory_space<semaphore_mem>>
        %dma_start3A_90 = arith.constant 9680 : i32
        %dma_start3A_91 = arith.constant 0 : i32
        %dma_start3A_92 = tpu.memref_slice %arg7[%dma_start3A_90, %dma_start3A_91] : memref<10000x128xf32, #tpu.memory_space<hbm>> -> memref<320x128xf32, #tpu.memory_space<hbm>>
        %dma_start3A_93 = arith.constant 4560 : i32
        %dma_start3A_94 = arith.constant 0 : i32
        %dma_start3A_95 = tpu.memref_slice %arg33[%dma_start3A_93, %dma_start3A_94] : memref<5248x128xf32, #tpu.memory_space<vmem_shared>> -> memref<320x128xf32, #tpu.memory_space<vmem_shared>>
        tpu.enqueue_dma source(%dma_start3A_95 : memref<320x128xf32, #tpu.memory_space<vmem_shared>>) target(%dma_start3A_92 : memref<320x128xf32, #tpu.memory_space<hbm>>) target_semaphore(%run_scoped3A : memref<!tpu.dma_semaphore, #tpu.memory_space<semaphore_mem>>)
        %dma_wait3A = arith.constant 9680 : i32
        %dma_wait3A_96 = arith.constant 0 : i32
        %dma_wait3A_97 = tpu.memref_slice %arg7[%dma_wait3A, %dma_wait3A_96] : memref<10000x128xf32, #tpu.memory_space<hbm>> -> memref<320x128xf32, #tpu.memory_space<hbm>>
        %dma_wait3A_98 = arith.constant 4560 : i32
        %dma_wait3A_99 = arith.constant 0 : i32
        %dma_wait3A_100 = tpu.memref_slice %arg33[%dma_wait3A_98, %dma_wait3A_99] : memref<5248x128xf32, #tpu.memory_space<vmem_shared>> -> memref<320x128xf32, #tpu.memory_space<vmem_shared>>
        tpu.wait_dma2 semaphore(%run_scoped3A : memref<!tpu.dma_semaphore, #tpu.memory_space<semaphore_mem>>) src(%dma_wait3A_100 : memref<320x128xf32, #tpu.memory_space<vmem_shared>>) dst(%dma_wait3A_97 : memref<320x128xf32, #tpu.memory_space<hbm>>)
        tpu.yield
      }) : () -> ()
    } else {
    }
    return
  }
}

</mosaic_0001>

<sc_bundles>
// kernel: kernel.3.cloned.1.call-start
scs
__scs_entry_jumppad:
0x0: {  	(pc) =	sbr.rel $0x88, $3  }
0x1: {  	(tag) =	ssettag $0x0;
	lr =	simm.s32 $0x1  }
0x2: {  	[smem:$0x3F9F] =	sst lr;
	_ =	strace $0xD0000000  }
0x3: {  	_ = 	snop  }
0x4: {  	_ = 	snop  }
0x5: {  	_ = 	snop  }
0x6: {  	_ = 	snop  }
0x7: {  	_ = 	snop  }
__scs_overlays_trampoline_lowered:
0x8: {  	[smem:$0x3FAE] =	sst s0  }
0x9: {  	[smem:$0x3FAF] =	sst s1  }
0xa: {  	[smem:$0x3FB0] =	sst s2  }
0xb: {  	[smem:$0x3FB1] =	sst s3  }
0xc: {  	[smem:$0x3FB2] =	sst s4  }
0xd: {  	[smem:$0x3FB3] =	sst s5  }
0xe: {  	[smem:$0x3FB4] =	sst s6  }
0xf: {  	[smem:$0x3FB5] =	sst s7  }
0x10: {  	[smem:$0x3FB6] =	sst s8  }
0x11: {  	[smem:$0x3FB7] =	sst s9;
	s0 =	simm.s32 @!p0 $0x0  }
0x12: {  	s1 =	sld [smem:$0x3F9D];
	s0 =	simm.s32 @p0 $0x1  }
0x13: {  	[smem:$0x3FB8] =	sst s0;
	s0 =	simm.s32 @!p1 $0x0  }
0x14: {  	s2 =	sld [smem:$0x3F9C];
	s0 =	simm.s32 @p1 $0x1  }
0x15: {  	[smem:$0x3FB9] =	sst s0;
	s0 =	simm.s32 @!p2 $0x0  }
0x16: {  	s3 =	sld [smem:$0x3FDB];
	s0 =	simm.s32 @p2 $0x1  }
0x17: {  	s4 =	simm.s32 $0x1BF5;
	[smem:$0x3FBB] =	sst s0  }
0x18: {  	s0 =	sld [smem:$0x3F9E];
	_ =	swait.ge [sflag:s4], $0x0  }
0x19: {  	s7 =	sld [smem:$0x3F9F]  }
0x1a: {  	s8 =	sadd.s32 $0xFFFFE003, lr  }
0x1b: {  	s9 =	sadd.s32 $0xFFFFFEF7, lr;
	s5 =	simm.s32 $0xFFFFFFFF;
	p2 =	slt.u32 s8, $0xFFFFF086  }
0x1c: {  	p1 =	slt.u32 s9, $0xF7A;
	s5 =	simm.s32 @!p2 $0x0  }
0x1d: {  	s5 =	simm.s32 @p1 $0x1;
	p0 =	seq.s32 s7, s2  }
0x1e: {  	s7 =	smul.u32 @!p0 $0xF7A, s2;
	p2 =	seq.s32 @!p0 s5, $0x0  }
0x1f: {  	s9 =	smul.u32 $0xF7A, s1;
	s8 =	simm.s32 @!p0 $0x1BF5;
	p2 =	por !p2, p0  }
0x20: {  	[sflag:s8] =	ssyncset.s32 @!p0 $0xFFFFF086;
	s6 =	sadd.s32 @!p0 s3, s7;
	s7 =	simm.s32 @!p0 $0x108  }
0x21: {  	s3 =	sadd.s32 s3, s9;
	s6 =	sadd.s32 @!p0 $0x88, s6;
	s7 =	simm.s32 @p2 $0x1082  }
0x22: {  	[simem:s7], [sflag:s8] =	dma.local @!p0 [hbm:s6], $0xF7A  }
0x23: {  	s9 =	sor.u32 $0xD0000000, s2;
	s6 =	simm.s32 $0x108;
	_ =	swait.ge @!p0 [sflag:s8], $0x0  }
0x24: {  	s3 =	sadd.s32 $0x88, s3;
	s6 =	simm.s32 @!p1 $0x1082;
	[sflag:s4] =	ssyncset.s32 $0xFFFFF086  }
0x25: {  	[simem:s6], [sflag:s4] =	dma.local [hbm:s3], $0xF7A  }
0x26: {  	[smem:$0x3F9F] =	sst s1;
	(tag) =	ssettag s2;
	_ =	strace s9  }
0x27: {  	s1 =	sld [smem:$0x3FAF]  }
0x28: {  	s2 =	sld [smem:$0x3FB0]  }
0x29: {  	s4 =	sld [smem:$0x3FB2]  }
0x2a: {  	p0 =	seq.s32 s5, $0x0;
	s5 =	sld [smem:$0x3FB3]  }
0x2b: {  	s6 =	sld [smem:$0x3FB4]  }
0x2c: {  	s7 =	sld [smem:$0x3FB5]  }
0x2d: {  	s3 =	simm.s32 $0x108;
	s8 =	sld [smem:$0x3FB6]  }
0x2e: {  	s3 =	simm.s32 @!p0 $0x1082;
	s9 =	sld [smem:$0x3FB7]  }
0x2f: {  	lr =	sadd.s32 s0, s3;
	s0 =	sld [smem:$0x3FAE]  }
0x30: {  	s3 =	sld [smem:$0x3FB1]  }
0x31: {  	[smem:$0x3FBA] =	sst s10  }
0x32: {  	s10 =	sld [smem:$0x3FB8];
	_ =	sdelay $0x3  }
0x33: {  	p0 =	seq.s32 s10, $0x1;
	s10 =	sld [smem:$0x3FBA];
	_ =	sdelay $0x3  }
0x34: {  	[smem:$0x3FBA] =	sst s10  }
0x35: {  	s10 =	sld [smem:$0x3FB9];
	_ =	sdelay $0x3  }
0x36: {  	p1 =	seq.s32 s10, $0x1;
	s10 =	sld [smem:$0x3FBA];
	_ =	sdelay $0x3  }
0x37: {  	[smem:$0x3FBA] =	sst s10  }
0x38: {  	s10 =	sld [smem:$0x3FBB]  }
0x39: {  	_ = 	snop;
	(pc) =	sbr.ind lr, $3  }
0x3a: {  	_ = 	snop  }
0x3b: {  	_ = 	snop  }
0x3c: {  	p2 =	seq.s32 s10, $0x1;
	s10 =	sld [smem:$0x3FBA]  }
0x3d: {  	_ =	shalt  }
0x3e: {  	_ =	shalt  }
0x3f: {  	_ =	shalt  }
0x40: {  	_ =	shalt  }
0x41: {  	_ =	shalt  }
0x42: {  	_ =	shalt  }
0x43: {  	_ =	shalt  }
0x44: {  	_ =	shalt  }
0x45: {  	_ =	shalt  }
0x46: {  	_ =	shalt  }
0x47: {  	_ =	shalt  }
0x48: {  	_ =	shalt  }
0x49: {  	_ =	shalt  }
0x4a: {  	_ =	shalt  }
0x4b: {  	_ =	shalt  }
0x4c: {  	_ =	shalt  }
0x4d: {  	_ =	shalt  }
0x4e: {  	_ =	shalt  }
0x4f: {  	_ =	shalt  }
0x50: {  	_ =	shalt  }
0x51: {  	_ =	shalt  }
0x52: {  	_ =	shalt  }
0x53: {  	_ =	shalt  }
0x54: {  	_ =	shalt  }
0x55: {  	_ =	shalt  }
0x56: {  	_ =	shalt  }
0x57: {  	_ =	shalt  }
0x58: {  	_ =	shalt  }
0x59: {  	_ =	shalt  }
0x5a: {  	_ =	shalt  }
0x5b: {  	_ =	shalt  }
0x5c: {  	_ =	shalt  }
0x5d: {  	_ =	shalt  }
0x5e: {  	_ =	shalt  }
0x5f: {  	_ =	shalt  }
0x60: {  	_ =	shalt  }
0x61: {  	_ =	shalt  }
0x62: {  	_ =	shalt  }
0x63: {  	_ =	shalt  }
0x64: {  	_ =	shalt  }
0x65: {  	_ =	shalt  }
0x66: {  	_ =	shalt  }
0x67: {  	_ =	shalt  }
0x68: {  	_ =	shalt  }
0x69: {  	_ =	shalt  }
0x6a: {  	_ =	shalt  }
0x6b: {  	_ =	shalt  }
0x6c: {  	_ =	shalt  }
0x6d: {  	_ =	shalt  }
0x6e: {  	_ =	shalt  }
0x6f: {  	_ =	shalt  }
0x70: {  	_ =	shalt  }
0x71: {  	_ =	shalt  }
0x72: {  	_ =	shalt  }
0x73: {  	_ =	shalt  }
0x74: {  	_ =	shalt  }
0x75: {  	_ =	shalt  }
0x76: {  	_ =	shalt  }
0x77: {  	_ =	shalt  }
0x78: {  	_ =	shalt  }
0x79: {  	_ =	shalt  }
0x7a: {  	_ =	shalt  }
0x7b: {  	_ =	shalt  }
0x7c: {  	_ =	shalt  }
0x7d: {  	_ =	shalt  }
0x7e: {  	_ =	shalt  }
0x7f: {  	_ =	shalt  }
0x80: {  	_ =	shalt  }
0x81: {  	_ =	shalt  }
0x82: {  	_ =	shalt  }
0x83: {  	_ =	shalt  }
0x84: {  	_ =	shalt  }
0x85: {  	_ =	shalt  }
0x86: {  	_ =	shalt  }
0x87: {  	_ =	shalt  }
.Lfunc_end0:
.L_simem_size_0:
called_computation_lowered:
.L_overlay_start_0:
0x88: {  	s2 =	sld [smem:$0x3FD9]  }
0x89: {  	s3 =	sld [smem:$0x3FFE];
	_ =	sdelay $0x1  }
0x8a: {  	s1 =	srdreg.scid  }
0x8b: {  	s0 =	sand.u32 $0x1, s1  }
0x8c: {  	s17 =	sshll.u32 s0, $0xA;
	s2 =	sadd.s32 s3, s2  }
0x8d: {  	s2 =	sadd.s32 s2, s17  }
0x8e: {  	[smem:$0x3FC6] =	sst s2  }
0x8f: {  	_ = 	snop  }
0x90: {  	s2 =	sld [smem:$0x3FC9]  }
0x91: {  	s18 =	sld [smem:$0x3FC8]  }
0x92: {  	s4 =	sld [smem:$0x3FD0];
	(tm) =	ssettm $0x1  }
0x93: {  	s5 =	sld [smem:$0x3FFB];
	_ =	sdelay $0x3  }
0x94: {  	_ =	strace s5  }
0x95: {  	s5 =	sld [smem:$0x3FFC];
	_ =	sdelay $0x3  }
0x96: {  	_ =	strace s5  }
0x97: {  	s5 =	sld [smem:$0x3FFD];
	_ =	sdelay $0x3  }
0x98: {  	_ =	strace s5  }
0x99: {  	_ =	strace $0x8FFFFFFF  }
0x9a: {  	s19 =	sld [smem:$0x3FDB];
	_ =	sdelay $0x1  }
0x9b: {  	s6 =	simm.s32 $_scs_section_size  }
0x9c: {  	s7 =	simm.s32 $_size__tile_overlayer_lowered;
	s8 =	simm.s32 $_tile_overlayer_lowered  }
0x9d: {  	s22 =	simm.s32 $0x1BFF;
	s21 =	sshll.u32 s8, $0x1;
	s5 =	sadd.s32 s6, s19  }
0x9e: {  	s9 =	simm.s32 $0x0;
	s20 =	sshll.u32 s7, $0x1;
	s7 =	sadd.s32 s21, s5  }
0x9f: {  	[timem:s9], [sflag:s22] =	dma.local [hbm:s7], s20  }
0xa0: {  	_ =	swait.ge [sflag:s22], s20  }
0xa1: {  	s6 =	ssub.s32 $0x0, s20;
	[sflag:s22] =	ssyncset.done $0x0  }
0xa2: {  	[sflag:s22] =	ssyncadd.s32 s6;
	_ =	sdelay $0x1  }
0xa3: {  	s23 =	simm.s32 $0x1B8B  }
0xa4: {  	_ =	swait.ge [sflag:s23], $0x1  }
0xa5: {  	[sflag:s23] =	ssyncset.done $0x0  }
0xa6: {  	s25 =	simm.s32 $0x1B8E;
	s24 =	sld [smem:$0x3FFE];
	[sflag:s23] =	ssyncadd.s32 $0xFFFFFFFF  }
0xa7: {  	s26 =	simm.s32 $execute0_lowered;
	[smem:$0x3FD2] =	sst s25  }
0xa8: {  	s7 =	sshll.u32 s26, $0x1;
	_ =	strace $0x80000046;
	[dreg:$0x1] =	wrdreg $0xFFFFFFFF  }
0xa9: {  	s28 =	simm.s32 $_size_execute0_lowered;
	s5 =	sadd.s32 s5, s7;
	[dreg:$0x0] =	wrdreg $0x0  }
0xaa: {  	s7 =	sshll.u32 s28, $0x1;
	[dreg:$0x2] =	wrdreg s5  }
0xab: {  	[dreg:$0x3] =	wrdreg s7  }
0xac: {  	[dreg:$0x4] =	wrdreg $0xC0  }
0xad: {  	_ =	task [dreg:s9], $0x5FFFF  }
0xae: {  	[dreg:$0x1] =	wrdreg $0xFFFFFFFF  }
0xaf: {  	[dreg:$0x0] =	wrdreg $0x60  }
0xb0: {  	[dreg:$0x2] =	wrdreg s2  }
0xb1: {  	[dreg:$0x3] =	wrdreg s18  }
0xb2: {  	[dreg:$0x4] =	wrdreg s24  }
0xb3: {  	[dreg:$0x5] =	wrdreg s4  }
0xb4: {  	[dreg:$0x6] =	wrdreg $0x116800  }
0xb5: {  	[dreg:$0x7] =	wrdreg $0x9  }
0xb6: {  	_ =	task.clear_ibuf [dreg:s9], $0x8FFFF;
	_ =	strace $0x90000046  }
0xb7: {  	s29 =	simm.s32 $0x9;
	_ =	strace $0x80000048  }
0xb8: {  	_ =	swait.ge [sflag:s29], $0x1  }
0xb9: {  	[sflag:s29] =	ssyncadd.s32 $0xFFFFFFFF  }
0xba: {  	_ =	strace $0x90000048  }
0xbb: {  	_ =	sfence  }
0xbc: {  	s30 =	sld [smem:$0x0];
	_ =	sdelay $0x2  }
0xbd: {  	s31 =	sshll.u32 s1, $0xD;
	s1 =	sshrl.u32 s1, $0x2  }
0xbe: {  	s3 =	sand.u32 $0x4000, s31;
	s1 =	sadd.s32 s1, s30  }
0xbf: {  	s0 =	sor.u32 s3, s0;
	s1 =	sshll.u32 s1, $0x11  }
0xc0: {  	s0 =	sor.u32 s1, s0  }
0xc1: {  	s0 =	sadd.s32 $0x8F2B, s0  }
0xc2: {  	[sflag:s0] =	ssyncadd.remote.s32 $0x1  }
0xc3: {  	_ =	sfence.sel $0xFFFF  }
0xc4: {  	[dreg:$0x0] =	wrdreg $0xFFFFFFFF;
	(pc) =	sbr.abs _section_cstart, $3  }
0xc5: {  	[dreg:$0x1] =	wrdreg $0xFFFFFFFF  }
0xc6: {  	_ =	task.clear_ibuf [dreg:s9], $0x2FFFF;
	_ =	strace $0x9FFFFFFF  }
0xc7: {  	(tm) =	ssettm $0x7FFFFFFF  }
tec
execute0_lowered:
.L_overlay_start_1:
0x0: {  	(tag) =	ssettag $0x1  }
0x1: {  	s1 =	rddreg [dreg:$0x0]  }
0x2: {  	s2 =	rddreg [dreg:$0x1]  }
0x3: {  	s0 =	rddreg [dreg:$0x2]  }
0x4: {  	s4 =	rddreg [dreg:$0x3]  }
0x5: {  	s3 =	rddreg [dreg:$0x4];
	s20 =	simm.s32 $0x0;
	s5 =	srdreg.scid  }
0x6: {  	s10 =	stileid.u32;
	s18 =	simm.s32 $0x8;
	s13 =	simm.s32 $0x11480  }
0x7: {  	[smem:$0x7FF] =	sst s20;
	s6 =	sadd.s32 $0x400, s0;
	s9 =	smul.u32 $0x29000, s10  }
0x8: {  	s12 =	sand.u32 $0x1, s5;
	s8 =	sadd.s32 $0xA200, s0;
	s22 =	smul.u32 $0x28000, s10  }
0x9: {  	s0 =	sadd.s32 $0xA400, s0;
	s23 =	sshll.u32 s10, $0x7;
	s25 =	smul.u32 $0x1400, s10  }
0xa: {  	s11 =	sadd.s32 $0x3FEA, s10;
	_ =	strace $0x80000047;
	[dreg:$0x7] =	wrdreg s8  }
0xb: {  	p1 =	sne.s32 s10, $0xF;
	p2 =	seq.s32 s10, $0xF;
	[dreg:$0x8] =	wrdreg s0  }
0xc: {  	s28 =	smul.u32 $0x9800, s10;
	s30 =	sadd.s32 $0x8E800, s3;
	[dreg:$0x9] =	wrdreg s23  }
0xd: {  	s29 =	smul.u32 $0x26000, s10;
	s5 =	ssub.s32 $0x2, s12;
	[dreg:$0xc] =	wrdreg s30  }
0xe: {  	s7 =	smul.u32 $0x1400, s12;
	p0 =	seq.s32 s12, $0x1;
	[dreg:$0x6] =	wrdreg s12  }
0xf: {  	s23 =	simm.s32 $0x5;
	s19 =	sshrl.u32 s5, $0x1;
	s24 =	sshrl.u32 s9, $0x2  }
0x10: {  	s26 =	sadd.s32 s4, s25;
	p1 =	por !p1, !p0;
	p2 =	por !p2, !p0  }
0x11: {  	s9 =	sshrl.u32 s29, $0x2;
	s21 =	ssub.s32 s5, s19;
	s8 =	sadd.s32 s24, s3  }
0x12: {  	s5 =	sshrl.u32 s22, $0x2;
	[dreg:$0xb] =	wrdreg s26;
	p0 =	por !p1, !p1  }
0x13: {  	p1 =	por !p2, !p2;
	s26 =	simm.s32 $0x13;
	s22 =	simm.s32 $0xC  }
0x14: {  	v0 =	vmov s7;
	s24 =	simm.s32 $0x9;
	s7 =	simm.s32 $0x11400;
	s5 =	sadd.s32 s5, s3  }
0x15: {  	s10 =	simm.s32 @!p1 $0x0;
	s0 =	smax.u32 s21, $0x1;
	[dreg:$0xa] =	wrdreg s5  }
0x16: {  	s31 =	sshrl.u32 s8, $0x3;
	s8 =	simm.s32 $0x0;
	[dreg:$0xf] =	wrdreg s0  }
0x17: {  	s10 =	simm.s32 @p1 $0x1;
	s5 =	sshrl.u32 s28, $0x3;
	[dreg:$0x10] =	wrdreg s31  }
0x18: {  	p1 =	seq.s32 s12, $0x0;
	s12 =	simm.s32 $0xB;
	[smem:$0x7FB] =	sst s10  }
0x19: {  	s5 =	sadd.s32 s4, s5;
	s4 =	sadd.s32 $0x25D00, s4;
	s0 =	simm.s32 @!p1 $0x0  }
.Ltmp0:
0x1a: {  	[dreg:$0xd] =	wrdreg s4;
	s0 =	simm.s32 @p1 $0x1;
	(pc) =	sbr.rel .LBB2_1-.Ltmp0, $4  }
0x1b: {  	s5 =	sadd.s32 $0x14000, s5;
	[smem:$0x7FC] =	sst s0;
	s0 =	simm.s32 @!p0 $0x0  }
0x1c: {  	s4 =	sadd.s32 s9, s3;
	[dreg:$0xe] =	wrdreg s5;
	s0 =	simm.s32 @p0 $0x1  }
0x1d: {  	s10 =	simm.s32 $0x7;
	[smem:$0x7FD] =	sst s0;
	s0 =	sshrl.u32 @p0 s4, $0x3  }
0x1e: {  	v1 =	vlaneseq.u32;
	v2 =	vimm.s32 $0x1400;
	v3 =	vimm.s32 $0x0;
	s9 =	simm.s32 $0x3;
	[dreg:$0x11] =	wrdreg s0;
	s0 =	simm.s32 $0x4  }
.LBB2_19:
0x1f: {  	s4 =	rddreg [dreg:$0x6];
	[bflag:$0x0] =	sbarrier.arrive $0xFFFF  }
0x20: {  	p0 =	sne.s32 s4, $0x0;
	s4 =	rddreg [dreg:$0xa]  }
0x21: {  	s5 =	rddreg [dreg:$0xb]  }
0x22: {  	s8 =	rddreg [dreg:$0x14];
	s4 =	sshrl.u32 @!p0 s4, $0x3  }
0x23: {  	[hbm:s5], [sflag:s8] =	dma.local @!p0 [spmem:s4], $0x1400  }
0x24: {  	s4 =	simm.s32 @!p0 $0x13  }
0x25: {  	_ =	swait.ge @!p0 [sflag:s4], $0x1400  }
0x26: {  	s28 =	sld [smem:$0x7FD]  }
0x27: {  	s29 =	sld [smem:$0x7FB];
	_ =	sdelay $0x2  }
0x28: {  	[sflag:s4] =	ssyncset.done @!p0 $0x0;
	p2 =	seq.s32 s28, $0x1;
	p1 =	seq.s32 s29, $0x1  }
0x29: {  	[sflag:s4] =	ssyncadd.s32 @!p0 $0xFFFFEC00;
	s4 =	rddreg [dreg:$0xc];
	p1 =	por !p1, p2  }
0x2a: {  	s5 =	rddreg [dreg:$0xd];
	s4 =	sshrl.u32 @!p1 s4, $0x3  }
0x2b: {  	[hbm:s5], [sflag:s8] =	dma.local @!p1 [spmem:s4], $0x1400  }
0x2c: {  	s4 =	simm.s32 @!p1 $0x13  }
0x2d: {  	_ =	swait.ge @!p1 [sflag:s4], $0x1400  }
0x2e: {  	[sflag:s4] =	ssyncset.done @!p1 $0x0;
	s5 =	rddreg [dreg:$0x11]  }
0x2f: {  	[sflag:s4] =	ssyncadd.s32 @!p1 $0xFFFFEC00;
	s4 =	rddreg [dreg:$0xe]  }
0x30: {  	[hbm:s4], [sflag:s8] =	dma.local @p2 [spmem:s5], $0x1300  }
0x31: {  	s4 =	simm.s32 @p2 $0x13  }
0x32: {  	_ =	swait.ge @p2 [sflag:s4], $0x1300  }
0x33: {  	s30 =	rddreg [dreg:$0x12]  }
0x34: {  	s31 =	rddreg [dreg:$0xf];
	s8 =	sadd.s32 $0x1, s30  }
0x35: {  	p0 =	sne.s32 s8, s31  }
.Ltmp1:
0x36: {  	_ = 	snop;
	(pc) =	sbr.rel @!p0 .LBB2_20-.Ltmp1, $3  }
0x37: {  	_ =	sdelay $0x1  }
0x38: {  	[sflag:s4] =	ssyncset.done @p2 $0x0  }
0x39: {  	s20 =	simm.s32 $0x0;
	s26 =	simm.s32 $0x13;
	[sflag:s4] =	ssyncadd.s32 @p2 $0xFFFFED00  }
.LBB2_1:
0x3a: {  	[dreg:$0x12] =	wrdreg s8  }
0x3b: {  	s4 =	rddreg [dreg:$0x7];
	s5 =	simm.s32 $0x11600  }
0x3c: {  	[tilespmem:s5], [sflag:$0x13] =	stream.linear.gather [hbm4b:s4+s20], $0x80, $0x38;
	[tilespmem:$0x1BA80] =	vst v63  }
0x3d: {  	_ =	swait.ge [sflag:s26], $0x80  }
0x3e: {  	[sflag:s26] =	ssyncset.done $0x0  }
0x3f: {  	[sflag:s26] =	ssyncadd.s32 $0xFFFFFF80  }
0x40: {  	v4 =	vld [tilespmem:$0x11600];
	_ =	sdelay $0x4  }
0x41: {  	(v2sf) =	vpush v4, $0x0;
	_ =	sdelay $0xc  }
0x42: {  	s15 =	sld [smem:$0x7FC];
	_ =	sdelay $0x1  }
0x43: {  	s5 =	spop (v2sf)  }
0x44: {  	p0 =	seq.s32 s15, $0x1;
	s4 =	smov.u32 s5  }
0x45: {  	s5 =	simm.s32 @!p0 $0x4E200;
	s4 =	simm.s32 @p0 $0x0  }
0x46: {  	s16 =	ssub.s32 s5, s4  }
0x47: {  	s8 =	sadd.s32 $0x7FF, s16  }
0x48: {  	s14 =	sand.u32 $0x7FF, s8  }
0x49: {  	s15 =	sshra.s32 s8, $0x1F;
	p1 =	slt.s32 s8, $0x1;
	p2 =	sne.s32 s14, $0x0  }
0x4a: {  	s17 =	sshrl.u32 s15, $0x15;
	p1 =	por !p1, !p2  }
0x4b: {  	s14 =	simm.s32 $0x1;
	s8 =	sadd.s32 s17, s8;
	p1 =	por !p1, !p1  }
0x4c: {  	s8 =	sshra.s32 s8, $0xB;
	s14 =	simm.s32 @!p1 $0x0  }
0x4d: {  	s19 =	rddreg [dreg:$0x9];
	s16 =	ssub.s32 s8, s14  }
0x4e: {  	s14 =	smul.u32 s16, s19;
	_ =	sdelay $0x1  }
0x4f: {  	s8 =	sadd.s32 s4, s14  }
0x50: {  	s21 =	sshra.s32 s8, $0x1F  }
0x51: {  	s15 =	sshrl.u32 s21, $0x1D  }
0x52: {  	s15 =	sadd.s32 s15, s8  }
0x53: {  	s31 =	sand.u32 $0xFFFFFFF8, s15  }
0x54: {  	p1 =	slt.s32 s31, $0x4E180;
	s17 =	smov.u32 s31  }
0x55: {  	s17 =	simm.s32 @!p1 $0x4E180  }
0x56: {  	s25 =	sshll.u32 s17, $0x4  }
0x57: {  	s19 =	sshll.u32 s16, $0x7;
	s15 =	sand.u32 $0xFFFFF80, s25  }
0x58: {  	s19 =	sadd.s32 s19, s8;
	s17 =	sshrl.u32 s17, $0x3;
	s15 =	sadd.s32 s1, s15  }
0x59: {  	[tilespmem:s20], [sflag:$0x1] =	stream.linear.gather [hbm4b:s15+s20], $0x4000, $0x38;
	[tilespmem:$0x1BA80] =	vst v63  }
0x5a: {  	s21 =	simm.s32 $0x10000;
	p1 =	slt.s32 s19, s5;
	s28 =	sadd.s32 s2, s17  }
0x5b: {  	[tilespmem:s21], [sflag:$0x5] =	stream.linear.gather [hbm4b:s28+s20], $0x80, $0x38;
	[tilespmem:$0x1BA80] =	vst v63  }
0x5c: {  	s5 =	smov.u32 @p1 s19;
	s19 =	simm.s32 $0x10200;
	s17 =	sadd.s32 s6, s17  }
0x5d: {  	[tilespmem:s19], [sflag:$0x9] =	stream.linear.gather [hbm4b:s17+s20], $0x80, $0x38;
	[tilespmem:$0x1BA80] =	vst v63  }
0x5e: {  	p1 =	slt.s32 s16, $0x1;
	s17 =	sadd.s32 $0x80, s31  }
0x5f: {  	p2 =	slt.s32 @!p1 s17, $0x4E180  }
0x60: {  	p2 =	por !p2, p1  }
0x61: {  	[dreg:$0x13] =	wrdreg s17;
	s17 =	simm.s32 @p2 $0x4E180  }
0x62: {  	s19 =	sshll.u32 @!p1 s17, $0x4  }
0x63: {  	s19 =	sand.u32 @!p1 $0xFFFFF80, s19  }
0x64: {  	s21 =	simm.s32 @!p1 $0x4000;
	s20 =	simm.s32 @!p1 $0x0;
	s19 =	sadd.s32 @!p1 s1, s19  }
0x65: {  	[tilespmem:s21], [sflag:$0x2] =	stream.linear.gather @!p1 [hbm4b:s19+s20], $0x4000, $0x38;
	[tilespmem:$0x1BA80] =	vst v63  }
0x66: {  	s19 =	sand.u32 @!p1 $0x7, s17;
	s21 =	sld @!p1 [smem:$0x7FF]  }
0x67: {  	p3 =	seq.s32 @!p1 s19, $0x0  }
0x68: {  	p2 =	por p3, p1  }
0x69: {  	p4 =	sne.s32 @!p2 s21, $0x1  }
0x6a: {  	p4 =	por @!p1 !p4, p3  }
0x6b: {  	p4 =	por p4, p1  }
0x6c: {  	s19 =	sor.u32 @!p4 $0x100000, s11  }
0x6d: {  	[smem:s19], [sflag:$0x0] =	smem.add.s32 @!p4 $0x78;
	s19 =	simm.s32 @!p4 $0x0  }
0x6e: {  	s29 =	sld [smem:$0x7FF];
	s21 =	simm.s32 @!p4 $0x1;
	_ =	swait.done @!p4 [sflag:s19]  }
0x6f: {  	[smem:$0x7FF] =	sst @!p4 s21  }
0x70: {  	_ =	sint @!p4 $0x2  }
0x71: {  	_ =	swait.notdone @!p4 [sflag:s19]  }
0x72: {  	s17 =	sshrl.u32 @!p1 s17, $0x3;
	s19 =	sld @!p1 [smem:$0x7FF]  }
0x73: {  	s25 =	simm.s32 @!p1 $0x10080;
	s21 =	sadd.s32 @!p1 s2, s17  }
0x74: {  	[tilespmem:s25], [sflag:$0x6] =	stream.linear.gather @!p1 [hbm4b:s21+s20], $0x80, $0x38;
	[tilespmem:$0x1BA80] =	vst v63  }
0x75: {  	p2 =	sne.s32 @!p2 s19, $0x1  }
0x76: {  	p2 =	por @!p1 !p2, p3  }
0x77: {  	p2 =	por p2, p1  }
0x78: {  	s19 =	sor.u32 @!p2 $0x100000, s11  }
0x79: {  	[smem:s19], [sflag:$0x0] =	smem.add.s32 @!p2 $0x7C;
	s19 =	simm.s32 @!p2 $0x0  }
0x7a: {  	s21 =	simm.s32 @!p2 $0x1;
	_ =	swait.done @!p2 [sflag:s19]  }
0x7b: {  	[smem:$0x7FF] =	sst @!p2 s21  }
0x7c: {  	s17 =	sadd.s32 @!p1 s6, s17;
	_ =	sint @!p2 $0x2  }
0x7d: {  	s21 =	stileid.u32;
	_ =	swait.notdone @!p2 [sflag:s19];
	s19 =	simm.s32 @!p1 $0x10280  }
0x7e: {  	[tilespmem:s19], [sflag:$0xA] =	stream.linear.gather @!p1 [hbm4b:s17+s20], $0x80, $0x38;
	[tilespmem:$0x1BA80] =	vst v63  }
0x7f: {  	s17 =	sshll.u32 s21, $0x6;
	s28 =	rddreg [dreg:$0x8]  }
0x80: {  	s29 =	rddreg [dreg:$0x10];
	s25 =	sor.u32 $0x1C13, s17  }
0x81: {  	[dreg:$0x14] =	wrdreg s25  }
0x82: {  	[spmem:s29], [sflag:s25] =	dma.local [hbm:s28], $0x1480  }
.Ltmp2:
0x83: {  	_ =	swait.ge [sflag:s26], $0x1480;
	(pc) =	sbr.rel .LBB2_2-.Ltmp2, $4  }
0x84: {  	s30 =	simm.s32 $0x0;
	[sflag:s26] =	ssyncset.done $0x0  }
0x85: {  	s4 =	sadd.s32 s14, s4;
	s15 =	ssub.s32 s8, s31;
	[sflag:s26] =	ssyncadd.s32 $0xFFFFEB80  }
0x86: {  	s14 =	ssub.s32 s4, s15;
	s4 =	sadd.s32 $0x1, s16;
	[bflag:$0x0] =	sbarrier.arrive $0xFFFF  }
0x87: {  	v4 =	vmov s8;
	v5 =	vmov s5;
	s15 =	sadd.s32 $0x100, s14;
	s21 =	sadd.s32 $0x2, s16;
	s17 =	smov.u32 s31  }
.LBB2_18:
0x88: {  	s30 =	sadd.s32 $0x1, s30  }
0x89: {  	p0 =	sne.s32 s30, $0x28  }
.Ltmp3:
0x8a: {  	_ = 	snop;
	(pc) =	sbr.rel @!p0 .LBB2_19-.Ltmp3, $2  }
0x8b: {  	_ =	sdelay $0x2  }
0x8c: {  	s17 =	sadd.s32 $0x200, s17;
	s15 =	sadd.s32 $0x200, s15  }
.LBB2_2:
0x8d: {  	s5 =	sshll.u32 s30, $0x2;
	p5 =	seq.s32 s30, $0x0  }
0x8e: {  	p1 =	sgt.s32 @!p5 s5, s21  }
0x8f: {  	p2 =	por p1, p5  }
0x90: {  	v6 =	vld @!p2 [tilespmem:$0x11580];
	_ =	sdelay $0x4  }
0x91: {  	(v2sf) =	vpush @!p2 v6, $0x0;
	_ =	sdelay $0xe  }
0x92: {  	s8 =	spop @!p2 (v2sf)  }
0x93: {  	p2 =	sgt.s32 @!p2 s8, $0xF  }
0x94: {  	s8 =	sor.u32 $0x2, s5;
	p3 =	por @!p5 !p2, p1  }
0x95: {  	p4 =	por p3, p5;
	p3 =	sgt.s32 s8, s16  }
0x96: {  	s14 =	simm.s32 @!p4 $0xF;
	s19 =	sshll.u32 @!p3 s8, $0x7  }
0x97: {  	p1 =	por @!p5 p2, p1;
	_ =	swait.ge @!p4 [sflag:s14], $0x4000;
	s19 =	sadd.s32 @!p3 s31, s19  }
0x98: {  	p1 =	por p1, p5;
	[sflag:s14] =	ssyncset.done @!p4 $0x0;
	p2 =	slt.s32 @!p3 s19, $0x4E180  }
0x99: {  	[sflag:s14] =	ssyncadd.s32 @!p4 $0xFFFFC000;
	s14 =	simm.s32 @!p1 $0x12;
	p2 =	por !p2, p3  }
0x9a: {  	_ =	swait.ge @!p1 [sflag:s14], $0x800;
	s19 =	simm.s32 @p2 $0x4E180  }
0x9b: {  	[sflag:s14] =	ssyncset.done @!p1 $0x0;
	s20 =	sshll.u32 @!p3 s19, $0x4  }
0x9c: {  	[sflag:s14] =	ssyncadd.s32 @!p1 $0xFFFFF800;
	s14 =	sand.u32 @!p3 $0xFFFFF80, s20  }
0x9d: {  	s25 =	simm.s32 @!p3 $0x8000;
	s20 =	simm.s32 @!p3 $0x0;
	s14 =	sadd.s32 @!p3 s1, s14  }
0x9e: {  	[tilespmem:s25], [sflag:$0x3] =	stream.linear.gather @!p3 [hbm4b:s14+s20], $0x4000, $0x38;
	[tilespmem:$0x1BA80] =	vst v63  }
0x9f: {  	s14 =	sand.u32 @!p3 $0x7, s19;
	s25 =	sld @!p3 [smem:$0x7FF]  }
0xa0: {  	p1 =	seq.s32 @!p3 s14, $0x0  }
0xa1: {  	p2 =	por p1, p3  }
0xa2: {  	p4 =	sne.s32 @!p2 s25, $0x1  }
0xa3: {  	p4 =	por @!p3 !p4, p1  }
0xa4: {  	p4 =	por p4, p3  }
0xa5: {  	s14 =	sor.u32 @!p4 $0x100000, s11  }
0xa6: {  	[smem:s14], [sflag:$0x0] =	smem.add.s32 @!p4 $0xB0;
	s14 =	simm.s32 @!p4 $0x0  }
0xa7: {  	s25 =	simm.s32 @!p4 $0x1;
	_ =	swait.done @!p4 [sflag:s14]  }
0xa8: {  	[smem:$0x7FF] =	sst @!p4 s25  }
0xa9: {  	_ =	sint @!p4 $0x2  }
0xaa: {  	_ =	swait.notdone @!p4 [sflag:s14]  }
0xab: {  	s14 =	sshrl.u32 @!p3 s19, $0x3;
	s19 =	sld @!p3 [smem:$0x7FF]  }
0xac: {  	s26 =	simm.s32 @!p3 $0x10100;
	s25 =	sadd.s32 @!p3 s2, s14  }
0xad: {  	[tilespmem:s26], [sflag:$0x7] =	stream.linear.gather @!p3 [hbm4b:s25+s20], $0x80, $0x38;
	[tilespmem:$0x1BA80] =	vst v63  }
0xae: {  	p2 =	sne.s32 @!p2 s19, $0x1  }
0xaf: {  	p1 =	por @!p3 !p2, p1  }
0xb0: {  	p1 =	por p1, p3  }
0xb1: {  	s19 =	sor.u32 @!p1 $0x100000, s11  }
0xb2: {  	p6 =	sgt.s32 s5, s16;
	[smem:s19], [sflag:$0x0] =	smem.add.s32 @!p1 $0xB5;
	s19 =	simm.s32 @!p1 $0x0  }
.Ltmp4:
0xb3: {  	s25 =	simm.s32 @!p1 $0x1;
	_ =	swait.done @!p1 [sflag:s19];
	(pc) =	sbr.rel @p6 .LBB2_8-.Ltmp4, $4  }
0xb4: {  	[smem:$0x7FF] =	sst @!p1 s25  }
0xb5: {  	_ =	sint @!p1 $0x2  }
0xb6: {  	s14 =	sadd.s32 @!p3 s6, s14;
	_ =	swait.notdone @!p1 [sflag:s19];
	s19 =	simm.s32 @!p3 $0x10300  }
0xb7: {  	[tilespmem:s19], [sflag:$0xB] =	stream.linear.gather @!p3 [hbm4b:s14+s20], $0x80, $0x38;
	[tilespmem:$0x1BA80] =	vst v63  }
0xb8: {  	s14 =	simm.s32 $0x1  }
0xb9: {  	_ =	swait.ge [sflag:s14], $0x4000  }
0xba: {  	[sflag:s14] =	ssyncset.done $0x0  }
0xbb: {  	[sflag:s14] =	ssyncadd.s32 $0xFFFFC000  }
0xbc: {  	_ =	swait.ge [sflag:s23], $0x80  }
0xbd: {  	s29 =	sshll.u32 s30, $0x9;
	[sflag:s23] =	ssyncset.done $0x0  }
0xbe: {  	p1 =	slt.s32 s17, $0x4E180;
	s19 =	smov.u32 s17;
	[sflag:s23] =	ssyncadd.s32 $0xFFFFFF80  }
0xbf: {  	s25 =	simm.s32 $0x400;
	s26 =	simm.s32 $0x0;
	_ =	swait.ge [sflag:s24], $0x80  }
0xc0: {  	v10 =	vimm.f32 $0.0e+00;
	v11 =	vimm.f32 $0.0e+00;
	v12 =	vimm.f32 $0.0e+00;
	s20 =	sadd.s32 s31, s29;
	s19 =	simm.s32 @!p1 $0x4E180;
	[sflag:s24] =	ssyncset.done $0x0  }
0xc1: {  	v13 =	vimm.f32 $0.0e+00;
	v14 =	vimm.f32 $0.0e+00;
	v15 =	vimm.f32 $0.0e+00;
	p1 =	slt.s32 s20, $0x4E180;
	s14 =	smov.u32 s20;
	[sflag:s24] =	ssyncadd.s32 $0xFFFFFF80  }
0xc2: {  	v16 =	vimm.f32 $0.0e+00;
	v17 =	vimm.f32 $0.0e+00;
	v6 =	vmov s20;
	s19 =	sadd.s32 $0xFFFFFFFF, s19;
	s20 =	simm.s32 $0x0;
	s14 =	simm.s32 @!p1 $0x4E180;
	[tilespmem:$0x11400] =	vst v2  }
.LBB2_4:
0xc3: {  	s29 =	sshra.s32 s20, $0x2  }
0xc4: {  	s28 =	sadd.s32 $0x1, s19;
	v9 =	vadd.s32 s19, v1;
	v8 =	vld [tilespmem:s29+$0x10000]  }
0xc5: {  	v7 =	vadd.s32 s28, v1;
	v18 =	vld [tilespmem:s29+$0x10200];
	vm11 =	vlt.s32 v9, v4;
	vm2 =	vlt.s32 v9, v6  }
0xc6: {  	vm12 =	vge.s32 v9, v5;
	vm0 =	vlt.s32 v7, v4;
	vm1 =	vlt.s32 v7, v6  }
0xc7: {  	vm3 =	vge.s32 v7, v5;
	vm0 =	vmor vm0, vm1;
	vm1 =	vmor vm11, vm2  }
0xc8: {  	vm0 =	vmor vm0, vm3;
	vm1 =	vmor vm1, vm12  }
0xc9: {  	v7 =	vsel vm0, $0x4E20, v3;
	v9 =	vsel vm1, $0x4E20, v3  }
0xca: {  	v19 =	vadd.s32 v7, v8;
	v7 =	vadd.s32 v9, v18  }
0xcb: {  	vm13 =	vne.s32 v19, v7  }
0xcc: {  	v8 =	vsel vm13, $0x1, v3  }
0xcd: {  	(xrf0) =	vadd.scan.msk.s32 $0xffff, v8;
	_ =	sdelay $0x5  }
0xce: {  	v7, _, _ =	vpop (xrf0)  }
0xcf: {  	v7 =	vadd.s32 s26, v7  }
0xd0: {  	vm14 =	vlt.s32 v7, $0xF  }
0xd1: {  	v18 =	vnsel vm14, $0xF, v7  }
0xd2: {  	(v2sf) =	vpush v8, $0x0;
	v9 =	vshll.u32 v18, $0x9  }
0xd3: {  	v9 =	vshra.s32 v9, $0x2  }
0xd4: {  	(v2sf) =	vpush v9, $0x0;
	_ =	sdelay $0x2  }
0xd5: {  	v19 =	vsub.s32 v19, v0  }
0xd6: {  	vm15 =	vgt.s32 v19, $0x0  }
0xd7: {  	v19 =	vnsel vm15, $0x0, v19  }
0xd8: {  	v19 =	vmin.u32 v19, $0x1400  }
0xd9: {  	[tilespmem:v18+s7+$0x0] =	vst.idx.msk $0xffff, v19  }
0xda: {  	v18 =	vld [tilespmem:s25+$0xFFFFFC00]  }
0xdb: {  	v19 =	vld [tilespmem:s25+$0xFFFFFC10]  }
0xdc: {  	v20 =	vld [tilespmem:s25+$0xFFFFFC20]  }
0xdd: {  	v21 =	vld [tilespmem:s25+$0xFFFFFC30]  }
0xde: {  	v22 =	vld [tilespmem:s25+$0xFFFFFC40]  }
0xdf: {  	s28 =	spop (v2sf);
	v23 =	vld [tilespmem:s25+$0xFFFFFC50];
	v17 =	vadd.f32 v18, v17  }
0xe0: {  	v24 =	vld [tilespmem:s25+$0xFFFFFC60];
	(v2sf) =	vpush v8, $0x1;
	p1 =	seq.s32 s28, $0x0;
	v16 =	vadd.f32 v19, v16  }
0xe1: {  	v25 =	vld [tilespmem:s25+$0xFFFFFC70];
	v15 =	vadd.f32 v20, v15;
	v17 =	vpsel p1, v17, v18;
	s29 =	spop (v2sf)  }
0xe2: {  	(v2sf) =	vpush v9, $0x1;
	v14 =	vadd.f32 v21, v14;
	v16 =	vpsel p1, v16, v19;
	[tilespmem:s29+$0x10400] =	vst v17  }
0xe3: {  	v13 =	vadd.f32 v22, v13;
	v15 =	vpsel p1, v15, v20;
	[tilespmem:s29+$0x10410] =	vst v16  }
0xe4: {  	v12 =	vadd.f32 v23, v12;
	v14 =	vpsel p1, v14, v21;
	[tilespmem:s29+$0x10420] =	vst v15  }
0xe5: {  	v11 =	vadd.f32 v24, v11;
	v13 =	vpsel p1, v13, v22;
	[tilespmem:s29+$0x10430] =	vst v14  }
0xe6: {  	v10 =	vadd.f32 v25, v10;
	v12 =	vpsel p1, v12, v23;
	[tilespmem:s29+$0x10440] =	vst v13  }
0xe7: {  	v11 =	vpsel p1, v11, v24;
	[tilespmem:s29+$0x10450] =	vst v12  }
0xe8: {  	v10 =	vpsel p1, v10, v25;
	[tilespmem:s29+$0x10460] =	vst v11  }
0xe9: {  	[tilespmem:s29+$0x10470] =	vst v10  }
0xea: {  	v18 =	vld [tilespmem:s25+$0xFFFFFC80]  }
0xeb: {  	v19 =	vld [tilespmem:s25+$0xFFFFFC90]  }
0xec: {  	v49 =	vld [tilespmem:s25+$0xFFFFFCA0]  }
0xed: {  	v50 =	vld [tilespmem:s25+$0xFFFFFCB0]  }
0xee: {  	v51 =	vld [tilespmem:s25+$0xFFFFFCC0]  }
0xef: {  	v52 =	vld [tilespmem:s25+$0xFFFFFCD0];
	s28 =	spop (v2sf);
	v17 =	vadd.f32 v18, v17  }
0xf0: {  	v53 =	vld [tilespmem:s25+$0xFFFFFCE0];
	(v2sf) =	vpush v8, $0x2;
	p0 =	seq.s32 s28, $0x0;
	v16 =	vadd.f32 v19, v16  }
0xf1: {  	v54 =	vld [tilespmem:s25+$0xFFFFFCF0];
	s29 =	spop (v2sf);
	v15 =	vadd.f32 v49, v15;
	v17 =	vpsel p0, v17, v18  }
0xf2: {  	(v2sf) =	vpush v9, $0x2;
	v14 =	vadd.f32 v50, v14;
	v16 =	vpsel p0, v16, v19;
	[tilespmem:s29+$0x10400] =	vst v17  }
0xf3: {  	v13 =	vadd.f32 v51, v13;
	v15 =	vpsel p0, v15, v49;
	[tilespmem:s29+$0x10410] =	vst v16  }
0xf4: {  	v12 =	vadd.f32 v52, v12;
	v14 =	vpsel p0, v14, v50;
	[tilespmem:s29+$0x10420] =	vst v15  }
0xf5: {  	v11 =	vadd.f32 v53, v11;
	v13 =	vpsel p0, v13, v51;
	[tilespmem:s29+$0x10430] =	vst v14  }
0xf6: {  	v10 =	vadd.f32 v54, v10;
	v12 =	vpsel p0, v12, v52;
	[tilespmem:s29+$0x10440] =	vst v13  }
0xf7: {  	v11 =	vpsel p0, v11, v53;
	[tilespmem:s29+$0x10450] =	vst v12  }
0xf8: {  	v10 =	vpsel p0, v10, v54;
	[tilespmem:s29+$0x10460] =	vst v11  }
0xf9: {  	[tilespmem:s29+$0x10470] =	vst v10  }
0xfa: {  	v18 =	vld [tilespmem:s25+$0xFFFFFD00]  }
0xfb: {  	v19 =	vld [tilespmem:s25+$0xFFFFFD10]  }
0xfc: {  	v55 =	vld [tilespmem:s25+$0xFFFFFD20]  }
0xfd: {  	v56 =	vld [tilespmem:s25+$0xFFFFFD30]  }
0xfe: {  	v57 =	vld [tilespmem:s25+$0xFFFFFD40]  }
0xff: {  	v58 =	vld [tilespmem:s25+$0xFFFFFD50];
	v17 =	vadd.f32 v18, v17;
	s28 =	spop (v2sf)  }
0x100: {  	v59 =	vld [tilespmem:s25+$0xFFFFFD60];
	v16 =	vadd.f32 v19, v16;
	(v2sf) =	vpush v8, $0x3;
	p2 =	seq.s32 s28, $0x0  }
0x101: {  	v60 =	vld [tilespmem:s25+$0xFFFFFD70];
	v15 =	vadd.f32 v55, v15;
	s29 =	spop (v2sf);
	v17 =	vpsel p2, v17, v18  }
0x102: {  	v14 =	vadd.f32 v56, v14;
	(v2sf) =	vpush v9, $0x3;
	v16 =	vpsel p2, v16, v19;
	[tilespmem:s29+$0x10400] =	vst v17  }
0x103: {  	v13 =	vadd.f32 v57, v13;
	v15 =	vpsel p2, v15, v55;
	[tilespmem:s29+$0x10410] =	vst v16  }
0x104: {  	v12 =	vadd.f32 v58, v12;
	v14 =	vpsel p2, v14, v56;
	[tilespmem:s29+$0x10420] =	vst v15  }
0x105: {  	v11 =	vadd.f32 v59, v11;
	v13 =	vpsel p2, v13, v57;
	[tilespmem:s29+$0x10430] =	vst v14  }
0x106: {  	v10 =	vadd.f32 v60, v10;
	v12 =	vpsel p2, v12, v58;
	[tilespmem:s29+$0x10440] =	vst v13  }
0x107: {  	v11 =	vpsel p2, v11, v59;
	[tilespmem:s29+$0x10450] =	vst v12  }
0x108: {  	v10 =	vpsel p2, v10, v60;
	[tilespmem:s29+$0x10460] =	vst v11  }
0x109: {  	[tilespmem:s29+$0x10470] =	vst v10  }
0x10a: {  	v18 =	vld [tilespmem:s25+$0xFFFFFD80]  }
0x10b: {  	v19 =	vld [tilespmem:s25+$0xFFFFFD90]  }
0x10c: {  	v61 =	vld [tilespmem:s25+$0xFFFFFDA0]  }
0x10d: {  	v62 =	vld [tilespmem:s25+$0xFFFFFDB0]  }
0x10e: {  	v63 =	vld [tilespmem:s25+$0xFFFFFDC0]  }
0x10f: {  	v28 =	vld [tilespmem:s25+$0xFFFFFDD0];
	v17 =	vadd.f32 v18, v17;
	s28 =	spop (v2sf)  }
0x110: {  	v29 =	vld [tilespmem:s25+$0xFFFFFDE0];
	v16 =	vadd.f32 v19, v16;
	(v2sf) =	vpush v8, $0x4;
	p4 =	seq.s32 s28, $0x0  }
0x111: {  	v30 =	vld [tilespmem:s25+$0xFFFFFDF0];
	v15 =	vadd.f32 v61, v15;
	s29 =	spop (v2sf);
	v17 =	vpsel p4, v17, v18  }
0x112: {  	v14 =	vadd.f32 v62, v14;
	(v2sf) =	vpush v9, $0x4;
	v16 =	vpsel p4, v16, v19;
	[tilespmem:s29+$0x10400] =	vst v17  }
0x113: {  	v13 =	vadd.f32 v63, v13;
	v15 =	vpsel p4, v15, v61;
	[tilespmem:s29+$0x10410] =	vst v16  }
0x114: {  	v12 =	vadd.f32 v28, v12;
	v14 =	vpsel p4, v14, v62;
	[tilespmem:s29+$0x10420] =	vst v15  }
0x115: {  	v11 =	vadd.f32 v29, v11;
	v13 =	vpsel p4, v13, v63;
	[tilespmem:s29+$0x10430] =	vst v14  }
0x116: {  	v10 =	vadd.f32 v30, v10;
	v12 =	vpsel p4, v12, v28;
	[tilespmem:s29+$0x10440] =	vst v13  }
0x117: {  	v11 =	vpsel p4, v11, v29;
	[tilespmem:s29+$0x10450] =	vst v12  }
0x118: {  	v10 =	vpsel p4, v10, v30;
	[tilespmem:s29+$0x10460] =	vst v11  }
0x119: {  	[tilespmem:s29+$0x10470] =	vst v10  }
0x11a: {  	v18 =	vld [tilespmem:s25+$0xFFFFFE00]  }
0x11b: {  	v19 =	vld [tilespmem:s25+$0xFFFFFE10]  }
0x11c: {  	v31 =	vld [tilespmem:s25+$0xFFFFFE20]  }
0x11d: {  	v32 =	vld [tilespmem:s25+$0xFFFFFE30]  }
0x11e: {  	v33 =	vld [tilespmem:s25+$0xFFFFFE40]  }
0x11f: {  	v34 =	vld [tilespmem:s25+$0xFFFFFE50];
	v17 =	vadd.f32 v18, v17;
	s28 =	spop (v2sf)  }
0x120: {  	v35 =	vld [tilespmem:s25+$0xFFFFFE60];
	v16 =	vadd.f32 v19, v16;
	(v2sf) =	vpush v8, $0x5;
	p0 =	seq.s32 s28, $0x0  }
0x121: {  	v36 =	vld [tilespmem:s25+$0xFFFFFE70];
	v15 =	vadd.f32 v31, v15;
	s29 =	spop (v2sf);
	v17 =	vpsel p0, v17, v18  }
0x122: {  	v14 =	vadd.f32 v32, v14;
	(v2sf) =	vpush v9, $0x5;
	v16 =	vpsel p0, v16, v19;
	[tilespmem:s29+$0x10400] =	vst v17  }
0x123: {  	v13 =	vadd.f32 v33, v13;
	v15 =	vpsel p0, v15, v31;
	[tilespmem:s29+$0x10410] =	vst v16  }
0x124: {  	v12 =	vadd.f32 v34, v12;
	v14 =	vpsel p0, v14, v32;
	[tilespmem:s29+$0x10420] =	vst v15  }
0x125: {  	v11 =	vadd.f32 v35, v11;
	v13 =	vpsel p0, v13, v33;
	[tilespmem:s29+$0x10430] =	vst v14  }
0x126: {  	v10 =	vadd.f32 v36, v10;
	v12 =	vpsel p0, v12, v34;
	[tilespmem:s29+$0x10440] =	vst v13  }
0x127: {  	v11 =	vpsel p0, v11, v35;
	[tilespmem:s29+$0x10450] =	vst v12  }
0x128: {  	v10 =	vpsel p0, v10, v36;
	[tilespmem:s29+$0x10460] =	vst v11  }
0x129: {  	[tilespmem:s29+$0x10470] =	vst v10  }
0x12a: {  	v18 =	vld [tilespmem:s25+$0xFFFFFE80]  }
0x12b: {  	v19 =	vld [tilespmem:s25+$0xFFFFFE90]  }
0x12c: {  	v37 =	vld [tilespmem:s25+$0xFFFFFEA0]  }
0x12d: {  	v38 =	vld [tilespmem:s25+$0xFFFFFEB0]  }
0x12e: {  	v39 =	vld [tilespmem:s25+$0xFFFFFEC0]  }
0x12f: {  	v40 =	vld [tilespmem:s25+$0xFFFFFED0];
	v17 =	vadd.f32 v18, v17;
	s28 =	spop (v2sf)  }
0x130: {  	v41 =	vld [tilespmem:s25+$0xFFFFFEE0];
	v16 =	vadd.f32 v19, v16;
	(v2sf) =	vpush v8, $0x6;
	p2 =	seq.s32 s28, $0x0  }
0x131: {  	v42 =	vld [tilespmem:s25+$0xFFFFFEF0];
	v15 =	vadd.f32 v37, v15;
	s29 =	spop (v2sf);
	v17 =	vpsel p2, v17, v18  }
0x132: {  	v14 =	vadd.f32 v38, v14;
	(v2sf) =	vpush v9, $0x6;
	v16 =	vpsel p2, v16, v19;
	[tilespmem:s29+$0x10400] =	vst v17  }
0x133: {  	v13 =	vadd.f32 v39, v13;
	v15 =	vpsel p2, v15, v37;
	[tilespmem:s29+$0x10410] =	vst v16  }
0x134: {  	v12 =	vadd.f32 v40, v12;
	v14 =	vpsel p2, v14, v38;
	[tilespmem:s29+$0x10420] =	vst v15  }
0x135: {  	v11 =	vadd.f32 v41, v11;
	v13 =	vpsel p2, v13, v39;
	[tilespmem:s29+$0x10430] =	vst v14  }
0x136: {  	v10 =	vadd.f32 v42, v10;
	v12 =	vpsel p2, v12, v40;
	[tilespmem:s29+$0x10440] =	vst v13  }
0x137: {  	v11 =	vpsel p2, v11, v41;
	[tilespmem:s29+$0x10450] =	vst v12  }
0x138: {  	v10 =	vpsel p2, v10, v42;
	[tilespmem:s29+$0x10460] =	vst v11  }
0x139: {  	[tilespmem:s29+$0x10470] =	vst v10  }
0x13a: {  	v18 =	vld [tilespmem:s25+$0xFFFFFF00]  }
0x13b: {  	v19 =	vld [tilespmem:s25+$0xFFFFFF10]  }
0x13c: {  	v43 =	vld [tilespmem:s25+$0xFFFFFF20]  }
0x13d: {  	v44 =	vld [tilespmem:s25+$0xFFFFFF30]  }
0x13e: {  	v45 =	vld [tilespmem:s25+$0xFFFFFF40]  }
0x13f: {  	v46 =	vld [tilespmem:s25+$0xFFFFFF50];
	v17 =	vadd.f32 v18, v17;
	s28 =	spop (v2sf)  }
0x140: {  	v47 =	vld [tilespmem:s25+$0xFFFFFF60];
	v16 =	vadd.f32 v19, v16;
	(v2sf) =	vpush v8, $0x7;
	p4 =	seq.s32 s28, $0x0  }
0x141: {  	v48 =	vld [tilespmem:s25+$0xFFFFFF70];
	v15 =	vadd.f32 v43, v15;
	s29 =	spop (v2sf);
	v17 =	vpsel p4, v17, v18  }
0x142: {  	v14 =	vadd.f32 v44, v14;
	(v2sf) =	vpush v9, $0x7;
	v16 =	vpsel p4, v16, v19;
	[tilespmem:s29+$0x10400] =	vst v17  }
0x143: {  	v13 =	vadd.f32 v45, v13;
	v15 =	vpsel p4, v15, v43;
	[tilespmem:s29+$0x10410] =	vst v16  }
0x144: {  	v12 =	vadd.f32 v46, v12;
	v14 =	vpsel p4, v14, v44;
	[tilespmem:s29+$0x10420] =	vst v15  }
0x145: {  	v11 =	vadd.f32 v47, v11;
	v13 =	vpsel p4, v13, v45;
	[tilespmem:s29+$0x10430] =	vst v14  }
0x146: {  	v10 =	vadd.f32 v48, v10;
	v12 =	vpsel p4, v12, v46;
	[tilespmem:s29+$0x10440] =	vst v13  }
0x147: {  	v11 =	vpsel p4, v11, v47;
	[tilespmem:s29+$0x10450] =	vst v12  }
0x148: {  	v10 =	vpsel p4, v10, v48;
	[tilespmem:s29+$0x10460] =	vst v11  }
0x149: {  	[tilespmem:s29+$0x10470] =	vst v10  }
0x14a: {  	v18 =	vld [tilespmem:s25+$0xFFFFFF80]  }
0x14b: {  	v19 =	vld [tilespmem:s25+$0xFFFFFF90]  }
0x14c: {  	v49 =	vld [tilespmem:s25+$0xFFFFFFA0]  }
0x14d: {  	v50 =	vld [tilespmem:s25+$0xFFFFFFB0]  }
0x14e: {  	v51 =	vld [tilespmem:s25+$0xFFFFFFC0]  }
0x14f: {  	v52 =	vld [tilespmem:s25+$0xFFFFFFD0];
	v17 =	vadd.f32 v18, v17;
	s28 =	spop (v2sf)  }
0x150: {  	v53 =	vld [tilespmem:s25+$0xFFFFFFE0];
	v16 =	vadd.f32 v19, v16;
	(v2sf) =	vpush v8, $0x8;
	p0 =	seq.s32 s28, $0x0  }
0x151: {  	v54 =	vld [tilespmem:s25+$0xFFFFFFF0];
	v15 =	vadd.f32 v49, v15;
	s29 =	spop (v2sf);
	v17 =	vpsel p0, v17, v18  }
0x152: {  	v14 =	vadd.f32 v50, v14;
	(v2sf) =	vpush v9, $0x8;
	v16 =	vpsel p0, v16, v19;
	[tilespmem:s29+$0x10400] =	vst v17  }
0x153: {  	v13 =	vadd.f32 v51, v13;
	v15 =	vpsel p0, v15, v49;
	[tilespmem:s29+$0x10410] =	vst v16  }
0x154: {  	v12 =	vadd.f32 v52, v12;
	v14 =	vpsel p0, v14, v50;
	[tilespmem:s29+$0x10420] =	vst v15  }
0x155: {  	v11 =	vadd.f32 v53, v11;
	v13 =	vpsel p0, v13, v51;
	[tilespmem:s29+$0x10430] =	vst v14  }
0x156: {  	v10 =	vadd.f32 v54, v10;
	v12 =	vpsel p0, v12, v52;
	[tilespmem:s29+$0x10440] =	vst v13  }
0x157: {  	v11 =	vpsel p0, v11, v53;
	[tilespmem:s29+$0x10450] =	vst v12  }
0x158: {  	v10 =	vpsel p0, v10, v54;
	[tilespmem:s29+$0x10460] =	vst v11  }
0x159: {  	[tilespmem:s29+$0x10470] =	vst v10  }
0x15a: {  	v18 =	vld [tilespmem:s25+$0x0]  }
0x15b: {  	v19 =	vld [tilespmem:s25+$0x10]  }
0x15c: {  	v55 =	vld [tilespmem:s25+$0x20]  }
0x15d: {  	v56 =	vld [tilespmem:s25+$0x30]  }
0x15e: {  	v57 =	vld [tilespmem:s25+$0x40]  }
0x15f: {  	v58 =	vld [tilespmem:s25+$0x50];
	v17 =	vadd.f32 v18, v17;
	s28 =	spop (v2sf)  }
0x160: {  	v59 =	vld [tilespmem:s25+$0x60];
	v16 =	vadd.f32 v19, v16;
	(v2sf) =	vpush v8, $0x9;
	p2 =	seq.s32 s28, $0x0  }
0x161: {  	v60 =	vld [tilespmem:s25+$0x70];
	v15 =	vadd.f32 v55, v15;
	s29 =	spop (v2sf);
	v17 =	vpsel p2, v17, v18  }
0x162: {  	v14 =	vadd.f32 v56, v14;
	(v2sf) =	vpush v9, $0x9;
	v16 =	vpsel p2, v16, v19;
	[tilespmem:s29+$0x10400] =	vst v17  }
0x163: {  	v13 =	vadd.f32 v57, v13;
	v15 =	vpsel p2, v15, v55;
	[tilespmem:s29+$0x10410] =	vst v16  }
0x164: {  	v12 =	vadd.f32 v58, v12;
	v14 =	vpsel p2, v14, v56;
	[tilespmem:s29+$0x10420] =	vst v15  }
0x165: {  	v11 =	vadd.f32 v59, v11;
	v13 =	vpsel p2, v13, v57;
	[tilespmem:s29+$0x10430] =	vst v14  }
0x166: {  	v10 =	vadd.f32 v60, v10;
	v12 =	vpsel p2, v12, v58;
	[tilespmem:s29+$0x10440] =	vst v13  }
0x167: {  	v11 =	vpsel p2, v11, v59;
	[tilespmem:s29+$0x10450] =	vst v12  }
0x168: {  	v10 =	vpsel p2, v10, v60;
	[tilespmem:s29+$0x10460] =	vst v11  }
0x169: {  	[tilespmem:s29+$0x10470] =	vst v10  }
0x16a: {  	v18 =	vld [tilespmem:s25+$0x80]  }
0x16b: {  	v19 =	vld [tilespmem:s25+$0x90]  }
0x16c: {  	v61 =	vld [tilespmem:s25+$0xA0]  }
0x16d: {  	v62 =	vld [tilespmem:s25+$0xB0]  }
0x16e: {  	v63 =	vld [tilespmem:s25+$0xC0]  }
0x16f: {  	v28 =	vld [tilespmem:s25+$0xD0];
	v17 =	vadd.f32 v18, v17;
	s28 =	spop (v2sf)  }
0x170: {  	v29 =	vld [tilespmem:s25+$0xE0];
	v16 =	vadd.f32 v19, v16;
	(v2sf) =	vpush v8, $0xA;
	p4 =	seq.s32 s28, $0x0  }
0x171: {  	v30 =	vld [tilespmem:s25+$0xF0];
	v15 =	vadd.f32 v61, v15;
	s29 =	spop (v2sf);
	v17 =	vpsel p4, v17, v18  }
0x172: {  	v14 =	vadd.f32 v62, v14;
	(v2sf) =	vpush v9, $0xA;
	v16 =	vpsel p4, v16, v19;
	[tilespmem:s29+$0x10400] =	vst v17  }
0x173: {  	v13 =	vadd.f32 v63, v13;
	v15 =	vpsel p4, v15, v61;
	[tilespmem:s29+$0x10410] =	vst v16  }
0x174: {  	v12 =	vadd.f32 v28, v12;
	v14 =	vpsel p4, v14, v62;
	[tilespmem:s29+$0x10420] =	vst v15  }
0x175: {  	v11 =	vadd.f32 v29, v11;
	v13 =	vpsel p4, v13, v63;
	[tilespmem:s29+$0x10430] =	vst v14  }
0x176: {  	v10 =	vadd.f32 v30, v10;
	v12 =	vpsel p4, v12, v28;
	[tilespmem:s29+$0x10440] =	vst v13  }
0x177: {  	v11 =	vpsel p4, v11, v29;
	[tilespmem:s29+$0x10450] =	vst v12  }
0x178: {  	v10 =	vpsel p4, v10, v30;
	[tilespmem:s29+$0x10460] =	vst v11  }
0x179: {  	[tilespmem:s29+$0x10470] =	vst v10  }
0x17a: {  	v18 =	vld [tilespmem:s25+$0x100]  }
0x17b: {  	v19 =	vld [tilespmem:s25+$0x110]  }
0x17c: {  	v31 =	vld [tilespmem:s25+$0x120]  }
0x17d: {  	v32 =	vld [tilespmem:s25+$0x130]  }
0x17e: {  	v33 =	vld [tilespmem:s25+$0x140]  }
0x17f: {  	v34 =	vld [tilespmem:s25+$0x150];
	v17 =	vadd.f32 v18, v17;
	s28 =	spop (v2sf)  }
0x180: {  	v35 =	vld [tilespmem:s25+$0x160];
	v16 =	vadd.f32 v19, v16;
	(v2sf) =	vpush v8, $0xB;
	p0 =	seq.s32 s28, $0x0  }
0x181: {  	v36 =	vld [tilespmem:s25+$0x170];
	v15 =	vadd.f32 v31, v15;
	s29 =	spop (v2sf);
	v17 =	vpsel p0, v17, v18  }
0x182: {  	v14 =	vadd.f32 v32, v14;
	(v2sf) =	vpush v9, $0xB;
	v16 =	vpsel p0, v16, v19;
	[tilespmem:s29+$0x10400] =	vst v17  }
0x183: {  	v13 =	vadd.f32 v33, v13;
	v15 =	vpsel p0, v15, v31;
	[tilespmem:s29+$0x10410] =	vst v16  }
0x184: {  	v12 =	vadd.f32 v34, v12;
	v14 =	vpsel p0, v14, v32;
	[tilespmem:s29+$0x10420] =	vst v15  }
0x185: {  	v11 =	vadd.f32 v35, v11;
	v13 =	vpsel p0, v13, v33;
	[tilespmem:s29+$0x10430] =	vst v14  }
0x186: {  	v10 =	vadd.f32 v36, v10;
	v12 =	vpsel p0, v12, v34;
	[tilespmem:s29+$0x10440] =	vst v13  }
0x187: {  	v11 =	vpsel p0, v11, v35;
	[tilespmem:s29+$0x10450] =	vst v12  }
0x188: {  	v10 =	vpsel p0, v10, v36;
	[tilespmem:s29+$0x10460] =	vst v11  }
0x189: {  	[tilespmem:s29+$0x10470] =	vst v10  }
0x18a: {  	v18 =	vld [tilespmem:s25+$0x180]  }
0x18b: {  	v19 =	vld [tilespmem:s25+$0x190]  }
0x18c: {  	v37 =	vld [tilespmem:s25+$0x1A0]  }
0x18d: {  	v38 =	vld [tilespmem:s25+$0x1B0]  }
0x18e: {  	v39 =	vld [tilespmem:s25+$0x1C0]  }
0x18f: {  	v40 =	vld [tilespmem:s25+$0x1D0];
	v17 =	vadd.f32 v18, v17;
	s28 =	spop (v2sf)  }
0x190: {  	v41 =	vld [tilespmem:s25+$0x1E0];
	v16 =	vadd.f32 v19, v16;
	(v2sf) =	vpush v8, $0xC;
	p2 =	seq.s32 s28, $0x0  }
0x191: {  	v42 =	vld [tilespmem:s25+$0x1F0];
	v15 =	vadd.f32 v37, v15;
	s29 =	spop (v2sf);
	v17 =	vpsel p2, v17, v18  }
0x192: {  	v14 =	vadd.f32 v38, v14;
	(v2sf) =	vpush v9, $0xC;
	v16 =	vpsel p2, v16, v19;
	[tilespmem:s29+$0x10400] =	vst v17  }
0x193: {  	v13 =	vadd.f32 v39, v13;
	v15 =	vpsel p2, v15, v37;
	[tilespmem:s29+$0x10410] =	vst v16  }
0x194: {  	v12 =	vadd.f32 v40, v12;
	v14 =	vpsel p2, v14, v38;
	[tilespmem:s29+$0x10420] =	vst v15  }
0x195: {  	v11 =	vadd.f32 v41, v11;
	v13 =	vpsel p2, v13, v39;
	[tilespmem:s29+$0x10430] =	vst v14  }
0x196: {  	v10 =	vadd.f32 v42, v10;
	v12 =	vpsel p2, v12, v40;
	[tilespmem:s29+$0x10440] =	vst v13  }
0x197: {  	v11 =	vpsel p2, v11, v41;
	[tilespmem:s29+$0x10450] =	vst v12  }
0x198: {  	v10 =	vpsel p2, v10, v42;
	[tilespmem:s29+$0x10460] =	vst v11  }
0x199: {  	[tilespmem:s29+$0x10470] =	vst v10  }
0x19a: {  	v18 =	vld [tilespmem:s25+$0x200]  }
0x19b: {  	v19 =	vld [tilespmem:s25+$0x210]  }
0x19c: {  	v43 =	vld [tilespmem:s25+$0x220]  }
0x19d: {  	v44 =	vld [tilespmem:s25+$0x230]  }
0x19e: {  	v45 =	vld [tilespmem:s25+$0x240]  }
0x19f: {  	v46 =	vld [tilespmem:s25+$0x250];
	v17 =	vadd.f32 v18, v17;
	s28 =	spop (v2sf)  }
0x1a0: {  	v47 =	vld [tilespmem:s25+$0x260];
	v16 =	vadd.f32 v19, v16;
	(v2sf) =	vpush v8, $0xD;
	p4 =	seq.s32 s28, $0x0  }
0x1a1: {  	v48 =	vld [tilespmem:s25+$0x270];
	v15 =	vadd.f32 v43, v15;
	s29 =	spop (v2sf);
	v17 =	vpsel p4, v17, v18  }
0x1a2: {  	v14 =	vadd.f32 v44, v14;
	(v2sf) =	vpush v9, $0xD;
	v16 =	vpsel p4, v16, v19;
	[tilespmem:s29+$0x10400] =	vst v17  }
0x1a3: {  	v13 =	vadd.f32 v45, v13;
	v15 =	vpsel p4, v15, v43;
	[tilespmem:s29+$0x10410] =	vst v16  }
0x1a4: {  	v12 =	vadd.f32 v46, v12;
	v14 =	vpsel p4, v14, v44;
	[tilespmem:s29+$0x10420] =	vst v15  }
0x1a5: {  	v11 =	vadd.f32 v47, v11;
	v13 =	vpsel p4, v13, v45;
	[tilespmem:s29+$0x10430] =	vst v14  }
0x1a6: {  	v10 =	vadd.f32 v48, v10;
	v12 =	vpsel p4, v12, v46;
	[tilespmem:s29+$0x10440] =	vst v13  }
0x1a7: {  	v11 =	vpsel p4, v11, v47;
	[tilespmem:s29+$0x10450] =	vst v12  }
0x1a8: {  	v10 =	vpsel p4, v10, v48;
	[tilespmem:s29+$0x10460] =	vst v11  }
0x1a9: {  	[tilespmem:s29+$0x10470] =	vst v10  }
0x1aa: {  	v18 =	vld [tilespmem:s25+$0x280]  }
0x1ab: {  	v19 =	vld [tilespmem:s25+$0x290]  }
0x1ac: {  	v49 =	vld [tilespmem:s25+$0x2A0]  }
0x1ad: {  	v50 =	vld [tilespmem:s25+$0x2B0]  }
0x1ae: {  	v51 =	vld [tilespmem:s25+$0x2C0]  }
0x1af: {  	v52 =	vld [tilespmem:s25+$0x2D0];
	v17 =	vadd.f32 v18, v17;
	s28 =	spop (v2sf)  }
0x1b0: {  	v53 =	vld [tilespmem:s25+$0x2E0];
	v16 =	vadd.f32 v19, v16;
	(v2sf) =	vpush v8, $0xE;
	p0 =	seq.s32 s28, $0x0  }
0x1b1: {  	v54 =	vld [tilespmem:s25+$0x2F0];
	v15 =	vadd.f32 v49, v15;
	s29 =	spop (v2sf);
	v17 =	vpsel p0, v17, v18  }
0x1b2: {  	v14 =	vadd.f32 v50, v14;
	(v2sf) =	vpush v9, $0xE;
	v16 =	vpsel p0, v16, v19;
	[tilespmem:s29+$0x10400] =	vst v17  }
0x1b3: {  	v13 =	vadd.f32 v51, v13;
	v15 =	vpsel p0, v15, v49;
	[tilespmem:s29+$0x10410] =	vst v16  }
0x1b4: {  	v12 =	vadd.f32 v52, v12;
	v14 =	vpsel p0, v14, v50;
	[tilespmem:s29+$0x10420] =	vst v15  }
0x1b5: {  	v11 =	vadd.f32 v53, v11;
	v13 =	vpsel p0, v13, v51;
	[tilespmem:s29+$0x10430] =	vst v14  }
0x1b6: {  	v10 =	vadd.f32 v54, v10;
	v12 =	vpsel p0, v12, v52;
	[tilespmem:s29+$0x10440] =	vst v13  }
0x1b7: {  	v11 =	vpsel p0, v11, v53;
	[tilespmem:s29+$0x10450] =	vst v12  }
0x1b8: {  	v10 =	vpsel p0, v10, v54;
	[tilespmem:s29+$0x10460] =	vst v11  }
0x1b9: {  	[tilespmem:s29+$0x10470] =	vst v10  }
0x1ba: {  	v18 =	vld [tilespmem:s25+$0x300]  }
0x1bb: {  	v19 =	vld [tilespmem:s25+$0x310]  }
0x1bc: {  	v55 =	vld [tilespmem:s25+$0x320]  }
0x1bd: {  	v56 =	vld [tilespmem:s25+$0x330]  }
0x1be: {  	v57 =	vld [tilespmem:s25+$0x340]  }
0x1bf: {  	v58 =	vld [tilespmem:s25+$0x350];
	v17 =	vadd.f32 v18, v17;
	s28 =	spop (v2sf)  }
0x1c0: {  	v59 =	vld [tilespmem:s25+$0x360];
	v16 =	vadd.f32 v19, v16;
	(v2sf) =	vpush v8, $0xF;
	p2 =	seq.s32 s28, $0x0  }
0x1c1: {  	v15 =	vadd.f32 v55, v15;
	v8 =	vld [tilespmem:s25+$0x370];
	s29 =	spop (v2sf);
	v17 =	vpsel p2, v17, v18  }
0x1c2: {  	v14 =	vadd.f32 v56, v14;
	(v2sf) =	vpush v9, $0xF;
	v16 =	vpsel p2, v16, v19;
	[tilespmem:s29+$0x10400] =	vst v17  }
0x1c3: {  	v13 =	vadd.f32 v57, v13;
	v9 =	vpsel p2, v15, v55;
	[tilespmem:s29+$0x10410] =	vst v16  }
0x1c4: {  	v12 =	vadd.f32 v58, v12;
	v14 =	vpsel p2, v14, v56;
	[tilespmem:s29+$0x10420] =	vst v9  }
0x1c5: {  	v11 =	vadd.f32 v59, v11;
	v13 =	vpsel p2, v13, v57;
	[tilespmem:s29+$0x10430] =	vst v14  }
0x1c6: {  	v12 =	vpsel p2, v12, v58;
	[tilespmem:s29+$0x10440] =	vst v13;
	v10 =	vadd.f32 v8, v10  }
0x1c7: {  	v11 =	vpsel p2, v11, v59;
	[tilespmem:s29+$0x10450] =	vst v12  }
0x1c8: {  	[tilespmem:s29+$0x10460] =	vst v11;
	v8 =	vpsel p2, v10, v8  }
0x1c9: {  	[tilespmem:s29+$0x10470] =	vst v8  }
0x1ca: {  	(v2sf) =	vpush v7, $0xF;
	v10 =	vld [tilespmem:s25+$0x380]  }
0x1cb: {  	v15 =	vld [tilespmem:s25+$0x390]  }
0x1cc: {  	v18 =	vld [tilespmem:s25+$0x3A0]  }
0x1cd: {  	v19 =	vld [tilespmem:s25+$0x3B0]  }
0x1ce: {  	v60 =	vld [tilespmem:s25+$0x3C0]  }
0x1cf: {  	v61 =	vld [tilespmem:s25+$0x3D0];
	v17 =	vadd.f32 v10, v17;
	s28 =	spop (v2sf)  }
0x1d0: {  	v62 =	vld [tilespmem:s25+$0x3E0];
	v16 =	vadd.f32 v15, v16;
	p4 =	seq.s32 s28, $0x0  }
0x1d1: {  	v63 =	vld [tilespmem:s25+$0x3F0];
	v9 =	vadd.f32 v18, v9;
	s29 =	spop (v2sf);
	v17 =	vpsel p4, v17, v10  }
0x1d2: {  	v16 =	vpsel p4, v16, v15;
	v10 =	vadd.f32 v19, v14;
	[tilespmem:s29+$0x10400] =	vst v17  }
0x1d3: {  	v15 =	vpsel p4, v9, v18;
	v9 =	vadd.f32 v60, v13;
	[tilespmem:s29+$0x10410] =	vst v16  }
0x1d4: {  	p1 =	sne.s32 s20, $0x1C0;
	[tilespmem:s29+$0x10420] =	vst v15;
	v14 =	vpsel p4, v10, v19;
	v10 =	vadd.f32 v61, v12  }
.Ltmp5:
0x1d5: {  	v13 =	vpsel p4, v9, v60;
	v9 =	vadd.f32 v62, v11;
	[tilespmem:s29+$0x10430] =	vst v14;
	(pc) =	sbr.rel @p1 .LBB2_4-.Ltmp5, $4  }
0x1d6: {  	v8 =	vadd.f32 v63, v8;
	[tilespmem:s29+$0x10440] =	vst v13;
	v12 =	vpsel p4, v10, v61  }
0x1d7: {  	v11 =	vpsel p4, v9, v62;
	[tilespmem:s29+$0x10450] =	vst v12  }
0x1d8: {  	s19 =	sadd.s32 $0x10, s19;
	v10 =	vpsel p4, v8, v63;
	[tilespmem:s29+$0x10460] =	vst v11  }
0x1d9: {  	s20 =	sadd.s32 $0x40, s20;
	s25 =	sadd.s32 $0x800, s25;
	s26 =	spop (v2sf);
	[tilespmem:s29+$0x10470] =	vst v10  }
0x1da: {  	p1 =	sgt.s32 s26, $0xF  }
.Ltmp6:
0x1db: {  	_ = 	snop;
	(pc) =	sbr.rel @p1 .LBB2_7-.Ltmp6, $3  }
0x1dc: {  	_ = 	snop  }
0x1dd: {  	v7 =	vbroadcast v7, $0xF;
	_ =	sdelay $0x1  }
0x1de: {  	[tilespmem:$0x11500] =	vst v7  }
.Ltmp7:
0x1df: {  	(pc) =	sbr.rel .LBB2_8-.Ltmp7, $3  }
0x1e0: {  	_ =	sdelay $0x1  }
0x1e1: {  	s14 =	simm.s32 $0x10;
	s19 =	simm.s32 $0x10400  }
0x1e2: {  	[spmem:s3] =	stream.indirect.scatter.add.f32 [tilespmem:s19], [sflag:$0x11], $0x80, s7, s14, $0xb8;
	[tilespmem:$0x1BA80] =	vst v63  }
.LBB2_7:
0x1e3: {  	v8 =	vadd.s32 s14, v1  }
0x1e4: {  	s19 =	sadd.s32 $0x10, s14;
	s26 =	sadd.s32 $0x20, s14;
	vm0 =	vge.s32 v8, v4;
	vm1 =	vge.s32 v8, v6  }
0x1e5: {  	s28 =	sadd.s32 $0x30, s14;
	s29 =	sadd.s32 $0x40, s14;
	s20 =	sadd.s32 $0x50, s14;
	vm2 =	vlt.s32 v8, v5;
	v56 =	vadd.s32 s19, v1;
	v57 =	vadd.s32 s26, v1  }
0x1e6: {  	v7 =	vld [tilespmem:$0x10000];
	s25 =	sadd.s32 $0x60, s14;
	v11 =	vadd.s32 s28, v1;
	v59 =	vadd.s32 s29, v1;
	v60 =	vadd.s32 s20, v1  }
0x1e7: {  	v9 =	vld [tilespmem:$0x10010];
	v62 =	vadd.s32 s25, v1;
	vm0 =	vmand vm0, vm1;
	vm4 =	vge.s32 v56, v4  }
0x1e8: {  	v10 =	vld [tilespmem:$0x10020];
	vm5 =	vge.s32 v56, v6;
	vm6 =	vlt.s32 v56, v5;
	vm8 =	vge.s32 v57, v4  }
0x1e9: {  	v58 =	vld [tilespmem:$0x10030];
	vm9 =	vge.s32 v57, v6;
	vm10 =	vlt.s32 v57, v5;
	vm11 =	vge.s32 v11, v4  }
0x1ea: {  	v12 =	vld [tilespmem:$0x10040];
	s26 =	sadd.s32 $0x70, s14;
	vm12 =	vge.s32 v11, v6;
	vm13 =	vlt.s32 v11, v5;
	vm14 =	vge.s32 v59, v4  }
0x1eb: {  	vm15 =	vge.s32 v59, v6;
	v63 =	vadd.s32 s26, v1;
	vm1 =	vmand vm4, vm5  }
0x1ec: {  	vm0 =	vmand vm0, vm2;
	vm4 =	vlt.s32 v59, v5;
	vm7 =	vmand vm1, vm6  }
0x1ed: {  	vm1 =	vmand vm8, vm9;
	vm6 =	vge.s32 v60, v4;
	vm8 =	vlt.s32 v60, v5  }
0x1ee: {  	v13 =	vld [tilespmem:$0x10050];
	vm9 =	vge.s32 v62, v4;
	v7 =	vsub.s32 v7, v0;
	v9 =	vsub.s32 v9, v0  }
0x1ef: {  	v10 =	vsub.s32 v10, v0;
	v8 =	vsub.s32 v58, v0;
	v12 =	vsub.s32 v12, v0  }
0x1f0: {  	v7 =	vnsel vm0, $0x1400, v7;
	v9 =	vnsel vm7, $0x1400, v9;
	vm0 =	vmand vm1, vm10  }
0x1f1: {  	vm1 =	vmand vm14, vm15;
	vm7 =	vge.s32 v60, v6;
	vm10 =	vge.s32 v62, v6  }
0x1f2: {  	v61 =	vld [tilespmem:$0x10060];
	vm14 =	vlt.s32 v63, v5;
	v10 =	vnsel vm0, $0x1400, v10;
	vm0 =	vmand vm11, vm12  }
0x1f3: {  	v14 =	vld [tilespmem:$0x10070];
	vm5 =	vmand vm1, vm4;
	vm1 =	vmand vm6, vm7;
	[tilespmem:$0x10000] =	vst v7;
	v7 =	vsub.s32 v13, v0  }
0x1f4: {  	[tilespmem:$0x10010] =	vst v9;
	vm11 =	vlt.s32 v62, v5;
	vm12 =	vge.s32 v63, v6;
	vm0 =	vmand vm0, vm13  }
0x1f5: {  	v12 =	vnsel vm5, $0x1400, v12;
	[tilespmem:$0x10020] =	vst v10;
	v8 =	vnsel vm0, $0x1400, v8;
	vm0 =	vmand vm1, vm8  }
0x1f6: {  	vm13 =	vge.s32 v63, v4;
	[tilespmem:$0x10040] =	vst v12;
	v7 =	vnsel vm0, $0x1400, v7;
	vm0 =	vmand vm9, vm10  }
0x1f7: {  	v6 =	vsub.s32 v61, v0;
	vm1 =	vmand vm13, vm12;
	[tilespmem:$0x10030] =	vst v8;
	vm0 =	vmand vm0, vm11  }
0x1f8: {  	vm15 =	vmand vm1, vm14;
	[tilespmem:$0x10050] =	vst v7;
	v7 =	vsub.s32 v14, v0;
	v6 =	vnsel vm0, $0x1400, v6  }
0x1f9: {  	[tilespmem:$0x10060] =	vst v6;
	v6 =	vnsel vm15, $0x1400, v7  }
0x1fa: {  	s28 =	simm.s32 $0x0;
	s29 =	simm.s32 $0x10000;
	s20 =	simm.s32 $0x80;
	[tilespmem:$0x10070] =	vst v6  }
0x1fb: {  	[spmem:s3] =	stream.indirect.scatter.add.f32 [tilespmem:s28], [sflag:$0xD], $0x80, s29, s20, $0xb8;
	[tilespmem:$0x1BA80] =	vst v63  }
.LBB2_8:
0x1fc: {  	s14 =	sor.u32 $0x3, s5  }
0x1fd: {  	p4 =	sgt.s32 s14, s16  }
0x1fe: {  	s19 =	sshll.u32 @!p4 s14, $0x7  }
0x1ff: {  	p1 =	sgt.s32 @!p5 s5, s4;
	s19 =	sadd.s32 @!p4 s31, s19  }
0x200: {  	p1 =	por p1, p5;
	p2 =	slt.s32 @!p4 s19, $0x4E180  }
0x201: {  	s20 =	simm.s32 @!p1 $0x10;
	p2 =	por !p2, p4  }
0x202: {  	_ =	swait.ge @!p1 [sflag:s20], $0x4000;
	s19 =	simm.s32 @p2 $0x4E180  }
0x203: {  	[sflag:s20] =	ssyncset.done @!p1 $0x0;
	s25 =	sshll.u32 @!p4 s19, $0x4  }
0x204: {  	[sflag:s20] =	ssyncadd.s32 @!p1 $0xFFFFC000;
	s20 =	sand.u32 @!p4 $0xFFFFF80, s25  }
0x205: {  	s26 =	simm.s32 @!p4 $0xC000;
	s25 =	simm.s32 @!p4 $0x0;
	s20 =	sadd.s32 @!p4 s1, s20  }
0x206: {  	[tilespmem:s26], [sflag:$0x4] =	stream.linear.gather @!p4 [hbm4b:s20+s25], $0x4000, $0x38;
	[tilespmem:$0x1BA80] =	vst v63  }
0x207: {  	s20 =	sand.u32 @!p4 $0x7, s19;
	s26 =	sld @!p4 [smem:$0x7FF]  }
0x208: {  	p1 =	seq.s32 @!p4 s20, $0x0  }
0x209: {  	p2 =	por p1, p4  }
0x20a: {  	p5 =	sne.s32 @!p2 s26, $0x1  }
0x20b: {  	p5 =	por @!p4 !p5, p1  }
0x20c: {  	p5 =	por p5, p4  }
0x20d: {  	s20 =	sor.u32 @!p5 $0x100000, s11  }
0x20e: {  	[smem:s20], [sflag:$0x0] =	smem.add.s32 @!p5 $0x45B;
	s20 =	simm.s32 @!p5 $0x0  }
0x20f: {  	s26 =	simm.s32 @!p5 $0x1;
	_ =	swait.done @!p5 [sflag:s20]  }
0x210: {  	[smem:$0x7FF] =	sst @!p5 s26  }
0x211: {  	_ =	sint @!p5 $0x2  }
0x212: {  	_ =	swait.notdone @!p5 [sflag:s20]  }
0x213: {  	s19 =	sshrl.u32 @!p4 s19, $0x3;
	s20 =	sld @!p4 [smem:$0x7FF]  }
0x214: {  	s28 =	simm.s32 @!p4 $0x10180;
	s26 =	sadd.s32 @!p4 s2, s19  }
0x215: {  	[tilespmem:s28], [sflag:$0x8] =	stream.linear.gather @!p4 [hbm4b:s26+s25], $0x80, $0x38;
	[tilespmem:$0x1BA80] =	vst v63  }
0x216: {  	p2 =	sne.s32 @!p2 s20, $0x1  }
0x217: {  	p1 =	por @!p4 !p2, p1  }
0x218: {  	p1 =	por p1, p4  }
0x219: {  	s20 =	sor.u32 @!p1 $0x100000, s11  }
0x21a: {  	[smem:s20], [sflag:$0x0] =	smem.add.s32 @!p1 $0x460;
	s20 =	simm.s32 @!p1 $0x0  }
0x21b: {  	s26 =	simm.s32 @!p1 $0x1;
	_ =	swait.done @!p1 [sflag:s20]  }
0x21c: {  	[smem:$0x7FF] =	sst @!p1 s26  }
0x21d: {  	p0 =	sge.s32 s5, s16;
	s19 =	sadd.s32 @!p4 s6, s19;
	_ =	sint @!p1 $0x2  }
.Ltmp8:
0x21e: {  	_ =	swait.notdone @!p1 [sflag:s20];
	s20 =	simm.s32 @!p4 $0x10380;
	(pc) =	sbr.rel @p0 .LBB2_10-.Ltmp8, $4  }
0x21f: {  	[tilespmem:s20], [sflag:$0xC] =	stream.linear.gather @!p4 [hbm4b:s19+s25], $0x80, $0x38;
	[tilespmem:$0x1BA80] =	vst v63  }
0x220: {  	s19 =	simm.s32 @!p0 $0x0  }
0x221: {  	s19 =	simm.s32 @p0 $0x1  }
0x222: {  	[smem:$0x7FA] =	sst s19  }
0x223: {  	s19 =	simm.s32 $0x2  }
0x224: {  	_ =	swait.ge [sflag:s19], $0x4000  }
0x225: {  	[sflag:s19] =	ssyncset.done $0x0  }
0x226: {  	s28 =	simm.s32 $0x6;
	[sflag:s19] =	ssyncadd.s32 $0xFFFFC000  }
0x227: {  	_ =	swait.ge [sflag:s28], $0x80  }
0x228: {  	[sflag:s28] =	ssyncset.done $0x0  }
0x229: {  	s25 =	simm.s32 $0xA;
	[sflag:s28] =	ssyncadd.s32 $0xFFFFFF80  }
0x22a: {  	_ =	swait.ge [sflag:s25], $0x80  }
0x22b: {  	s29 =	sshll.u32 s30, $0x9;
	s20 =	rddreg [dreg:$0x13]  }
0x22c: {  	s19 =	sadd.s32 s29, s20  }
0x22d: {  	p1 =	slt.s32 s19, $0x4E180;
	s20 =	smov.u32 s19  }
0x22e: {  	[sflag:s25] =	ssyncset.done $0x0;
	s20 =	simm.s32 @!p1 $0x4E180  }
0x22f: {  	[sflag:s25] =	ssyncadd.s32 $0xFFFFFF80;
	v7 =	vadd.s32 s20, v1  }
0x230: {  	v6 =	vld [tilespmem:$0x10080];
	s26 =	sadd.s32 $0x10, s20;
	s29 =	sadd.s32 $0x30, s20;
	vm0 =	vge.s32 v7, v4;
	vm1 =	vge.s32 v7, s19  }
0x231: {  	v8 =	vld [tilespmem:$0x10090];
	vm2 =	vlt.s32 v7, v5;
	v7 =	vadd.s32 s26, v1;
	v10 =	vadd.s32 s29, v1  }
0x232: {  	v9 =	vld [tilespmem:$0x100A0];
	s28 =	sadd.s32 $0x20, s20;
	vm0 =	vmand vm0, vm1;
	vm4 =	vge.s32 v7, v4;
	vm5 =	vge.s32 v7, s19  }
0x233: {  	s26 =	sadd.s32 $0x40, s20;
	vm6 =	vlt.s32 v7, v5;
	v7 =	vadd.s32 s28, v1;
	vm11 =	vge.s32 v10, v4  }
0x234: {  	v11 =	vld [tilespmem:$0x100C0];
	s29 =	sadd.s32 $0x60, s20;
	vm12 =	vge.s32 v10, s19;
	vm13 =	vlt.s32 v10, v5;
	v59 =	vadd.s32 s26, v1  }
0x235: {  	v62 =	vadd.s32 s29, v1;
	vm0 =	vmand vm0, vm2;
	v6 =	vsub.s32 v6, v0  }
0x236: {  	vm1 =	vmand vm4, vm5;
	v8 =	vsub.s32 v8, v0;
	vm8 =	vge.s32 v7, v4  }
0x237: {  	vm9 =	vge.s32 v7, s19;
	vm10 =	vlt.s32 v7, v5;
	v9 =	vsub.s32 v9, v0  }
0x238: {  	v12 =	vld [tilespmem:$0x100D0];
	s28 =	sadd.s32 $0x50, s20;
	s20 =	sadd.s32 $0x70, s20;
	vm14 =	vge.s32 v59, v4;
	vm15 =	vge.s32 v59, s19;
	vm4 =	vlt.s32 v59, v5  }
0x239: {  	v60 =	vadd.s32 s28, v1;
	v11 =	vsub.s32 v11, v0;
	v63 =	vadd.s32 s20, v1  }
0x23a: {  	v6 =	vnsel vm0, $0x1400, v6;
	vm7 =	vmand vm1, vm6;
	vm1 =	vmand vm8, vm9  }
0x23b: {  	v7 =	vld [tilespmem:$0x100B0];
	vm6 =	vge.s32 v60, v4;
	vm8 =	vlt.s32 v60, v5;
	vm9 =	vge.s32 v62, v4  }
0x23c: {  	v8 =	vnsel vm7, $0x1400, v8;
	vm0 =	vmand vm1, vm10;
	vm1 =	vmand vm14, vm15  }
0x23d: {  	vm7 =	vge.s32 v60, s19;
	[tilespmem:$0x10080] =	vst v6;
	v6 =	vsub.s32 v12, v0;
	vm10 =	vge.s32 v62, s19  }
0x23e: {  	v61 =	vld [tilespmem:$0x100E0];
	vm14 =	vlt.s32 v63, v5;
	v9 =	vnsel vm0, $0x1400, v9;
	vm0 =	vmand vm11, vm12  }
0x23f: {  	v13 =	vld [tilespmem:$0x100F0];
	vm5 =	vmand vm1, vm4;
	vm1 =	vmand vm6, vm7;
	vm11 =	vlt.s32 v62, v5  }
0x240: {  	[tilespmem:$0x10090] =	vst v8;
	vm12 =	vge.s32 v63, v4;
	vm0 =	vmand vm0, vm13;
	v7 =	vsub.s32 v7, v0  }
0x241: {  	v11 =	vnsel vm5, $0x1400, v11;
	[tilespmem:$0x100A0] =	vst v9;
	v7 =	vnsel vm0, $0x1400, v7;
	vm0 =	vmand vm1, vm8  }
0x242: {  	vm13 =	vge.s32 v63, s19;
	[tilespmem:$0x100C0] =	vst v11;
	v6 =	vnsel vm0, $0x1400, v6;
	vm0 =	vmand vm9, vm10  }
0x243: {  	vm1 =	vmand vm12, vm13;
	[tilespmem:$0x100B0] =	vst v7;
	v7 =	vsub.s32 v61, v0;
	vm0 =	vmand vm0, vm11  }
0x244: {  	vm15 =	vmand vm1, vm14;
	[tilespmem:$0x100D0] =	vst v6;
	v6 =	vnsel vm0, $0x1400, v7;
	v7 =	vsub.s32 v13, v0  }
0x245: {  	[tilespmem:$0x100E0] =	vst v6;
	v6 =	vnsel vm15, $0x1400, v7  }
0x246: {  	s26 =	simm.s32 $0x80;
	s29 =	simm.s32 $0x4000;
	s28 =	simm.s32 $0x10080;
	[tilespmem:$0x100F0] =	vst v6  }
0x247: {  	[spmem:s3] =	stream.indirect.scatter.add.f32 [tilespmem:s29], [sflag:$0xE], $0x80, s28, s26, $0xb8;
	[tilespmem:$0x1BA80] =	vst v63  }
.LBB2_10:
0x248: {  	v6 =	vld @!p6 [tilespmem:$0x11500];
	_ =	sdelay $0x4  }
0x249: {  	(v2sf) =	vpush @!p6 v6, $0x0;
	_ =	sdelay $0xe  }
0x24a: {  	s20 =	sadd.s32 $0x4, s5;
	s19 =	spop @!p6 (v2sf)  }
0x24b: {  	p1 =	sgt.s32 s20, s16;
	p2 =	sgt.s32 @!p6 s19, $0xF  }
0x24c: {  	s19 =	sshll.u32 @!p1 s20, $0x7;
	p0 =	por !p2, p6  }
0x24d: {  	s19 =	sadd.s32 @!p1 s31, s19;
	s20 =	simm.s32 @!p0 $0xD  }
0x24e: {  	p5 =	slt.s32 @!p1 s19, $0x4E180;
	_ =	swait.ge @!p0 [sflag:s20], $0x4000  }
0x24f: {  	p2 =	por p2, p6;
	p5 =	por !p5, p1;
	[sflag:s20] =	ssyncset.done @!p0 $0x0  }
0x250: {  	s19 =	simm.s32 @p5 $0x4E180;
	[sflag:s20] =	ssyncadd.s32 @!p0 $0xFFFFC000;
	s20 =	simm.s32 @!p2 $0x11  }
0x251: {  	s25 =	sshll.u32 @!p1 s19, $0x4;
	_ =	swait.ge @!p2 [sflag:s20], $0x800  }
0x252: {  	s25 =	sand.u32 @!p1 $0xFFFFF80, s25;
	[sflag:s20] =	ssyncset.done @!p2 $0x0  }
0x253: {  	[sflag:s20] =	ssyncadd.s32 @!p2 $0xFFFFF800;
	s20 =	sadd.s32 @!p1 s1, s25;
	s25 =	simm.s32 @!p1 $0x0  }
0x254: {  	[tilespmem:s25], [sflag:$0x1] =	stream.linear.gather @!p1 [hbm4b:s20+s25], $0x4000, $0x38;
	[tilespmem:$0x1BA80] =	vst v63  }
0x255: {  	s26 =	sld @!p1 [smem:$0x7FF];
	s20 =	sand.u32 @!p1 $0x7, s19  }
0x256: {  	p6 =	seq.s32 @!p1 s20, $0x0  }
0x257: {  	p2 =	por p6, p1  }
0x258: {  	p0 =	sne.s32 @!p2 s26, $0x1  }
0x259: {  	p0 =	por @!p1 !p0, p6  }
0x25a: {  	p0 =	por p0, p1  }
0x25b: {  	s20 =	sor.u32 @!p0 $0x100000, s11  }
0x25c: {  	[smem:s20], [sflag:$0x0] =	smem.add.s32 @!p0 $0x549;
	s20 =	simm.s32 @!p0 $0x0  }
0x25d: {  	s26 =	simm.s32 @!p0 $0x1;
	_ =	swait.done @!p0 [sflag:s20]  }
0x25e: {  	[smem:$0x7FF] =	sst @!p0 s26  }
0x25f: {  	_ =	sint @!p0 $0x2  }
0x260: {  	_ =	swait.notdone @!p0 [sflag:s20]  }
0x261: {  	s19 =	sshrl.u32 @!p1 s19, $0x3;
	s20 =	sld @!p1 [smem:$0x7FF]  }
0x262: {  	s28 =	simm.s32 @!p1 $0x10000;
	s26 =	sadd.s32 @!p1 s2, s19  }
0x263: {  	[tilespmem:s28], [sflag:$0x5] =	stream.linear.gather @!p1 [hbm4b:s26+s25], $0x80, $0x38;
	[tilespmem:$0x1BA80] =	vst v63  }
0x264: {  	p0 =	sne.s32 @!p2 s20, $0x1  }
0x265: {  	p0 =	por @!p1 !p0, p6  }
0x266: {  	p0 =	por p0, p1  }
0x267: {  	s20 =	sor.u32 @!p0 $0x100000, s11  }
0x268: {  	[smem:s20], [sflag:$0x0] =	smem.add.s32 @!p0 $0x54E;
	s20 =	simm.s32 @!p0 $0x0  }
.Ltmp9:
0x269: {  	s26 =	simm.s32 @!p0 $0x1;
	_ =	swait.done @!p0 [sflag:s20];
	(pc) =	sbr.rel @p3 .LBB2_16-.Ltmp9, $4  }
0x26a: {  	[smem:$0x7FF] =	sst @!p0 s26  }
0x26b: {  	_ =	sint @!p0 $0x2  }
0x26c: {  	s19 =	sadd.s32 @!p1 s6, s19;
	_ =	swait.notdone @!p0 [sflag:s20];
	s20 =	simm.s32 @!p1 $0x10200  }
0x26d: {  	[tilespmem:s20], [sflag:$0x9] =	stream.linear.gather @!p1 [hbm4b:s19+s25], $0x80, $0x38;
	[tilespmem:$0x1BA80] =	vst v63  }
0x26e: {  	_ =	swait.ge [sflag:s9], $0x4000  }
0x26f: {  	[sflag:s9] =	ssyncset.done $0x0  }
0x270: {  	[sflag:s9] =	ssyncadd.s32 $0xFFFFC000  }
0x271: {  	_ =	swait.ge [sflag:s10], $0x80  }
0x272: {  	s8 =	sshll.u32 s8, $0x7;
	[sflag:s10] =	ssyncset.done $0x0  }
0x273: {  	p0 =	slt.s32 s15, $0x4E180;
	s19 =	smov.u32 s15;
	[sflag:s10] =	ssyncadd.s32 $0xFFFFFF80  }
0x274: {  	s25 =	simm.s32 $0x8400;
	s26 =	simm.s32 $0x0;
	_ =	swait.ge [sflag:s12], $0x80  }
0x275: {  	v10 =	vimm.f32 $0.0e+00;
	v11 =	vimm.f32 $0.0e+00;
	v12 =	vimm.f32 $0.0e+00;
	s20 =	sadd.s32 s31, s8;
	s19 =	simm.s32 @!p0 $0x4E180;
	[sflag:s12] =	ssyncset.done $0x0  }
0x276: {  	v13 =	vimm.f32 $0.0e+00;
	v14 =	vimm.f32 $0.0e+00;
	v15 =	vimm.f32 $0.0e+00;
	p0 =	slt.s32 s20, $0x4E180;
	s8 =	smov.u32 s20;
	[sflag:s12] =	ssyncadd.s32 $0xFFFFFF80  }
0x277: {  	v16 =	vimm.f32 $0.0e+00;
	v17 =	vimm.f32 $0.0e+00;
	v6 =	vmov s20;
	s19 =	sadd.s32 $0xFFFFFFFF, s19;
	s20 =	simm.s32 $0x0;
	s8 =	simm.s32 @!p0 $0x4E180;
	[tilespmem:$0x11480] =	vst v2  }
.LBB2_12:
0x278: {  	s29 =	sshra.s32 s20, $0x2  }
0x279: {  	s28 =	sadd.s32 $0x1, s19;
	v9 =	vadd.s32 s19, v1;
	v8 =	vld [tilespmem:s29+$0x10100]  }
0x27a: {  	v7 =	vadd.s32 s28, v1;
	v18 =	vld [tilespmem:s29+$0x10300];
	vm11 =	vlt.s32 v9, v4;
	vm2 =	vlt.s32 v9, v6  }
0x27b: {  	vm12 =	vge.s32 v9, v5;
	vm0 =	vlt.s32 v7, v4;
	vm1 =	vlt.s32 v7, v6  }
0x27c: {  	vm3 =	vge.s32 v7, v5;
	vm0 =	vmor vm0, vm1;
	vm1 =	vmor vm11, vm2  }
0x27d: {  	vm0 =	vmor vm0, vm3;
	vm1 =	vmor vm1, vm12  }
0x27e: {  	v7 =	vsel vm0, $0x4E20, v3;
	v9 =	vsel vm1, $0x4E20, v3  }
0x27f: {  	v19 =	vadd.s32 v7, v8;
	v7 =	vadd.s32 v9, v18  }
0x280: {  	vm13 =	vne.s32 v19, v7  }
0x281: {  	v8 =	vsel vm13, $0x1, v3  }
0x282: {  	(xrf0) =	vadd.scan.msk.s32 $0xffff, v8;
	_ =	sdelay $0x5  }
0x283: {  	v7, _, _ =	vpop (xrf0)  }
0x284: {  	v7 =	vadd.s32 s26, v7  }
0x285: {  	vm14 =	vlt.s32 v7, $0xF  }
0x286: {  	v18 =	vnsel vm14, $0xF, v7  }
0x287: {  	(v2sf) =	vpush v8, $0x0;
	v9 =	vshll.u32 v18, $0x9  }
0x288: {  	v9 =	vshra.s32 v9, $0x2  }
0x289: {  	(v2sf) =	vpush v9, $0x0;
	_ =	sdelay $0x2  }
0x28a: {  	v19 =	vsub.s32 v19, v0  }
0x28b: {  	vm15 =	vgt.s32 v19, $0x0  }
0x28c: {  	v19 =	vnsel vm15, $0x0, v19  }
0x28d: {  	v19 =	vmin.u32 v19, $0x1400  }
0x28e: {  	[tilespmem:v18+s13+$0x0] =	vst.idx.msk $0xffff, v19  }
0x28f: {  	v18 =	vld [tilespmem:s25+$0xFFFFFC00]  }
0x290: {  	v19 =	vld [tilespmem:s25+$0xFFFFFC10]  }
0x291: {  	v20 =	vld [tilespmem:s25+$0xFFFFFC20]  }
0x292: {  	v21 =	vld [tilespmem:s25+$0xFFFFFC30]  }
0x293: {  	v22 =	vld [tilespmem:s25+$0xFFFFFC40]  }
0x294: {  	s28 =	spop (v2sf);
	v23 =	vld [tilespmem:s25+$0xFFFFFC50];
	v17 =	vadd.f32 v18, v17  }
0x295: {  	v24 =	vld [tilespmem:s25+$0xFFFFFC60];
	(v2sf) =	vpush v8, $0x1;
	p1 =	seq.s32 s28, $0x0;
	v16 =	vadd.f32 v19, v16  }
0x296: {  	v25 =	vld [tilespmem:s25+$0xFFFFFC70];
	v15 =	vadd.f32 v20, v15;
	v17 =	vpsel p1, v17, v18;
	s29 =	spop (v2sf)  }
0x297: {  	(v2sf) =	vpush v9, $0x1;
	v14 =	vadd.f32 v21, v14;
	v16 =	vpsel p1, v16, v19;
	[tilespmem:s29+$0x10C00] =	vst v17  }
0x298: {  	v13 =	vadd.f32 v22, v13;
	v15 =	vpsel p1, v15, v20;
	[tilespmem:s29+$0x10C10] =	vst v16  }
0x299: {  	v12 =	vadd.f32 v23, v12;
	v14 =	vpsel p1, v14, v21;
	[tilespmem:s29+$0x10C20] =	vst v15  }
0x29a: {  	v11 =	vadd.f32 v24, v11;
	v13 =	vpsel p1, v13, v22;
	[tilespmem:s29+$0x10C30] =	vst v14  }
0x29b: {  	v10 =	vadd.f32 v25, v10;
	v12 =	vpsel p1, v12, v23;
	[tilespmem:s29+$0x10C40] =	vst v13  }
0x29c: {  	v11 =	vpsel p1, v11, v24;
	[tilespmem:s29+$0x10C50] =	vst v12  }
0x29d: {  	v10 =	vpsel p1, v10, v25;
	[tilespmem:s29+$0x10C60] =	vst v11  }
0x29e: {  	[tilespmem:s29+$0x10C70] =	vst v10  }
0x29f: {  	v18 =	vld [tilespmem:s25+$0xFFFFFC80]  }
0x2a0: {  	v19 =	vld [tilespmem:s25+$0xFFFFFC90]  }
0x2a1: {  	v49 =	vld [tilespmem:s25+$0xFFFFFCA0]  }
0x2a2: {  	v50 =	vld [tilespmem:s25+$0xFFFFFCB0]  }
0x2a3: {  	v51 =	vld [tilespmem:s25+$0xFFFFFCC0]  }
0x2a4: {  	v52 =	vld [tilespmem:s25+$0xFFFFFCD0];
	s28 =	spop (v2sf);
	v17 =	vadd.f32 v18, v17  }
0x2a5: {  	v53 =	vld [tilespmem:s25+$0xFFFFFCE0];
	(v2sf) =	vpush v8, $0x2;
	p0 =	seq.s32 s28, $0x0;
	v16 =	vadd.f32 v19, v16  }
0x2a6: {  	v54 =	vld [tilespmem:s25+$0xFFFFFCF0];
	s29 =	spop (v2sf);
	v15 =	vadd.f32 v49, v15;
	v17 =	vpsel p0, v17, v18  }
0x2a7: {  	(v2sf) =	vpush v9, $0x2;
	v14 =	vadd.f32 v50, v14;
	v16 =	vpsel p0, v16, v19;
	[tilespmem:s29+$0x10C00] =	vst v17  }
0x2a8: {  	v13 =	vadd.f32 v51, v13;
	v15 =	vpsel p0, v15, v49;
	[tilespmem:s29+$0x10C10] =	vst v16  }
0x2a9: {  	v12 =	vadd.f32 v52, v12;
	v14 =	vpsel p0, v14, v50;
	[tilespmem:s29+$0x10C20] =	vst v15  }
0x2aa: {  	v11 =	vadd.f32 v53, v11;
	v13 =	vpsel p0, v13, v51;
	[tilespmem:s29+$0x10C30] =	vst v14  }
0x2ab: {  	v10 =	vadd.f32 v54, v10;
	v12 =	vpsel p0, v12, v52;
	[tilespmem:s29+$0x10C40] =	vst v13  }
0x2ac: {  	v11 =	vpsel p0, v11, v53;
	[tilespmem:s29+$0x10C50] =	vst v12  }
0x2ad: {  	v10 =	vpsel p0, v10, v54;
	[tilespmem:s29+$0x10C60] =	vst v11  }
0x2ae: {  	[tilespmem:s29+$0x10C70] =	vst v10  }
0x2af: {  	v18 =	vld [tilespmem:s25+$0xFFFFFD00]  }
0x2b0: {  	v19 =	vld [tilespmem:s25+$0xFFFFFD10]  }
0x2b1: {  	v55 =	vld [tilespmem:s25+$0xFFFFFD20]  }
0x2b2: {  	v56 =	vld [tilespmem:s25+$0xFFFFFD30]  }
0x2b3: {  	v57 =	vld [tilespmem:s25+$0xFFFFFD40]  }
0x2b4: {  	v58 =	vld [tilespmem:s25+$0xFFFFFD50];
	v17 =	vadd.f32 v18, v17;
	s28 =	spop (v2sf)  }
0x2b5: {  	v59 =	vld [tilespmem:s25+$0xFFFFFD60];
	v16 =	vadd.f32 v19, v16;
	(v2sf) =	vpush v8, $0x3;
	p2 =	seq.s32 s28, $0x0  }
0x2b6: {  	v60 =	vld [tilespmem:s25+$0xFFFFFD70];
	v15 =	vadd.f32 v55, v15;
	s29 =	spop (v2sf);
	v17 =	vpsel p2, v17, v18  }
0x2b7: {  	v14 =	vadd.f32 v56, v14;
	(v2sf) =	vpush v9, $0x3;
	v16 =	vpsel p2, v16, v19;
	[tilespmem:s29+$0x10C00] =	vst v17  }
0x2b8: {  	v13 =	vadd.f32 v57, v13;
	v15 =	vpsel p2, v15, v55;
	[tilespmem:s29+$0x10C10] =	vst v16  }
0x2b9: {  	v12 =	vadd.f32 v58, v12;
	v14 =	vpsel p2, v14, v56;
	[tilespmem:s29+$0x10C20] =	vst v15  }
0x2ba: {  	v11 =	vadd.f32 v59, v11;
	v13 =	vpsel p2, v13, v57;
	[tilespmem:s29+$0x10C30] =	vst v14  }
0x2bb: {  	v10 =	vadd.f32 v60, v10;
	v12 =	vpsel p2, v12, v58;
	[tilespmem:s29+$0x10C40] =	vst v13  }
0x2bc: {  	v11 =	vpsel p2, v11, v59;
	[tilespmem:s29+$0x10C50] =	vst v12  }
0x2bd: {  	v10 =	vpsel p2, v10, v60;
	[tilespmem:s29+$0x10C60] =	vst v11  }
0x2be: {  	[tilespmem:s29+$0x10C70] =	vst v10  }
0x2bf: {  	v18 =	vld [tilespmem:s25+$0xFFFFFD80]  }
0x2c0: {  	v19 =	vld [tilespmem:s25+$0xFFFFFD90]  }
0x2c1: {  	v61 =	vld [tilespmem:s25+$0xFFFFFDA0]  }
0x2c2: {  	v62 =	vld [tilespmem:s25+$0xFFFFFDB0]  }
0x2c3: {  	v63 =	vld [tilespmem:s25+$0xFFFFFDC0]  }
0x2c4: {  	v28 =	vld [tilespmem:s25+$0xFFFFFDD0];
	v17 =	vadd.f32 v18, v17;
	s28 =	spop (v2sf)  }
0x2c5: {  	v29 =	vld [tilespmem:s25+$0xFFFFFDE0];
	v16 =	vadd.f32 v19, v16;
	(v2sf) =	vpush v8, $0x4;
	p3 =	seq.s32 s28, $0x0  }
0x2c6: {  	v30 =	vld [tilespmem:s25+$0xFFFFFDF0];
	v15 =	vadd.f32 v61, v15;
	s29 =	spop (v2sf);
	v17 =	vpsel p3, v17, v18  }
0x2c7: {  	v14 =	vadd.f32 v62, v14;
	(v2sf) =	vpush v9, $0x4;
	v16 =	vpsel p3, v16, v19;
	[tilespmem:s29+$0x10C00] =	vst v17  }
0x2c8: {  	v13 =	vadd.f32 v63, v13;
	v15 =	vpsel p3, v15, v61;
	[tilespmem:s29+$0x10C10] =	vst v16  }
0x2c9: {  	v12 =	vadd.f32 v28, v12;
	v14 =	vpsel p3, v14, v62;
	[tilespmem:s29+$0x10C20] =	vst v15  }
0x2ca: {  	v11 =	vadd.f32 v29, v11;
	v13 =	vpsel p3, v13, v63;
	[tilespmem:s29+$0x10C30] =	vst v14  }
0x2cb: {  	v10 =	vadd.f32 v30, v10;
	v12 =	vpsel p3, v12, v28;
	[tilespmem:s29+$0x10C40] =	vst v13  }
0x2cc: {  	v11 =	vpsel p3, v11, v29;
	[tilespmem:s29+$0x10C50] =	vst v12  }
0x2cd: {  	v10 =	vpsel p3, v10, v30;
	[tilespmem:s29+$0x10C60] =	vst v11  }
0x2ce: {  	[tilespmem:s29+$0x10C70] =	vst v10  }
0x2cf: {  	v18 =	vld [tilespmem:s25+$0xFFFFFE00]  }
0x2d0: {  	v19 =	vld [tilespmem:s25+$0xFFFFFE10]  }
0x2d1: {  	v31 =	vld [tilespmem:s25+$0xFFFFFE20]  }
0x2d2: {  	v32 =	vld [tilespmem:s25+$0xFFFFFE30]  }
0x2d3: {  	v33 =	vld [tilespmem:s25+$0xFFFFFE40]  }
0x2d4: {  	v34 =	vld [tilespmem:s25+$0xFFFFFE50];
	v17 =	vadd.f32 v18, v17;
	s28 =	spop (v2sf)  }
0x2d5: {  	v35 =	vld [tilespmem:s25+$0xFFFFFE60];
	v16 =	vadd.f32 v19, v16;
	(v2sf) =	vpush v8, $0x5;
	p5 =	seq.s32 s28, $0x0  }
0x2d6: {  	v36 =	vld [tilespmem:s25+$0xFFFFFE70];
	v15 =	vadd.f32 v31, v15;
	s29 =	spop (v2sf);
	v17 =	vpsel p5, v17, v18  }
0x2d7: {  	v14 =	vadd.f32 v32, v14;
	(v2sf) =	vpush v9, $0x5;
	v16 =	vpsel p5, v16, v19;
	[tilespmem:s29+$0x10C00] =	vst v17  }
0x2d8: {  	v13 =	vadd.f32 v33, v13;
	v15 =	vpsel p5, v15, v31;
	[tilespmem:s29+$0x10C10] =	vst v16  }
0x2d9: {  	v12 =	vadd.f32 v34, v12;
	v14 =	vpsel p5, v14, v32;
	[tilespmem:s29+$0x10C20] =	vst v15  }
0x2da: {  	v11 =	vadd.f32 v35, v11;
	v13 =	vpsel p5, v13, v33;
	[tilespmem:s29+$0x10C30] =	vst v14  }
0x2db: {  	v10 =	vadd.f32 v36, v10;
	v12 =	vpsel p5, v12, v34;
	[tilespmem:s29+$0x10C40] =	vst v13  }
0x2dc: {  	v11 =	vpsel p5, v11, v35;
	[tilespmem:s29+$0x10C50] =	vst v12  }
0x2dd: {  	v10 =	vpsel p5, v10, v36;
	[tilespmem:s29+$0x10C60] =	vst v11  }
0x2de: {  	[tilespmem:s29+$0x10C70] =	vst v10  }
0x2df: {  	v18 =	vld [tilespmem:s25+$0xFFFFFE80]  }
0x2e0: {  	v19 =	vld [tilespmem:s25+$0xFFFFFE90]  }
0x2e1: {  	v37 =	vld [tilespmem:s25+$0xFFFFFEA0]  }
0x2e2: {  	v38 =	vld [tilespmem:s25+$0xFFFFFEB0]  }
0x2e3: {  	v39 =	vld [tilespmem:s25+$0xFFFFFEC0]  }
0x2e4: {  	v40 =	vld [tilespmem:s25+$0xFFFFFED0];
	v17 =	vadd.f32 v18, v17;
	s28 =	spop (v2sf)  }
0x2e5: {  	v41 =	vld [tilespmem:s25+$0xFFFFFEE0];
	v16 =	vadd.f32 v19, v16;
	(v2sf) =	vpush v8, $0x6;
	p6 =	seq.s32 s28, $0x0  }
0x2e6: {  	v42 =	vld [tilespmem:s25+$0xFFFFFEF0];
	v15 =	vadd.f32 v37, v15;
	s29 =	spop (v2sf);
	v17 =	vpsel p6, v17, v18  }
0x2e7: {  	v14 =	vadd.f32 v38, v14;
	(v2sf) =	vpush v9, $0x6;
	v16 =	vpsel p6, v16, v19;
	[tilespmem:s29+$0x10C00] =	vst v17  }
0x2e8: {  	v13 =	vadd.f32 v39, v13;
	v15 =	vpsel p6, v15, v37;
	[tilespmem:s29+$0x10C10] =	vst v16  }
0x2e9: {  	v12 =	vadd.f32 v40, v12;
	v14 =	vpsel p6, v14, v38;
	[tilespmem:s29+$0x10C20] =	vst v15  }
0x2ea: {  	v11 =	vadd.f32 v41, v11;
	v13 =	vpsel p6, v13, v39;
	[tilespmem:s29+$0x10C30] =	vst v14  }
0x2eb: {  	v10 =	vadd.f32 v42, v10;
	v12 =	vpsel p6, v12, v40;
	[tilespmem:s29+$0x10C40] =	vst v13  }
0x2ec: {  	v11 =	vpsel p6, v11, v41;
	[tilespmem:s29+$0x10C50] =	vst v12  }
0x2ed: {  	v10 =	vpsel p6, v10, v42;
	[tilespmem:s29+$0x10C60] =	vst v11  }
0x2ee: {  	[tilespmem:s29+$0x10C70] =	vst v10  }
0x2ef: {  	v18 =	vld [tilespmem:s25+$0xFFFFFF00]  }
0x2f0: {  	v19 =	vld [tilespmem:s25+$0xFFFFFF10]  }
0x2f1: {  	v43 =	vld [tilespmem:s25+$0xFFFFFF20]  }
0x2f2: {  	v44 =	vld [tilespmem:s25+$0xFFFFFF30]  }
0x2f3: {  	v45 =	vld [tilespmem:s25+$0xFFFFFF40]  }
0x2f4: {  	v46 =	vld [tilespmem:s25+$0xFFFFFF50];
	v17 =	vadd.f32 v18, v17;
	s28 =	spop (v2sf)  }
0x2f5: {  	v47 =	vld [tilespmem:s25+$0xFFFFFF60];
	v16 =	vadd.f32 v19, v16;
	(v2sf) =	vpush v8, $0x7;
	p0 =	seq.s32 s28, $0x0  }
0x2f6: {  	v48 =	vld [tilespmem:s25+$0xFFFFFF70];
	v15 =	vadd.f32 v43, v15;
	s29 =	spop (v2sf);
	v17 =	vpsel p0, v17, v18  }
0x2f7: {  	v14 =	vadd.f32 v44, v14;
	(v2sf) =	vpush v9, $0x7;
	v16 =	vpsel p0, v16, v19;
	[tilespmem:s29+$0x10C00] =	vst v17  }
0x2f8: {  	v13 =	vadd.f32 v45, v13;
	v15 =	vpsel p0, v15, v43;
	[tilespmem:s29+$0x10C10] =	vst v16  }
0x2f9: {  	v12 =	vadd.f32 v46, v12;
	v14 =	vpsel p0, v14, v44;
	[tilespmem:s29+$0x10C20] =	vst v15  }
0x2fa: {  	v11 =	vadd.f32 v47, v11;
	v13 =	vpsel p0, v13, v45;
	[tilespmem:s29+$0x10C30] =	vst v14  }
0x2fb: {  	v10 =	vadd.f32 v48, v10;
	v12 =	vpsel p0, v12, v46;
	[tilespmem:s29+$0x10C40] =	vst v13  }
0x2fc: {  	v11 =	vpsel p0, v11, v47;
	[tilespmem:s29+$0x10C50] =	vst v12  }
0x2fd: {  	v10 =	vpsel p0, v10, v48;
	[tilespmem:s29+$0x10C60] =	vst v11  }
0x2fe: {  	[tilespmem:s29+$0x10C70] =	vst v10  }
0x2ff: {  	v18 =	vld [tilespmem:s25+$0xFFFFFF80]  }
0x300: {  	v19 =	vld [tilespmem:s25+$0xFFFFFF90]  }
0x301: {  	v49 =	vld [tilespmem:s25+$0xFFFFFFA0]  }
0x302: {  	v50 =	vld [tilespmem:s25+$0xFFFFFFB0]  }
0x303: {  	v51 =	vld [tilespmem:s25+$0xFFFFFFC0]  }
0x304: {  	v52 =	vld [tilespmem:s25+$0xFFFFFFD0];
	v17 =	vadd.f32 v18, v17;
	s28 =	spop (v2sf)  }
0x305: {  	v53 =	vld [tilespmem:s25+$0xFFFFFFE0];
	v16 =	vadd.f32 v19, v16;
	(v2sf) =	vpush v8, $0x8;
	p2 =	seq.s32 s28, $0x0  }
0x306: {  	v54 =	vld [tilespmem:s25+$0xFFFFFFF0];
	v15 =	vadd.f32 v49, v15;
	s29 =	spop (v2sf);
	v17 =	vpsel p2, v17, v18  }
0x307: {  	v14 =	vadd.f32 v50, v14;
	(v2sf) =	vpush v9, $0x8;
	v16 =	vpsel p2, v16, v19;
	[tilespmem:s29+$0x10C00] =	vst v17  }
0x308: {  	v13 =	vadd.f32 v51, v13;
	v15 =	vpsel p2, v15, v49;
	[tilespmem:s29+$0x10C10] =	vst v16  }
0x309: {  	v12 =	vadd.f32 v52, v12;
	v14 =	vpsel p2, v14, v50;
	[tilespmem:s29+$0x10C20] =	vst v15  }
0x30a: {  	v11 =	vadd.f32 v53, v11;
	v13 =	vpsel p2, v13, v51;
	[tilespmem:s29+$0x10C30] =	vst v14  }
0x30b: {  	v10 =	vadd.f32 v54, v10;
	v12 =	vpsel p2, v12, v52;
	[tilespmem:s29+$0x10C40] =	vst v13  }
0x30c: {  	v11 =	vpsel p2, v11, v53;
	[tilespmem:s29+$0x10C50] =	vst v12  }
0x30d: {  	v10 =	vpsel p2, v10, v54;
	[tilespmem:s29+$0x10C60] =	vst v11  }
0x30e: {  	[tilespmem:s29+$0x10C70] =	vst v10  }
0x30f: {  	v18 =	vld [tilespmem:s25+$0x0]  }
0x310: {  	v19 =	vld [tilespmem:s25+$0x10]  }
0x311: {  	v55 =	vld [tilespmem:s25+$0x20]  }
0x312: {  	v56 =	vld [tilespmem:s25+$0x30]  }
0x313: {  	v57 =	vld [tilespmem:s25+$0x40]  }
0x314: {  	v58 =	vld [tilespmem:s25+$0x50];
	v17 =	vadd.f32 v18, v17;
	s28 =	spop (v2sf)  }
0x315: {  	v59 =	vld [tilespmem:s25+$0x60];
	v16 =	vadd.f32 v19, v16;
	(v2sf) =	vpush v8, $0x9;
	p3 =	seq.s32 s28, $0x0  }
0x316: {  	v60 =	vld [tilespmem:s25+$0x70];
	v15 =	vadd.f32 v55, v15;
	s29 =	spop (v2sf);
	v17 =	vpsel p3, v17, v18  }
0x317: {  	v14 =	vadd.f32 v56, v14;
	(v2sf) =	vpush v9, $0x9;
	v16 =	vpsel p3, v16, v19;
	[tilespmem:s29+$0x10C00] =	vst v17  }
0x318: {  	v13 =	vadd.f32 v57, v13;
	v15 =	vpsel p3, v15, v55;
	[tilespmem:s29+$0x10C10] =	vst v16  }
0x319: {  	v12 =	vadd.f32 v58, v12;
	v14 =	vpsel p3, v14, v56;
	[tilespmem:s29+$0x10C20] =	vst v15  }
0x31a: {  	v11 =	vadd.f32 v59, v11;
	v13 =	vpsel p3, v13, v57;
	[tilespmem:s29+$0x10C30] =	vst v14  }
0x31b: {  	v10 =	vadd.f32 v60, v10;
	v12 =	vpsel p3, v12, v58;
	[tilespmem:s29+$0x10C40] =	vst v13  }
0x31c: {  	v11 =	vpsel p3, v11, v59;
	[tilespmem:s29+$0x10C50] =	vst v12  }
0x31d: {  	v10 =	vpsel p3, v10, v60;
	[tilespmem:s29+$0x10C60] =	vst v11  }
0x31e: {  	[tilespmem:s29+$0x10C70] =	vst v10  }
0x31f: {  	v18 =	vld [tilespmem:s25+$0x80]  }
0x320: {  	v19 =	vld [tilespmem:s25+$0x90]  }
0x321: {  	v61 =	vld [tilespmem:s25+$0xA0]  }
0x322: {  	v62 =	vld [tilespmem:s25+$0xB0]  }
0x323: {  	v63 =	vld [tilespmem:s25+$0xC0]  }
0x324: {  	v28 =	vld [tilespmem:s25+$0xD0];
	v17 =	vadd.f32 v18, v17;
	s28 =	spop (v2sf)  }
0x325: {  	v29 =	vld [tilespmem:s25+$0xE0];
	v16 =	vadd.f32 v19, v16;
	(v2sf) =	vpush v8, $0xA;
	p5 =	seq.s32 s28, $0x0  }
0x326: {  	v30 =	vld [tilespmem:s25+$0xF0];
	v15 =	vadd.f32 v61, v15;
	s29 =	spop (v2sf);
	v17 =	vpsel p5, v17, v18  }
0x327: {  	v14 =	vadd.f32 v62, v14;
	(v2sf) =	vpush v9, $0xA;
	v16 =	vpsel p5, v16, v19;
	[tilespmem:s29+$0x10C00] =	vst v17  }
0x328: {  	v13 =	vadd.f32 v63, v13;
	v15 =	vpsel p5, v15, v61;
	[tilespmem:s29+$0x10C10] =	vst v16  }
0x329: {  	v12 =	vadd.f32 v28, v12;
	v14 =	vpsel p5, v14, v62;
	[tilespmem:s29+$0x10C20] =	vst v15  }
0x32a: {  	v11 =	vadd.f32 v29, v11;
	v13 =	vpsel p5, v13, v63;
	[tilespmem:s29+$0x10C30] =	vst v14  }
0x32b: {  	v10 =	vadd.f32 v30, v10;
	v12 =	vpsel p5, v12, v28;
	[tilespmem:s29+$0x10C40] =	vst v13  }
0x32c: {  	v11 =	vpsel p5, v11, v29;
	[tilespmem:s29+$0x10C50] =	vst v12  }
0x32d: {  	v10 =	vpsel p5, v10, v30;
	[tilespmem:s29+$0x10C60] =	vst v11  }
0x32e: {  	[tilespmem:s29+$0x10C70] =	vst v10  }
0x32f: {  	v18 =	vld [tilespmem:s25+$0x100]  }
0x330: {  	v19 =	vld [tilespmem:s25+$0x110]  }
0x331: {  	v31 =	vld [tilespmem:s25+$0x120]  }
0x332: {  	v32 =	vld [tilespmem:s25+$0x130]  }
0x333: {  	v33 =	vld [tilespmem:s25+$0x140]  }
0x334: {  	v34 =	vld [tilespmem:s25+$0x150];
	v17 =	vadd.f32 v18, v17;
	s28 =	spop (v2sf)  }
0x335: {  	v35 =	vld [tilespmem:s25+$0x160];
	v16 =	vadd.f32 v19, v16;
	(v2sf) =	vpush v8, $0xB;
	p6 =	seq.s32 s28, $0x0  }
0x336: {  	v36 =	vld [tilespmem:s25+$0x170];
	v15 =	vadd.f32 v31, v15;
	s29 =	spop (v2sf);
	v17 =	vpsel p6, v17, v18  }
0x337: {  	v14 =	vadd.f32 v32, v14;
	(v2sf) =	vpush v9, $0xB;
	v16 =	vpsel p6, v16, v19;
	[tilespmem:s29+$0x10C00] =	vst v17  }
0x338: {  	v13 =	vadd.f32 v33, v13;
	v15 =	vpsel p6, v15, v31;
	[tilespmem:s29+$0x10C10] =	vst v16  }
0x339: {  	v12 =	vadd.f32 v34, v12;
	v14 =	vpsel p6, v14, v32;
	[tilespmem:s29+$0x10C20] =	vst v15  }
0x33a: {  	v11 =	vadd.f32 v35, v11;
	v13 =	vpsel p6, v13, v33;
	[tilespmem:s29+$0x10C30] =	vst v14  }
0x33b: {  	v10 =	vadd.f32 v36, v10;
	v12 =	vpsel p6, v12, v34;
	[tilespmem:s29+$0x10C40] =	vst v13  }
0x33c: {  	v11 =	vpsel p6, v11, v35;
	[tilespmem:s29+$0x10C50] =	vst v12  }
0x33d: {  	v10 =	vpsel p6, v10, v36;
	[tilespmem:s29+$0x10C60] =	vst v11  }
0x33e: {  	[tilespmem:s29+$0x10C70] =	vst v10  }
0x33f: {  	v18 =	vld [tilespmem:s25+$0x180]  }
0x340: {  	v19 =	vld [tilespmem:s25+$0x190]  }
0x341: {  	v37 =	vld [tilespmem:s25+$0x1A0]  }
0x342: {  	v38 =	vld [tilespmem:s25+$0x1B0]  }
0x343: {  	v39 =	vld [tilespmem:s25+$0x1C0]  }
0x344: {  	v40 =	vld [tilespmem:s25+$0x1D0];
	v17 =	vadd.f32 v18, v17;
	s28 =	spop (v2sf)  }
0x345: {  	v41 =	vld [tilespmem:s25+$0x1E0];
	v16 =	vadd.f32 v19, v16;
	(v2sf) =	vpush v8, $0xC;
	p0 =	seq.s32 s28, $0x0  }
0x346: {  	v42 =	vld [tilespmem:s25+$0x1F0];
	v15 =	vadd.f32 v37, v15;
	s29 =	spop (v2sf);
	v17 =	vpsel p0, v17, v18  }
0x347: {  	v14 =	vadd.f32 v38, v14;
	(v2sf) =	vpush v9, $0xC;
	v16 =	vpsel p0, v16, v19;
	[tilespmem:s29+$0x10C00] =	vst v17  }
0x348: {  	v13 =	vadd.f32 v39, v13;
	v15 =	vpsel p0, v15, v37;
	[tilespmem:s29+$0x10C10] =	vst v16  }
0x349: {  	v12 =	vadd.f32 v40, v12;
	v14 =	vpsel p0, v14, v38;
	[tilespmem:s29+$0x10C20] =	vst v15  }
0x34a: {  	v11 =	vadd.f32 v41, v11;
	v13 =	vpsel p0, v13, v39;
	[tilespmem:s29+$0x10C30] =	vst v14  }
0x34b: {  	v10 =	vadd.f32 v42, v10;
	v12 =	vpsel p0, v12, v40;
	[tilespmem:s29+$0x10C40] =	vst v13  }
0x34c: {  	v11 =	vpsel p0, v11, v41;
	[tilespmem:s29+$0x10C50] =	vst v12  }
0x34d: {  	v10 =	vpsel p0, v10, v42;
	[tilespmem:s29+$0x10C60] =	vst v11  }
0x34e: {  	[tilespmem:s29+$0x10C70] =	vst v10  }
0x34f: {  	v18 =	vld [tilespmem:s25+$0x200]  }
0x350: {  	v19 =	vld [tilespmem:s25+$0x210]  }
0x351: {  	v43 =	vld [tilespmem:s25+$0x220]  }
0x352: {  	v44 =	vld [tilespmem:s25+$0x230]  }
0x353: {  	v45 =	vld [tilespmem:s25+$0x240]  }
0x354: {  	v46 =	vld [tilespmem:s25+$0x250];
	v17 =	vadd.f32 v18, v17;
	s28 =	spop (v2sf)  }
0x355: {  	v47 =	vld [tilespmem:s25+$0x260];
	v16 =	vadd.f32 v19, v16;
	(v2sf) =	vpush v8, $0xD;
	p2 =	seq.s32 s28, $0x0  }
0x356: {  	v48 =	vld [tilespmem:s25+$0x270];
	v15 =	vadd.f32 v43, v15;
	s29 =	spop (v2sf);
	v17 =	vpsel p2, v17, v18  }
0x357: {  	v14 =	vadd.f32 v44, v14;
	(v2sf) =	vpush v9, $0xD;
	v16 =	vpsel p2, v16, v19;
	[tilespmem:s29+$0x10C00] =	vst v17  }
0x358: {  	v13 =	vadd.f32 v45, v13;
	v15 =	vpsel p2, v15, v43;
	[tilespmem:s29+$0x10C10] =	vst v16  }
0x359: {  	v12 =	vadd.f32 v46, v12;
	v14 =	vpsel p2, v14, v44;
	[tilespmem:s29+$0x10C20] =	vst v15  }
0x35a: {  	v11 =	vadd.f32 v47, v11;
	v13 =	vpsel p2, v13, v45;
	[tilespmem:s29+$0x10C30] =	vst v14  }
0x35b: {  	v10 =	vadd.f32 v48, v10;
	v12 =	vpsel p2, v12, v46;
	[tilespmem:s29+$0x10C40] =	vst v13  }
0x35c: {  	v11 =	vpsel p2, v11, v47;
	[tilespmem:s29+$0x10C50] =	vst v12  }
0x35d: {  	v10 =	vpsel p2, v10, v48;
	[tilespmem:s29+$0x10C60] =	vst v11  }
0x35e: {  	[tilespmem:s29+$0x10C70] =	vst v10  }
0x35f: {  	v18 =	vld [tilespmem:s25+$0x280]  }
0x360: {  	v19 =	vld [tilespmem:s25+$0x290]  }
0x361: {  	v49 =	vld [tilespmem:s25+$0x2A0]  }
0x362: {  	v50 =	vld [tilespmem:s25+$0x2B0]  }
0x363: {  	v51 =	vld [tilespmem:s25+$0x2C0]  }
0x364: {  	v52 =	vld [tilespmem:s25+$0x2D0];
	v17 =	vadd.f32 v18, v17;
	s28 =	spop (v2sf)  }
0x365: {  	v53 =	vld [tilespmem:s25+$0x2E0];
	v16 =	vadd.f32 v19, v16;
	(v2sf) =	vpush v8, $0xE;
	p3 =	seq.s32 s28, $0x0  }
0x366: {  	v54 =	vld [tilespmem:s25+$0x2F0];
	v15 =	vadd.f32 v49, v15;
	s29 =	spop (v2sf);
	v17 =	vpsel p3, v17, v18  }
0x367: {  	v14 =	vadd.f32 v50, v14;
	(v2sf) =	vpush v9, $0xE;
	v16 =	vpsel p3, v16, v19;
	[tilespmem:s29+$0x10C00] =	vst v17  }
0x368: {  	v13 =	vadd.f32 v51, v13;
	v15 =	vpsel p3, v15, v49;
	[tilespmem:s29+$0x10C10] =	vst v16  }
0x369: {  	v12 =	vadd.f32 v52, v12;
	v14 =	vpsel p3, v14, v50;
	[tilespmem:s29+$0x10C20] =	vst v15  }
0x36a: {  	v11 =	vadd.f32 v53, v11;
	v13 =	vpsel p3, v13, v51;
	[tilespmem:s29+$0x10C30] =	vst v14  }
0x36b: {  	v10 =	vadd.f32 v54, v10;
	v12 =	vpsel p3, v12, v52;
	[tilespmem:s29+$0x10C40] =	vst v13  }
0x36c: {  	v11 =	vpsel p3, v11, v53;
	[tilespmem:s29+$0x10C50] =	vst v12  }
0x36d: {  	v10 =	vpsel p3, v10, v54;
	[tilespmem:s29+$0x10C60] =	vst v11  }
0x36e: {  	[tilespmem:s29+$0x10C70] =	vst v10  }
0x36f: {  	v18 =	vld [tilespmem:s25+$0x300]  }
0x370: {  	v19 =	vld [tilespmem:s25+$0x310]  }
0x371: {  	v55 =	vld [tilespmem:s25+$0x320]  }
0x372: {  	v56 =	vld [tilespmem:s25+$0x330]  }
0x373: {  	v57 =	vld [tilespmem:s25+$0x340]  }
0x374: {  	v58 =	vld [tilespmem:s25+$0x350];
	v17 =	vadd.f32 v18, v17;
	s28 =	spop (v2sf)  }
0x375: {  	v59 =	vld [tilespmem:s25+$0x360];
	v16 =	vadd.f32 v19, v16;
	(v2sf) =	vpush v8, $0xF;
	p5 =	seq.s32 s28, $0x0  }
0x376: {  	v15 =	vadd.f32 v55, v15;
	v8 =	vld [tilespmem:s25+$0x370];
	s29 =	spop (v2sf);
	v17 =	vpsel p5, v17, v18  }
0x377: {  	v14 =	vadd.f32 v56, v14;
	(v2sf) =	vpush v9, $0xF;
	v16 =	vpsel p5, v16, v19;
	[tilespmem:s29+$0x10C00] =	vst v17  }
0x378: {  	v13 =	vadd.f32 v57, v13;
	v9 =	vpsel p5, v15, v55;
	[tilespmem:s29+$0x10C10] =	vst v16  }
0x379: {  	v12 =	vadd.f32 v58, v12;
	v14 =	vpsel p5, v14, v56;
	[tilespmem:s29+$0x10C20] =	vst v9  }
0x37a: {  	v11 =	vadd.f32 v59, v11;
	v13 =	vpsel p5, v13, v57;
	[tilespmem:s29+$0x10C30] =	vst v14  }
0x37b: {  	v12 =	vpsel p5, v12, v58;
	[tilespmem:s29+$0x10C40] =	vst v13;
	v10 =	vadd.f32 v8, v10  }
0x37c: {  	v11 =	vpsel p5, v11, v59;
	[tilespmem:s29+$0x10C50] =	vst v12  }
0x37d: {  	[tilespmem:s29+$0x10C60] =	vst v11;
	v8 =	vpsel p5, v10, v8  }
0x37e: {  	[tilespmem:s29+$0x10C70] =	vst v8  }
0x37f: {  	(v2sf) =	vpush v7, $0xF;
	v10 =	vld [tilespmem:s25+$0x380]  }
0x380: {  	v15 =	vld [tilespmem:s25+$0x390]  }
0x381: {  	v18 =	vld [tilespmem:s25+$0x3A0]  }
0x382: {  	v19 =	vld [tilespmem:s25+$0x3B0]  }
0x383: {  	v60 =	vld [tilespmem:s25+$0x3C0]  }
0x384: {  	v61 =	vld [tilespmem:s25+$0x3D0];
	v17 =	vadd.f32 v10, v17;
	s28 =	spop (v2sf)  }
0x385: {  	v62 =	vld [tilespmem:s25+$0x3E0];
	v16 =	vadd.f32 v15, v16;
	p6 =	seq.s32 s28, $0x0  }
0x386: {  	v63 =	vld [tilespmem:s25+$0x3F0];
	v9 =	vadd.f32 v18, v9;
	s29 =	spop (v2sf);
	v17 =	vpsel p6, v17, v10  }
0x387: {  	v16 =	vpsel p6, v16, v15;
	v10 =	vadd.f32 v19, v14;
	[tilespmem:s29+$0x10C00] =	vst v17  }
0x388: {  	v15 =	vpsel p6, v9, v18;
	v9 =	vadd.f32 v60, v13;
	[tilespmem:s29+$0x10C10] =	vst v16  }
0x389: {  	p0 =	sne.s32 s20, $0x1C0;
	[tilespmem:s29+$0x10C20] =	vst v15;
	v14 =	vpsel p6, v10, v19;
	v10 =	vadd.f32 v61, v12  }
.Ltmp10:
0x38a: {  	v13 =	vpsel p6, v9, v60;
	v9 =	vadd.f32 v62, v11;
	[tilespmem:s29+$0x10C30] =	vst v14;
	(pc) =	sbr.rel @p0 .LBB2_12-.Ltmp10, $4  }
0x38b: {  	v8 =	vadd.f32 v63, v8;
	[tilespmem:s29+$0x10C40] =	vst v13;
	v12 =	vpsel p6, v10, v61  }
0x38c: {  	v11 =	vpsel p6, v9, v62;
	[tilespmem:s29+$0x10C50] =	vst v12  }
0x38d: {  	s19 =	sadd.s32 $0x10, s19;
	v10 =	vpsel p6, v8, v63;
	[tilespmem:s29+$0x10C60] =	vst v11  }
0x38e: {  	s20 =	sadd.s32 $0x40, s20;
	s25 =	sadd.s32 $0x800, s25;
	s26 =	spop (v2sf);
	[tilespmem:s29+$0x10C70] =	vst v10  }
0x38f: {  	p0 =	sgt.s32 s26, $0xF  }
.Ltmp11:
0x390: {  	_ = 	snop;
	(pc) =	sbr.rel @p0 .LBB2_15-.Ltmp11, $3  }
0x391: {  	_ = 	snop  }
0x392: {  	v7 =	vbroadcast v7, $0xF;
	_ =	sdelay $0x1  }
0x393: {  	[tilespmem:$0x11580] =	vst v7  }
.Ltmp12:
0x394: {  	(pc) =	sbr.rel .LBB2_16-.Ltmp12, $3  }
0x395: {  	_ =	sdelay $0x1  }
0x396: {  	s8 =	simm.s32 $0x10;
	s19 =	simm.s32 $0x10C00  }
0x397: {  	[spmem:s3] =	stream.indirect.scatter.add.f32 [tilespmem:s19], [sflag:$0x12], $0x80, s13, s8, $0xb8;
	[tilespmem:$0x1BA80] =	vst v63  }
.LBB2_15:
0x398: {  	v8 =	vadd.s32 s8, v1  }
0x399: {  	s19 =	sadd.s32 $0x10, s8;
	s26 =	sadd.s32 $0x20, s8;
	vm0 =	vge.s32 v8, v4;
	vm1 =	vge.s32 v8, v6  }
0x39a: {  	s28 =	sadd.s32 $0x30, s8;
	s29 =	sadd.s32 $0x40, s8;
	s20 =	sadd.s32 $0x50, s8;
	vm2 =	vlt.s32 v8, v5;
	v56 =	vadd.s32 s19, v1;
	v57 =	vadd.s32 s26, v1  }
0x39b: {  	v7 =	vld [tilespmem:$0x10100];
	s25 =	sadd.s32 $0x60, s8;
	v11 =	vadd.s32 s28, v1;
	v59 =	vadd.s32 s29, v1;
	v60 =	vadd.s32 s20, v1  }
0x39c: {  	v9 =	vld [tilespmem:$0x10110];
	v62 =	vadd.s32 s25, v1;
	vm0 =	vmand vm0, vm1;
	vm4 =	vge.s32 v56, v4  }
0x39d: {  	v10 =	vld [tilespmem:$0x10120];
	vm5 =	vge.s32 v56, v6;
	vm6 =	vlt.s32 v56, v5;
	vm8 =	vge.s32 v57, v4  }
0x39e: {  	v58 =	vld [tilespmem:$0x10130];
	vm9 =	vge.s32 v57, v6;
	vm10 =	vlt.s32 v57, v5;
	vm11 =	vge.s32 v11, v4  }
0x39f: {  	v12 =	vld [tilespmem:$0x10140];
	s26 =	sadd.s32 $0x70, s8;
	vm12 =	vge.s32 v11, v6;
	vm13 =	vlt.s32 v11, v5;
	vm14 =	vge.s32 v59, v4  }
0x3a0: {  	vm15 =	vge.s32 v59, v6;
	v63 =	vadd.s32 s26, v1;
	vm1 =	vmand vm4, vm5  }
0x3a1: {  	vm0 =	vmand vm0, vm2;
	vm4 =	vlt.s32 v59, v5;
	vm7 =	vmand vm1, vm6  }
0x3a2: {  	vm1 =	vmand vm8, vm9;
	vm6 =	vge.s32 v60, v4;
	vm8 =	vlt.s32 v60, v5  }
0x3a3: {  	v13 =	vld [tilespmem:$0x10150];
	vm9 =	vge.s32 v62, v4;
	v7 =	vsub.s32 v7, v0;
	v9 =	vsub.s32 v9, v0  }
0x3a4: {  	v10 =	vsub.s32 v10, v0;
	v8 =	vsub.s32 v58, v0;
	v12 =	vsub.s32 v12, v0  }
0x3a5: {  	v7 =	vnsel vm0, $0x1400, v7;
	v9 =	vnsel vm7, $0x1400, v9;
	vm0 =	vmand vm1, vm10  }
0x3a6: {  	vm1 =	vmand vm14, vm15;
	vm7 =	vge.s32 v60, v6;
	vm10 =	vge.s32 v62, v6  }
0x3a7: {  	v61 =	vld [tilespmem:$0x10160];
	vm14 =	vlt.s32 v63, v5;
	v10 =	vnsel vm0, $0x1400, v10;
	vm0 =	vmand vm11, vm12  }
0x3a8: {  	v14 =	vld [tilespmem:$0x10170];
	vm5 =	vmand vm1, vm4;
	vm1 =	vmand vm6, vm7;
	[tilespmem:$0x10100] =	vst v7;
	v7 =	vsub.s32 v13, v0  }
0x3a9: {  	[tilespmem:$0x10110] =	vst v9;
	vm11 =	vlt.s32 v62, v5;
	vm12 =	vge.s32 v63, v6;
	vm0 =	vmand vm0, vm13  }
0x3aa: {  	v12 =	vnsel vm5, $0x1400, v12;
	[tilespmem:$0x10120] =	vst v10;
	v8 =	vnsel vm0, $0x1400, v8;
	vm0 =	vmand vm1, vm8  }
0x3ab: {  	vm13 =	vge.s32 v63, v4;
	[tilespmem:$0x10140] =	vst v12;
	v7 =	vnsel vm0, $0x1400, v7;
	vm0 =	vmand vm9, vm10  }
0x3ac: {  	v6 =	vsub.s32 v61, v0;
	vm1 =	vmand vm13, vm12;
	[tilespmem:$0x10130] =	vst v8;
	vm0 =	vmand vm0, vm11  }
0x3ad: {  	vm15 =	vmand vm1, vm14;
	[tilespmem:$0x10150] =	vst v7;
	v7 =	vsub.s32 v14, v0;
	v6 =	vnsel vm0, $0x1400, v6  }
0x3ae: {  	[tilespmem:$0x10160] =	vst v6;
	v6 =	vnsel vm15, $0x1400, v7  }
0x3af: {  	s28 =	simm.s32 $0x80;
	s29 =	simm.s32 $0x10100;
	s20 =	simm.s32 $0x8000;
	[tilespmem:$0x10170] =	vst v6  }
0x3b0: {  	[spmem:s3] =	stream.indirect.scatter.add.f32 [tilespmem:s20], [sflag:$0xF], $0x80, s29, s28, $0xb8;
	[tilespmem:$0x1BA80] =	vst v63  }
.LBB2_16:
0x3b1: {  	s5 =	sadd.s32 $0x5, s5  }
0x3b2: {  	s8 =	sld [smem:$0x7FA];
	p1 =	sgt.s32 s5, s16  }
0x3b3: {  	s5 =	sshll.u32 @!p1 s5, $0x7  }
0x3b4: {  	s5 =	sadd.s32 @!p1 s31, s5  }
0x3b5: {  	p2 =	seq.s32 s8, $0x1;
	p0 =	slt.s32 @!p1 s5, $0x4E180  }
0x3b6: {  	s8 =	simm.s32 @!p2 $0xE;
	p0 =	por !p0, p1  }
0x3b7: {  	_ =	swait.ge @!p2 [sflag:s8], $0x4000;
	s5 =	simm.s32 @p0 $0x4E180  }
0x3b8: {  	[sflag:s8] =	ssyncset.done @!p2 $0x0;
	s19 =	sshll.u32 @!p1 s5, $0x4  }
0x3b9: {  	[sflag:s8] =	ssyncadd.s32 @!p2 $0xFFFFC000;
	s8 =	sand.u32 @!p1 $0xFFFFF80, s19  }
0x3ba: {  	s20 =	simm.s32 @!p1 $0x4000;
	s19 =	simm.s32 @!p1 $0x0;
	s8 =	sadd.s32 @!p1 s1, s8  }
0x3bb: {  	[tilespmem:s20], [sflag:$0x2] =	stream.linear.gather @!p1 [hbm4b:s8+s19], $0x4000, $0x38;
	[tilespmem:$0x1BA80] =	vst v63  }
0x3bc: {  	s8 =	sand.u32 @!p1 $0x7, s5;
	s20 =	sld @!p1 [smem:$0x7FF]  }
0x3bd: {  	p3 =	seq.s32 @!p1 s8, $0x0  }
0x3be: {  	p5 =	por p3, p1  }
0x3bf: {  	p0 =	sne.s32 @!p5 s20, $0x1  }
0x3c0: {  	p0 =	por @!p1 !p0, p3  }
0x3c1: {  	p0 =	por p0, p1  }
0x3c2: {  	s8 =	sor.u32 @!p0 $0x100000, s11  }
0x3c3: {  	[smem:s8], [sflag:$0x0] =	smem.add.s32 @!p0 $0x8F4;
	s8 =	simm.s32 @!p0 $0x0  }
0x3c4: {  	s20 =	simm.s32 @!p0 $0x1;
	_ =	swait.done @!p0 [sflag:s8]  }
0x3c5: {  	[smem:$0x7FF] =	sst @!p0 s20  }
0x3c6: {  	_ =	sint @!p0 $0x2  }
0x3c7: {  	_ =	swait.notdone @!p0 [sflag:s8]  }
0x3c8: {  	s5 =	sshrl.u32 @!p1 s5, $0x3;
	s8 =	sld @!p1 [smem:$0x7FF]  }
0x3c9: {  	s25 =	simm.s32 @!p1 $0x10080;
	s20 =	sadd.s32 @!p1 s2, s5  }
0x3ca: {  	[tilespmem:s25], [sflag:$0x6] =	stream.linear.gather @!p1 [hbm4b:s20+s19], $0x80, $0x38;
	[tilespmem:$0x1BA80] =	vst v63  }
0x3cb: {  	p0 =	sne.s32 @!p5 s8, $0x1  }
0x3cc: {  	p0 =	por @!p1 !p0, p3  }
0x3cd: {  	p0 =	por p0, p1  }
0x3ce: {  	s8 =	sor.u32 @!p0 $0x100000, s11  }
0x3cf: {  	[smem:s8], [sflag:$0x0] =	smem.add.s32 @!p0 $0x8F9;
	s8 =	simm.s32 @!p0 $0x0  }
.Ltmp13:
0x3d0: {  	s20 =	simm.s32 @!p0 $0x1;
	_ =	swait.done @!p0 [sflag:s8];
	(pc) =	sbr.rel @p4 .LBB2_18-.Ltmp13, $4  }
0x3d1: {  	[smem:$0x7FF] =	sst @!p0 s20  }
0x3d2: {  	_ =	sint @!p0 $0x2  }
0x3d3: {  	s5 =	sadd.s32 @!p1 s6, s5;
	_ =	swait.notdone @!p0 [sflag:s8];
	s8 =	simm.s32 @!p1 $0x10280  }
0x3d4: {  	[tilespmem:s8], [sflag:$0xA] =	stream.linear.gather @!p1 [hbm4b:s5+s19], $0x80, $0x38;
	[tilespmem:$0x1BA80] =	vst v63  }
0x3d5: {  	_ =	swait.ge [sflag:s0], $0x4000  }
0x3d6: {  	[sflag:s0] =	ssyncset.done $0x0  }
0x3d7: {  	s5 =	sshll.u32 s14, $0x7;
	[sflag:s0] =	ssyncadd.s32 $0xFFFFC000  }
0x3d8: {  	s5 =	sadd.s32 s31, s5;
	_ =	swait.ge [sflag:s18], $0x80  }
0x3d9: {  	p0 =	slt.s32 s5, $0x4E180;
	s8 =	smov.u32 s5;
	[sflag:s18] =	ssyncset.done $0x0  }
0x3da: {  	s8 =	simm.s32 @!p0 $0x4E180;
	[sflag:s18] =	ssyncadd.s32 $0xFFFFFF80  }
0x3db: {  	v7 =	vadd.s32 s8, v1;
	s26 =	sadd.s32 $0x10, s8;
	_ =	swait.ge [sflag:s22], $0x80  }
0x3dc: {  	s29 =	sadd.s32 $0x30, s8;
	s19 =	sadd.s32 $0x40, s8;
	vm0 =	vge.s32 v7, v4;
	vm1 =	vge.s32 v7, s5;
	[sflag:s22] =	ssyncset.done $0x0  }
0x3dd: {  	s20 =	sadd.s32 $0x50, s8;
	s25 =	sadd.s32 $0x60, s8;
	vm2 =	vlt.s32 v7, v5;
	v7 =	vadd.s32 s26, v1;
	v10 =	vadd.s32 s29, v1;
	[sflag:s22] =	ssyncadd.s32 $0xFFFFFF80  }
0x3de: {  	s28 =	sadd.s32 $0x20, s8;
	s8 =	sadd.s32 $0x70, s8;
	v59 =	vadd.s32 s19, v1;
	v60 =	vadd.s32 s20, v1;
	v62 =	vadd.s32 s25, v1;
	v6 =	vld [tilespmem:$0x10180]  }
0x3df: {  	v63 =	vadd.s32 s8, v1;
	vm0 =	vmand vm0, vm1;
	vm4 =	vge.s32 v7, v4;
	v8 =	vld [tilespmem:$0x10190]  }
0x3e0: {  	vm5 =	vge.s32 v7, s5;
	vm6 =	vlt.s32 v7, v5;
	v7 =	vadd.s32 s28, v1;
	v9 =	vld [tilespmem:$0x101A0]  }
0x3e1: {  	vm8 =	vge.s32 v7, v4;
	vm9 =	vge.s32 v7, s5;
	vm10 =	vlt.s32 v7, v5;
	v7 =	vld [tilespmem:$0x101B0]  }
0x3e2: {  	vm11 =	vge.s32 v10, v4;
	vm12 =	vge.s32 v10, s5;
	vm13 =	vlt.s32 v10, v5;
	v11 =	vld [tilespmem:$0x101C0]  }
0x3e3: {  	vm14 =	vge.s32 v59, v4;
	vm15 =	vge.s32 v59, s5;
	vm1 =	vmand vm4, vm5  }
0x3e4: {  	vm0 =	vmand vm0, vm2;
	vm4 =	vlt.s32 v59, v5;
	vm7 =	vmand vm1, vm6  }
0x3e5: {  	vm1 =	vmand vm8, vm9;
	vm6 =	vge.s32 v60, v4;
	vm8 =	vlt.s32 v60, v5  }
0x3e6: {  	vm9 =	vge.s32 v62, v4;
	v12 =	vld [tilespmem:$0x101D0];
	v6 =	vsub.s32 v6, v0;
	v8 =	vsub.s32 v8, v0  }
0x3e7: {  	v9 =	vsub.s32 v9, v0;
	v7 =	vsub.s32 v7, v0;
	v11 =	vsub.s32 v11, v0  }
0x3e8: {  	v6 =	vnsel vm0, $0x1400, v6;
	v8 =	vnsel vm7, $0x1400, v8;
	vm0 =	vmand vm1, vm10  }
0x3e9: {  	vm1 =	vmand vm14, vm15;
	vm7 =	vge.s32 v60, s5;
	vm10 =	vge.s32 v62, s5  }
0x3ea: {  	v61 =	vld [tilespmem:$0x101E0];
	vm14 =	vlt.s32 v63, v5;
	v9 =	vnsel vm0, $0x1400, v9;
	vm0 =	vmand vm11, vm12  }
0x3eb: {  	v13 =	vld [tilespmem:$0x101F0];
	vm5 =	vmand vm1, vm4;
	vm1 =	vmand vm6, vm7;
	[tilespmem:$0x10180] =	vst v6;
	v6 =	vsub.s32 v12, v0  }
0x3ec: {  	[tilespmem:$0x10190] =	vst v8;
	vm11 =	vlt.s32 v62, v5;
	vm12 =	vge.s32 v63, v4;
	vm0 =	vmand vm0, vm13  }
0x3ed: {  	v11 =	vnsel vm5, $0x1400, v11;
	[tilespmem:$0x101A0] =	vst v9;
	v7 =	vnsel vm0, $0x1400, v7;
	vm0 =	vmand vm1, vm8  }
0x3ee: {  	vm13 =	vge.s32 v63, s5;
	[tilespmem:$0x101C0] =	vst v11;
	v6 =	vnsel vm0, $0x1400, v6;
	vm0 =	vmand vm9, vm10  }
.Ltmp14:
0x3ef: {  	vm1 =	vmand vm12, vm13;
	[tilespmem:$0x101B0] =	vst v7;
	v7 =	vsub.s32 v61, v0;
	vm0 =	vmand vm0, vm11;
	(pc) =	sbr.rel .LBB2_18-.Ltmp14, $4  }
0x3f0: {  	vm15 =	vmand vm1, vm14;
	[tilespmem:$0x101D0] =	vst v6;
	v6 =	vnsel vm0, $0x1400, v7;
	v7 =	vsub.s32 v13, v0  }
0x3f1: {  	[tilespmem:$0x101E0] =	vst v6;
	v6 =	vnsel vm15, $0x1400, v7  }
0x3f2: {  	s26 =	simm.s32 $0x80;
	s29 =	simm.s32 $0xC000;
	s28 =	simm.s32 $0x10180;
	[tilespmem:$0x101F0] =	vst v6  }
0x3f3: {  	[spmem:s3] =	stream.indirect.scatter.add.f32 [tilespmem:s29], [sflag:$0x10], $0x80, s28, s26, $0xb8;
	[tilespmem:$0x1BA80] =	vst v63  }
.LBB2_20:
0x3f4: {  	_ =	sfence.sel $0x180000  }
0x3f5: {  	[bflag:$0x0] =	sbarrier.arrive $0xFFFF  }
0x3f6: {  	_ =	strace $0x90000047  }
0x3f7: {  	s0 =	stileid.u32;
	[bflag:$0x2] =	sbarrier.arrive $0xFFFF  }
0x3f8: {  	p0 =	sne.s32 s0, $0x0;
	s0 =	rddreg [dreg:$0x5]  }
0x3f9: {  	s0 =	sadd.s32 @!p0 $0x100000, s0  }
0x3fa: {  	[sflag:s0] =	ssyncadd.tile.s32 @!p0 $0x1;
	_ =	shalt  }
.Lfunc_end2:
_tile_overlayer_lowered:
.L_overlay_start_2:
0x3fb: {  	(tag) =	ssettag $0x2  }
0x3fc: {  	s0 =	rddreg [dreg:$0x0];
	s2 =	stileid.u32  }
0x3fd: {  	s1 =	rddreg [dreg:$0x1];
	p0 =	sne.s32 s2, $0x0  }
0x3fe: {  	s3 =	rddreg [dreg:$0x2];
	[bflag:$0x3] =	sbarrier.arrive $0xFFFF;
	s2 =	simm.s32 @!p0 $0x1C13  }
0x3ff: {  	[timem:s3], [sflag:s2] =	dma.local @!p0 [hbm:s0], s1  }
0x400: {  	s0 =	simm.s32 @!p0 $0x13  }
0x401: {  	_ =	swait.ge @!p0 [sflag:s0], s1  }
0x402: {  	s1 =	ssub.s32 @!p0 $0x0, s1;
	[sflag:s0] =	ssyncset.done @!p0 $0x0  }
0x403: {  	[sflag:s0] =	ssyncadd.s32 @!p0 s1  }
0x404: {  	[bflag:$0x3] =	sbarrier.arrive $0xFFFF  }
0x405: {  	_ =	shalt  }

</sc_bundles>
